<compile_context>
chip_gen: v7x
topology: tpu7x:2x2x1
jax: 0.10.2.dev20260603
libtpu: 0.0.44.dev20260713+nightly
codegen_flags: <defaults>
</compile_context>

<pallas_src>
import jax
import jax.numpy as jnp
from jax import lax
from jax.experimental import pallas as pl
from jax.experimental.pallas import tpu as pltpu
from jax.experimental.pallas import tpu_sc as plsc

N = 10000
NP = 10240
E = 320000
D = 128
NC, NS = 2, 16
NW = NC * NS
CH = 128
EP = 327680
EPT = EP // NW
NJ = EPT // CH
RPT = NP // NS
MB = NP // 8
_mesh = plsc.VectorSubcoreMesh(core_axis_name="c", subcore_axis_name="s",
                               num_cores=NC, num_subcores=NS)


PH = 2
HJ = NJ // PH


def _agg_body(hs_hbm, src_hbm, dst_hbm, zeros_hbm, sidx_hbm, part,
              sv, dv, rows0, rows1, sidx, acc, sem0, sem1):
    c = lax.axis_index("c")
    s = lax.axis_index("s")
    w = s * NC + c
    base = s * RPT
    pltpu.sync_copy(sidx_hbm.at[s], sidx)
    pltpu.sync_copy(zeros_hbm, rows0)
    for q in range(RPT // 128):
        pltpu.sync_copy(rows0, acc.at[sidx.at[q]])
    plsc.subcore_barrier()

    for p in range(PH):
        pltpu.sync_copy(src_hbm.at[w].at[pl.ds(p * HJ, HJ)], sv)
        pltpu.sync_copy(dst_hbm.at[w].at[pl.ds(p * HJ, HJ)], dv)
        pltpu.async_copy(hs_hbm.at[sv.at[0]], rows0, sem0)

        @pl.loop(0, HJ, step=2)
        def _(j):
            pltpu.async_copy(hs_hbm.at[sv.at[j + 1]], rows1, sem1)
            pltpu.make_async_copy(hs_hbm.at[sv.at[j]], rows0, sem0).wait()
            pltpu.sync_copy(rows0, acc.at[dv.at[j]], add=True)
            nxt = jnp.minimum(j + 2, HJ - 1)
            pltpu.async_copy(hs_hbm.at[sv.at[nxt]], rows0, sem0)
            pltpu.make_async_copy(hs_hbm.at[sv.at[j]], rows1, sem1).wait()
            pltpu.sync_copy(rows1, acc.at[dv.at[j + 1]], add=True)

        pltpu.make_async_copy(hs_hbm.at[sv.at[0]], rows0, sem0).wait()

    plsc.subcore_barrier()
    for q in range(RPT // 128):
        pltpu.async_copy(acc.at[sidx.at[q]], rows0, sem0).wait()
        pltpu.sync_copy(rows0, part.at[c].at[pl.ds(base + q * 128, 128)])


_agg_kernel = pl.kernel(
    _agg_body,
    out_type=jax.ShapeDtypeStruct((NC, NP, D), jnp.float32),
    mesh=_mesh,
    scratch_types=[
        pltpu.VMEM((HJ, CH), jnp.int32),
        pltpu.VMEM((HJ, CH), jnp.int32),
        pltpu.VMEM((CH, D), jnp.float32),
        pltpu.VMEM((CH, D), jnp.float32),
        pltpu.VMEM((RPT // 128, 128), jnp.int32),
        pltpu.VMEM_SHARED((NP, D), jnp.float32),
        pltpu.SemaphoreType.DMA,
        pltpu.SemaphoreType.DMA,
    ],
)


def _deg_body(dst_hbm, ones_hbm, zeros_hbm, sidx_hbm, part,
              dv, rows0, ones_v, sidx, acc, sem0):
    c = lax.axis_index("c")
    s = lax.axis_index("s")
    w = s * NC + c
    base = s * RPT
    pltpu.sync_copy(sidx_hbm.at[s], sidx)
    pltpu.sync_copy(zeros_hbm, rows0)
    pltpu.sync_copy(ones_hbm, ones_v)
    for q in range(RPT // 128):
        pltpu.sync_copy(rows0, acc.at[sidx.at[q]])
    plsc.subcore_barrier()

    for p in range(PH):
        pltpu.sync_copy(dst_hbm.at[w].at[pl.ds(p * HJ, HJ)], dv)

        @pl.loop(0, HJ)
        def _(j):
            pltpu.sync_copy(ones_v, acc.at[dv.at[j]], add=True)

    plsc.subcore_barrier()
    for q in range(RPT // 128):
        pltpu.async_copy(acc.at[sidx.at[q]], rows0, sem0).wait()
        pltpu.sync_copy(rows0, part.at[c].at[pl.ds(base + q * 128, 128)])


_deg_kernel = pl.kernel(
    _deg_body,
    out_type=jax.ShapeDtypeStruct((NC, NP, D), jnp.float32),
    mesh=_mesh,
    scratch_types=[
        pltpu.VMEM((HJ, CH), jnp.int32),
        pltpu.VMEM((CH, D), jnp.float32),
        pltpu.VMEM((CH, D), jnp.float32),
        pltpu.VMEM((RPT // 128, 128), jnp.int32),
        pltpu.VMEM_SHARED((NP, D), jnp.float32),
        pltpu.SemaphoreType.DMA,
    ],
)


def _dis_body(degp_ref, out_ref):
    out_ref[...] = lax.rsqrt(1.0 + degp_ref[0] + degp_ref[1])


def _dis_kernel(degp):
    return pl.pallas_call(
        _dis_body,
        grid=(NP // MB,),
        in_specs=[pl.BlockSpec((NC, MB, D), lambda i: (0, i, 0))],
        out_specs=pl.BlockSpec((MB, D), lambda i: (i, 0)),
        out_shape=jax.ShapeDtypeStruct((NP, D), jnp.float32),
    )(degp)


def _pre_body(x_ref, w_ref, dis_ref, out_ref):
    hw = jnp.dot(x_ref[...], w_ref[...], preferred_element_type=jnp.float32,
                 precision=lax.Precision.HIGHEST)
    out_ref[...] = hw * dis_ref[...]


def _pre_kernel(x, w, dis):
    return pl.pallas_call(
        _pre_body,
        grid=(NP // MB,),
        in_specs=[
            pl.BlockSpec((MB, D), lambda i: (i, 0)),
            pl.BlockSpec((D, D), lambda i: (0, 0)),
            pl.BlockSpec((MB, D), lambda i: (i, 0)),
        ],
        out_specs=pl.BlockSpec((MB, D), lambda i: (i, 0)),
        out_shape=jax.ShapeDtypeStruct((NP, D), jnp.float32),
    )(x, w, dis)


def _mid_body(part_ref, hs_ref, dis_ref, b_ref, w_ref, out_ref):
    agg = part_ref[0] + part_ref[1] + hs_ref[...]
    h1 = jax.nn.relu(dis_ref[...] * agg + b_ref[...])
    hw = jnp.dot(h1, w_ref[...], preferred_element_type=jnp.float32,
                 precision=lax.Precision.HIGHEST)
    out_ref[...] = hw * dis_ref[...]


def _mid_kernel(part, hs, dis, b, w):
    return pl.pallas_call(
        _mid_body,
        grid=(NP // MB,),
        in_specs=[
            pl.BlockSpec((NC, MB, D), lambda i: (0, i, 0)),
            pl.BlockSpec((MB, D), lambda i: (i, 0)),
            pl.BlockSpec((MB, D), lambda i: (i, 0)),
            pl.BlockSpec((1, D), lambda i: (0, 0)),
            pl.BlockSpec((D, D), lambda i: (0, 0)),
        ],
        out_specs=pl.BlockSpec((MB, D), lambda i: (i, 0)),
        out_shape=jax.ShapeDtypeStruct((NP, D), jnp.float32),
    )(part, hs, dis, b, w)


def _post_body(part_ref, hs_ref, dis_ref, b_ref, out_ref):
    agg = part_ref[0] + part_ref[1] + hs_ref[...]
    out_ref[...] = dis_ref[...] * agg + b_ref[...]


def _post_kernel(part, hs, dis, b):
    return pl.pallas_call(
        _post_body,
        grid=(NP // MB,),
        in_specs=[
            pl.BlockSpec((NC, MB, D), lambda i: (0, i, 0)),
            pl.BlockSpec((MB, D), lambda i: (i, 0)),
            pl.BlockSpec((MB, D), lambda i: (i, 0)),
            pl.BlockSpec((1, D), lambda i: (0, 0)),
        ],
        out_specs=pl.BlockSpec((MB, D), lambda i: (i, 0)),
        out_shape=jax.ShapeDtypeStruct((NP, D), jnp.float32),
    )(part, hs, dis, b)


@jax.jit
def kernel(x, edge_index, W1, b1, W2, b2):
    pad = jnp.full((EP - E,), N, jnp.int32)
    src = jnp.concatenate([edge_index[0], pad]).reshape(NW, NJ, CH)
    dst = jnp.concatenate([edge_index[1], pad]).reshape(NW, NJ, CH)
    xp = jnp.pad(x, ((0, NP - N), (0, 0)))
    zrows = jnp.zeros((128, D), jnp.float32)
    onesrows = jnp.ones((CH, D), jnp.float32)
    stripes = (jnp.arange(NS, dtype=jnp.int32)[:, None] * RPT
               + jnp.arange(RPT, dtype=jnp.int32)[None, :])
    sidx = stripes.reshape(NS, RPT // 128, 128)

    degp = _deg_kernel(dst, onesrows, zrows, sidx)
    dis = _dis_kernel(degp)

    hs1 = _pre_kernel(xp, W1, dis)
    part1 = _agg_kernel(hs1, src, dst, zrows, sidx)
    hs2 = _mid_kernel(part1, hs1, dis, b1.reshape(1, D), W2)
    part2 = _agg_kernel(hs2, src, dst, zrows, sidx)
    out = _post_kernel(part2, hs2, dis, b2.reshape(1, D))
    return out[:N]

# --- scband reference (transcript-rebuilt; emitter-appended) ---
"""Pipeline reference for scband-gcnmodel-59193239273689 (READ-ONLY COPY).

The authoritative reference and input builder live on the scoring server;
editing this copy changes nothing except your own understanding.
"""

import jax, jax.numpy as jnp
import numpy as np

N = 10000
E = 320000
D_IN = 128
D_HID = 128
D_OUT = 128


def setup_inputs(seed: int = 0) -> dict:
    key = jax.random.key(seed)
    k1, k2, k3, k4, k5, k6 = jax.random.split(key, 6)
    x = jax.random.normal(k1, (N, D_IN), dtype=jnp.float32)
    edge_index = jax.random.randint(k2, (2, E), 0, N, dtype=jnp.int32)
    W1 = jax.random.normal(k3, (D_IN, D_HID), dtype=jnp.float32) * (1.0 / np.sqrt(D_IN))
    b1 = jnp.zeros((D_HID,), dtype=jnp.float32)
    W2 = jax.random.normal(k4, (D_HID, D_OUT), dtype=jnp.float32) * (1.0 / np.sqrt(D_HID))
    b2 = jnp.zeros((D_OUT,), dtype=jnp.float32)
    return {"x": x, "edge_index": edge_index, "W1": W1, "b1": b1, "W2": W2, "b2": b2}


def _gcn_conv(h, edge_index, W, b):
    # Faithful GCNConv: add self-loops, symmetric normalization D^-1/2 (A+I) D^-1/2,
    # linear transform, message passing via scatter-add, then bias.
    n = h.shape[0]
    loops = jnp.arange(n, dtype=edge_index.dtype)
    src = jnp.concatenate([edge_index[0], loops])
    dst = jnp.concatenate([edge_index[1], loops])
    deg = jnp.zeros((n,), dtype=h.dtype).at[dst].add(1.0)
    deg_inv_sqrt = jnp.where(deg > 0, 1.0 / jnp.sqrt(deg), 0.0)
    norm = deg_inv_sqrt[src] * deg_inv_sqrt[dst]
    hw = h @ W
    msg = hw[src] * norm[:, None]
    out = jnp.zeros((n, W.shape[1]), dtype=hw.dtype).at[dst].add(msg)
    return out + b


def reference(x, edge_index, W1, b1, W2, b2):
    h1 = jax.nn.relu(_gcn_conv(x, edge_index, W1, b1))
    h2 = _gcn_conv(h1, edge_index, W2, b2)
    return h2

if __name__ == "__main__":
    import jax
    _d = setup_inputs()
    print(jax.jit(kernel)(*tuple(_d.values())))

</pallas_src>

<mosaic_0001>
#map = affine_map<(d0, d1) -> (0, 0)>
#map1 = affine_map<(d0, d1) -> (0, 0, 0)>
module attributes {stable_mosaic.version = 14 : i64} {
  func.func @_agg_body(%arg0: i32, %arg1: i32, %arg2: memref<10240x128xf32, #tpu.memory_space<hbm>>, %arg3: memref<32x80x128xi32, #tpu.memory_space<hbm>>, %arg4: memref<32x80x128xi32, #tpu.memory_space<hbm>>, %arg5: memref<128x128xf32, #tpu.memory_space<hbm>>, %arg6: memref<16x5x128xi32, #tpu.memory_space<hbm>>, %arg7: memref<2x10240x128xf32, #tpu.memory_space<hbm>>, %arg8: memref<40x128xi32, #tpu.memory_space<vmem>>, %arg9: memref<40x128xi32, #tpu.memory_space<vmem>>, %arg10: memref<128x128xf32, #tpu.memory_space<vmem>>, %arg11: memref<128x128xf32, #tpu.memory_space<vmem>>, %arg12: memref<5x128xi32, #tpu.memory_space<vmem>>, %arg13: memref<10240x128xf32, #tpu.memory_space<vmem_shared>>, %arg14: memref<!tpu.dma_semaphore, #tpu.memory_space<semaphore_mem>>, %arg15: memref<!tpu.dma_semaphore, #tpu.memory_space<semaphore_mem>>) attributes {dimension_semantics = [#tpu.dimension_semantics<core_parallel>, #tpu.dimension_semantics<subcore_parallel>], iteration_bounds = array<i64: 2, 16>, scalar_prefetch = 0 : i64, scratch_operands = 8 : i64, tpu.core_type = #tpu.core_type<sc_vector_subcore>, window_params = [{transform_indices = #map}, {transform_indices = #map1}, {transform_indices = #map1}, {transform_indices = #map}, {transform_indices = #map1}, {transform_indices = #map1}]} {
    %mul3A = arith.constant 2 : i32
    %mul3A_0 = arith.muli %arg1, %mul3A : i32
    %add3A = arith.addi %mul3A_0, %arg0 : i32
    %mul3A_1 = arith.constant 640 : i32
    %mul3A_2 = arith.muli %arg1, %mul3A_1 : i32
    "tpu.region"() ({
      %run_scoped3A_123 = tpu.sem_alloc : memref<!tpu.dma_semaphore, #tpu.memory_space<semaphore_mem>>
      %dma_start3A_124 = arith.constant 0 : i32
      %dma_start3A_125 = arith.constant 0 : i32
      %dma_start3A_126 = tpu.memref_slice %arg6[%arg1, %dma_start3A_124, %dma_start3A_125] : memref<16x5x128xi32, #tpu.memory_space<hbm>> -> memref<1x5x128xi32, #tpu.memory_space<hbm>>
      %dma_start3A_127 = tpu.memref_squeeze %dma_start3A_126 : memref<1x5x128xi32, #tpu.memory_space<hbm>> -> memref<5x128xi32, #tpu.memory_space<hbm>>
      %dma_start3A_128 = arith.constant 0 : i32
      %dma_start3A_129 = arith.constant 0 : i32
      %dma_start3A_130 = tpu.memref_slice %arg6[%arg1, %dma_start3A_128, %dma_start3A_129] : memref<16x5x128xi32, #tpu.memory_space<hbm>> -> memref<1x5x128xi32, #tpu.memory_space<hbm>>
      %dma_start3A_131 = tpu.memref_squeeze %dma_start3A_130 : memref<1x5x128xi32, #tpu.memory_space<hbm>> -> memref<5x128xi32, #tpu.memory_space<hbm>>
      tpu.enqueue_dma source(%dma_start3A_131 : memref<5x128xi32, #tpu.memory_space<hbm>>) target(%arg12 : memref<5x128xi32, #tpu.memory_space<vmem>>) target_semaphore(%run_scoped3A_123 : memref<!tpu.dma_semaphore, #tpu.memory_space<semaphore_mem>>)
      %dma_wait3A_132 = arith.constant 0 : i32
      %dma_wait3A_133 = arith.constant 0 : i32
      %dma_wait3A_134 = tpu.memref_slice %arg6[%arg1, %dma_wait3A_132, %dma_wait3A_133] : memref<16x5x128xi32, #tpu.memory_space<hbm>> -> memref<1x5x128xi32, #tpu.memory_space<hbm>>
      %dma_wait3A_135 = tpu.memref_squeeze %dma_wait3A_134 : memref<1x5x128xi32, #tpu.memory_space<hbm>> -> memref<5x128xi32, #tpu.memory_space<hbm>>
      %dma_wait3A_136 = arith.constant 0 : i32
      %dma_wait3A_137 = arith.constant 0 : i32
      %dma_wait3A_138 = tpu.memref_slice %arg6[%arg1, %dma_wait3A_136, %dma_wait3A_137] : memref<16x5x128xi32, #tpu.memory_space<hbm>> -> memref<1x5x128xi32, #tpu.memory_space<hbm>>
      %dma_wait3A_139 = tpu.memref_squeeze %dma_wait3A_138 : memref<1x5x128xi32, #tpu.memory_space<hbm>> -> memref<5x128xi32, #tpu.memory_space<hbm>>
      tpu.wait_dma2 semaphore(%run_scoped3A_123 : memref<!tpu.dma_semaphore, #tpu.memory_space<semaphore_mem>>) src(%dma_wait3A_139 : memref<5x128xi32, #tpu.memory_space<hbm>>) dst(%arg12 : memref<5x128xi32, #tpu.memory_space<vmem>>)
      tpu.yield
    }) : () -> ()
    "tpu.region"() ({
      %run_scoped3A_123 = tpu.sem_alloc : memref<!tpu.dma_semaphore, #tpu.memory_space<semaphore_mem>>
      tpu.enqueue_dma source(%arg5 : memref<128x128xf32, #tpu.memory_space<hbm>>) target(%arg10 : memref<128x128xf32, #tpu.memory_space<vmem>>) target_semaphore(%run_scoped3A_123 : memref<!tpu.dma_semaphore, #tpu.memory_space<semaphore_mem>>)
      tpu.wait_dma2 semaphore(%run_scoped3A_123 : memref<!tpu.dma_semaphore, #tpu.memory_space<semaphore_mem>>) src(%arg5 : memref<128x128xf32, #tpu.memory_space<hbm>>) dst(%arg10 : memref<128x128xf32, #tpu.memory_space<vmem>>)
      tpu.yield
    }) : () -> ()
    %run_scoped3A = arith.constant 0 : i32
    "tpu.region"() ({
      %run_scoped3A_123 = tpu.sem_alloc : memref<!tpu.dma_semaphore, #tpu.memory_space<semaphore_mem>>
      %dma_start3A_124 = arith.constant 0 : i32
      %dma_start3A_125 = tpu.memref_slice %arg12[%run_scoped3A, %dma_start3A_124] : memref<5x128xi32, #tpu.memory_space<vmem>> -> memref<1x128xi32, #tpu.memory_space<vmem>>
      %dma_start3A_126 = tpu.memref_squeeze %dma_start3A_125 : memref<1x128xi32, #tpu.memory_space<vmem>> -> memref<128xi32, #tpu.memory_space<vmem>>
      %dma_start3A_127 = arith.constant 0 : i32
      %dma_start3A_128 = arith.constant 0 : i32
      %dma_start3A_129 = tpu.memref_slice %arg13[%dma_start3A_127, %dma_start3A_128] : memref<10240x128xf32, #tpu.memory_space<vmem_shared>> -> memref<10240x128xf32, #tpu.memory_space<vmem_shared>>
      tpu.enqueue_indirect_dma source(%arg10 : memref<128x128xf32, #tpu.memory_space<vmem>>) target(%dma_start3A_129 : memref<10240x128xf32, #tpu.memory_space<vmem_shared>>) offsets(%dma_start3A_126 : memref<128xi32, #tpu.memory_space<vmem>>) semaphore(%run_scoped3A_123 : memref<!tpu.dma_semaphore, #tpu.memory_space<semaphore_mem>>)
      %dma_wait3A_130 = arith.constant 0 : i32
      %dma_wait3A_131 = tpu.memref_slice %arg12[%run_scoped3A, %dma_wait3A_130] : memref<5x128xi32, #tpu.memory_space<vmem>> -> memref<1x128xi32, #tpu.memory_space<vmem>>
      %dma_wait3A_132 = tpu.memref_squeeze %dma_wait3A_131 : memref<1x128xi32, #tpu.memory_space<vmem>> -> memref<128xi32, #tpu.memory_space<vmem>>
      %dma_wait3A_133 = arith.constant 0 : i32
      %dma_wait3A_134 = arith.constant 0 : i32
      %dma_wait3A_135 = tpu.memref_slice %arg13[%dma_wait3A_133, %dma_wait3A_134] : memref<10240x128xf32, #tpu.memory_space<vmem_shared>> -> memref<10240x128xf32, #tpu.memory_space<vmem_shared>>
      tpu.wait_indirect_dma semaphore(%run_scoped3A_123 : memref<!tpu.dma_semaphore, #tpu.memory_space<semaphore_mem>>) src(%arg10 : memref<128x128xf32, #tpu.memory_space<vmem>>) dst(%dma_wait3A_135 : memref<10240x128xf32, #tpu.memory_space<vmem_shared>>)
      tpu.yield
    }) : () -> ()
    %run_scoped3A_3 = arith.constant 1 : i32
    "tpu.region"() ({
      %run_scoped3A_123 = tpu.sem_alloc : memref<!tpu.dma_semaphore, #tpu.memory_space<semaphore_mem>>
      %dma_start3A_124 = arith.constant 0 : i32
      %dma_start3A_125 = tpu.memref_slice %arg12[%run_scoped3A_3, %dma_start3A_124] : memref<5x128xi32, #tpu.memory_space<vmem>> -> memref<1x128xi32, #tpu.memory_space<vmem>>
      %dma_start3A_126 = tpu.memref_squeeze %dma_start3A_125 : memref<1x128xi32, #tpu.memory_space<vmem>> -> memref<128xi32, #tpu.memory_space<vmem>>
      %dma_start3A_127 = arith.constant 0 : i32
      %dma_start3A_128 = arith.constant 0 : i32
      %dma_start3A_129 = tpu.memref_slice %arg13[%dma_start3A_127, %dma_start3A_128] : memref<10240x128xf32, #tpu.memory_space<vmem_shared>> -> memref<10240x128xf32, #tpu.memory_space<vmem_shared>>
      tpu.enqueue_indirect_dma source(%arg10 : memref<128x128xf32, #tpu.memory_space<vmem>>) target(%dma_start3A_129 : memref<10240x128xf32, #tpu.memory_space<vmem_shared>>) offsets(%dma_start3A_126 : memref<128xi32, #tpu.memory_space<vmem>>) semaphore(%run_scoped3A_123 : memref<!tpu.dma_semaphore, #tpu.memory_space<semaphore_mem>>)
      %dma_wait3A_130 = arith.constant 0 : i32
      %dma_wait3A_131 = tpu.memref_slice %arg12[%run_scoped3A_3, %dma_wait3A_130] : memref<5x128xi32, #tpu.memory_space<vmem>> -> memref<1x128xi32, #tpu.memory_space<vmem>>
      %dma_wait3A_132 = tpu.memref_squeeze %dma_wait3A_131 : memref<1x128xi32, #tpu.memory_space<vmem>> -> memref<128xi32, #tpu.memory_space<vmem>>
      %dma_wait3A_133 = arith.constant 0 : i32
      %dma_wait3A_134 = arith.constant 0 : i32
      %dma_wait3A_135 = tpu.memref_slice %arg13[%dma_wait3A_133, %dma_wait3A_134] : memref<10240x128xf32, #tpu.memory_space<vmem_shared>> -> memref<10240x128xf32, #tpu.memory_space<vmem_shared>>
      tpu.wait_indirect_dma semaphore(%run_scoped3A_123 : memref<!tpu.dma_semaphore, #tpu.memory_space<semaphore_mem>>) src(%arg10 : memref<128x128xf32, #tpu.memory_space<vmem>>) dst(%dma_wait3A_135 : memref<10240x128xf32, #tpu.memory_space<vmem_shared>>)
      tpu.yield
    }) : () -> ()
    %run_scoped3A_4 = arith.constant 2 : i32
    "tpu.region"() ({
      %run_scoped3A_123 = tpu.sem_alloc : memref<!tpu.dma_semaphore, #tpu.memory_space<semaphore_mem>>
      %dma_start3A_124 = arith.constant 0 : i32
      %dma_start3A_125 = tpu.memref_slice %arg12[%run_scoped3A_4, %dma_start3A_124] : memref<5x128xi32, #tpu.memory_space<vmem>> -> memref<1x128xi32, #tpu.memory_space<vmem>>
      %dma_start3A_126 = tpu.memref_squeeze %dma_start3A_125 : memref<1x128xi32, #tpu.memory_space<vmem>> -> memref<128xi32, #tpu.memory_space<vmem>>
      %dma_start3A_127 = arith.constant 0 : i32
      %dma_start3A_128 = arith.constant 0 : i32
      %dma_start3A_129 = tpu.memref_slice %arg13[%dma_start3A_127, %dma_start3A_128] : memref<10240x128xf32, #tpu.memory_space<vmem_shared>> -> memref<10240x128xf32, #tpu.memory_space<vmem_shared>>
      tpu.enqueue_indirect_dma source(%arg10 : memref<128x128xf32, #tpu.memory_space<vmem>>) target(%dma_start3A_129 : memref<10240x128xf32, #tpu.memory_space<vmem_shared>>) offsets(%dma_start3A_126 : memref<128xi32, #tpu.memory_space<vmem>>) semaphore(%run_scoped3A_123 : memref<!tpu.dma_semaphore, #tpu.memory_space<semaphore_mem>>)
      %dma_wait3A_130 = arith.constant 0 : i32
      %dma_wait3A_131 = tpu.memref_slice %arg12[%run_scoped3A_4, %dma_wait3A_130] : memref<5x128xi32, #tpu.memory_space<vmem>> -> memref<1x128xi32, #tpu.memory_space<vmem>>
      %dma_wait3A_132 = tpu.memref_squeeze %dma_wait3A_131 : memref<1x128xi32, #tpu.memory_space<vmem>> -> memref<128xi32, #tpu.memory_space<vmem>>
      %dma_wait3A_133 = arith.constant 0 : i32
      %dma_wait3A_134 = arith.constant 0 : i32
      %dma_wait3A_135 = tpu.memref_slice %arg13[%dma_wait3A_133, %dma_wait3A_134] : memref<10240x128xf32, #tpu.memory_space<vmem_shared>> -> memref<10240x128xf32, #tpu.memory_space<vmem_shared>>
      tpu.wait_indirect_dma semaphore(%run_scoped3A_123 : memref<!tpu.dma_semaphore, #tpu.memory_space<semaphore_mem>>) src(%arg10 : memref<128x128xf32, #tpu.memory_space<vmem>>) dst(%dma_wait3A_135 : memref<10240x128xf32, #tpu.memory_space<vmem_shared>>)
      tpu.yield
    }) : () -> ()
    %run_scoped3A_5 = arith.constant 3 : i32
    "tpu.region"() ({
      %run_scoped3A_123 = tpu.sem_alloc : memref<!tpu.dma_semaphore, #tpu.memory_space<semaphore_mem>>
      %dma_start3A_124 = arith.constant 0 : i32
      %dma_start3A_125 = tpu.memref_slice %arg12[%run_scoped3A_5, %dma_start3A_124] : memref<5x128xi32, #tpu.memory_space<vmem>> -> memref<1x128xi32, #tpu.memory_space<vmem>>
      %dma_start3A_126 = tpu.memref_squeeze %dma_start3A_125 : memref<1x128xi32, #tpu.memory_space<vmem>> -> memref<128xi32, #tpu.memory_space<vmem>>
      %dma_start3A_127 = arith.constant 0 : i32
      %dma_start3A_128 = arith.constant 0 : i32
      %dma_start3A_129 = tpu.memref_slice %arg13[%dma_start3A_127, %dma_start3A_128] : memref<10240x128xf32, #tpu.memory_space<vmem_shared>> -> memref<10240x128xf32, #tpu.memory_space<vmem_shared>>
      tpu.enqueue_indirect_dma source(%arg10 : memref<128x128xf32, #tpu.memory_space<vmem>>) target(%dma_start3A_129 : memref<10240x128xf32, #tpu.memory_space<vmem_shared>>) offsets(%dma_start3A_126 : memref<128xi32, #tpu.memory_space<vmem>>) semaphore(%run_scoped3A_123 : memref<!tpu.dma_semaphore, #tpu.memory_space<semaphore_mem>>)
      %dma_wait3A_130 = arith.constant 0 : i32
      %dma_wait3A_131 = tpu.memref_slice %arg12[%run_scoped3A_5, %dma_wait3A_130] : memref<5x128xi32, #tpu.memory_space<vmem>> -> memref<1x128xi32, #tpu.memory_space<vmem>>
      %dma_wait3A_132 = tpu.memref_squeeze %dma_wait3A_131 : memref<1x128xi32, #tpu.memory_space<vmem>> -> memref<128xi32, #tpu.memory_space<vmem>>
      %dma_wait3A_133 = arith.constant 0 : i32
      %dma_wait3A_134 = arith.constant 0 : i32
      %dma_wait3A_135 = tpu.memref_slice %arg13[%dma_wait3A_133, %dma_wait3A_134] : memref<10240x128xf32, #tpu.memory_space<vmem_shared>> -> memref<10240x128xf32, #tpu.memory_space<vmem_shared>>
      tpu.wait_indirect_dma semaphore(%run_scoped3A_123 : memref<!tpu.dma_semaphore, #tpu.memory_space<semaphore_mem>>) src(%arg10 : memref<128x128xf32, #tpu.memory_space<vmem>>) dst(%dma_wait3A_135 : memref<10240x128xf32, #tpu.memory_space<vmem_shared>>)
      tpu.yield
    }) : () -> ()
    %run_scoped3A_6 = arith.constant 4 : i32
    "tpu.region"() ({
      %run_scoped3A_123 = tpu.sem_alloc : memref<!tpu.dma_semaphore, #tpu.memory_space<semaphore_mem>>
      %dma_start3A_124 = arith.constant 0 : i32
      %dma_start3A_125 = tpu.memref_slice %arg12[%run_scoped3A_6, %dma_start3A_124] : memref<5x128xi32, #tpu.memory_space<vmem>> -> memref<1x128xi32, #tpu.memory_space<vmem>>
      %dma_start3A_126 = tpu.memref_squeeze %dma_start3A_125 : memref<1x128xi32, #tpu.memory_space<vmem>> -> memref<128xi32, #tpu.memory_space<vmem>>
      %dma_start3A_127 = arith.constant 0 : i32
      %dma_start3A_128 = arith.constant 0 : i32
      %dma_start3A_129 = tpu.memref_slice %arg13[%dma_start3A_127, %dma_start3A_128] : memref<10240x128xf32, #tpu.memory_space<vmem_shared>> -> memref<10240x128xf32, #tpu.memory_space<vmem_shared>>
      tpu.enqueue_indirect_dma source(%arg10 : memref<128x128xf32, #tpu.memory_space<vmem>>) target(%dma_start3A_129 : memref<10240x128xf32, #tpu.memory_space<vmem_shared>>) offsets(%dma_start3A_126 : memref<128xi32, #tpu.memory_space<vmem>>) semaphore(%run_scoped3A_123 : memref<!tpu.dma_semaphore, #tpu.memory_space<semaphore_mem>>)
      %dma_wait3A_130 = arith.constant 0 : i32
      %dma_wait3A_131 = tpu.memref_slice %arg12[%run_scoped3A_6, %dma_wait3A_130] : memref<5x128xi32, #tpu.memory_space<vmem>> -> memref<1x128xi32, #tpu.memory_space<vmem>>
      %dma_wait3A_132 = tpu.memref_squeeze %dma_wait3A_131 : memref<1x128xi32, #tpu.memory_space<vmem>> -> memref<128xi32, #tpu.memory_space<vmem>>
      %dma_wait3A_133 = arith.constant 0 : i32
      %dma_wait3A_134 = arith.constant 0 : i32
      %dma_wait3A_135 = tpu.memref_slice %arg13[%dma_wait3A_133, %dma_wait3A_134] : memref<10240x128xf32, #tpu.memory_space<vmem_shared>> -> memref<10240x128xf32, #tpu.memory_space<vmem_shared>>
      tpu.wait_indirect_dma semaphore(%run_scoped3A_123 : memref<!tpu.dma_semaphore, #tpu.memory_space<semaphore_mem>>) src(%arg10 : memref<128x128xf32, #tpu.memory_space<vmem>>) dst(%dma_wait3A_135 : memref<10240x128xf32, #tpu.memory_space<vmem_shared>>)
      tpu.yield
    }) : () -> ()
    %barrier3A = arith.constant 0 : index
    tpu.barrier barrier_id(%barrier3A)
    "tpu.region"() ({
      %run_scoped3A_123 = tpu.sem_alloc : memref<!tpu.dma_semaphore, #tpu.memory_space<semaphore_mem>>
      %dma_start3A_124 = arith.constant 0 : i32
      %dma_start3A_125 = arith.constant 0 : i32
      %dma_start3A_126 = tpu.memref_slice %arg3[%add3A, %dma_start3A_124, %dma_start3A_125] : memref<32x80x128xi32, #tpu.memory_space<hbm>> -> memref<1x80x128xi32, #tpu.memory_space<hbm>>
      %dma_start3A_127 = tpu.memref_squeeze %dma_start3A_126 : memref<1x80x128xi32, #tpu.memory_space<hbm>> -> memref<80x128xi32, #tpu.memory_space<hbm>>
      %dma_start3A_128 = arith.constant 0 : i32
      %dma_start3A_129 = arith.constant 0 : i32
      %dma_start3A_130 = tpu.memref_slice %dma_start3A_127[%dma_start3A_128, %dma_start3A_129] : memref<80x128xi32, #tpu.memory_space<hbm>> -> memref<40x128xi32, #tpu.memory_space<hbm>>
      %dma_start3A_131 = arith.constant 0 : i32
      %dma_start3A_132 = arith.constant 0 : i32
      %dma_start3A_133 = tpu.memref_slice %arg3[%add3A, %dma_start3A_131, %dma_start3A_132] : memref<32x80x128xi32, #tpu.memory_space<hbm>> -> memref<1x80x128xi32, #tpu.memory_space<hbm>>
      %dma_start3A_134 = tpu.memref_squeeze %dma_start3A_133 : memref<1x80x128xi32, #tpu.memory_space<hbm>> -> memref<80x128xi32, #tpu.memory_space<hbm>>
      %dma_start3A_135 = arith.constant 0 : i32
      %dma_start3A_136 = arith.constant 0 : i32
      %dma_start3A_137 = tpu.memref_slice %dma_start3A_134[%dma_start3A_135, %dma_start3A_136] : memref<80x128xi32, #tpu.memory_space<hbm>> -> memref<40x128xi32, #tpu.memory_space<hbm>>
      tpu.enqueue_dma source(%dma_start3A_137 : memref<40x128xi32, #tpu.memory_space<hbm>>) target(%arg8 : memref<40x128xi32, #tpu.memory_space<vmem>>) target_semaphore(%run_scoped3A_123 : memref<!tpu.dma_semaphore, #tpu.memory_space<semaphore_mem>>)
      %dma_wait3A_138 = arith.constant 0 : i32
      %dma_wait3A_139 = arith.constant 0 : i32
      %dma_wait3A_140 = tpu.memref_slice %arg3[%add3A, %dma_wait3A_138, %dma_wait3A_139] : memref<32x80x128xi32, #tpu.memory_space<hbm>> -> memref<1x80x128xi32, #tpu.memory_space<hbm>>
      %dma_wait3A_141 = tpu.memref_squeeze %dma_wait3A_140 : memref<1x80x128xi32, #tpu.memory_space<hbm>> -> memref<80x128xi32, #tpu.memory_space<hbm>>
      %dma_wait3A_142 = arith.constant 0 : i32
      %dma_wait3A_143 = arith.constant 0 : i32
      %dma_wait3A_144 = tpu.memref_slice %dma_wait3A_141[%dma_wait3A_142, %dma_wait3A_143] : memref<80x128xi32, #tpu.memory_space<hbm>> -> memref<40x128xi32, #tpu.memory_space<hbm>>
      %dma_wait3A_145 = arith.constant 0 : i32
      %dma_wait3A_146 = arith.constant 0 : i32
      %dma_wait3A_147 = tpu.memref_slice %arg3[%add3A, %dma_wait3A_145, %dma_wait3A_146] : memref<32x80x128xi32, #tpu.memory_space<hbm>> -> memref<1x80x128xi32, #tpu.memory_space<hbm>>
      %dma_wait3A_148 = tpu.memref_squeeze %dma_wait3A_147 : memref<1x80x128xi32, #tpu.memory_space<hbm>> -> memref<80x128xi32, #tpu.memory_space<hbm>>
      %dma_wait3A_149 = arith.constant 0 : i32
      %dma_wait3A_150 = arith.constant 0 : i32
      %dma_wait3A_151 = tpu.memref_slice %dma_wait3A_148[%dma_wait3A_149, %dma_wait3A_150] : memref<80x128xi32, #tpu.memory_space<hbm>> -> memref<40x128xi32, #tpu.memory_space<hbm>>
      tpu.wait_dma2 semaphore(%run_scoped3A_123 : memref<!tpu.dma_semaphore, #tpu.memory_space<semaphore_mem>>) src(%dma_wait3A_151 : memref<40x128xi32, #tpu.memory_space<hbm>>) dst(%arg8 : memref<40x128xi32, #tpu.memory_space<vmem>>)
      tpu.yield
    }) : () -> ()
    "tpu.region"() ({
      %run_scoped3A_123 = tpu.sem_alloc : memref<!tpu.dma_semaphore, #tpu.memory_space<semaphore_mem>>
      %dma_start3A_124 = arith.constant 0 : i32
      %dma_start3A_125 = arith.constant 0 : i32
      %dma_start3A_126 = tpu.memref_slice %arg4[%add3A, %dma_start3A_124, %dma_start3A_125] : memref<32x80x128xi32, #tpu.memory_space<hbm>> -> memref<1x80x128xi32, #tpu.memory_space<hbm>>
      %dma_start3A_127 = tpu.memref_squeeze %dma_start3A_126 : memref<1x80x128xi32, #tpu.memory_space<hbm>> -> memref<80x128xi32, #tpu.memory_space<hbm>>
      %dma_start3A_128 = arith.constant 0 : i32
      %dma_start3A_129 = arith.constant 0 : i32
      %dma_start3A_130 = tpu.memref_slice %dma_start3A_127[%dma_start3A_128, %dma_start3A_129] : memref<80x128xi32, #tpu.memory_space<hbm>> -> memref<40x128xi32, #tpu.memory_space<hbm>>
      %dma_start3A_131 = arith.constant 0 : i32
      %dma_start3A_132 = arith.constant 0 : i32
      %dma_start3A_133 = tpu.memref_slice %arg4[%add3A, %dma_start3A_131, %dma_start3A_132] : memref<32x80x128xi32, #tpu.memory_space<hbm>> -> memref<1x80x128xi32, #tpu.memory_space<hbm>>
      %dma_start3A_134 = tpu.memref_squeeze %dma_start3A_133 : memref<1x80x128xi32, #tpu.memory_space<hbm>> -> memref<80x128xi32, #tpu.memory_space<hbm>>
      %dma_start3A_135 = arith.constant 0 : i32
      %dma_start3A_136 = arith.constant 0 : i32
      %dma_start3A_137 = tpu.memref_slice %dma_start3A_134[%dma_start3A_135, %dma_start3A_136] : memref<80x128xi32, #tpu.memory_space<hbm>> -> memref<40x128xi32, #tpu.memory_space<hbm>>
      tpu.enqueue_dma source(%dma_start3A_137 : memref<40x128xi32, #tpu.memory_space<hbm>>) target(%arg9 : memref<40x128xi32, #tpu.memory_space<vmem>>) target_semaphore(%run_scoped3A_123 : memref<!tpu.dma_semaphore, #tpu.memory_space<semaphore_mem>>)
      %dma_wait3A_138 = arith.constant 0 : i32
      %dma_wait3A_139 = arith.constant 0 : i32
      %dma_wait3A_140 = tpu.memref_slice %arg4[%add3A, %dma_wait3A_138, %dma_wait3A_139] : memref<32x80x128xi32, #tpu.memory_space<hbm>> -> memref<1x80x128xi32, #tpu.memory_space<hbm>>
      %dma_wait3A_141 = tpu.memref_squeeze %dma_wait3A_140 : memref<1x80x128xi32, #tpu.memory_space<hbm>> -> memref<80x128xi32, #tpu.memory_space<hbm>>
      %dma_wait3A_142 = arith.constant 0 : i32
      %dma_wait3A_143 = arith.constant 0 : i32
      %dma_wait3A_144 = tpu.memref_slice %dma_wait3A_141[%dma_wait3A_142, %dma_wait3A_143] : memref<80x128xi32, #tpu.memory_space<hbm>> -> memref<40x128xi32, #tpu.memory_space<hbm>>
      %dma_wait3A_145 = arith.constant 0 : i32
      %dma_wait3A_146 = arith.constant 0 : i32
      %dma_wait3A_147 = tpu.memref_slice %arg4[%add3A, %dma_wait3A_145, %dma_wait3A_146] : memref<32x80x128xi32, #tpu.memory_space<hbm>> -> memref<1x80x128xi32, #tpu.memory_space<hbm>>
      %dma_wait3A_148 = tpu.memref_squeeze %dma_wait3A_147 : memref<1x80x128xi32, #tpu.memory_space<hbm>> -> memref<80x128xi32, #tpu.memory_space<hbm>>
      %dma_wait3A_149 = arith.constant 0 : i32
      %dma_wait3A_150 = arith.constant 0 : i32
      %dma_wait3A_151 = tpu.memref_slice %dma_wait3A_148[%dma_wait3A_149, %dma_wait3A_150] : memref<80x128xi32, #tpu.memory_space<hbm>> -> memref<40x128xi32, #tpu.memory_space<hbm>>
      tpu.wait_dma2 semaphore(%run_scoped3A_123 : memref<!tpu.dma_semaphore, #tpu.memory_space<semaphore_mem>>) src(%dma_wait3A_151 : memref<40x128xi32, #tpu.memory_space<hbm>>) dst(%arg9 : memref<40x128xi32, #tpu.memory_space<vmem>>)
      tpu.yield
    }) : () -> ()
    %dma_start3A = arith.constant 0 : i32
    %dma_start3A_7 = arith.constant 0 : i32
    %dma_start3A_8 = tpu.memref_slice %arg8[%dma_start3A, %dma_start3A_7] : memref<40x128xi32, #tpu.memory_space<vmem>> -> memref<1x128xi32, #tpu.memory_space<vmem>>
    %dma_start3A_9 = tpu.memref_squeeze %dma_start3A_8 : memref<1x128xi32, #tpu.memory_space<vmem>> -> memref<128xi32, #tpu.memory_space<vmem>>
    %dma_start3A_10 = arith.constant 0 : i32
    %dma_start3A_11 = arith.constant 0 : i32
    %dma_start3A_12 = tpu.memref_slice %arg2[%dma_start3A_10, %dma_start3A_11] : memref<10240x128xf32, #tpu.memory_space<hbm>> -> memref<10240x128xf32, #tpu.memory_space<hbm>>
    tpu.enqueue_indirect_dma source(%dma_start3A_12 : memref<10240x128xf32, #tpu.memory_space<hbm>>) target(%arg10 : memref<128x128xf32, #tpu.memory_space<vmem>>) offsets(%dma_start3A_9 : memref<128xi32, #tpu.memory_space<vmem>>) semaphore(%arg14 : memref<!tpu.dma_semaphore, #tpu.memory_space<semaphore_mem>>)
    %scan3A = arith.constant 0 : i32
    %scan3A_13 = arith.constant 20 : i32
    %scan3A_14 = arith.addi %scan3A, %scan3A_13 : i32
    %scan3A_15 = arith.constant 1 : i32
    scf.for %scan3A_123 = %scan3A to %scan3A_14 step %scan3A_15  : i32 {
      %mul3A_124 = arith.constant 2 : i32
      %mul3A_125 = arith.muli %scan3A_123, %mul3A_124 : i32
      %add3A_126 = arith.constant 0 : i32
      %add3A_127 = arith.addi %add3A_126, %mul3A_125 : i32
      %add3A_128 = arith.constant 1 : i32
      %add3A_129 = arith.addi %add3A_127, %add3A_128 : i32
      %dma_start3A_130 = arith.constant 0 : i32
      %dma_start3A_131 = tpu.memref_slice %arg8[%add3A_129, %dma_start3A_130] : memref<40x128xi32, #tpu.memory_space<vmem>> -> memref<1x128xi32, #tpu.memory_space<vmem>>
      %dma_start3A_132 = tpu.memref_squeeze %dma_start3A_131 : memref<1x128xi32, #tpu.memory_space<vmem>> -> memref<128xi32, #tpu.memory_space<vmem>>
      %dma_start3A_133 = arith.constant 0 : i32
      %dma_start3A_134 = arith.constant 0 : i32
      %dma_start3A_135 = tpu.memref_slice %arg2[%dma_start3A_133, %dma_start3A_134] : memref<10240x128xf32, #tpu.memory_space<hbm>> -> memref<10240x128xf32, #tpu.memory_space<hbm>>
      tpu.enqueue_indirect_dma source(%dma_start3A_135 : memref<10240x128xf32, #tpu.memory_space<hbm>>) target(%arg11 : memref<128x128xf32, #tpu.memory_space<vmem>>) offsets(%dma_start3A_132 : memref<128xi32, #tpu.memory_space<vmem>>) semaphore(%arg15 : memref<!tpu.dma_semaphore, #tpu.memory_space<semaphore_mem>>)
      %dma_wait3A_136 = arith.constant 0 : i32
      %dma_wait3A_137 = tpu.memref_slice %arg8[%add3A_127, %dma_wait3A_136] : memref<40x128xi32, #tpu.memory_space<vmem>> -> memref<1x128xi32, #tpu.memory_space<vmem>>
      %dma_wait3A_138 = tpu.memref_squeeze %dma_wait3A_137 : memref<1x128xi32, #tpu.memory_space<vmem>> -> memref<128xi32, #tpu.memory_space<vmem>>
      %dma_wait3A_139 = arith.constant 0 : i32
      %dma_wait3A_140 = arith.constant 0 : i32
      %dma_wait3A_141 = tpu.memref_slice %arg2[%dma_wait3A_139, %dma_wait3A_140] : memref<10240x128xf32, #tpu.memory_space<hbm>> -> memref<10240x128xf32, #tpu.memory_space<hbm>>
      tpu.wait_indirect_dma semaphore(%arg14 : memref<!tpu.dma_semaphore, #tpu.memory_space<semaphore_mem>>) src(%dma_wait3A_141 : memref<10240x128xf32, #tpu.memory_space<hbm>>) dst(%arg10 : memref<128x128xf32, #tpu.memory_space<vmem>>)
      "tpu.region"() ({
        %run_scoped3A_159 = tpu.sem_alloc : memref<!tpu.dma_semaphore, #tpu.memory_space<semaphore_mem>>
        %dma_start3A_160 = arith.constant 0 : i32
        %dma_start3A_161 = tpu.memref_slice %arg9[%add3A_127, %dma_start3A_160] : memref<40x128xi32, #tpu.memory_space<vmem>> -> memref<1x128xi32, #tpu.memory_space<vmem>>
        %dma_start3A_162 = tpu.memref_squeeze %dma_start3A_161 : memref<1x128xi32, #tpu.memory_space<vmem>> -> memref<128xi32, #tpu.memory_space<vmem>>
        %dma_start3A_163 = arith.constant 0 : i32
        %dma_start3A_164 = arith.constant 0 : i32
        %dma_start3A_165 = tpu.memref_slice %arg13[%dma_start3A_163, %dma_start3A_164] : memref<10240x128xf32, #tpu.memory_space<vmem_shared>> -> memref<10240x128xf32, #tpu.memory_space<vmem_shared>>
        tpu.enqueue_indirect_dma source(%arg10 : memref<128x128xf32, #tpu.memory_space<vmem>>) target(%dma_start3A_165 : memref<10240x128xf32, #tpu.memory_space<vmem_shared>>) offsets(%dma_start3A_162 : memref<128xi32, #tpu.memory_space<vmem>>) semaphore(%run_scoped3A_159 : memref<!tpu.dma_semaphore, #tpu.memory_space<semaphore_mem>>) {add = true}
        %dma_wait3A_166 = arith.constant 0 : i32
        %dma_wait3A_167 = tpu.memref_slice %arg9[%add3A_127, %dma_wait3A_166] : memref<40x128xi32, #tpu.memory_space<vmem>> -> memref<1x128xi32, #tpu.memory_space<vmem>>
        %dma_wait3A_168 = tpu.memref_squeeze %dma_wait3A_167 : memref<1x128xi32, #tpu.memory_space<vmem>> -> memref<128xi32, #tpu.memory_space<vmem>>
        %dma_wait3A_169 = arith.constant 0 : i32
        %dma_wait3A_170 = arith.constant 0 : i32
        %dma_wait3A_171 = tpu.memref_slice %arg13[%dma_wait3A_169, %dma_wait3A_170] : memref<10240x128xf32, #tpu.memory_space<vmem_shared>> -> memref<10240x128xf32, #tpu.memory_space<vmem_shared>>
        tpu.wait_indirect_dma semaphore(%run_scoped3A_159 : memref<!tpu.dma_semaphore, #tpu.memory_space<semaphore_mem>>) src(%arg10 : memref<128x128xf32, #tpu.memory_space<vmem>>) dst(%dma_wait3A_171 : memref<10240x128xf32, #tpu.memory_space<vmem_shared>>)
        tpu.yield
      }) : () -> ()
      %add3A_142 = arith.constant 2 : i32
      %add3A_143 = arith.addi %add3A_127, %add3A_142 : i32
      %min3A = arith.constant 39 : i32
      %min3A_144 = arith.minsi %add3A_143, %min3A : i32
      %dma_start3A_145 = arith.constant 0 : i32
      %dma_start3A_146 = tpu.memref_slice %arg8[%min3A_144, %dma_start3A_145] : memref<40x128xi32, #tpu.memory_space<vmem>> -> memref<1x128xi32, #tpu.memory_space<vmem>>
      %dma_start3A_147 = tpu.memref_squeeze %dma_start3A_146 : memref<1x128xi32, #tpu.memory_space<vmem>> -> memref<128xi32, #tpu.memory_space<vmem>>
      %dma_start3A_148 = arith.constant 0 : i32
      %dma_start3A_149 = arith.constant 0 : i32
      %dma_start3A_150 = tpu.memref_slice %arg2[%dma_start3A_148, %dma_start3A_149] : memref<10240x128xf32, #tpu.memory_space<hbm>> -> memref<10240x128xf32, #tpu.memory_space<hbm>>
      tpu.enqueue_indirect_dma source(%dma_start3A_150 : memref<10240x128xf32, #tpu.memory_space<hbm>>) target(%arg10 : memref<128x128xf32, #tpu.memory_space<vmem>>) offsets(%dma_start3A_147 : memref<128xi32, #tpu.memory_space<vmem>>) semaphore(%arg14 : memref<!tpu.dma_semaphore, #tpu.memory_space<semaphore_mem>>)
      %dma_wait3A_151 = arith.constant 0 : i32
      %dma_wait3A_152 = tpu.memref_slice %arg8[%add3A_127, %dma_wait3A_151] : memref<40x128xi32, #tpu.memory_space<vmem>> -> memref<1x128xi32, #tpu.memory_space<vmem>>
      %dma_wait3A_153 = tpu.memref_squeeze %dma_wait3A_152 : memref<1x128xi32, #tpu.memory_space<vmem>> -> memref<128xi32, #tpu.memory_space<vmem>>
      %dma_wait3A_154 = arith.constant 0 : i32
      %dma_wait3A_155 = arith.constant 0 : i32
      %dma_wait3A_156 = tpu.memref_slice %arg2[%dma_wait3A_154, %dma_wait3A_155] : memref<10240x128xf32, #tpu.memory_space<hbm>> -> memref<10240x128xf32, #tpu.memory_space<hbm>>
      tpu.wait_indirect_dma semaphore(%arg15 : memref<!tpu.dma_semaphore, #tpu.memory_space<semaphore_mem>>) src(%dma_wait3A_156 : memref<10240x128xf32, #tpu.memory_space<hbm>>) dst(%arg11 : memref<128x128xf32, #tpu.memory_space<vmem>>)
      %add3A_157 = arith.constant 1 : i32
      %add3A_158 = arith.addi %add3A_127, %add3A_157 : i32
      "tpu.region"() ({
        %run_scoped3A_159 = tpu.sem_alloc : memref<!tpu.dma_semaphore, #tpu.memory_space<semaphore_mem>>
        %dma_start3A_160 = arith.constant 0 : i32
        %dma_start3A_161 = tpu.memref_slice %arg9[%add3A_158, %dma_start3A_160] : memref<40x128xi32, #tpu.memory_space<vmem>> -> memref<1x128xi32, #tpu.memory_space<vmem>>
        %dma_start3A_162 = tpu.memref_squeeze %dma_start3A_161 : memref<1x128xi32, #tpu.memory_space<vmem>> -> memref<128xi32, #tpu.memory_space<vmem>>
        %dma_start3A_163 = arith.constant 0 : i32
        %dma_start3A_164 = arith.constant 0 : i32
        %dma_start3A_165 = tpu.memref_slice %arg13[%dma_start3A_163, %dma_start3A_164] : memref<10240x128xf32, #tpu.memory_space<vmem_shared>> -> memref<10240x128xf32, #tpu.memory_space<vmem_shared>>
        tpu.enqueue_indirect_dma source(%arg11 : memref<128x128xf32, #tpu.memory_space<vmem>>) target(%dma_start3A_165 : memref<10240x128xf32, #tpu.memory_space<vmem_shared>>) offsets(%dma_start3A_162 : memref<128xi32, #tpu.memory_space<vmem>>) semaphore(%run_scoped3A_159 : memref<!tpu.dma_semaphore, #tpu.memory_space<semaphore_mem>>) {add = true}
        %dma_wait3A_166 = arith.constant 0 : i32
        %dma_wait3A_167 = tpu.memref_slice %arg9[%add3A_158, %dma_wait3A_166] : memref<40x128xi32, #tpu.memory_space<vmem>> -> memref<1x128xi32, #tpu.memory_space<vmem>>
        %dma_wait3A_168 = tpu.memref_squeeze %dma_wait3A_167 : memref<1x128xi32, #tpu.memory_space<vmem>> -> memref<128xi32, #tpu.memory_space<vmem>>
        %dma_wait3A_169 = arith.constant 0 : i32
        %dma_wait3A_170 = arith.constant 0 : i32
        %dma_wait3A_171 = tpu.memref_slice %arg13[%dma_wait3A_169, %dma_wait3A_170] : memref<10240x128xf32, #tpu.memory_space<vmem_shared>> -> memref<10240x128xf32, #tpu.memory_space<vmem_shared>>
        tpu.wait_indirect_dma semaphore(%run_scoped3A_159 : memref<!tpu.dma_semaphore, #tpu.memory_space<semaphore_mem>>) src(%arg11 : memref<128x128xf32, #tpu.memory_space<vmem>>) dst(%dma_wait3A_171 : memref<10240x128xf32, #tpu.memory_space<vmem_shared>>)
        tpu.yield
      }) : () -> ()
    }
    %scan3A_16 = arith.constant 20 : i32
    %dma_wait3A = arith.constant 0 : i32
    %dma_wait3A_17 = arith.constant 0 : i32
    %dma_wait3A_18 = tpu.memref_slice %arg8[%dma_wait3A, %dma_wait3A_17] : memref<40x128xi32, #tpu.memory_space<vmem>> -> memref<1x128xi32, #tpu.memory_space<vmem>>
    %dma_wait3A_19 = tpu.memref_squeeze %dma_wait3A_18 : memref<1x128xi32, #tpu.memory_space<vmem>> -> memref<128xi32, #tpu.memory_space<vmem>>
    %dma_wait3A_20 = arith.constant 0 : i32
    %dma_wait3A_21 = arith.constant 0 : i32
    %dma_wait3A_22 = tpu.memref_slice %arg2[%dma_wait3A_20, %dma_wait3A_21] : memref<10240x128xf32, #tpu.memory_space<hbm>> -> memref<10240x128xf32, #tpu.memory_space<hbm>>
    tpu.wait_indirect_dma semaphore(%arg14 : memref<!tpu.dma_semaphore, #tpu.memory_space<semaphore_mem>>) src(%dma_wait3A_22 : memref<10240x128xf32, #tpu.memory_space<hbm>>) dst(%arg10 : memref<128x128xf32, #tpu.memory_space<vmem>>)
    "tpu.region"() ({
      %run_scoped3A_123 = tpu.sem_alloc : memref<!tpu.dma_semaphore, #tpu.memory_space<semaphore_mem>>
      %dma_start3A_124 = arith.constant 0 : i32
      %dma_start3A_125 = arith.constant 0 : i32
      %dma_start3A_126 = tpu.memref_slice %arg3[%add3A, %dma_start3A_124, %dma_start3A_125] : memref<32x80x128xi32, #tpu.memory_space<hbm>> -> memref<1x80x128xi32, #tpu.memory_space<hbm>>
      %dma_start3A_127 = tpu.memref_squeeze %dma_start3A_126 : memref<1x80x128xi32, #tpu.memory_space<hbm>> -> memref<80x128xi32, #tpu.memory_space<hbm>>
      %dma_start3A_128 = arith.constant 40 : i32
      %dma_start3A_129 = arith.constant 0 : i32
      %dma_start3A_130 = tpu.memref_slice %dma_start3A_127[%dma_start3A_128, %dma_start3A_129] : memref<80x128xi32, #tpu.memory_space<hbm>> -> memref<40x128xi32, #tpu.memory_space<hbm>>
      %dma_start3A_131 = arith.constant 0 : i32
      %dma_start3A_132 = arith.constant 0 : i32
      %dma_start3A_133 = tpu.memref_slice %arg3[%add3A, %dma_start3A_131, %dma_start3A_132] : memref<32x80x128xi32, #tpu.memory_space<hbm>> -> memref<1x80x128xi32, #tpu.memory_space<hbm>>
      %dma_start3A_134 = tpu.memref_squeeze %dma_start3A_133 : memref<1x80x128xi32, #tpu.memory_space<hbm>> -> memref<80x128xi32, #tpu.memory_space<hbm>>
      %dma_start3A_135 = arith.constant 40 : i32
      %dma_start3A_136 = arith.constant 0 : i32
      %dma_start3A_137 = tpu.memref_slice %dma_start3A_134[%dma_start3A_135, %dma_start3A_136] : memref<80x128xi32, #tpu.memory_space<hbm>> -> memref<40x128xi32, #tpu.memory_space<hbm>>
      tpu.enqueue_dma source(%dma_start3A_137 : memref<40x128xi32, #tpu.memory_space<hbm>>) target(%arg8 : memref<40x128xi32, #tpu.memory_space<vmem>>) target_semaphore(%run_scoped3A_123 : memref<!tpu.dma_semaphore, #tpu.memory_space<semaphore_mem>>)
      %dma_wait3A_138 = arith.constant 0 : i32
      %dma_wait3A_139 = arith.constant 0 : i32
      %dma_wait3A_140 = tpu.memref_slice %arg3[%add3A, %dma_wait3A_138, %dma_wait3A_139] : memref<32x80x128xi32, #tpu.memory_space<hbm>> -> memref<1x80x128xi32, #tpu.memory_space<hbm>>
      %dma_wait3A_141 = tpu.memref_squeeze %dma_wait3A_140 : memref<1x80x128xi32, #tpu.memory_space<hbm>> -> memref<80x128xi32, #tpu.memory_space<hbm>>
      %dma_wait3A_142 = arith.constant 40 : i32
      %dma_wait3A_143 = arith.constant 0 : i32
      %dma_wait3A_144 = tpu.memref_slice %dma_wait3A_141[%dma_wait3A_142, %dma_wait3A_143] : memref<80x128xi32, #tpu.memory_space<hbm>> -> memref<40x128xi32, #tpu.memory_space<hbm>>
      %dma_wait3A_145 = arith.constant 0 : i32
      %dma_wait3A_146 = arith.constant 0 : i32
      %dma_wait3A_147 = tpu.memref_slice %arg3[%add3A, %dma_wait3A_145, %dma_wait3A_146] : memref<32x80x128xi32, #tpu.memory_space<hbm>> -> memref<1x80x128xi32, #tpu.memory_space<hbm>>
      %dma_wait3A_148 = tpu.memref_squeeze %dma_wait3A_147 : memref<1x80x128xi32, #tpu.memory_space<hbm>> -> memref<80x128xi32, #tpu.memory_space<hbm>>
      %dma_wait3A_149 = arith.constant 40 : i32
      %dma_wait3A_150 = arith.constant 0 : i32
      %dma_wait3A_151 = tpu.memref_slice %dma_wait3A_148[%dma_wait3A_149, %dma_wait3A_150] : memref<80x128xi32, #tpu.memory_space<hbm>> -> memref<40x128xi32, #tpu.memory_space<hbm>>
      tpu.wait_dma2 semaphore(%run_scoped3A_123 : memref<!tpu.dma_semaphore, #tpu.memory_space<semaphore_mem>>) src(%dma_wait3A_151 : memref<40x128xi32, #tpu.memory_space<hbm>>) dst(%arg8 : memref<40x128xi32, #tpu.memory_space<vmem>>)
      tpu.yield
    }) : () -> ()
    "tpu.region"() ({
      %run_scoped3A_123 = tpu.sem_alloc : memref<!tpu.dma_semaphore, #tpu.memory_space<semaphore_mem>>
      %dma_start3A_124 = arith.constant 0 : i32
      %dma_start3A_125 = arith.constant 0 : i32
      %dma_start3A_126 = tpu.memref_slice %arg4[%add3A, %dma_start3A_124, %dma_start3A_125] : memref<32x80x128xi32, #tpu.memory_space<hbm>> -> memref<1x80x128xi32, #tpu.memory_space<hbm>>
      %dma_start3A_127 = tpu.memref_squeeze %dma_start3A_126 : memref<1x80x128xi32, #tpu.memory_space<hbm>> -> memref<80x128xi32, #tpu.memory_space<hbm>>
      %dma_start3A_128 = arith.constant 40 : i32
      %dma_start3A_129 = arith.constant 0 : i32
      %dma_start3A_130 = tpu.memref_slice %dma_start3A_127[%dma_start3A_128, %dma_start3A_129] : memref<80x128xi32, #tpu.memory_space<hbm>> -> memref<40x128xi32, #tpu.memory_space<hbm>>
      %dma_start3A_131 = arith.constant 0 : i32
      %dma_start3A_132 = arith.constant 0 : i32
      %dma_start3A_133 = tpu.memref_slice %arg4[%add3A, %dma_start3A_131, %dma_start3A_132] : memref<32x80x128xi32, #tpu.memory_space<hbm>> -> memref<1x80x128xi32, #tpu.memory_space<hbm>>
      %dma_start3A_134 = tpu.memref_squeeze %dma_start3A_133 : memref<1x80x128xi32, #tpu.memory_space<hbm>> -> memref<80x128xi32, #tpu.memory_space<hbm>>
      %dma_start3A_135 = arith.constant 40 : i32
      %dma_start3A_136 = arith.constant 0 : i32
      %dma_start3A_137 = tpu.memref_slice %dma_start3A_134[%dma_start3A_135, %dma_start3A_136] : memref<80x128xi32, #tpu.memory_space<hbm>> -> memref<40x128xi32, #tpu.memory_space<hbm>>
      tpu.enqueue_dma source(%dma_start3A_137 : memref<40x128xi32, #tpu.memory_space<hbm>>) target(%arg9 : memref<40x128xi32, #tpu.memory_space<vmem>>) target_semaphore(%run_scoped3A_123 : memref<!tpu.dma_semaphore, #tpu.memory_space<semaphore_mem>>)
      %dma_wait3A_138 = arith.constant 0 : i32
      %dma_wait3A_139 = arith.constant 0 : i32
      %dma_wait3A_140 = tpu.memref_slice %arg4[%add3A, %dma_wait3A_138, %dma_wait3A_139] : memref<32x80x128xi32, #tpu.memory_space<hbm>> -> memref<1x80x128xi32, #tpu.memory_space<hbm>>
      %dma_wait3A_141 = tpu.memref_squeeze %dma_wait3A_140 : memref<1x80x128xi32, #tpu.memory_space<hbm>> -> memref<80x128xi32, #tpu.memory_space<hbm>>
      %dma_wait3A_142 = arith.constant 40 : i32
      %dma_wait3A_143 = arith.constant 0 : i32
      %dma_wait3A_144 = tpu.memref_slice %dma_wait3A_141[%dma_wait3A_142, %dma_wait3A_143] : memref<80x128xi32, #tpu.memory_space<hbm>> -> memref<40x128xi32, #tpu.memory_space<hbm>>
      %dma_wait3A_145 = arith.constant 0 : i32
      %dma_wait3A_146 = arith.constant 0 : i32
      %dma_wait3A_147 = tpu.memref_slice %arg4[%add3A, %dma_wait3A_145, %dma_wait3A_146] : memref<32x80x128xi32, #tpu.memory_space<hbm>> -> memref<1x80x128xi32, #tpu.memory_space<hbm>>
      %dma_wait3A_148 = tpu.memref_squeeze %dma_wait3A_147 : memref<1x80x128xi32, #tpu.memory_space<hbm>> -> memref<80x128xi32, #tpu.memory_space<hbm>>
      %dma_wait3A_149 = arith.constant 40 : i32
      %dma_wait3A_150 = arith.constant 0 : i32
      %dma_wait3A_151 = tpu.memref_slice %dma_wait3A_148[%dma_wait3A_149, %dma_wait3A_150] : memref<80x128xi32, #tpu.memory_space<hbm>> -> memref<40x128xi32, #tpu.memory_space<hbm>>
      tpu.wait_dma2 semaphore(%run_scoped3A_123 : memref<!tpu.dma_semaphore, #tpu.memory_space<semaphore_mem>>) src(%dma_wait3A_151 : memref<40x128xi32, #tpu.memory_space<hbm>>) dst(%arg9 : memref<40x128xi32, #tpu.memory_space<vmem>>)
      tpu.yield
    }) : () -> ()
    %dma_start3A_23 = arith.constant 0 : i32
    %dma_start3A_24 = arith.constant 0 : i32
    %dma_start3A_25 = tpu.memref_slice %arg8[%dma_start3A_23, %dma_start3A_24] : memref<40x128xi32, #tpu.memory_space<vmem>> -> memref<1x128xi32, #tpu.memory_space<vmem>>
    %dma_start3A_26 = tpu.memref_squeeze %dma_start3A_25 : memref<1x128xi32, #tpu.memory_space<vmem>> -> memref<128xi32, #tpu.memory_space<vmem>>
    %dma_start3A_27 = arith.constant 0 : i32
    %dma_start3A_28 = arith.constant 0 : i32
    %dma_start3A_29 = tpu.memref_slice %arg2[%dma_start3A_27, %dma_start3A_28] : memref<10240x128xf32, #tpu.memory_space<hbm>> -> memref<10240x128xf32, #tpu.memory_space<hbm>>
    tpu.enqueue_indirect_dma source(%dma_start3A_29 : memref<10240x128xf32, #tpu.memory_space<hbm>>) target(%arg10 : memref<128x128xf32, #tpu.memory_space<vmem>>) offsets(%dma_start3A_26 : memref<128xi32, #tpu.memory_space<vmem>>) semaphore(%arg14 : memref<!tpu.dma_semaphore, #tpu.memory_space<semaphore_mem>>)
    %scan3A_30 = arith.constant 0 : i32
    %scan3A_31 = arith.constant 20 : i32
    %scan3A_32 = arith.addi %scan3A_30, %scan3A_31 : i32
    %scan3A_33 = arith.constant 1 : i32
    scf.for %scan3A_123 = %scan3A_30 to %scan3A_32 step %scan3A_33  : i32 {
      %mul3A_124 = arith.constant 2 : i32
      %mul3A_125 = arith.muli %scan3A_123, %mul3A_124 : i32
      %add3A_126 = arith.constant 0 : i32
      %add3A_127 = arith.addi %add3A_126, %mul3A_125 : i32
      %add3A_128 = arith.constant 1 : i32
      %add3A_129 = arith.addi %add3A_127, %add3A_128 : i32
      %dma_start3A_130 = arith.constant 0 : i32
      %dma_start3A_131 = tpu.memref_slice %arg8[%add3A_129, %dma_start3A_130] : memref<40x128xi32, #tpu.memory_space<vmem>> -> memref<1x128xi32, #tpu.memory_space<vmem>>
      %dma_start3A_132 = tpu.memref_squeeze %dma_start3A_131 : memref<1x128xi32, #tpu.memory_space<vmem>> -> memref<128xi32, #tpu.memory_space<vmem>>
      %dma_start3A_133 = arith.constant 0 : i32
      %dma_start3A_134 = arith.constant 0 : i32
      %dma_start3A_135 = tpu.memref_slice %arg2[%dma_start3A_133, %dma_start3A_134] : memref<10240x128xf32, #tpu.memory_space<hbm>> -> memref<10240x128xf32, #tpu.memory_space<hbm>>
      tpu.enqueue_indirect_dma source(%dma_start3A_135 : memref<10240x128xf32, #tpu.memory_space<hbm>>) target(%arg11 : memref<128x128xf32, #tpu.memory_space<vmem>>) offsets(%dma_start3A_132 : memref<128xi32, #tpu.memory_space<vmem>>) semaphore(%arg15 : memref<!tpu.dma_semaphore, #tpu.memory_space<semaphore_mem>>)
      %dma_wait3A_136 = arith.constant 0 : i32
      %dma_wait3A_137 = tpu.memref_slice %arg8[%add3A_127, %dma_wait3A_136] : memref<40x128xi32, #tpu.memory_space<vmem>> -> memref<1x128xi32, #tpu.memory_space<vmem>>
      %dma_wait3A_138 = tpu.memref_squeeze %dma_wait3A_137 : memref<1x128xi32, #tpu.memory_space<vmem>> -> memref<128xi32, #tpu.memory_space<vmem>>
      %dma_wait3A_139 = arith.constant 0 : i32
      %dma_wait3A_140 = arith.constant 0 : i32
      %dma_wait3A_141 = tpu.memref_slice %arg2[%dma_wait3A_139, %dma_wait3A_140] : memref<10240x128xf32, #tpu.memory_space<hbm>> -> memref<10240x128xf32, #tpu.memory_space<hbm>>
      tpu.wait_indirect_dma semaphore(%arg14 : memref<!tpu.dma_semaphore, #tpu.memory_space<semaphore_mem>>) src(%dma_wait3A_141 : memref<10240x128xf32, #tpu.memory_space<hbm>>) dst(%arg10 : memref<128x128xf32, #tpu.memory_space<vmem>>)
      "tpu.region"() ({
        %run_scoped3A_159 = tpu.sem_alloc : memref<!tpu.dma_semaphore, #tpu.memory_space<semaphore_mem>>
        %dma_start3A_160 = arith.constant 0 : i32
        %dma_start3A_161 = tpu.memref_slice %arg9[%add3A_127, %dma_start3A_160] : memref<40x128xi32, #tpu.memory_space<vmem>> -> memref<1x128xi32, #tpu.memory_space<vmem>>
        %dma_start3A_162 = tpu.memref_squeeze %dma_start3A_161 : memref<1x128xi32, #tpu.memory_space<vmem>> -> memref<128xi32, #tpu.memory_space<vmem>>
        %dma_start3A_163 = arith.constant 0 : i32
        %dma_start3A_164 = arith.constant 0 : i32
        %dma_start3A_165 = tpu.memref_slice %arg13[%dma_start3A_163, %dma_start3A_164] : memref<10240x128xf32, #tpu.memory_space<vmem_shared>> -> memref<10240x128xf32, #tpu.memory_space<vmem_shared>>
        tpu.enqueue_indirect_dma source(%arg10 : memref<128x128xf32, #tpu.memory_space<vmem>>) target(%dma_start3A_165 : memref<10240x128xf32, #tpu.memory_space<vmem_shared>>) offsets(%dma_start3A_162 : memref<128xi32, #tpu.memory_space<vmem>>) semaphore(%run_scoped3A_159 : memref<!tpu.dma_semaphore, #tpu.memory_space<semaphore_mem>>) {add = true}
        %dma_wait3A_166 = arith.constant 0 : i32
        %dma_wait3A_167 = tpu.memref_slice %arg9[%add3A_127, %dma_wait3A_166] : memref<40x128xi32, #tpu.memory_space<vmem>> -> memref<1x128xi32, #tpu.memory_space<vmem>>
        %dma_wait3A_168 = tpu.memref_squeeze %dma_wait3A_167 : memref<1x128xi32, #tpu.memory_space<vmem>> -> memref<128xi32, #tpu.memory_space<vmem>>
        %dma_wait3A_169 = arith.constant 0 : i32
        %dma_wait3A_170 = arith.constant 0 : i32
        %dma_wait3A_171 = tpu.memref_slice %arg13[%dma_wait3A_169, %dma_wait3A_170] : memref<10240x128xf32, #tpu.memory_space<vmem_shared>> -> memref<10240x128xf32, #tpu.memory_space<vmem_shared>>
        tpu.wait_indirect_dma semaphore(%run_scoped3A_159 : memref<!tpu.dma_semaphore, #tpu.memory_space<semaphore_mem>>) src(%arg10 : memref<128x128xf32, #tpu.memory_space<vmem>>) dst(%dma_wait3A_171 : memref<10240x128xf32, #tpu.memory_space<vmem_shared>>)
        tpu.yield
      }) : () -> ()
      %add3A_142 = arith.constant 2 : i32
      %add3A_143 = arith.addi %add3A_127, %add3A_142 : i32
      %min3A = arith.constant 39 : i32
      %min3A_144 = arith.minsi %add3A_143, %min3A : i32
      %dma_start3A_145 = arith.constant 0 : i32
      %dma_start3A_146 = tpu.memref_slice %arg8[%min3A_144, %dma_start3A_145] : memref<40x128xi32, #tpu.memory_space<vmem>> -> memref<1x128xi32, #tpu.memory_space<vmem>>
      %dma_start3A_147 = tpu.memref_squeeze %dma_start3A_146 : memref<1x128xi32, #tpu.memory_space<vmem>> -> memref<128xi32, #tpu.memory_space<vmem>>
      %dma_start3A_148 = arith.constant 0 : i32
      %dma_start3A_149 = arith.constant 0 : i32
      %dma_start3A_150 = tpu.memref_slice %arg2[%dma_start3A_148, %dma_start3A_149] : memref<10240x128xf32, #tpu.memory_space<hbm>> -> memref<10240x128xf32, #tpu.memory_space<hbm>>
      tpu.enqueue_indirect_dma source(%dma_start3A_150 : memref<10240x128xf32, #tpu.memory_space<hbm>>) target(%arg10 : memref<128x128xf32, #tpu.memory_space<vmem>>) offsets(%dma_start3A_147 : memref<128xi32, #tpu.memory_space<vmem>>) semaphore(%arg14 : memref<!tpu.dma_semaphore, #tpu.memory_space<semaphore_mem>>)
      %dma_wait3A_151 = arith.constant 0 : i32
      %dma_wait3A_152 = tpu.memref_slice %arg8[%add3A_127, %dma_wait3A_151] : memref<40x128xi32, #tpu.memory_space<vmem>> -> memref<1x128xi32, #tpu.memory_space<vmem>>
      %dma_wait3A_153 = tpu.memref_squeeze %dma_wait3A_152 : memref<1x128xi32, #tpu.memory_space<vmem>> -> memref<128xi32, #tpu.memory_space<vmem>>
      %dma_wait3A_154 = arith.constant 0 : i32
      %dma_wait3A_155 = arith.constant 0 : i32
      %dma_wait3A_156 = tpu.memref_slice %arg2[%dma_wait3A_154, %dma_wait3A_155] : memref<10240x128xf32, #tpu.memory_space<hbm>> -> memref<10240x128xf32, #tpu.memory_space<hbm>>
      tpu.wait_indirect_dma semaphore(%arg15 : memref<!tpu.dma_semaphore, #tpu.memory_space<semaphore_mem>>) src(%dma_wait3A_156 : memref<10240x128xf32, #tpu.memory_space<hbm>>) dst(%arg11 : memref<128x128xf32, #tpu.memory_space<vmem>>)
      %add3A_157 = arith.constant 1 : i32
      %add3A_158 = arith.addi %add3A_127, %add3A_157 : i32
      "tpu.region"() ({
        %run_scoped3A_159 = tpu.sem_alloc : memref<!tpu.dma_semaphore, #tpu.memory_space<semaphore_mem>>
        %dma_start3A_160 = arith.constant 0 : i32
        %dma_start3A_161 = tpu.memref_slice %arg9[%add3A_158, %dma_start3A_160] : memref<40x128xi32, #tpu.memory_space<vmem>> -> memref<1x128xi32, #tpu.memory_space<vmem>>
        %dma_start3A_162 = tpu.memref_squeeze %dma_start3A_161 : memref<1x128xi32, #tpu.memory_space<vmem>> -> memref<128xi32, #tpu.memory_space<vmem>>
        %dma_start3A_163 = arith.constant 0 : i32
        %dma_start3A_164 = arith.constant 0 : i32
        %dma_start3A_165 = tpu.memref_slice %arg13[%dma_start3A_163, %dma_start3A_164] : memref<10240x128xf32, #tpu.memory_space<vmem_shared>> -> memref<10240x128xf32, #tpu.memory_space<vmem_shared>>
        tpu.enqueue_indirect_dma source(%arg11 : memref<128x128xf32, #tpu.memory_space<vmem>>) target(%dma_start3A_165 : memref<10240x128xf32, #tpu.memory_space<vmem_shared>>) offsets(%dma_start3A_162 : memref<128xi32, #tpu.memory_space<vmem>>) semaphore(%run_scoped3A_159 : memref<!tpu.dma_semaphore, #tpu.memory_space<semaphore_mem>>) {add = true}
        %dma_wait3A_166 = arith.constant 0 : i32
        %dma_wait3A_167 = tpu.memref_slice %arg9[%add3A_158, %dma_wait3A_166] : memref<40x128xi32, #tpu.memory_space<vmem>> -> memref<1x128xi32, #tpu.memory_space<vmem>>
        %dma_wait3A_168 = tpu.memref_squeeze %dma_wait3A_167 : memref<1x128xi32, #tpu.memory_space<vmem>> -> memref<128xi32, #tpu.memory_space<vmem>>
        %dma_wait3A_169 = arith.constant 0 : i32
        %dma_wait3A_170 = arith.constant 0 : i32
        %dma_wait3A_171 = tpu.memref_slice %arg13[%dma_wait3A_169, %dma_wait3A_170] : memref<10240x128xf32, #tpu.memory_space<vmem_shared>> -> memref<10240x128xf32, #tpu.memory_space<vmem_shared>>
        tpu.wait_indirect_dma semaphore(%run_scoped3A_159 : memref<!tpu.dma_semaphore, #tpu.memory_space<semaphore_mem>>) src(%arg11 : memref<128x128xf32, #tpu.memory_space<vmem>>) dst(%dma_wait3A_171 : memref<10240x128xf32, #tpu.memory_space<vmem_shared>>)
        tpu.yield
      }) : () -> ()
    }
    %scan3A_34 = arith.constant 20 : i32
    %dma_wait3A_35 = arith.constant 0 : i32
    %dma_wait3A_36 = arith.constant 0 : i32
    %dma_wait3A_37 = tpu.memref_slice %arg8[%dma_wait3A_35, %dma_wait3A_36] : memref<40x128xi32, #tpu.memory_space<vmem>> -> memref<1x128xi32, #tpu.memory_space<vmem>>
    %dma_wait3A_38 = tpu.memref_squeeze %dma_wait3A_37 : memref<1x128xi32, #tpu.memory_space<vmem>> -> memref<128xi32, #tpu.memory_space<vmem>>
    %dma_wait3A_39 = arith.constant 0 : i32
    %dma_wait3A_40 = arith.constant 0 : i32
    %dma_wait3A_41 = tpu.memref_slice %arg2[%dma_wait3A_39, %dma_wait3A_40] : memref<10240x128xf32, #tpu.memory_space<hbm>> -> memref<10240x128xf32, #tpu.memory_space<hbm>>
    tpu.wait_indirect_dma semaphore(%arg14 : memref<!tpu.dma_semaphore, #tpu.memory_space<semaphore_mem>>) src(%dma_wait3A_41 : memref<10240x128xf32, #tpu.memory_space<hbm>>) dst(%arg10 : memref<128x128xf32, #tpu.memory_space<vmem>>)
    %barrier3A_42 = arith.constant 0 : index
    tpu.barrier barrier_id(%barrier3A_42)
    %dma_start3A_43 = arith.constant 0 : i32
    %dma_start3A_44 = arith.constant 0 : i32
    %dma_start3A_45 = tpu.memref_slice %arg12[%dma_start3A_43, %dma_start3A_44] : memref<5x128xi32, #tpu.memory_space<vmem>> -> memref<1x128xi32, #tpu.memory_space<vmem>>
    %dma_start3A_46 = tpu.memref_squeeze %dma_start3A_45 : memref<1x128xi32, #tpu.memory_space<vmem>> -> memref<128xi32, #tpu.memory_space<vmem>>
    %dma_start3A_47 = arith.constant 0 : i32
    %dma_start3A_48 = arith.constant 0 : i32
    %dma_start3A_49 = tpu.memref_slice %arg13[%dma_start3A_47, %dma_start3A_48] : memref<10240x128xf32, #tpu.memory_space<vmem_shared>> -> memref<10240x128xf32, #tpu.memory_space<vmem_shared>>
    tpu.enqueue_indirect_dma source(%dma_start3A_49 : memref<10240x128xf32, #tpu.memory_space<vmem_shared>>) target(%arg10 : memref<128x128xf32, #tpu.memory_space<vmem>>) offsets(%dma_start3A_46 : memref<128xi32, #tpu.memory_space<vmem>>) semaphore(%arg14 : memref<!tpu.dma_semaphore, #tpu.memory_space<semaphore_mem>>)
    %dma_wait3A_50 = arith.constant 0 : i32
    %dma_wait3A_51 = arith.constant 0 : i32
    %dma_wait3A_52 = tpu.memref_slice %arg12[%dma_wait3A_50, %dma_wait3A_51] : memref<5x128xi32, #tpu.memory_space<vmem>> -> memref<1x128xi32, #tpu.memory_space<vmem>>
    %dma_wait3A_53 = tpu.memref_squeeze %dma_wait3A_52 : memref<1x128xi32, #tpu.memory_space<vmem>> -> memref<128xi32, #tpu.memory_space<vmem>>
    %dma_wait3A_54 = arith.constant 0 : i32
    %dma_wait3A_55 = arith.constant 0 : i32
    %dma_wait3A_56 = tpu.memref_slice %arg13[%dma_wait3A_54, %dma_wait3A_55] : memref<10240x128xf32, #tpu.memory_space<vmem_shared>> -> memref<10240x128xf32, #tpu.memory_space<vmem_shared>>
    tpu.wait_indirect_dma semaphore(%arg14 : memref<!tpu.dma_semaphore, #tpu.memory_space<semaphore_mem>>) src(%dma_wait3A_56 : memref<10240x128xf32, #tpu.memory_space<vmem_shared>>) dst(%arg10 : memref<128x128xf32, #tpu.memory_space<vmem>>)
    %add3A_57 = arith.constant 0 : i32
    %add3A_58 = arith.addi %mul3A_2, %add3A_57 : i32
    "tpu.region"() ({
      %run_scoped3A_123 = tpu.sem_alloc : memref<!tpu.dma_semaphore, #tpu.memory_space<semaphore_mem>>
      %dma_start3A_124 = arith.constant 0 : i32
      %dma_start3A_125 = arith.constant 0 : i32
      %dma_start3A_126 = tpu.memref_slice %arg7[%arg0, %dma_start3A_124, %dma_start3A_125] : memref<2x10240x128xf32, #tpu.memory_space<hbm>> -> memref<1x10240x128xf32, #tpu.memory_space<hbm>>
      %dma_start3A_127 = tpu.memref_squeeze %dma_start3A_126 : memref<1x10240x128xf32, #tpu.memory_space<hbm>> -> memref<10240x128xf32, #tpu.memory_space<hbm>>
      %dma_start3A_128 = arith.constant 0 : i32
      %dma_start3A_129 = tpu.memref_slice %dma_start3A_127[%add3A_58, %dma_start3A_128] : memref<10240x128xf32, #tpu.memory_space<hbm>> -> memref<128x128xf32, #tpu.memory_space<hbm>>
      %dma_start3A_130 = arith.constant 0 : i32
      %dma_start3A_131 = arith.constant 0 : i32
      %dma_start3A_132 = tpu.memref_slice %arg7[%arg0, %dma_start3A_130, %dma_start3A_131] : memref<2x10240x128xf32, #tpu.memory_space<hbm>> -> memref<1x10240x128xf32, #tpu.memory_space<hbm>>
      %dma_start3A_133 = tpu.memref_squeeze %dma_start3A_132 : memref<1x10240x128xf32, #tpu.memory_space<hbm>> -> memref<10240x128xf32, #tpu.memory_space<hbm>>
      %dma_start3A_134 = arith.constant 0 : i32
      %dma_start3A_135 = tpu.memref_slice %dma_start3A_133[%add3A_58, %dma_start3A_134] : memref<10240x128xf32, #tpu.memory_space<hbm>> -> memref<128x128xf32, #tpu.memory_space<hbm>>
      tpu.enqueue_dma source(%arg10 : memref<128x128xf32, #tpu.memory_space<vmem>>) target(%dma_start3A_135 : memref<128x128xf32, #tpu.memory_space<hbm>>) target_semaphore(%run_scoped3A_123 : memref<!tpu.dma_semaphore, #tpu.memory_space<semaphore_mem>>)
      %dma_wait3A_136 = arith.constant 0 : i32
      %dma_wait3A_137 = arith.constant 0 : i32
      %dma_wait3A_138 = tpu.memref_slice %arg7[%arg0, %dma_wait3A_136, %dma_wait3A_137] : memref<2x10240x128xf32, #tpu.memory_space<hbm>> -> memref<1x10240x128xf32, #tpu.memory_space<hbm>>
      %dma_wait3A_139 = tpu.memref_squeeze %dma_wait3A_138 : memref<1x10240x128xf32, #tpu.memory_space<hbm>> -> memref<10240x128xf32, #tpu.memory_space<hbm>>
      %dma_wait3A_140 = arith.constant 0 : i32
      %dma_wait3A_141 = tpu.memref_slice %dma_wait3A_139[%add3A_58, %dma_wait3A_140] : memref<10240x128xf32, #tpu.memory_space<hbm>> -> memref<128x128xf32, #tpu.memory_space<hbm>>
      %dma_wait3A_142 = arith.constant 0 : i32
      %dma_wait3A_143 = arith.constant 0 : i32
      %dma_wait3A_144 = tpu.memref_slice %arg7[%arg0, %dma_wait3A_142, %dma_wait3A_143] : memref<2x10240x128xf32, #tpu.memory_space<hbm>> -> memref<1x10240x128xf32, #tpu.memory_space<hbm>>
      %dma_wait3A_145 = tpu.memref_squeeze %dma_wait3A_144 : memref<1x10240x128xf32, #tpu.memory_space<hbm>> -> memref<10240x128xf32, #tpu.memory_space<hbm>>
      %dma_wait3A_146 = arith.constant 0 : i32
      %dma_wait3A_147 = tpu.memref_slice %dma_wait3A_145[%add3A_58, %dma_wait3A_146] : memref<10240x128xf32, #tpu.memory_space<hbm>> -> memref<128x128xf32, #tpu.memory_space<hbm>>
      tpu.wait_dma2 semaphore(%run_scoped3A_123 : memref<!tpu.dma_semaphore, #tpu.memory_space<semaphore_mem>>) src(%arg10 : memref<128x128xf32, #tpu.memory_space<vmem>>) dst(%dma_wait3A_147 : memref<128x128xf32, #tpu.memory_space<hbm>>)
      tpu.yield
    }) : () -> ()
    %dma_start3A_59 = arith.constant 1 : i32
    %dma_start3A_60 = arith.constant 0 : i32
    %dma_start3A_61 = tpu.memref_slice %arg12[%dma_start3A_59, %dma_start3A_60] : memref<5x128xi32, #tpu.memory_space<vmem>> -> memref<1x128xi32, #tpu.memory_space<vmem>>
    %dma_start3A_62 = tpu.memref_squeeze %dma_start3A_61 : memref<1x128xi32, #tpu.memory_space<vmem>> -> memref<128xi32, #tpu.memory_space<vmem>>
    %dma_start3A_63 = arith.constant 0 : i32
    %dma_start3A_64 = arith.constant 0 : i32
    %dma_start3A_65 = tpu.memref_slice %arg13[%dma_start3A_63, %dma_start3A_64] : memref<10240x128xf32, #tpu.memory_space<vmem_shared>> -> memref<10240x128xf32, #tpu.memory_space<vmem_shared>>
    tpu.enqueue_indirect_dma source(%dma_start3A_65 : memref<10240x128xf32, #tpu.memory_space<vmem_shared>>) target(%arg10 : memref<128x128xf32, #tpu.memory_space<vmem>>) offsets(%dma_start3A_62 : memref<128xi32, #tpu.memory_space<vmem>>) semaphore(%arg14 : memref<!tpu.dma_semaphore, #tpu.memory_space<semaphore_mem>>)
    %dma_wait3A_66 = arith.constant 1 : i32
    %dma_wait3A_67 = arith.constant 0 : i32
    %dma_wait3A_68 = tpu.memref_slice %arg12[%dma_wait3A_66, %dma_wait3A_67] : memref<5x128xi32, #tpu.memory_space<vmem>> -> memref<1x128xi32, #tpu.memory_space<vmem>>
    %dma_wait3A_69 = tpu.memref_squeeze %dma_wait3A_68 : memref<1x128xi32, #tpu.memory_space<vmem>> -> memref<128xi32, #tpu.memory_space<vmem>>
    %dma_wait3A_70 = arith.constant 0 : i32
    %dma_wait3A_71 = arith.constant 0 : i32
    %dma_wait3A_72 = tpu.memref_slice %arg13[%dma_wait3A_70, %dma_wait3A_71] : memref<10240x128xf32, #tpu.memory_space<vmem_shared>> -> memref<10240x128xf32, #tpu.memory_space<vmem_shared>>
    tpu.wait_indirect_dma semaphore(%arg14 : memref<!tpu.dma_semaphore, #tpu.memory_space<semaphore_mem>>) src(%dma_wait3A_72 : memref<10240x128xf32, #tpu.memory_space<vmem_shared>>) dst(%arg10 : memref<128x128xf32, #tpu.memory_space<vmem>>)
    %add3A_73 = arith.constant 128 : i32
    %add3A_74 = arith.addi %mul3A_2, %add3A_73 : i32
    "tpu.region"() ({
      %run_scoped3A_123 = tpu.sem_alloc : memref<!tpu.dma_semaphore, #tpu.memory_space<semaphore_mem>>
      %dma_start3A_124 = arith.constant 0 : i32
      %dma_start3A_125 = arith.constant 0 : i32
      %dma_start3A_126 = tpu.memref_slice %arg7[%arg0, %dma_start3A_124, %dma_start3A_125] : memref<2x10240x128xf32, #tpu.memory_space<hbm>> -> memref<1x10240x128xf32, #tpu.memory_space<hbm>>
      %dma_start3A_127 = tpu.memref_squeeze %dma_start3A_126 : memref<1x10240x128xf32, #tpu.memory_space<hbm>> -> memref<10240x128xf32, #tpu.memory_space<hbm>>
      %dma_start3A_128 = arith.constant 0 : i32
      %dma_start3A_129 = tpu.memref_slice %dma_start3A_127[%add3A_74, %dma_start3A_128] : memref<10240x128xf32, #tpu.memory_space<hbm>> -> memref<128x128xf32, #tpu.memory_space<hbm>>
      %dma_start3A_130 = arith.constant 0 : i32
      %dma_start3A_131 = arith.constant 0 : i32
      %dma_start3A_132 = tpu.memref_slice %arg7[%arg0, %dma_start3A_130, %dma_start3A_131] : memref<2x10240x128xf32, #tpu.memory_space<hbm>> -> memref<1x10240x128xf32, #tpu.memory_space<hbm>>
      %dma_start3A_133 = tpu.memref_squeeze %dma_start3A_132 : memref<1x10240x128xf32, #tpu.memory_space<hbm>> -> memref<10240x128xf32, #tpu.memory_space<hbm>>
      %dma_start3A_134 = arith.constant 0 : i32
      %dma_start3A_135 = tpu.memref_slice %dma_start3A_133[%add3A_74, %dma_start3A_134] : memref<10240x128xf32, #tpu.memory_space<hbm>> -> memref<128x128xf32, #tpu.memory_space<hbm>>
      tpu.enqueue_dma source(%arg10 : memref<128x128xf32, #tpu.memory_space<vmem>>) target(%dma_start3A_135 : memref<128x128xf32, #tpu.memory_space<hbm>>) target_semaphore(%run_scoped3A_123 : memref<!tpu.dma_semaphore, #tpu.memory_space<semaphore_mem>>)
      %dma_wait3A_136 = arith.constant 0 : i32
      %dma_wait3A_137 = arith.constant 0 : i32
      %dma_wait3A_138 = tpu.memref_slice %arg7[%arg0, %dma_wait3A_136, %dma_wait3A_137] : memref<2x10240x128xf32, #tpu.memory_space<hbm>> -> memref<1x10240x128xf32, #tpu.memory_space<hbm>>
      %dma_wait3A_139 = tpu.memref_squeeze %dma_wait3A_138 : memref<1x10240x128xf32, #tpu.memory_space<hbm>> -> memref<10240x128xf32, #tpu.memory_space<hbm>>
      %dma_wait3A_140 = arith.constant 0 : i32
      %dma_wait3A_141 = tpu.memref_slice %dma_wait3A_139[%add3A_74, %dma_wait3A_140] : memref<10240x128xf32, #tpu.memory_space<hbm>> -> memref<128x128xf32, #tpu.memory_space<hbm>>
      %dma_wait3A_142 = arith.constant 0 : i32
      %dma_wait3A_143 = arith.constant 0 : i32
      %dma_wait3A_144 = tpu.memref_slice %arg7[%arg0, %dma_wait3A_142, %dma_wait3A_143] : memref<2x10240x128xf32, #tpu.memory_space<hbm>> -> memref<1x10240x128xf32, #tpu.memory_space<hbm>>
      %dma_wait3A_145 = tpu.memref_squeeze %dma_wait3A_144 : memref<1x10240x128xf32, #tpu.memory_space<hbm>> -> memref<10240x128xf32, #tpu.memory_space<hbm>>
      %dma_wait3A_146 = arith.constant 0 : i32
      %dma_wait3A_147 = tpu.memref_slice %dma_wait3A_145[%add3A_74, %dma_wait3A_146] : memref<10240x128xf32, #tpu.memory_space<hbm>> -> memref<128x128xf32, #tpu.memory_space<hbm>>
      tpu.wait_dma2 semaphore(%run_scoped3A_123 : memref<!tpu.dma_semaphore, #tpu.memory_space<semaphore_mem>>) src(%arg10 : memref<128x128xf32, #tpu.memory_space<vmem>>) dst(%dma_wait3A_147 : memref<128x128xf32, #tpu.memory_space<hbm>>)
      tpu.yield
    }) : () -> ()
    %dma_start3A_75 = arith.constant 2 : i32
    %dma_start3A_76 = arith.constant 0 : i32
    %dma_start3A_77 = tpu.memref_slice %arg12[%dma_start3A_75, %dma_start3A_76] : memref<5x128xi32, #tpu.memory_space<vmem>> -> memref<1x128xi32, #tpu.memory_space<vmem>>
    %dma_start3A_78 = tpu.memref_squeeze %dma_start3A_77 : memref<1x128xi32, #tpu.memory_space<vmem>> -> memref<128xi32, #tpu.memory_space<vmem>>
    %dma_start3A_79 = arith.constant 0 : i32
    %dma_start3A_80 = arith.constant 0 : i32
    %dma_start3A_81 = tpu.memref_slice %arg13[%dma_start3A_79, %dma_start3A_80] : memref<10240x128xf32, #tpu.memory_space<vmem_shared>> -> memref<10240x128xf32, #tpu.memory_space<vmem_shared>>
    tpu.enqueue_indirect_dma source(%dma_start3A_81 : memref<10240x128xf32, #tpu.memory_space<vmem_shared>>) target(%arg10 : memref<128x128xf32, #tpu.memory_space<vmem>>) offsets(%dma_start3A_78 : memref<128xi32, #tpu.memory_space<vmem>>) semaphore(%arg14 : memref<!tpu.dma_semaphore, #tpu.memory_space<semaphore_mem>>)
    %dma_wait3A_82 = arith.constant 2 : i32
    %dma_wait3A_83 = arith.constant 0 : i32
    %dma_wait3A_84 = tpu.memref_slice %arg12[%dma_wait3A_82, %dma_wait3A_83] : memref<5x128xi32, #tpu.memory_space<vmem>> -> memref<1x128xi32, #tpu.memory_space<vmem>>
    %dma_wait3A_85 = tpu.memref_squeeze %dma_wait3A_84 : memref<1x128xi32, #tpu.memory_space<vmem>> -> memref<128xi32, #tpu.memory_space<vmem>>
    %dma_wait3A_86 = arith.constant 0 : i32
    %dma_wait3A_87 = arith.constant 0 : i32
    %dma_wait3A_88 = tpu.memref_slice %arg13[%dma_wait3A_86, %dma_wait3A_87] : memref<10240x128xf32, #tpu.memory_space<vmem_shared>> -> memref<10240x128xf32, #tpu.memory_space<vmem_shared>>
    tpu.wait_indirect_dma semaphore(%arg14 : memref<!tpu.dma_semaphore, #tpu.memory_space<semaphore_mem>>) src(%dma_wait3A_88 : memref<10240x128xf32, #tpu.memory_space<vmem_shared>>) dst(%arg10 : memref<128x128xf32, #tpu.memory_space<vmem>>)
    %add3A_89 = arith.constant 256 : i32
    %add3A_90 = arith.addi %mul3A_2, %add3A_89 : i32
    "tpu.region"() ({
      %run_scoped3A_123 = tpu.sem_alloc : memref<!tpu.dma_semaphore, #tpu.memory_space<semaphore_mem>>
      %dma_start3A_124 = arith.constant 0 : i32
      %dma_start3A_125 = arith.constant 0 : i32
      %dma_start3A_126 = tpu.memref_slice %arg7[%arg0, %dma_start3A_124, %dma_start3A_125] : memref<2x10240x128xf32, #tpu.memory_space<hbm>> -> memref<1x10240x128xf32, #tpu.memory_space<hbm>>
      %dma_start3A_127 = tpu.memref_squeeze %dma_start3A_126 : memref<1x10240x128xf32, #tpu.memory_space<hbm>> -> memref<10240x128xf32, #tpu.memory_space<hbm>>
      %dma_start3A_128 = arith.constant 0 : i32
      %dma_start3A_129 = tpu.memref_slice %dma_start3A_127[%add3A_90, %dma_start3A_128] : memref<10240x128xf32, #tpu.memory_space<hbm>> -> memref<128x128xf32, #tpu.memory_space<hbm>>
      %dma_start3A_130 = arith.constant 0 : i32
      %dma_start3A_131 = arith.constant 0 : i32
      %dma_start3A_132 = tpu.memref_slice %arg7[%arg0, %dma_start3A_130, %dma_start3A_131] : memref<2x10240x128xf32, #tpu.memory_space<hbm>> -> memref<1x10240x128xf32, #tpu.memory_space<hbm>>
      %dma_start3A_133 = tpu.memref_squeeze %dma_start3A_132 : memref<1x10240x128xf32, #tpu.memory_space<hbm>> -> memref<10240x128xf32, #tpu.memory_space<hbm>>
      %dma_start3A_134 = arith.constant 0 : i32
      %dma_start3A_135 = tpu.memref_slice %dma_start3A_133[%add3A_90, %dma_start3A_134] : memref<10240x128xf32, #tpu.memory_space<hbm>> -> memref<128x128xf32, #tpu.memory_space<hbm>>
      tpu.enqueue_dma source(%arg10 : memref<128x128xf32, #tpu.memory_space<vmem>>) target(%dma_start3A_135 : memref<128x128xf32, #tpu.memory_space<hbm>>) target_semaphore(%run_scoped3A_123 : memref<!tpu.dma_semaphore, #tpu.memory_space<semaphore_mem>>)
      %dma_wait3A_136 = arith.constant 0 : i32
      %dma_wait3A_137 = arith.constant 0 : i32
      %dma_wait3A_138 = tpu.memref_slice %arg7[%arg0, %dma_wait3A_136, %dma_wait3A_137] : memref<2x10240x128xf32, #tpu.memory_space<hbm>> -> memref<1x10240x128xf32, #tpu.memory_space<hbm>>
      %dma_wait3A_139 = tpu.memref_squeeze %dma_wait3A_138 : memref<1x10240x128xf32, #tpu.memory_space<hbm>> -> memref<10240x128xf32, #tpu.memory_space<hbm>>
      %dma_wait3A_140 = arith.constant 0 : i32
      %dma_wait3A_141 = tpu.memref_slice %dma_wait3A_139[%add3A_90, %dma_wait3A_140] : memref<10240x128xf32, #tpu.memory_space<hbm>> -> memref<128x128xf32, #tpu.memory_space<hbm>>
      %dma_wait3A_142 = arith.constant 0 : i32
      %dma_wait3A_143 = arith.constant 0 : i32
      %dma_wait3A_144 = tpu.memref_slice %arg7[%arg0, %dma_wait3A_142, %dma_wait3A_143] : memref<2x10240x128xf32, #tpu.memory_space<hbm>> -> memref<1x10240x128xf32, #tpu.memory_space<hbm>>
      %dma_wait3A_145 = tpu.memref_squeeze %dma_wait3A_144 : memref<1x10240x128xf32, #tpu.memory_space<hbm>> -> memref<10240x128xf32, #tpu.memory_space<hbm>>
      %dma_wait3A_146 = arith.constant 0 : i32
      %dma_wait3A_147 = tpu.memref_slice %dma_wait3A_145[%add3A_90, %dma_wait3A_146] : memref<10240x128xf32, #tpu.memory_space<hbm>> -> memref<128x128xf32, #tpu.memory_space<hbm>>
      tpu.wait_dma2 semaphore(%run_scoped3A_123 : memref<!tpu.dma_semaphore, #tpu.memory_space<semaphore_mem>>) src(%arg10 : memref<128x128xf32, #tpu.memory_space<vmem>>) dst(%dma_wait3A_147 : memref<128x128xf32, #tpu.memory_space<hbm>>)
      tpu.yield
    }) : () -> ()
    %dma_start3A_91 = arith.constant 3 : i32
    %dma_start3A_92 = arith.constant 0 : i32
    %dma_start3A_93 = tpu.memref_slice %arg12[%dma_start3A_91, %dma_start3A_92] : memref<5x128xi32, #tpu.memory_space<vmem>> -> memref<1x128xi32, #tpu.memory_space<vmem>>
    %dma_start3A_94 = tpu.memref_squeeze %dma_start3A_93 : memref<1x128xi32, #tpu.memory_space<vmem>> -> memref<128xi32, #tpu.memory_space<vmem>>
    %dma_start3A_95 = arith.constant 0 : i32
    %dma_start3A_96 = arith.constant 0 : i32
    %dma_start3A_97 = tpu.memref_slice %arg13[%dma_start3A_95, %dma_start3A_96] : memref<10240x128xf32, #tpu.memory_space<vmem_shared>> -> memref<10240x128xf32, #tpu.memory_space<vmem_shared>>
    tpu.enqueue_indirect_dma source(%dma_start3A_97 : memref<10240x128xf32, #tpu.memory_space<vmem_shared>>) target(%arg10 : memref<128x128xf32, #tpu.memory_space<vmem>>) offsets(%dma_start3A_94 : memref<128xi32, #tpu.memory_space<vmem>>) semaphore(%arg14 : memref<!tpu.dma_semaphore, #tpu.memory_space<semaphore_mem>>)
    %dma_wait3A_98 = arith.constant 3 : i32
    %dma_wait3A_99 = arith.constant 0 : i32
    %dma_wait3A_100 = tpu.memref_slice %arg12[%dma_wait3A_98, %dma_wait3A_99] : memref<5x128xi32, #tpu.memory_space<vmem>> -> memref<1x128xi32, #tpu.memory_space<vmem>>
    %dma_wait3A_101 = tpu.memref_squeeze %dma_wait3A_100 : memref<1x128xi32, #tpu.memory_space<vmem>> -> memref<128xi32, #tpu.memory_space<vmem>>
    %dma_wait3A_102 = arith.constant 0 : i32
    %dma_wait3A_103 = arith.constant 0 : i32
    %dma_wait3A_104 = tpu.memref_slice %arg13[%dma_wait3A_102, %dma_wait3A_103] : memref<10240x128xf32, #tpu.memory_space<vmem_shared>> -> memref<10240x128xf32, #tpu.memory_space<vmem_shared>>
    tpu.wait_indirect_dma semaphore(%arg14 : memref<!tpu.dma_semaphore, #tpu.memory_space<semaphore_mem>>) src(%dma_wait3A_104 : memref<10240x128xf32, #tpu.memory_space<vmem_shared>>) dst(%arg10 : memref<128x128xf32, #tpu.memory_space<vmem>>)
    %add3A_105 = arith.constant 384 : i32
    %add3A_106 = arith.addi %mul3A_2, %add3A_105 : i32
    "tpu.region"() ({
      %run_scoped3A_123 = tpu.sem_alloc : memref<!tpu.dma_semaphore, #tpu.memory_space<semaphore_mem>>
      %dma_start3A_124 = arith.constant 0 : i32
      %dma_start3A_125 = arith.constant 0 : i32
      %dma_start3A_126 = tpu.memref_slice %arg7[%arg0, %dma_start3A_124, %dma_start3A_125] : memref<2x10240x128xf32, #tpu.memory_space<hbm>> -> memref<1x10240x128xf32, #tpu.memory_space<hbm>>
      %dma_start3A_127 = tpu.memref_squeeze %dma_start3A_126 : memref<1x10240x128xf32, #tpu.memory_space<hbm>> -> memref<10240x128xf32, #tpu.memory_space<hbm>>
      %dma_start3A_128 = arith.constant 0 : i32
      %dma_start3A_129 = tpu.memref_slice %dma_start3A_127[%add3A_106, %dma_start3A_128] : memref<10240x128xf32, #tpu.memory_space<hbm>> -> memref<128x128xf32, #tpu.memory_space<hbm>>
      %dma_start3A_130 = arith.constant 0 : i32
      %dma_start3A_131 = arith.constant 0 : i32
      %dma_start3A_132 = tpu.memref_slice %arg7[%arg0, %dma_start3A_130, %dma_start3A_131] : memref<2x10240x128xf32, #tpu.memory_space<hbm>> -> memref<1x10240x128xf32, #tpu.memory_space<hbm>>
      %dma_start3A_133 = tpu.memref_squeeze %dma_start3A_132 : memref<1x10240x128xf32, #tpu.memory_space<hbm>> -> memref<10240x128xf32, #tpu.memory_space<hbm>>
      %dma_start3A_134 = arith.constant 0 : i32
      %dma_start3A_135 = tpu.memref_slice %dma_start3A_133[%add3A_106, %dma_start3A_134] : memref<10240x128xf32, #tpu.memory_space<hbm>> -> memref<128x128xf32, #tpu.memory_space<hbm>>
      tpu.enqueue_dma source(%arg10 : memref<128x128xf32, #tpu.memory_space<vmem>>) target(%dma_start3A_135 : memref<128x128xf32, #tpu.memory_space<hbm>>) target_semaphore(%run_scoped3A_123 : memref<!tpu.dma_semaphore, #tpu.memory_space<semaphore_mem>>)
      %dma_wait3A_136 = arith.constant 0 : i32
      %dma_wait3A_137 = arith.constant 0 : i32
      %dma_wait3A_138 = tpu.memref_slice %arg7[%arg0, %dma_wait3A_136, %dma_wait3A_137] : memref<2x10240x128xf32, #tpu.memory_space<hbm>> -> memref<1x10240x128xf32, #tpu.memory_space<hbm>>
      %dma_wait3A_139 = tpu.memref_squeeze %dma_wait3A_138 : memref<1x10240x128xf32, #tpu.memory_space<hbm>> -> memref<10240x128xf32, #tpu.memory_space<hbm>>
      %dma_wait3A_140 = arith.constant 0 : i32
      %dma_wait3A_141 = tpu.memref_slice %dma_wait3A_139[%add3A_106, %dma_wait3A_140] : memref<10240x128xf32, #tpu.memory_space<hbm>> -> memref<128x128xf32, #tpu.memory_space<hbm>>
      %dma_wait3A_142 = arith.constant 0 : i32
      %dma_wait3A_143 = arith.constant 0 : i32
      %dma_wait3A_144 = tpu.memref_slice %arg7[%arg0, %dma_wait3A_142, %dma_wait3A_143] : memref<2x10240x128xf32, #tpu.memory_space<hbm>> -> memref<1x10240x128xf32, #tpu.memory_space<hbm>>
      %dma_wait3A_145 = tpu.memref_squeeze %dma_wait3A_144 : memref<1x10240x128xf32, #tpu.memory_space<hbm>> -> memref<10240x128xf32, #tpu.memory_space<hbm>>
      %dma_wait3A_146 = arith.constant 0 : i32
      %dma_wait3A_147 = tpu.memref_slice %dma_wait3A_145[%add3A_106, %dma_wait3A_146] : memref<10240x128xf32, #tpu.memory_space<hbm>> -> memref<128x128xf32, #tpu.memory_space<hbm>>
      tpu.wait_dma2 semaphore(%run_scoped3A_123 : memref<!tpu.dma_semaphore, #tpu.memory_space<semaphore_mem>>) src(%arg10 : memref<128x128xf32, #tpu.memory_space<vmem>>) dst(%dma_wait3A_147 : memref<128x128xf32, #tpu.memory_space<hbm>>)
      tpu.yield
    }) : () -> ()
    %dma_start3A_107 = arith.constant 4 : i32
    %dma_start3A_108 = arith.constant 0 : i32
    %dma_start3A_109 = tpu.memref_slice %arg12[%dma_start3A_107, %dma_start3A_108] : memref<5x128xi32, #tpu.memory_space<vmem>> -> memref<1x128xi32, #tpu.memory_space<vmem>>
    %dma_start3A_110 = tpu.memref_squeeze %dma_start3A_109 : memref<1x128xi32, #tpu.memory_space<vmem>> -> memref<128xi32, #tpu.memory_space<vmem>>
    %dma_start3A_111 = arith.constant 0 : i32
    %dma_start3A_112 = arith.constant 0 : i32
    %dma_start3A_113 = tpu.memref_slice %arg13[%dma_start3A_111, %dma_start3A_112] : memref<10240x128xf32, #tpu.memory_space<vmem_shared>> -> memref<10240x128xf32, #tpu.memory_space<vmem_shared>>
    tpu.enqueue_indirect_dma source(%dma_start3A_113 : memref<10240x128xf32, #tpu.memory_space<vmem_shared>>) target(%arg10 : memref<128x128xf32, #tpu.memory_space<vmem>>) offsets(%dma_start3A_110 : memref<128xi32, #tpu.memory_space<vmem>>) semaphore(%arg14 : memref<!tpu.dma_semaphore, #tpu.memory_space<semaphore_mem>>)
    %dma_wait3A_114 = arith.constant 4 : i32
    %dma_wait3A_115 = arith.constant 0 : i32
    %dma_wait3A_116 = tpu.memref_slice %arg12[%dma_wait3A_114, %dma_wait3A_115] : memref<5x128xi32, #tpu.memory_space<vmem>> -> memref<1x128xi32, #tpu.memory_space<vmem>>
    %dma_wait3A_117 = tpu.memref_squeeze %dma_wait3A_116 : memref<1x128xi32, #tpu.memory_space<vmem>> -> memref<128xi32, #tpu.memory_space<vmem>>
    %dma_wait3A_118 = arith.constant 0 : i32
    %dma_wait3A_119 = arith.constant 0 : i32
    %dma_wait3A_120 = tpu.memref_slice %arg13[%dma_wait3A_118, %dma_wait3A_119] : memref<10240x128xf32, #tpu.memory_space<vmem_shared>> -> memref<10240x128xf32, #tpu.memory_space<vmem_shared>>
    tpu.wait_indirect_dma semaphore(%arg14 : memref<!tpu.dma_semaphore, #tpu.memory_space<semaphore_mem>>) src(%dma_wait3A_120 : memref<10240x128xf32, #tpu.memory_space<vmem_shared>>) dst(%arg10 : memref<128x128xf32, #tpu.memory_space<vmem>>)
    %add3A_121 = arith.constant 512 : i32
    %add3A_122 = arith.addi %mul3A_2, %add3A_121 : i32
    "tpu.region"() ({
      %run_scoped3A_123 = tpu.sem_alloc : memref<!tpu.dma_semaphore, #tpu.memory_space<semaphore_mem>>
      %dma_start3A_124 = arith.constant 0 : i32
      %dma_start3A_125 = arith.constant 0 : i32
      %dma_start3A_126 = tpu.memref_slice %arg7[%arg0, %dma_start3A_124, %dma_start3A_125] : memref<2x10240x128xf32, #tpu.memory_space<hbm>> -> memref<1x10240x128xf32, #tpu.memory_space<hbm>>
      %dma_start3A_127 = tpu.memref_squeeze %dma_start3A_126 : memref<1x10240x128xf32, #tpu.memory_space<hbm>> -> memref<10240x128xf32, #tpu.memory_space<hbm>>
      %dma_start3A_128 = arith.constant 0 : i32
      %dma_start3A_129 = tpu.memref_slice %dma_start3A_127[%add3A_122, %dma_start3A_128] : memref<10240x128xf32, #tpu.memory_space<hbm>> -> memref<128x128xf32, #tpu.memory_space<hbm>>
      %dma_start3A_130 = arith.constant 0 : i32
      %dma_start3A_131 = arith.constant 0 : i32
      %dma_start3A_132 = tpu.memref_slice %arg7[%arg0, %dma_start3A_130, %dma_start3A_131] : memref<2x10240x128xf32, #tpu.memory_space<hbm>> -> memref<1x10240x128xf32, #tpu.memory_space<hbm>>
      %dma_start3A_133 = tpu.memref_squeeze %dma_start3A_132 : memref<1x10240x128xf32, #tpu.memory_space<hbm>> -> memref<10240x128xf32, #tpu.memory_space<hbm>>
      %dma_start3A_134 = arith.constant 0 : i32
      %dma_start3A_135 = tpu.memref_slice %dma_start3A_133[%add3A_122, %dma_start3A_134] : memref<10240x128xf32, #tpu.memory_space<hbm>> -> memref<128x128xf32, #tpu.memory_space<hbm>>
      tpu.enqueue_dma source(%arg10 : memref<128x128xf32, #tpu.memory_space<vmem>>) target(%dma_start3A_135 : memref<128x128xf32, #tpu.memory_space<hbm>>) target_semaphore(%run_scoped3A_123 : memref<!tpu.dma_semaphore, #tpu.memory_space<semaphore_mem>>)
      %dma_wait3A_136 = arith.constant 0 : i32
      %dma_wait3A_137 = arith.constant 0 : i32
      %dma_wait3A_138 = tpu.memref_slice %arg7[%arg0, %dma_wait3A_136, %dma_wait3A_137] : memref<2x10240x128xf32, #tpu.memory_space<hbm>> -> memref<1x10240x128xf32, #tpu.memory_space<hbm>>
      %dma_wait3A_139 = tpu.memref_squeeze %dma_wait3A_138 : memref<1x10240x128xf32, #tpu.memory_space<hbm>> -> memref<10240x128xf32, #tpu.memory_space<hbm>>
      %dma_wait3A_140 = arith.constant 0 : i32
      %dma_wait3A_141 = tpu.memref_slice %dma_wait3A_139[%add3A_122, %dma_wait3A_140] : memref<10240x128xf32, #tpu.memory_space<hbm>> -> memref<128x128xf32, #tpu.memory_space<hbm>>
      %dma_wait3A_142 = arith.constant 0 : i32
      %dma_wait3A_143 = arith.constant 0 : i32
      %dma_wait3A_144 = tpu.memref_slice %arg7[%arg0, %dma_wait3A_142, %dma_wait3A_143] : memref<2x10240x128xf32, #tpu.memory_space<hbm>> -> memref<1x10240x128xf32, #tpu.memory_space<hbm>>
      %dma_wait3A_145 = tpu.memref_squeeze %dma_wait3A_144 : memref<1x10240x128xf32, #tpu.memory_space<hbm>> -> memref<10240x128xf32, #tpu.memory_space<hbm>>
      %dma_wait3A_146 = arith.constant 0 : i32
      %dma_wait3A_147 = tpu.memref_slice %dma_wait3A_145[%add3A_122, %dma_wait3A_146] : memref<10240x128xf32, #tpu.memory_space<hbm>> -> memref<128x128xf32, #tpu.memory_space<hbm>>
      tpu.wait_dma2 semaphore(%run_scoped3A_123 : memref<!tpu.dma_semaphore, #tpu.memory_space<semaphore_mem>>) src(%arg10 : memref<128x128xf32, #tpu.memory_space<vmem>>) dst(%dma_wait3A_147 : memref<128x128xf32, #tpu.memory_space<hbm>>)
      tpu.yield
    }) : () -> ()
    return
  }
}

#map = affine_map<(d0, d1) -> (0, 0, 0)>
#map1 = affine_map<(d0, d1) -> (0, 0)>
module attributes {stable_mosaic.version = 14 : i64} {
  func.func @_deg_body(%arg0: i32, %arg1: i32, %arg2: memref<32x80x128xi32, #tpu.memory_space<hbm>>, %arg3: memref<128x128xf32, #tpu.memory_space<hbm>>, %arg4: memref<128x128xf32, #tpu.memory_space<hbm>>, %arg5: memref<16x5x128xi32, #tpu.memory_space<hbm>>, %arg6: memref<2x10240x128xf32, #tpu.memory_space<hbm>>, %arg7: memref<40x128xi32, #tpu.memory_space<vmem>>, %arg8: memref<128x128xf32, #tpu.memory_space<vmem>>, %arg9: memref<128x128xf32, #tpu.memory_space<vmem>>, %arg10: memref<5x128xi32, #tpu.memory_space<vmem>>, %arg11: memref<10240x128xf32, #tpu.memory_space<vmem_shared>>, %arg12: memref<!tpu.dma_semaphore, #tpu.memory_space<semaphore_mem>>) attributes {dimension_semantics = [#tpu.dimension_semantics<core_parallel>, #tpu.dimension_semantics<subcore_parallel>], iteration_bounds = array<i64: 2, 16>, scalar_prefetch = 0 : i64, scratch_operands = 6 : i64, tpu.core_type = #tpu.core_type<sc_vector_subcore>, window_params = [{transform_indices = #map}, {transform_indices = #map1}, {transform_indices = #map1}, {transform_indices = #map}, {transform_indices = #map}]} {
    %mul3A = arith.constant 2 : i32
    %mul3A_0 = arith.muli %arg1, %mul3A : i32
    %add3A = arith.addi %mul3A_0, %arg0 : i32
    %mul3A_1 = arith.constant 640 : i32
    %mul3A_2 = arith.muli %arg1, %mul3A_1 : i32
    "tpu.region"() ({
      %run_scoped3A_95 = tpu.sem_alloc : memref<!tpu.dma_semaphore, #tpu.memory_space<semaphore_mem>>
      %dma_start3A_96 = arith.constant 0 : i32
      %dma_start3A_97 = arith.constant 0 : i32
      %dma_start3A_98 = tpu.memref_slice %arg5[%arg1, %dma_start3A_96, %dma_start3A_97] : memref<16x5x128xi32, #tpu.memory_space<hbm>> -> memref<1x5x128xi32, #tpu.memory_space<hbm>>
      %dma_start3A_99 = tpu.memref_squeeze %dma_start3A_98 : memref<1x5x128xi32, #tpu.memory_space<hbm>> -> memref<5x128xi32, #tpu.memory_space<hbm>>
      %dma_start3A_100 = arith.constant 0 : i32
      %dma_start3A_101 = arith.constant 0 : i32
      %dma_start3A_102 = tpu.memref_slice %arg5[%arg1, %dma_start3A_100, %dma_start3A_101] : memref<16x5x128xi32, #tpu.memory_space<hbm>> -> memref<1x5x128xi32, #tpu.memory_space<hbm>>
      %dma_start3A_103 = tpu.memref_squeeze %dma_start3A_102 : memref<1x5x128xi32, #tpu.memory_space<hbm>> -> memref<5x128xi32, #tpu.memory_space<hbm>>
      tpu.enqueue_dma source(%dma_start3A_103 : memref<5x128xi32, #tpu.memory_space<hbm>>) target(%arg10 : memref<5x128xi32, #tpu.memory_space<vmem>>) target_semaphore(%run_scoped3A_95 : memref<!tpu.dma_semaphore, #tpu.memory_space<semaphore_mem>>)
      %dma_wait3A_104 = arith.constant 0 : i32
      %dma_wait3A_105 = arith.constant 0 : i32
      %dma_wait3A_106 = tpu.memref_slice %arg5[%arg1, %dma_wait3A_104, %dma_wait3A_105] : memref<16x5x128xi32, #tpu.memory_space<hbm>> -> memref<1x5x128xi32, #tpu.memory_space<hbm>>
      %dma_wait3A_107 = tpu.memref_squeeze %dma_wait3A_106 : memref<1x5x128xi32, #tpu.memory_space<hbm>> -> memref<5x128xi32, #tpu.memory_space<hbm>>
      %dma_wait3A_108 = arith.constant 0 : i32
      %dma_wait3A_109 = arith.constant 0 : i32
      %dma_wait3A_110 = tpu.memref_slice %arg5[%arg1, %dma_wait3A_108, %dma_wait3A_109] : memref<16x5x128xi32, #tpu.memory_space<hbm>> -> memref<1x5x128xi32, #tpu.memory_space<hbm>>
      %dma_wait3A_111 = tpu.memref_squeeze %dma_wait3A_110 : memref<1x5x128xi32, #tpu.memory_space<hbm>> -> memref<5x128xi32, #tpu.memory_space<hbm>>
      tpu.wait_dma2 semaphore(%run_scoped3A_95 : memref<!tpu.dma_semaphore, #tpu.memory_space<semaphore_mem>>) src(%dma_wait3A_111 : memref<5x128xi32, #tpu.memory_space<hbm>>) dst(%arg10 : memref<5x128xi32, #tpu.memory_space<vmem>>)
      tpu.yield
    }) : () -> ()
    "tpu.region"() ({
      %run_scoped3A_95 = tpu.sem_alloc : memref<!tpu.dma_semaphore, #tpu.memory_space<semaphore_mem>>
      tpu.enqueue_dma source(%arg4 : memref<128x128xf32, #tpu.memory_space<hbm>>) target(%arg8 : memref<128x128xf32, #tpu.memory_space<vmem>>) target_semaphore(%run_scoped3A_95 : memref<!tpu.dma_semaphore, #tpu.memory_space<semaphore_mem>>)
      tpu.wait_dma2 semaphore(%run_scoped3A_95 : memref<!tpu.dma_semaphore, #tpu.memory_space<semaphore_mem>>) src(%arg4 : memref<128x128xf32, #tpu.memory_space<hbm>>) dst(%arg8 : memref<128x128xf32, #tpu.memory_space<vmem>>)
      tpu.yield
    }) : () -> ()
    "tpu.region"() ({
      %run_scoped3A_95 = tpu.sem_alloc : memref<!tpu.dma_semaphore, #tpu.memory_space<semaphore_mem>>
      tpu.enqueue_dma source(%arg3 : memref<128x128xf32, #tpu.memory_space<hbm>>) target(%arg9 : memref<128x128xf32, #tpu.memory_space<vmem>>) target_semaphore(%run_scoped3A_95 : memref<!tpu.dma_semaphore, #tpu.memory_space<semaphore_mem>>)
      tpu.wait_dma2 semaphore(%run_scoped3A_95 : memref<!tpu.dma_semaphore, #tpu.memory_space<semaphore_mem>>) src(%arg3 : memref<128x128xf32, #tpu.memory_space<hbm>>) dst(%arg9 : memref<128x128xf32, #tpu.memory_space<vmem>>)
      tpu.yield
    }) : () -> ()
    %run_scoped3A = arith.constant 0 : i32
    "tpu.region"() ({
      %run_scoped3A_95 = tpu.sem_alloc : memref<!tpu.dma_semaphore, #tpu.memory_space<semaphore_mem>>
      %dma_start3A_96 = arith.constant 0 : i32
      %dma_start3A_97 = tpu.memref_slice %arg10[%run_scoped3A, %dma_start3A_96] : memref<5x128xi32, #tpu.memory_space<vmem>> -> memref<1x128xi32, #tpu.memory_space<vmem>>
      %dma_start3A_98 = tpu.memref_squeeze %dma_start3A_97 : memref<1x128xi32, #tpu.memory_space<vmem>> -> memref<128xi32, #tpu.memory_space<vmem>>
      %dma_start3A_99 = arith.constant 0 : i32
      %dma_start3A_100 = arith.constant 0 : i32
      %dma_start3A_101 = tpu.memref_slice %arg11[%dma_start3A_99, %dma_start3A_100] : memref<10240x128xf32, #tpu.memory_space<vmem_shared>> -> memref<10240x128xf32, #tpu.memory_space<vmem_shared>>
      tpu.enqueue_indirect_dma source(%arg8 : memref<128x128xf32, #tpu.memory_space<vmem>>) target(%dma_start3A_101 : memref<10240x128xf32, #tpu.memory_space<vmem_shared>>) offsets(%dma_start3A_98 : memref<128xi32, #tpu.memory_space<vmem>>) semaphore(%run_scoped3A_95 : memref<!tpu.dma_semaphore, #tpu.memory_space<semaphore_mem>>)
      %dma_wait3A_102 = arith.constant 0 : i32
      %dma_wait3A_103 = tpu.memref_slice %arg10[%run_scoped3A, %dma_wait3A_102] : memref<5x128xi32, #tpu.memory_space<vmem>> -> memref<1x128xi32, #tpu.memory_space<vmem>>
      %dma_wait3A_104 = tpu.memref_squeeze %dma_wait3A_103 : memref<1x128xi32, #tpu.memory_space<vmem>> -> memref<128xi32, #tpu.memory_space<vmem>>
      %dma_wait3A_105 = arith.constant 0 : i32
      %dma_wait3A_106 = arith.constant 0 : i32
      %dma_wait3A_107 = tpu.memref_slice %arg11[%dma_wait3A_105, %dma_wait3A_106] : memref<10240x128xf32, #tpu.memory_space<vmem_shared>> -> memref<10240x128xf32, #tpu.memory_space<vmem_shared>>
      tpu.wait_indirect_dma semaphore(%run_scoped3A_95 : memref<!tpu.dma_semaphore, #tpu.memory_space<semaphore_mem>>) src(%arg8 : memref<128x128xf32, #tpu.memory_space<vmem>>) dst(%dma_wait3A_107 : memref<10240x128xf32, #tpu.memory_space<vmem_shared>>)
      tpu.yield
    }) : () -> ()
    %run_scoped3A_3 = arith.constant 1 : i32
    "tpu.region"() ({
      %run_scoped3A_95 = tpu.sem_alloc : memref<!tpu.dma_semaphore, #tpu.memory_space<semaphore_mem>>
      %dma_start3A_96 = arith.constant 0 : i32
      %dma_start3A_97 = tpu.memref_slice %arg10[%run_scoped3A_3, %dma_start3A_96] : memref<5x128xi32, #tpu.memory_space<vmem>> -> memref<1x128xi32, #tpu.memory_space<vmem>>
      %dma_start3A_98 = tpu.memref_squeeze %dma_start3A_97 : memref<1x128xi32, #tpu.memory_space<vmem>> -> memref<128xi32, #tpu.memory_space<vmem>>
      %dma_start3A_99 = arith.constant 0 : i32
      %dma_start3A_100 = arith.constant 0 : i32
      %dma_start3A_101 = tpu.memref_slice %arg11[%dma_start3A_99, %dma_start3A_100] : memref<10240x128xf32, #tpu.memory_space<vmem_shared>> -> memref<10240x128xf32, #tpu.memory_space<vmem_shared>>
      tpu.enqueue_indirect_dma source(%arg8 : memref<128x128xf32, #tpu.memory_space<vmem>>) target(%dma_start3A_101 : memref<10240x128xf32, #tpu.memory_space<vmem_shared>>) offsets(%dma_start3A_98 : memref<128xi32, #tpu.memory_space<vmem>>) semaphore(%run_scoped3A_95 : memref<!tpu.dma_semaphore, #tpu.memory_space<semaphore_mem>>)
      %dma_wait3A_102 = arith.constant 0 : i32
      %dma_wait3A_103 = tpu.memref_slice %arg10[%run_scoped3A_3, %dma_wait3A_102] : memref<5x128xi32, #tpu.memory_space<vmem>> -> memref<1x128xi32, #tpu.memory_space<vmem>>
      %dma_wait3A_104 = tpu.memref_squeeze %dma_wait3A_103 : memref<1x128xi32, #tpu.memory_space<vmem>> -> memref<128xi32, #tpu.memory_space<vmem>>
      %dma_wait3A_105 = arith.constant 0 : i32
      %dma_wait3A_106 = arith.constant 0 : i32
      %dma_wait3A_107 = tpu.memref_slice %arg11[%dma_wait3A_105, %dma_wait3A_106] : memref<10240x128xf32, #tpu.memory_space<vmem_shared>> -> memref<10240x128xf32, #tpu.memory_space<vmem_shared>>
      tpu.wait_indirect_dma semaphore(%run_scoped3A_95 : memref<!tpu.dma_semaphore, #tpu.memory_space<semaphore_mem>>) src(%arg8 : memref<128x128xf32, #tpu.memory_space<vmem>>) dst(%dma_wait3A_107 : memref<10240x128xf32, #tpu.memory_space<vmem_shared>>)
      tpu.yield
    }) : () -> ()
    %run_scoped3A_4 = arith.constant 2 : i32
    "tpu.region"() ({
      %run_scoped3A_95 = tpu.sem_alloc : memref<!tpu.dma_semaphore, #tpu.memory_space<semaphore_mem>>
      %dma_start3A_96 = arith.constant 0 : i32
      %dma_start3A_97 = tpu.memref_slice %arg10[%run_scoped3A_4, %dma_start3A_96] : memref<5x128xi32, #tpu.memory_space<vmem>> -> memref<1x128xi32, #tpu.memory_space<vmem>>
      %dma_start3A_98 = tpu.memref_squeeze %dma_start3A_97 : memref<1x128xi32, #tpu.memory_space<vmem>> -> memref<128xi32, #tpu.memory_space<vmem>>
      %dma_start3A_99 = arith.constant 0 : i32
      %dma_start3A_100 = arith.constant 0 : i32
      %dma_start3A_101 = tpu.memref_slice %arg11[%dma_start3A_99, %dma_start3A_100] : memref<10240x128xf32, #tpu.memory_space<vmem_shared>> -> memref<10240x128xf32, #tpu.memory_space<vmem_shared>>
      tpu.enqueue_indirect_dma source(%arg8 : memref<128x128xf32, #tpu.memory_space<vmem>>) target(%dma_start3A_101 : memref<10240x128xf32, #tpu.memory_space<vmem_shared>>) offsets(%dma_start3A_98 : memref<128xi32, #tpu.memory_space<vmem>>) semaphore(%run_scoped3A_95 : memref<!tpu.dma_semaphore, #tpu.memory_space<semaphore_mem>>)
      %dma_wait3A_102 = arith.constant 0 : i32
      %dma_wait3A_103 = tpu.memref_slice %arg10[%run_scoped3A_4, %dma_wait3A_102] : memref<5x128xi32, #tpu.memory_space<vmem>> -> memref<1x128xi32, #tpu.memory_space<vmem>>
      %dma_wait3A_104 = tpu.memref_squeeze %dma_wait3A_103 : memref<1x128xi32, #tpu.memory_space<vmem>> -> memref<128xi32, #tpu.memory_space<vmem>>
      %dma_wait3A_105 = arith.constant 0 : i32
      %dma_wait3A_106 = arith.constant 0 : i32
      %dma_wait3A_107 = tpu.memref_slice %arg11[%dma_wait3A_105, %dma_wait3A_106] : memref<10240x128xf32, #tpu.memory_space<vmem_shared>> -> memref<10240x128xf32, #tpu.memory_space<vmem_shared>>
      tpu.wait_indirect_dma semaphore(%run_scoped3A_95 : memref<!tpu.dma_semaphore, #tpu.memory_space<semaphore_mem>>) src(%arg8 : memref<128x128xf32, #tpu.memory_space<vmem>>) dst(%dma_wait3A_107 : memref<10240x128xf32, #tpu.memory_space<vmem_shared>>)
      tpu.yield
    }) : () -> ()
    %run_scoped3A_5 = arith.constant 3 : i32
    "tpu.region"() ({
      %run_scoped3A_95 = tpu.sem_alloc : memref<!tpu.dma_semaphore, #tpu.memory_space<semaphore_mem>>
      %dma_start3A_96 = arith.constant 0 : i32
      %dma_start3A_97 = tpu.memref_slice %arg10[%run_scoped3A_5, %dma_start3A_96] : memref<5x128xi32, #tpu.memory_space<vmem>> -> memref<1x128xi32, #tpu.memory_space<vmem>>
      %dma_start3A_98 = tpu.memref_squeeze %dma_start3A_97 : memref<1x128xi32, #tpu.memory_space<vmem>> -> memref<128xi32, #tpu.memory_space<vmem>>
      %dma_start3A_99 = arith.constant 0 : i32
      %dma_start3A_100 = arith.constant 0 : i32
      %dma_start3A_101 = tpu.memref_slice %arg11[%dma_start3A_99, %dma_start3A_100] : memref<10240x128xf32, #tpu.memory_space<vmem_shared>> -> memref<10240x128xf32, #tpu.memory_space<vmem_shared>>
      tpu.enqueue_indirect_dma source(%arg8 : memref<128x128xf32, #tpu.memory_space<vmem>>) target(%dma_start3A_101 : memref<10240x128xf32, #tpu.memory_space<vmem_shared>>) offsets(%dma_start3A_98 : memref<128xi32, #tpu.memory_space<vmem>>) semaphore(%run_scoped3A_95 : memref<!tpu.dma_semaphore, #tpu.memory_space<semaphore_mem>>)
      %dma_wait3A_102 = arith.constant 0 : i32
      %dma_wait3A_103 = tpu.memref_slice %arg10[%run_scoped3A_5, %dma_wait3A_102] : memref<5x128xi32, #tpu.memory_space<vmem>> -> memref<1x128xi32, #tpu.memory_space<vmem>>
      %dma_wait3A_104 = tpu.memref_squeeze %dma_wait3A_103 : memref<1x128xi32, #tpu.memory_space<vmem>> -> memref<128xi32, #tpu.memory_space<vmem>>
      %dma_wait3A_105 = arith.constant 0 : i32
      %dma_wait3A_106 = arith.constant 0 : i32
      %dma_wait3A_107 = tpu.memref_slice %arg11[%dma_wait3A_105, %dma_wait3A_106] : memref<10240x128xf32, #tpu.memory_space<vmem_shared>> -> memref<10240x128xf32, #tpu.memory_space<vmem_shared>>
      tpu.wait_indirect_dma semaphore(%run_scoped3A_95 : memref<!tpu.dma_semaphore, #tpu.memory_space<semaphore_mem>>) src(%arg8 : memref<128x128xf32, #tpu.memory_space<vmem>>) dst(%dma_wait3A_107 : memref<10240x128xf32, #tpu.memory_space<vmem_shared>>)
      tpu.yield
    }) : () -> ()
    %run_scoped3A_6 = arith.constant 4 : i32
    "tpu.region"() ({
      %run_scoped3A_95 = tpu.sem_alloc : memref<!tpu.dma_semaphore, #tpu.memory_space<semaphore_mem>>
      %dma_start3A_96 = arith.constant 0 : i32
      %dma_start3A_97 = tpu.memref_slice %arg10[%run_scoped3A_6, %dma_start3A_96] : memref<5x128xi32, #tpu.memory_space<vmem>> -> memref<1x128xi32, #tpu.memory_space<vmem>>
      %dma_start3A_98 = tpu.memref_squeeze %dma_start3A_97 : memref<1x128xi32, #tpu.memory_space<vmem>> -> memref<128xi32, #tpu.memory_space<vmem>>
      %dma_start3A_99 = arith.constant 0 : i32
      %dma_start3A_100 = arith.constant 0 : i32
      %dma_start3A_101 = tpu.memref_slice %arg11[%dma_start3A_99, %dma_start3A_100] : memref<10240x128xf32, #tpu.memory_space<vmem_shared>> -> memref<10240x128xf32, #tpu.memory_space<vmem_shared>>
      tpu.enqueue_indirect_dma source(%arg8 : memref<128x128xf32, #tpu.memory_space<vmem>>) target(%dma_start3A_101 : memref<10240x128xf32, #tpu.memory_space<vmem_shared>>) offsets(%dma_start3A_98 : memref<128xi32, #tpu.memory_space<vmem>>) semaphore(%run_scoped3A_95 : memref<!tpu.dma_semaphore, #tpu.memory_space<semaphore_mem>>)
      %dma_wait3A_102 = arith.constant 0 : i32
      %dma_wait3A_103 = tpu.memref_slice %arg10[%run_scoped3A_6, %dma_wait3A_102] : memref<5x128xi32, #tpu.memory_space<vmem>> -> memref<1x128xi32, #tpu.memory_space<vmem>>
      %dma_wait3A_104 = tpu.memref_squeeze %dma_wait3A_103 : memref<1x128xi32, #tpu.memory_space<vmem>> -> memref<128xi32, #tpu.memory_space<vmem>>
      %dma_wait3A_105 = arith.constant 0 : i32
      %dma_wait3A_106 = arith.constant 0 : i32
      %dma_wait3A_107 = tpu.memref_slice %arg11[%dma_wait3A_105, %dma_wait3A_106] : memref<10240x128xf32, #tpu.memory_space<vmem_shared>> -> memref<10240x128xf32, #tpu.memory_space<vmem_shared>>
      tpu.wait_indirect_dma semaphore(%run_scoped3A_95 : memref<!tpu.dma_semaphore, #tpu.memory_space<semaphore_mem>>) src(%arg8 : memref<128x128xf32, #tpu.memory_space<vmem>>) dst(%dma_wait3A_107 : memref<10240x128xf32, #tpu.memory_space<vmem_shared>>)
      tpu.yield
    }) : () -> ()
    %barrier3A = arith.constant 0 : index
    tpu.barrier barrier_id(%barrier3A)
    "tpu.region"() ({
      %run_scoped3A_95 = tpu.sem_alloc : memref<!tpu.dma_semaphore, #tpu.memory_space<semaphore_mem>>
      %dma_start3A_96 = arith.constant 0 : i32
      %dma_start3A_97 = arith.constant 0 : i32
      %dma_start3A_98 = tpu.memref_slice %arg2[%add3A, %dma_start3A_96, %dma_start3A_97] : memref<32x80x128xi32, #tpu.memory_space<hbm>> -> memref<1x80x128xi32, #tpu.memory_space<hbm>>
      %dma_start3A_99 = tpu.memref_squeeze %dma_start3A_98 : memref<1x80x128xi32, #tpu.memory_space<hbm>> -> memref<80x128xi32, #tpu.memory_space<hbm>>
      %dma_start3A_100 = arith.constant 0 : i32
      %dma_start3A_101 = arith.constant 0 : i32
      %dma_start3A_102 = tpu.memref_slice %dma_start3A_99[%dma_start3A_100, %dma_start3A_101] : memref<80x128xi32, #tpu.memory_space<hbm>> -> memref<40x128xi32, #tpu.memory_space<hbm>>
      %dma_start3A_103 = arith.constant 0 : i32
      %dma_start3A_104 = arith.constant 0 : i32
      %dma_start3A_105 = tpu.memref_slice %arg2[%add3A, %dma_start3A_103, %dma_start3A_104] : memref<32x80x128xi32, #tpu.memory_space<hbm>> -> memref<1x80x128xi32, #tpu.memory_space<hbm>>
      %dma_start3A_106 = tpu.memref_squeeze %dma_start3A_105 : memref<1x80x128xi32, #tpu.memory_space<hbm>> -> memref<80x128xi32, #tpu.memory_space<hbm>>
      %dma_start3A_107 = arith.constant 0 : i32
      %dma_start3A_108 = arith.constant 0 : i32
      %dma_start3A_109 = tpu.memref_slice %dma_start3A_106[%dma_start3A_107, %dma_start3A_108] : memref<80x128xi32, #tpu.memory_space<hbm>> -> memref<40x128xi32, #tpu.memory_space<hbm>>
      tpu.enqueue_dma source(%dma_start3A_109 : memref<40x128xi32, #tpu.memory_space<hbm>>) target(%arg7 : memref<40x128xi32, #tpu.memory_space<vmem>>) target_semaphore(%run_scoped3A_95 : memref<!tpu.dma_semaphore, #tpu.memory_space<semaphore_mem>>)
      %dma_wait3A_110 = arith.constant 0 : i32
      %dma_wait3A_111 = arith.constant 0 : i32
      %dma_wait3A_112 = tpu.memref_slice %arg2[%add3A, %dma_wait3A_110, %dma_wait3A_111] : memref<32x80x128xi32, #tpu.memory_space<hbm>> -> memref<1x80x128xi32, #tpu.memory_space<hbm>>
      %dma_wait3A_113 = tpu.memref_squeeze %dma_wait3A_112 : memref<1x80x128xi32, #tpu.memory_space<hbm>> -> memref<80x128xi32, #tpu.memory_space<hbm>>
      %dma_wait3A_114 = arith.constant 0 : i32
      %dma_wait3A_115 = arith.constant 0 : i32
      %dma_wait3A_116 = tpu.memref_slice %dma_wait3A_113[%dma_wait3A_114, %dma_wait3A_115] : memref<80x128xi32, #tpu.memory_space<hbm>> -> memref<40x128xi32, #tpu.memory_space<hbm>>
      %dma_wait3A_117 = arith.constant 0 : i32
      %dma_wait3A_118 = arith.constant 0 : i32
      %dma_wait3A_119 = tpu.memref_slice %arg2[%add3A, %dma_wait3A_117, %dma_wait3A_118] : memref<32x80x128xi32, #tpu.memory_space<hbm>> -> memref<1x80x128xi32, #tpu.memory_space<hbm>>
      %dma_wait3A_120 = tpu.memref_squeeze %dma_wait3A_119 : memref<1x80x128xi32, #tpu.memory_space<hbm>> -> memref<80x128xi32, #tpu.memory_space<hbm>>
      %dma_wait3A_121 = arith.constant 0 : i32
      %dma_wait3A_122 = arith.constant 0 : i32
      %dma_wait3A_123 = tpu.memref_slice %dma_wait3A_120[%dma_wait3A_121, %dma_wait3A_122] : memref<80x128xi32, #tpu.memory_space<hbm>> -> memref<40x128xi32, #tpu.memory_space<hbm>>
      tpu.wait_dma2 semaphore(%run_scoped3A_95 : memref<!tpu.dma_semaphore, #tpu.memory_space<semaphore_mem>>) src(%dma_wait3A_123 : memref<40x128xi32, #tpu.memory_space<hbm>>) dst(%arg7 : memref<40x128xi32, #tpu.memory_space<vmem>>)
      tpu.yield
    }) : () -> ()
    %scan3A = arith.constant 0 : i32
    %scan3A_7 = arith.constant 40 : i32
    %scan3A_8 = arith.addi %scan3A, %scan3A_7 : i32
    %scan3A_9 = arith.constant 1 : i32
    scf.for %scan3A_95 = %scan3A to %scan3A_8 step %scan3A_9  : i32 {
      %mul3A_96 = arith.constant 1 : i32
      %mul3A_97 = arith.muli %scan3A_95, %mul3A_96 : i32
      %add3A_98 = arith.constant 0 : i32
      %add3A_99 = arith.addi %add3A_98, %mul3A_97 : i32
      "tpu.region"() ({
        %run_scoped3A_100 = tpu.sem_alloc : memref<!tpu.dma_semaphore, #tpu.memory_space<semaphore_mem>>
        %dma_start3A_101 = arith.constant 0 : i32
        %dma_start3A_102 = tpu.memref_slice %arg7[%add3A_99, %dma_start3A_101] : memref<40x128xi32, #tpu.memory_space<vmem>> -> memref<1x128xi32, #tpu.memory_space<vmem>>
        %dma_start3A_103 = tpu.memref_squeeze %dma_start3A_102 : memref<1x128xi32, #tpu.memory_space<vmem>> -> memref<128xi32, #tpu.memory_space<vmem>>
        %dma_start3A_104 = arith.constant 0 : i32
        %dma_start3A_105 = arith.constant 0 : i32
        %dma_start3A_106 = tpu.memref_slice %arg11[%dma_start3A_104, %dma_start3A_105] : memref<10240x128xf32, #tpu.memory_space<vmem_shared>> -> memref<10240x128xf32, #tpu.memory_space<vmem_shared>>
        tpu.enqueue_indirect_dma source(%arg9 : memref<128x128xf32, #tpu.memory_space<vmem>>) target(%dma_start3A_106 : memref<10240x128xf32, #tpu.memory_space<vmem_shared>>) offsets(%dma_start3A_103 : memref<128xi32, #tpu.memory_space<vmem>>) semaphore(%run_scoped3A_100 : memref<!tpu.dma_semaphore, #tpu.memory_space<semaphore_mem>>) {add = true}
        %dma_wait3A_107 = arith.constant 0 : i32
        %dma_wait3A_108 = tpu.memref_slice %arg7[%add3A_99, %dma_wait3A_107] : memref<40x128xi32, #tpu.memory_space<vmem>> -> memref<1x128xi32, #tpu.memory_space<vmem>>
        %dma_wait3A_109 = tpu.memref_squeeze %dma_wait3A_108 : memref<1x128xi32, #tpu.memory_space<vmem>> -> memref<128xi32, #tpu.memory_space<vmem>>
        %dma_wait3A_110 = arith.constant 0 : i32
        %dma_wait3A_111 = arith.constant 0 : i32
        %dma_wait3A_112 = tpu.memref_slice %arg11[%dma_wait3A_110, %dma_wait3A_111] : memref<10240x128xf32, #tpu.memory_space<vmem_shared>> -> memref<10240x128xf32, #tpu.memory_space<vmem_shared>>
        tpu.wait_indirect_dma semaphore(%run_scoped3A_100 : memref<!tpu.dma_semaphore, #tpu.memory_space<semaphore_mem>>) src(%arg9 : memref<128x128xf32, #tpu.memory_space<vmem>>) dst(%dma_wait3A_112 : memref<10240x128xf32, #tpu.memory_space<vmem_shared>>)
        tpu.yield
      }) : () -> ()
    }
    %scan3A_10 = arith.constant 40 : i32
    "tpu.region"() ({
      %run_scoped3A_95 = tpu.sem_alloc : memref<!tpu.dma_semaphore, #tpu.memory_space<semaphore_mem>>
      %dma_start3A_96 = arith.constant 0 : i32
      %dma_start3A_97 = arith.constant 0 : i32
      %dma_start3A_98 = tpu.memref_slice %arg2[%add3A, %dma_start3A_96, %dma_start3A_97] : memref<32x80x128xi32, #tpu.memory_space<hbm>> -> memref<1x80x128xi32, #tpu.memory_space<hbm>>
      %dma_start3A_99 = tpu.memref_squeeze %dma_start3A_98 : memref<1x80x128xi32, #tpu.memory_space<hbm>> -> memref<80x128xi32, #tpu.memory_space<hbm>>
      %dma_start3A_100 = arith.constant 40 : i32
      %dma_start3A_101 = arith.constant 0 : i32
      %dma_start3A_102 = tpu.memref_slice %dma_start3A_99[%dma_start3A_100, %dma_start3A_101] : memref<80x128xi32, #tpu.memory_space<hbm>> -> memref<40x128xi32, #tpu.memory_space<hbm>>
      %dma_start3A_103 = arith.constant 0 : i32
      %dma_start3A_104 = arith.constant 0 : i32
      %dma_start3A_105 = tpu.memref_slice %arg2[%add3A, %dma_start3A_103, %dma_start3A_104] : memref<32x80x128xi32, #tpu.memory_space<hbm>> -> memref<1x80x128xi32, #tpu.memory_space<hbm>>
      %dma_start3A_106 = tpu.memref_squeeze %dma_start3A_105 : memref<1x80x128xi32, #tpu.memory_space<hbm>> -> memref<80x128xi32, #tpu.memory_space<hbm>>
      %dma_start3A_107 = arith.constant 40 : i32
      %dma_start3A_108 = arith.constant 0 : i32
      %dma_start3A_109 = tpu.memref_slice %dma_start3A_106[%dma_start3A_107, %dma_start3A_108] : memref<80x128xi32, #tpu.memory_space<hbm>> -> memref<40x128xi32, #tpu.memory_space<hbm>>
      tpu.enqueue_dma source(%dma_start3A_109 : memref<40x128xi32, #tpu.memory_space<hbm>>) target(%arg7 : memref<40x128xi32, #tpu.memory_space<vmem>>) target_semaphore(%run_scoped3A_95 : memref<!tpu.dma_semaphore, #tpu.memory_space<semaphore_mem>>)
      %dma_wait3A_110 = arith.constant 0 : i32
      %dma_wait3A_111 = arith.constant 0 : i32
      %dma_wait3A_112 = tpu.memref_slice %arg2[%add3A, %dma_wait3A_110, %dma_wait3A_111] : memref<32x80x128xi32, #tpu.memory_space<hbm>> -> memref<1x80x128xi32, #tpu.memory_space<hbm>>
      %dma_wait3A_113 = tpu.memref_squeeze %dma_wait3A_112 : memref<1x80x128xi32, #tpu.memory_space<hbm>> -> memref<80x128xi32, #tpu.memory_space<hbm>>
      %dma_wait3A_114 = arith.constant 40 : i32
      %dma_wait3A_115 = arith.constant 0 : i32
      %dma_wait3A_116 = tpu.memref_slice %dma_wait3A_113[%dma_wait3A_114, %dma_wait3A_115] : memref<80x128xi32, #tpu.memory_space<hbm>> -> memref<40x128xi32, #tpu.memory_space<hbm>>
      %dma_wait3A_117 = arith.constant 0 : i32
      %dma_wait3A_118 = arith.constant 0 : i32
      %dma_wait3A_119 = tpu.memref_slice %arg2[%add3A, %dma_wait3A_117, %dma_wait3A_118] : memref<32x80x128xi32, #tpu.memory_space<hbm>> -> memref<1x80x128xi32, #tpu.memory_space<hbm>>
      %dma_wait3A_120 = tpu.memref_squeeze %dma_wait3A_119 : memref<1x80x128xi32, #tpu.memory_space<hbm>> -> memref<80x128xi32, #tpu.memory_space<hbm>>
      %dma_wait3A_121 = arith.constant 40 : i32
      %dma_wait3A_122 = arith.constant 0 : i32
      %dma_wait3A_123 = tpu.memref_slice %dma_wait3A_120[%dma_wait3A_121, %dma_wait3A_122] : memref<80x128xi32, #tpu.memory_space<hbm>> -> memref<40x128xi32, #tpu.memory_space<hbm>>
      tpu.wait_dma2 semaphore(%run_scoped3A_95 : memref<!tpu.dma_semaphore, #tpu.memory_space<semaphore_mem>>) src(%dma_wait3A_123 : memref<40x128xi32, #tpu.memory_space<hbm>>) dst(%arg7 : memref<40x128xi32, #tpu.memory_space<vmem>>)
      tpu.yield
    }) : () -> ()
    %scan3A_11 = arith.constant 0 : i32
    %scan3A_12 = arith.constant 40 : i32
    %scan3A_13 = arith.addi %scan3A_11, %scan3A_12 : i32
    %scan3A_14 = arith.constant 1 : i32
    scf.for %scan3A_95 = %scan3A_11 to %scan3A_13 step %scan3A_14  : i32 {
      %mul3A_96 = arith.constant 1 : i32
      %mul3A_97 = arith.muli %scan3A_95, %mul3A_96 : i32
      %add3A_98 = arith.constant 0 : i32
      %add3A_99 = arith.addi %add3A_98, %mul3A_97 : i32
      "tpu.region"() ({
        %run_scoped3A_100 = tpu.sem_alloc : memref<!tpu.dma_semaphore, #tpu.memory_space<semaphore_mem>>
        %dma_start3A_101 = arith.constant 0 : i32
        %dma_start3A_102 = tpu.memref_slice %arg7[%add3A_99, %dma_start3A_101] : memref<40x128xi32, #tpu.memory_space<vmem>> -> memref<1x128xi32, #tpu.memory_space<vmem>>
        %dma_start3A_103 = tpu.memref_squeeze %dma_start3A_102 : memref<1x128xi32, #tpu.memory_space<vmem>> -> memref<128xi32, #tpu.memory_space<vmem>>
        %dma_start3A_104 = arith.constant 0 : i32
        %dma_start3A_105 = arith.constant 0 : i32
        %dma_start3A_106 = tpu.memref_slice %arg11[%dma_start3A_104, %dma_start3A_105] : memref<10240x128xf32, #tpu.memory_space<vmem_shared>> -> memref<10240x128xf32, #tpu.memory_space<vmem_shared>>
        tpu.enqueue_indirect_dma source(%arg9 : memref<128x128xf32, #tpu.memory_space<vmem>>) target(%dma_start3A_106 : memref<10240x128xf32, #tpu.memory_space<vmem_shared>>) offsets(%dma_start3A_103 : memref<128xi32, #tpu.memory_space<vmem>>) semaphore(%run_scoped3A_100 : memref<!tpu.dma_semaphore, #tpu.memory_space<semaphore_mem>>) {add = true}
        %dma_wait3A_107 = arith.constant 0 : i32
        %dma_wait3A_108 = tpu.memref_slice %arg7[%add3A_99, %dma_wait3A_107] : memref<40x128xi32, #tpu.memory_space<vmem>> -> memref<1x128xi32, #tpu.memory_space<vmem>>
        %dma_wait3A_109 = tpu.memref_squeeze %dma_wait3A_108 : memref<1x128xi32, #tpu.memory_space<vmem>> -> memref<128xi32, #tpu.memory_space<vmem>>
        %dma_wait3A_110 = arith.constant 0 : i32
        %dma_wait3A_111 = arith.constant 0 : i32
        %dma_wait3A_112 = tpu.memref_slice %arg11[%dma_wait3A_110, %dma_wait3A_111] : memref<10240x128xf32, #tpu.memory_space<vmem_shared>> -> memref<10240x128xf32, #tpu.memory_space<vmem_shared>>
        tpu.wait_indirect_dma semaphore(%run_scoped3A_100 : memref<!tpu.dma_semaphore, #tpu.memory_space<semaphore_mem>>) src(%arg9 : memref<128x128xf32, #tpu.memory_space<vmem>>) dst(%dma_wait3A_112 : memref<10240x128xf32, #tpu.memory_space<vmem_shared>>)
        tpu.yield
      }) : () -> ()
    }
    %scan3A_15 = arith.constant 40 : i32
    %barrier3A_16 = arith.constant 0 : index
    tpu.barrier barrier_id(%barrier3A_16)
    %dma_start3A = arith.constant 0 : i32
    %dma_start3A_17 = arith.constant 0 : i32
    %dma_start3A_18 = tpu.memref_slice %arg10[%dma_start3A, %dma_start3A_17] : memref<5x128xi32, #tpu.memory_space<vmem>> -> memref<1x128xi32, #tpu.memory_space<vmem>>
    %dma_start3A_19 = tpu.memref_squeeze %dma_start3A_18 : memref<1x128xi32, #tpu.memory_space<vmem>> -> memref<128xi32, #tpu.memory_space<vmem>>
    %dma_start3A_20 = arith.constant 0 : i32
    %dma_start3A_21 = arith.constant 0 : i32
    %dma_start3A_22 = tpu.memref_slice %arg11[%dma_start3A_20, %dma_start3A_21] : memref<10240x128xf32, #tpu.memory_space<vmem_shared>> -> memref<10240x128xf32, #tpu.memory_space<vmem_shared>>
    tpu.enqueue_indirect_dma source(%dma_start3A_22 : memref<10240x128xf32, #tpu.memory_space<vmem_shared>>) target(%arg8 : memref<128x128xf32, #tpu.memory_space<vmem>>) offsets(%dma_start3A_19 : memref<128xi32, #tpu.memory_space<vmem>>) semaphore(%arg12 : memref<!tpu.dma_semaphore, #tpu.memory_space<semaphore_mem>>)
    %dma_wait3A = arith.constant 0 : i32
    %dma_wait3A_23 = arith.constant 0 : i32
    %dma_wait3A_24 = tpu.memref_slice %arg10[%dma_wait3A, %dma_wait3A_23] : memref<5x128xi32, #tpu.memory_space<vmem>> -> memref<1x128xi32, #tpu.memory_space<vmem>>
    %dma_wait3A_25 = tpu.memref_squeeze %dma_wait3A_24 : memref<1x128xi32, #tpu.memory_space<vmem>> -> memref<128xi32, #tpu.memory_space<vmem>>
    %dma_wait3A_26 = arith.constant 0 : i32
    %dma_wait3A_27 = arith.constant 0 : i32
    %dma_wait3A_28 = tpu.memref_slice %arg11[%dma_wait3A_26, %dma_wait3A_27] : memref<10240x128xf32, #tpu.memory_space<vmem_shared>> -> memref<10240x128xf32, #tpu.memory_space<vmem_shared>>
    tpu.wait_indirect_dma semaphore(%arg12 : memref<!tpu.dma_semaphore, #tpu.memory_space<semaphore_mem>>) src(%dma_wait3A_28 : memref<10240x128xf32, #tpu.memory_space<vmem_shared>>) dst(%arg8 : memref<128x128xf32, #tpu.memory_space<vmem>>)
    %add3A_29 = arith.constant 0 : i32
    %add3A_30 = arith.addi %mul3A_2, %add3A_29 : i32
    "tpu.region"() ({
      %run_scoped3A_95 = tpu.sem_alloc : memref<!tpu.dma_semaphore, #tpu.memory_space<semaphore_mem>>
      %dma_start3A_96 = arith.constant 0 : i32
      %dma_start3A_97 = arith.constant 0 : i32
      %dma_start3A_98 = tpu.memref_slice %arg6[%arg0, %dma_start3A_96, %dma_start3A_97] : memref<2x10240x128xf32, #tpu.memory_space<hbm>> -> memref<1x10240x128xf32, #tpu.memory_space<hbm>>
      %dma_start3A_99 = tpu.memref_squeeze %dma_start3A_98 : memref<1x10240x128xf32, #tpu.memory_space<hbm>> -> memref<10240x128xf32, #tpu.memory_space<hbm>>
      %dma_start3A_100 = arith.constant 0 : i32
      %dma_start3A_101 = tpu.memref_slice %dma_start3A_99[%add3A_30, %dma_start3A_100] : memref<10240x128xf32, #tpu.memory_space<hbm>> -> memref<128x128xf32, #tpu.memory_space<hbm>>
      %dma_start3A_102 = arith.constant 0 : i32
      %dma_start3A_103 = arith.constant 0 : i32
      %dma_start3A_104 = tpu.memref_slice %arg6[%arg0, %dma_start3A_102, %dma_start3A_103] : memref<2x10240x128xf32, #tpu.memory_space<hbm>> -> memref<1x10240x128xf32, #tpu.memory_space<hbm>>
      %dma_start3A_105 = tpu.memref_squeeze %dma_start3A_104 : memref<1x10240x128xf32, #tpu.memory_space<hbm>> -> memref<10240x128xf32, #tpu.memory_space<hbm>>
      %dma_start3A_106 = arith.constant 0 : i32
      %dma_start3A_107 = tpu.memref_slice %dma_start3A_105[%add3A_30, %dma_start3A_106] : memref<10240x128xf32, #tpu.memory_space<hbm>> -> memref<128x128xf32, #tpu.memory_space<hbm>>
      tpu.enqueue_dma source(%arg8 : memref<128x128xf32, #tpu.memory_space<vmem>>) target(%dma_start3A_107 : memref<128x128xf32, #tpu.memory_space<hbm>>) target_semaphore(%run_scoped3A_95 : memref<!tpu.dma_semaphore, #tpu.memory_space<semaphore_mem>>)
      %dma_wait3A_108 = arith.constant 0 : i32
      %dma_wait3A_109 = arith.constant 0 : i32
      %dma_wait3A_110 = tpu.memref_slice %arg6[%arg0, %dma_wait3A_108, %dma_wait3A_109] : memref<2x10240x128xf32, #tpu.memory_space<hbm>> -> memref<1x10240x128xf32, #tpu.memory_space<hbm>>
      %dma_wait3A_111 = tpu.memref_squeeze %dma_wait3A_110 : memref<1x10240x128xf32, #tpu.memory_space<hbm>> -> memref<10240x128xf32, #tpu.memory_space<hbm>>
      %dma_wait3A_112 = arith.constant 0 : i32
      %dma_wait3A_113 = tpu.memref_slice %dma_wait3A_111[%add3A_30, %dma_wait3A_112] : memref<10240x128xf32, #tpu.memory_space<hbm>> -> memref<128x128xf32, #tpu.memory_space<hbm>>
      %dma_wait3A_114 = arith.constant 0 : i32
      %dma_wait3A_115 = arith.constant 0 : i32
      %dma_wait3A_116 = tpu.memref_slice %arg6[%arg0, %dma_wait3A_114, %dma_wait3A_115] : memref<2x10240x128xf32, #tpu.memory_space<hbm>> -> memref<1x10240x128xf32, #tpu.memory_space<hbm>>
      %dma_wait3A_117 = tpu.memref_squeeze %dma_wait3A_116 : memref<1x10240x128xf32, #tpu.memory_space<hbm>> -> memref<10240x128xf32, #tpu.memory_space<hbm>>
      %dma_wait3A_118 = arith.constant 0 : i32
      %dma_wait3A_119 = tpu.memref_slice %dma_wait3A_117[%add3A_30, %dma_wait3A_118] : memref<10240x128xf32, #tpu.memory_space<hbm>> -> memref<128x128xf32, #tpu.memory_space<hbm>>
      tpu.wait_dma2 semaphore(%run_scoped3A_95 : memref<!tpu.dma_semaphore, #tpu.memory_space<semaphore_mem>>) src(%arg8 : memref<128x128xf32, #tpu.memory_space<vmem>>) dst(%dma_wait3A_119 : memref<128x128xf32, #tpu.memory_space<hbm>>)
      tpu.yield
    }) : () -> ()
    %dma_start3A_31 = arith.constant 1 : i32
    %dma_start3A_32 = arith.constant 0 : i32
    %dma_start3A_33 = tpu.memref_slice %arg10[%dma_start3A_31, %dma_start3A_32] : memref<5x128xi32, #tpu.memory_space<vmem>> -> memref<1x128xi32, #tpu.memory_space<vmem>>
    %dma_start3A_34 = tpu.memref_squeeze %dma_start3A_33 : memref<1x128xi32, #tpu.memory_space<vmem>> -> memref<128xi32, #tpu.memory_space<vmem>>
    %dma_start3A_35 = arith.constant 0 : i32
    %dma_start3A_36 = arith.constant 0 : i32
    %dma_start3A_37 = tpu.memref_slice %arg11[%dma_start3A_35, %dma_start3A_36] : memref<10240x128xf32, #tpu.memory_space<vmem_shared>> -> memref<10240x128xf32, #tpu.memory_space<vmem_shared>>
    tpu.enqueue_indirect_dma source(%dma_start3A_37 : memref<10240x128xf32, #tpu.memory_space<vmem_shared>>) target(%arg8 : memref<128x128xf32, #tpu.memory_space<vmem>>) offsets(%dma_start3A_34 : memref<128xi32, #tpu.memory_space<vmem>>) semaphore(%arg12 : memref<!tpu.dma_semaphore, #tpu.memory_space<semaphore_mem>>)
    %dma_wait3A_38 = arith.constant 1 : i32
    %dma_wait3A_39 = arith.constant 0 : i32
    %dma_wait3A_40 = tpu.memref_slice %arg10[%dma_wait3A_38, %dma_wait3A_39] : memref<5x128xi32, #tpu.memory_space<vmem>> -> memref<1x128xi32, #tpu.memory_space<vmem>>
    %dma_wait3A_41 = tpu.memref_squeeze %dma_wait3A_40 : memref<1x128xi32, #tpu.memory_space<vmem>> -> memref<128xi32, #tpu.memory_space<vmem>>
    %dma_wait3A_42 = arith.constant 0 : i32
    %dma_wait3A_43 = arith.constant 0 : i32
    %dma_wait3A_44 = tpu.memref_slice %arg11[%dma_wait3A_42, %dma_wait3A_43] : memref<10240x128xf32, #tpu.memory_space<vmem_shared>> -> memref<10240x128xf32, #tpu.memory_space<vmem_shared>>
    tpu.wait_indirect_dma semaphore(%arg12 : memref<!tpu.dma_semaphore, #tpu.memory_space<semaphore_mem>>) src(%dma_wait3A_44 : memref<10240x128xf32, #tpu.memory_space<vmem_shared>>) dst(%arg8 : memref<128x128xf32, #tpu.memory_space<vmem>>)
    %add3A_45 = arith.constant 128 : i32
    %add3A_46 = arith.addi %mul3A_2, %add3A_45 : i32
    "tpu.region"() ({
      %run_scoped3A_95 = tpu.sem_alloc : memref<!tpu.dma_semaphore, #tpu.memory_space<semaphore_mem>>
      %dma_start3A_96 = arith.constant 0 : i32
      %dma_start3A_97 = arith.constant 0 : i32
      %dma_start3A_98 = tpu.memref_slice %arg6[%arg0, %dma_start3A_96, %dma_start3A_97] : memref<2x10240x128xf32, #tpu.memory_space<hbm>> -> memref<1x10240x128xf32, #tpu.memory_space<hbm>>
      %dma_start3A_99 = tpu.memref_squeeze %dma_start3A_98 : memref<1x10240x128xf32, #tpu.memory_space<hbm>> -> memref<10240x128xf32, #tpu.memory_space<hbm>>
      %dma_start3A_100 = arith.constant 0 : i32
      %dma_start3A_101 = tpu.memref_slice %dma_start3A_99[%add3A_46, %dma_start3A_100] : memref<10240x128xf32, #tpu.memory_space<hbm>> -> memref<128x128xf32, #tpu.memory_space<hbm>>
      %dma_start3A_102 = arith.constant 0 : i32
      %dma_start3A_103 = arith.constant 0 : i32
      %dma_start3A_104 = tpu.memref_slice %arg6[%arg0, %dma_start3A_102, %dma_start3A_103] : memref<2x10240x128xf32, #tpu.memory_space<hbm>> -> memref<1x10240x128xf32, #tpu.memory_space<hbm>>
      %dma_start3A_105 = tpu.memref_squeeze %dma_start3A_104 : memref<1x10240x128xf32, #tpu.memory_space<hbm>> -> memref<10240x128xf32, #tpu.memory_space<hbm>>
      %dma_start3A_106 = arith.constant 0 : i32
      %dma_start3A_107 = tpu.memref_slice %dma_start3A_105[%add3A_46, %dma_start3A_106] : memref<10240x128xf32, #tpu.memory_space<hbm>> -> memref<128x128xf32, #tpu.memory_space<hbm>>
      tpu.enqueue_dma source(%arg8 : memref<128x128xf32, #tpu.memory_space<vmem>>) target(%dma_start3A_107 : memref<128x128xf32, #tpu.memory_space<hbm>>) target_semaphore(%run_scoped3A_95 : memref<!tpu.dma_semaphore, #tpu.memory_space<semaphore_mem>>)
      %dma_wait3A_108 = arith.constant 0 : i32
      %dma_wait3A_109 = arith.constant 0 : i32
      %dma_wait3A_110 = tpu.memref_slice %arg6[%arg0, %dma_wait3A_108, %dma_wait3A_109] : memref<2x10240x128xf32, #tpu.memory_space<hbm>> -> memref<1x10240x128xf32, #tpu.memory_space<hbm>>
      %dma_wait3A_111 = tpu.memref_squeeze %dma_wait3A_110 : memref<1x10240x128xf32, #tpu.memory_space<hbm>> -> memref<10240x128xf32, #tpu.memory_space<hbm>>
      %dma_wait3A_112 = arith.constant 0 : i32
      %dma_wait3A_113 = tpu.memref_slice %dma_wait3A_111[%add3A_46, %dma_wait3A_112] : memref<10240x128xf32, #tpu.memory_space<hbm>> -> memref<128x128xf32, #tpu.memory_space<hbm>>
      %dma_wait3A_114 = arith.constant 0 : i32
      %dma_wait3A_115 = arith.constant 0 : i32
      %dma_wait3A_116 = tpu.memref_slice %arg6[%arg0, %dma_wait3A_114, %dma_wait3A_115] : memref<2x10240x128xf32, #tpu.memory_space<hbm>> -> memref<1x10240x128xf32, #tpu.memory_space<hbm>>
      %dma_wait3A_117 = tpu.memref_squeeze %dma_wait3A_116 : memref<1x10240x128xf32, #tpu.memory_space<hbm>> -> memref<10240x128xf32, #tpu.memory_space<hbm>>
      %dma_wait3A_118 = arith.constant 0 : i32
      %dma_wait3A_119 = tpu.memref_slice %dma_wait3A_117[%add3A_46, %dma_wait3A_118] : memref<10240x128xf32, #tpu.memory_space<hbm>> -> memref<128x128xf32, #tpu.memory_space<hbm>>
      tpu.wait_dma2 semaphore(%run_scoped3A_95 : memref<!tpu.dma_semaphore, #tpu.memory_space<semaphore_mem>>) src(%arg8 : memref<128x128xf32, #tpu.memory_space<vmem>>) dst(%dma_wait3A_119 : memref<128x128xf32, #tpu.memory_space<hbm>>)
      tpu.yield
    }) : () -> ()
    %dma_start3A_47 = arith.constant 2 : i32
    %dma_start3A_48 = arith.constant 0 : i32
    %dma_start3A_49 = tpu.memref_slice %arg10[%dma_start3A_47, %dma_start3A_48] : memref<5x128xi32, #tpu.memory_space<vmem>> -> memref<1x128xi32, #tpu.memory_space<vmem>>
    %dma_start3A_50 = tpu.memref_squeeze %dma_start3A_49 : memref<1x128xi32, #tpu.memory_space<vmem>> -> memref<128xi32, #tpu.memory_space<vmem>>
    %dma_start3A_51 = arith.constant 0 : i32
    %dma_start3A_52 = arith.constant 0 : i32
    %dma_start3A_53 = tpu.memref_slice %arg11[%dma_start3A_51, %dma_start3A_52] : memref<10240x128xf32, #tpu.memory_space<vmem_shared>> -> memref<10240x128xf32, #tpu.memory_space<vmem_shared>>
    tpu.enqueue_indirect_dma source(%dma_start3A_53 : memref<10240x128xf32, #tpu.memory_space<vmem_shared>>) target(%arg8 : memref<128x128xf32, #tpu.memory_space<vmem>>) offsets(%dma_start3A_50 : memref<128xi32, #tpu.memory_space<vmem>>) semaphore(%arg12 : memref<!tpu.dma_semaphore, #tpu.memory_space<semaphore_mem>>)
    %dma_wait3A_54 = arith.constant 2 : i32
    %dma_wait3A_55 = arith.constant 0 : i32
    %dma_wait3A_56 = tpu.memref_slice %arg10[%dma_wait3A_54, %dma_wait3A_55] : memref<5x128xi32, #tpu.memory_space<vmem>> -> memref<1x128xi32, #tpu.memory_space<vmem>>
    %dma_wait3A_57 = tpu.memref_squeeze %dma_wait3A_56 : memref<1x128xi32, #tpu.memory_space<vmem>> -> memref<128xi32, #tpu.memory_space<vmem>>
    %dma_wait3A_58 = arith.constant 0 : i32
    %dma_wait3A_59 = arith.constant 0 : i32
    %dma_wait3A_60 = tpu.memref_slice %arg11[%dma_wait3A_58, %dma_wait3A_59] : memref<10240x128xf32, #tpu.memory_space<vmem_shared>> -> memref<10240x128xf32, #tpu.memory_space<vmem_shared>>
    tpu.wait_indirect_dma semaphore(%arg12 : memref<!tpu.dma_semaphore, #tpu.memory_space<semaphore_mem>>) src(%dma_wait3A_60 : memref<10240x128xf32, #tpu.memory_space<vmem_shared>>) dst(%arg8 : memref<128x128xf32, #tpu.memory_space<vmem>>)
    %add3A_61 = arith.constant 256 : i32
    %add3A_62 = arith.addi %mul3A_2, %add3A_61 : i32
    "tpu.region"() ({
      %run_scoped3A_95 = tpu.sem_alloc : memref<!tpu.dma_semaphore, #tpu.memory_space<semaphore_mem>>
      %dma_start3A_96 = arith.constant 0 : i32
      %dma_start3A_97 = arith.constant 0 : i32
      %dma_start3A_98 = tpu.memref_slice %arg6[%arg0, %dma_start3A_96, %dma_start3A_97] : memref<2x10240x128xf32, #tpu.memory_space<hbm>> -> memref<1x10240x128xf32, #tpu.memory_space<hbm>>
      %dma_start3A_99 = tpu.memref_squeeze %dma_start3A_98 : memref<1x10240x128xf32, #tpu.memory_space<hbm>> -> memref<10240x128xf32, #tpu.memory_space<hbm>>
      %dma_start3A_100 = arith.constant 0 : i32
      %dma_start3A_101 = tpu.memref_slice %dma_start3A_99[%add3A_62, %dma_start3A_100] : memref<10240x128xf32, #tpu.memory_space<hbm>> -> memref<128x128xf32, #tpu.memory_space<hbm>>
      %dma_start3A_102 = arith.constant 0 : i32
      %dma_start3A_103 = arith.constant 0 : i32
      %dma_start3A_104 = tpu.memref_slice %arg6[%arg0, %dma_start3A_102, %dma_start3A_103] : memref<2x10240x128xf32, #tpu.memory_space<hbm>> -> memref<1x10240x128xf32, #tpu.memory_space<hbm>>
      %dma_start3A_105 = tpu.memref_squeeze %dma_start3A_104 : memref<1x10240x128xf32, #tpu.memory_space<hbm>> -> memref<10240x128xf32, #tpu.memory_space<hbm>>
      %dma_start3A_106 = arith.constant 0 : i32
      %dma_start3A_107 = tpu.memref_slice %dma_start3A_105[%add3A_62, %dma_start3A_106] : memref<10240x128xf32, #tpu.memory_space<hbm>> -> memref<128x128xf32, #tpu.memory_space<hbm>>
      tpu.enqueue_dma source(%arg8 : memref<128x128xf32, #tpu.memory_space<vmem>>) target(%dma_start3A_107 : memref<128x128xf32, #tpu.memory_space<hbm>>) target_semaphore(%run_scoped3A_95 : memref<!tpu.dma_semaphore, #tpu.memory_space<semaphore_mem>>)
      %dma_wait3A_108 = arith.constant 0 : i32
      %dma_wait3A_109 = arith.constant 0 : i32
      %dma_wait3A_110 = tpu.memref_slice %arg6[%arg0, %dma_wait3A_108, %dma_wait3A_109] : memref<2x10240x128xf32, #tpu.memory_space<hbm>> -> memref<1x10240x128xf32, #tpu.memory_space<hbm>>
      %dma_wait3A_111 = tpu.memref_squeeze %dma_wait3A_110 : memref<1x10240x128xf32, #tpu.memory_space<hbm>> -> memref<10240x128xf32, #tpu.memory_space<hbm>>
      %dma_wait3A_112 = arith.constant 0 : i32
      %dma_wait3A_113 = tpu.memref_slice %dma_wait3A_111[%add3A_62, %dma_wait3A_112] : memref<10240x128xf32, #tpu.memory_space<hbm>> -> memref<128x128xf32, #tpu.memory_space<hbm>>
      %dma_wait3A_114 = arith.constant 0 : i32
      %dma_wait3A_115 = arith.constant 0 : i32
      %dma_wait3A_116 = tpu.memref_slice %arg6[%arg0, %dma_wait3A_114, %dma_wait3A_115] : memref<2x10240x128xf32, #tpu.memory_space<hbm>> -> memref<1x10240x128xf32, #tpu.memory_space<hbm>>
      %dma_wait3A_117 = tpu.memref_squeeze %dma_wait3A_116 : memref<1x10240x128xf32, #tpu.memory_space<hbm>> -> memref<10240x128xf32, #tpu.memory_space<hbm>>
      %dma_wait3A_118 = arith.constant 0 : i32
      %dma_wait3A_119 = tpu.memref_slice %dma_wait3A_117[%add3A_62, %dma_wait3A_118] : memref<10240x128xf32, #tpu.memory_space<hbm>> -> memref<128x128xf32, #tpu.memory_space<hbm>>
      tpu.wait_dma2 semaphore(%run_scoped3A_95 : memref<!tpu.dma_semaphore, #tpu.memory_space<semaphore_mem>>) src(%arg8 : memref<128x128xf32, #tpu.memory_space<vmem>>) dst(%dma_wait3A_119 : memref<128x128xf32, #tpu.memory_space<hbm>>)
      tpu.yield
    }) : () -> ()
    %dma_start3A_63 = arith.constant 3 : i32
    %dma_start3A_64 = arith.constant 0 : i32
    %dma_start3A_65 = tpu.memref_slice %arg10[%dma_start3A_63, %dma_start3A_64] : memref<5x128xi32, #tpu.memory_space<vmem>> -> memref<1x128xi32, #tpu.memory_space<vmem>>
    %dma_start3A_66 = tpu.memref_squeeze %dma_start3A_65 : memref<1x128xi32, #tpu.memory_space<vmem>> -> memref<128xi32, #tpu.memory_space<vmem>>
    %dma_start3A_67 = arith.constant 0 : i32
    %dma_start3A_68 = arith.constant 0 : i32
    %dma_start3A_69 = tpu.memref_slice %arg11[%dma_start3A_67, %dma_start3A_68] : memref<10240x128xf32, #tpu.memory_space<vmem_shared>> -> memref<10240x128xf32, #tpu.memory_space<vmem_shared>>
    tpu.enqueue_indirect_dma source(%dma_start3A_69 : memref<10240x128xf32, #tpu.memory_space<vmem_shared>>) target(%arg8 : memref<128x128xf32, #tpu.memory_space<vmem>>) offsets(%dma_start3A_66 : memref<128xi32, #tpu.memory_space<vmem>>) semaphore(%arg12 : memref<!tpu.dma_semaphore, #tpu.memory_space<semaphore_mem>>)
    %dma_wait3A_70 = arith.constant 3 : i32
    %dma_wait3A_71 = arith.constant 0 : i32
    %dma_wait3A_72 = tpu.memref_slice %arg10[%dma_wait3A_70, %dma_wait3A_71] : memref<5x128xi32, #tpu.memory_space<vmem>> -> memref<1x128xi32, #tpu.memory_space<vmem>>
    %dma_wait3A_73 = tpu.memref_squeeze %dma_wait3A_72 : memref<1x128xi32, #tpu.memory_space<vmem>> -> memref<128xi32, #tpu.memory_space<vmem>>
    %dma_wait3A_74 = arith.constant 0 : i32
    %dma_wait3A_75 = arith.constant 0 : i32
    %dma_wait3A_76 = tpu.memref_slice %arg11[%dma_wait3A_74, %dma_wait3A_75] : memref<10240x128xf32, #tpu.memory_space<vmem_shared>> -> memref<10240x128xf32, #tpu.memory_space<vmem_shared>>
    tpu.wait_indirect_dma semaphore(%arg12 : memref<!tpu.dma_semaphore, #tpu.memory_space<semaphore_mem>>) src(%dma_wait3A_76 : memref<10240x128xf32, #tpu.memory_space<vmem_shared>>) dst(%arg8 : memref<128x128xf32, #tpu.memory_space<vmem>>)
    %add3A_77 = arith.constant 384 : i32
    %add3A_78 = arith.addi %mul3A_2, %add3A_77 : i32
    "tpu.region"() ({
      %run_scoped3A_95 = tpu.sem_alloc : memref<!tpu.dma_semaphore, #tpu.memory_space<semaphore_mem>>
      %dma_start3A_96 = arith.constant 0 : i32
      %dma_start3A_97 = arith.constant 0 : i32
      %dma_start3A_98 = tpu.memref_slice %arg6[%arg0, %dma_start3A_96, %dma_start3A_97] : memref<2x10240x128xf32, #tpu.memory_space<hbm>> -> memref<1x10240x128xf32, #tpu.memory_space<hbm>>
      %dma_start3A_99 = tpu.memref_squeeze %dma_start3A_98 : memref<1x10240x128xf32, #tpu.memory_space<hbm>> -> memref<10240x128xf32, #tpu.memory_space<hbm>>
      %dma_start3A_100 = arith.constant 0 : i32
      %dma_start3A_101 = tpu.memref_slice %dma_start3A_99[%add3A_78, %dma_start3A_100] : memref<10240x128xf32, #tpu.memory_space<hbm>> -> memref<128x128xf32, #tpu.memory_space<hbm>>
      %dma_start3A_102 = arith.constant 0 : i32
      %dma_start3A_103 = arith.constant 0 : i32
      %dma_start3A_104 = tpu.memref_slice %arg6[%arg0, %dma_start3A_102, %dma_start3A_103] : memref<2x10240x128xf32, #tpu.memory_space<hbm>> -> memref<1x10240x128xf32, #tpu.memory_space<hbm>>
      %dma_start3A_105 = tpu.memref_squeeze %dma_start3A_104 : memref<1x10240x128xf32, #tpu.memory_space<hbm>> -> memref<10240x128xf32, #tpu.memory_space<hbm>>
      %dma_start3A_106 = arith.constant 0 : i32
      %dma_start3A_107 = tpu.memref_slice %dma_start3A_105[%add3A_78, %dma_start3A_106] : memref<10240x128xf32, #tpu.memory_space<hbm>> -> memref<128x128xf32, #tpu.memory_space<hbm>>
      tpu.enqueue_dma source(%arg8 : memref<128x128xf32, #tpu.memory_space<vmem>>) target(%dma_start3A_107 : memref<128x128xf32, #tpu.memory_space<hbm>>) target_semaphore(%run_scoped3A_95 : memref<!tpu.dma_semaphore, #tpu.memory_space<semaphore_mem>>)
      %dma_wait3A_108 = arith.constant 0 : i32
      %dma_wait3A_109 = arith.constant 0 : i32
      %dma_wait3A_110 = tpu.memref_slice %arg6[%arg0, %dma_wait3A_108, %dma_wait3A_109] : memref<2x10240x128xf32, #tpu.memory_space<hbm>> -> memref<1x10240x128xf32, #tpu.memory_space<hbm>>
      %dma_wait3A_111 = tpu.memref_squeeze %dma_wait3A_110 : memref<1x10240x128xf32, #tpu.memory_space<hbm>> -> memref<10240x128xf32, #tpu.memory_space<hbm>>
      %dma_wait3A_112 = arith.constant 0 : i32
      %dma_wait3A_113 = tpu.memref_slice %dma_wait3A_111[%add3A_78, %dma_wait3A_112] : memref<10240x128xf32, #tpu.memory_space<hbm>> -> memref<128x128xf32, #tpu.memory_space<hbm>>
      %dma_wait3A_114 = arith.constant 0 : i32
      %dma_wait3A_115 = arith.constant 0 : i32
      %dma_wait3A_116 = tpu.memref_slice %arg6[%arg0, %dma_wait3A_114, %dma_wait3A_115] : memref<2x10240x128xf32, #tpu.memory_space<hbm>> -> memref<1x10240x128xf32, #tpu.memory_space<hbm>>
      %dma_wait3A_117 = tpu.memref_squeeze %dma_wait3A_116 : memref<1x10240x128xf32, #tpu.memory_space<hbm>> -> memref<10240x128xf32, #tpu.memory_space<hbm>>
      %dma_wait3A_118 = arith.constant 0 : i32
      %dma_wait3A_119 = tpu.memref_slice %dma_wait3A_117[%add3A_78, %dma_wait3A_118] : memref<10240x128xf32, #tpu.memory_space<hbm>> -> memref<128x128xf32, #tpu.memory_space<hbm>>
      tpu.wait_dma2 semaphore(%run_scoped3A_95 : memref<!tpu.dma_semaphore, #tpu.memory_space<semaphore_mem>>) src(%arg8 : memref<128x128xf32, #tpu.memory_space<vmem>>) dst(%dma_wait3A_119 : memref<128x128xf32, #tpu.memory_space<hbm>>)
      tpu.yield
    }) : () -> ()
    %dma_start3A_79 = arith.constant 4 : i32
    %dma_start3A_80 = arith.constant 0 : i32
    %dma_start3A_81 = tpu.memref_slice %arg10[%dma_start3A_79, %dma_start3A_80] : memref<5x128xi32, #tpu.memory_space<vmem>> -> memref<1x128xi32, #tpu.memory_space<vmem>>
    %dma_start3A_82 = tpu.memref_squeeze %dma_start3A_81 : memref<1x128xi32, #tpu.memory_space<vmem>> -> memref<128xi32, #tpu.memory_space<vmem>>
    %dma_start3A_83 = arith.constant 0 : i32
    %dma_start3A_84 = arith.constant 0 : i32
    %dma_start3A_85 = tpu.memref_slice %arg11[%dma_start3A_83, %dma_start3A_84] : memref<10240x128xf32, #tpu.memory_space<vmem_shared>> -> memref<10240x128xf32, #tpu.memory_space<vmem_shared>>
    tpu.enqueue_indirect_dma source(%dma_start3A_85 : memref<10240x128xf32, #tpu.memory_space<vmem_shared>>) target(%arg8 : memref<128x128xf32, #tpu.memory_space<vmem>>) offsets(%dma_start3A_82 : memref<128xi32, #tpu.memory_space<vmem>>) semaphore(%arg12 : memref<!tpu.dma_semaphore, #tpu.memory_space<semaphore_mem>>)
    %dma_wait3A_86 = arith.constant 4 : i32
    %dma_wait3A_87 = arith.constant 0 : i32
    %dma_wait3A_88 = tpu.memref_slice %arg10[%dma_wait3A_86, %dma_wait3A_87] : memref<5x128xi32, #tpu.memory_space<vmem>> -> memref<1x128xi32, #tpu.memory_space<vmem>>
    %dma_wait3A_89 = tpu.memref_squeeze %dma_wait3A_88 : memref<1x128xi32, #tpu.memory_space<vmem>> -> memref<128xi32, #tpu.memory_space<vmem>>
    %dma_wait3A_90 = arith.constant 0 : i32
    %dma_wait3A_91 = arith.constant 0 : i32
    %dma_wait3A_92 = tpu.memref_slice %arg11[%dma_wait3A_90, %dma_wait3A_91] : memref<10240x128xf32, #tpu.memory_space<vmem_shared>> -> memref<10240x128xf32, #tpu.memory_space<vmem_shared>>
    tpu.wait_indirect_dma semaphore(%arg12 : memref<!tpu.dma_semaphore, #tpu.memory_space<semaphore_mem>>) src(%dma_wait3A_92 : memref<10240x128xf32, #tpu.memory_space<vmem_shared>>) dst(%arg8 : memref<128x128xf32, #tpu.memory_space<vmem>>)
    %add3A_93 = arith.constant 512 : i32
    %add3A_94 = arith.addi %mul3A_2, %add3A_93 : i32
    "tpu.region"() ({
      %run_scoped3A_95 = tpu.sem_alloc : memref<!tpu.dma_semaphore, #tpu.memory_space<semaphore_mem>>
      %dma_start3A_96 = arith.constant 0 : i32
      %dma_start3A_97 = arith.constant 0 : i32
      %dma_start3A_98 = tpu.memref_slice %arg6[%arg0, %dma_start3A_96, %dma_start3A_97] : memref<2x10240x128xf32, #tpu.memory_space<hbm>> -> memref<1x10240x128xf32, #tpu.memory_space<hbm>>
      %dma_start3A_99 = tpu.memref_squeeze %dma_start3A_98 : memref<1x10240x128xf32, #tpu.memory_space<hbm>> -> memref<10240x128xf32, #tpu.memory_space<hbm>>
      %dma_start3A_100 = arith.constant 0 : i32
      %dma_start3A_101 = tpu.memref_slice %dma_start3A_99[%add3A_94, %dma_start3A_100] : memref<10240x128xf32, #tpu.memory_space<hbm>> -> memref<128x128xf32, #tpu.memory_space<hbm>>
      %dma_start3A_102 = arith.constant 0 : i32
      %dma_start3A_103 = arith.constant 0 : i32
      %dma_start3A_104 = tpu.memref_slice %arg6[%arg0, %dma_start3A_102, %dma_start3A_103] : memref<2x10240x128xf32, #tpu.memory_space<hbm>> -> memref<1x10240x128xf32, #tpu.memory_space<hbm>>
      %dma_start3A_105 = tpu.memref_squeeze %dma_start3A_104 : memref<1x10240x128xf32, #tpu.memory_space<hbm>> -> memref<10240x128xf32, #tpu.memory_space<hbm>>
      %dma_start3A_106 = arith.constant 0 : i32
      %dma_start3A_107 = tpu.memref_slice %dma_start3A_105[%add3A_94, %dma_start3A_106] : memref<10240x128xf32, #tpu.memory_space<hbm>> -> memref<128x128xf32, #tpu.memory_space<hbm>>
      tpu.enqueue_dma source(%arg8 : memref<128x128xf32, #tpu.memory_space<vmem>>) target(%dma_start3A_107 : memref<128x128xf32, #tpu.memory_space<hbm>>) target_semaphore(%run_scoped3A_95 : memref<!tpu.dma_semaphore, #tpu.memory_space<semaphore_mem>>)
      %dma_wait3A_108 = arith.constant 0 : i32
      %dma_wait3A_109 = arith.constant 0 : i32
      %dma_wait3A_110 = tpu.memref_slice %arg6[%arg0, %dma_wait3A_108, %dma_wait3A_109] : memref<2x10240x128xf32, #tpu.memory_space<hbm>> -> memref<1x10240x128xf32, #tpu.memory_space<hbm>>
      %dma_wait3A_111 = tpu.memref_squeeze %dma_wait3A_110 : memref<1x10240x128xf32, #tpu.memory_space<hbm>> -> memref<10240x128xf32, #tpu.memory_space<hbm>>
      %dma_wait3A_112 = arith.constant 0 : i32
      %dma_wait3A_113 = tpu.memref_slice %dma_wait3A_111[%add3A_94, %dma_wait3A_112] : memref<10240x128xf32, #tpu.memory_space<hbm>> -> memref<128x128xf32, #tpu.memory_space<hbm>>
      %dma_wait3A_114 = arith.constant 0 : i32
      %dma_wait3A_115 = arith.constant 0 : i32
      %dma_wait3A_116 = tpu.memref_slice %arg6[%arg0, %dma_wait3A_114, %dma_wait3A_115] : memref<2x10240x128xf32, #tpu.memory_space<hbm>> -> memref<1x10240x128xf32, #tpu.memory_space<hbm>>
      %dma_wait3A_117 = tpu.memref_squeeze %dma_wait3A_116 : memref<1x10240x128xf32, #tpu.memory_space<hbm>> -> memref<10240x128xf32, #tpu.memory_space<hbm>>
      %dma_wait3A_118 = arith.constant 0 : i32
      %dma_wait3A_119 = tpu.memref_slice %dma_wait3A_117[%add3A_94, %dma_wait3A_118] : memref<10240x128xf32, #tpu.memory_space<hbm>> -> memref<128x128xf32, #tpu.memory_space<hbm>>
      tpu.wait_dma2 semaphore(%run_scoped3A_95 : memref<!tpu.dma_semaphore, #tpu.memory_space<semaphore_mem>>) src(%arg8 : memref<128x128xf32, #tpu.memory_space<vmem>>) dst(%dma_wait3A_119 : memref<128x128xf32, #tpu.memory_space<hbm>>)
      tpu.yield
    }) : () -> ()
    return
  }
}

#map = affine_map<(d0, d1) -> (0, 0)>
#map1 = affine_map<(d0, d1) -> (0, 0, 0)>
module attributes {stable_mosaic.version = 14 : i64} {
  func.func @_agg_body(%arg0: i32, %arg1: i32, %arg2: memref<10240x128xf32, #tpu.memory_space<hbm>>, %arg3: memref<32x80x128xi32, #tpu.memory_space<hbm>>, %arg4: memref<32x80x128xi32, #tpu.memory_space<hbm>>, %arg5: memref<128x128xf32, #tpu.memory_space<hbm>>, %arg6: memref<16x5x128xi32, #tpu.memory_space<hbm>>, %arg7: memref<2x10240x128xf32, #tpu.memory_space<hbm>>, %arg8: memref<40x128xi32, #tpu.memory_space<vmem>>, %arg9: memref<40x128xi32, #tpu.memory_space<vmem>>, %arg10: memref<128x128xf32, #tpu.memory_space<vmem>>, %arg11: memref<128x128xf32, #tpu.memory_space<vmem>>, %arg12: memref<5x128xi32, #tpu.memory_space<vmem>>, %arg13: memref<10240x128xf32, #tpu.memory_space<vmem_shared>>, %arg14: memref<!tpu.dma_semaphore, #tpu.memory_space<semaphore_mem>>, %arg15: memref<!tpu.dma_semaphore, #tpu.memory_space<semaphore_mem>>) attributes {dimension_semantics = [#tpu.dimension_semantics<core_parallel>, #tpu.dimension_semantics<subcore_parallel>], iteration_bounds = array<i64: 2, 16>, scalar_prefetch = 0 : i64, scratch_operands = 8 : i64, tpu.core_type = #tpu.core_type<sc_vector_subcore>, window_params = [{transform_indices = #map}, {transform_indices = #map1}, {transform_indices = #map1}, {transform_indices = #map}, {transform_indices = #map1}, {transform_indices = #map1}]} {
    %mul3A = arith.constant 2 : i32
    %mul3A_0 = arith.muli %arg1, %mul3A : i32
    %add3A = arith.addi %mul3A_0, %arg0 : i32
    %mul3A_1 = arith.constant 640 : i32
    %mul3A_2 = arith.muli %arg1, %mul3A_1 : i32
    "tpu.region"() ({
      %run_scoped3A_123 = tpu.sem_alloc : memref<!tpu.dma_semaphore, #tpu.memory_space<semaphore_mem>>
      %dma_start3A_124 = arith.constant 0 : i32
      %dma_start3A_125 = arith.constant 0 : i32
      %dma_start3A_126 = tpu.memref_slice %arg6[%arg1, %dma_start3A_124, %dma_start3A_125] : memref<16x5x128xi32, #tpu.memory_space<hbm>> -> memref<1x5x128xi32, #tpu.memory_space<hbm>>
      %dma_start3A_127 = tpu.memref_squeeze %dma_start3A_126 : memref<1x5x128xi32, #tpu.memory_space<hbm>> -> memref<5x128xi32, #tpu.memory_space<hbm>>
      %dma_start3A_128 = arith.constant 0 : i32
      %dma_start3A_129 = arith.constant 0 : i32
      %dma_start3A_130 = tpu.memref_slice %arg6[%arg1, %dma_start3A_128, %dma_start3A_129] : memref<16x5x128xi32, #tpu.memory_space<hbm>> -> memref<1x5x128xi32, #tpu.memory_space<hbm>>
      %dma_start3A_131 = tpu.memref_squeeze %dma_start3A_130 : memref<1x5x128xi32, #tpu.memory_space<hbm>> -> memref<5x128xi32, #tpu.memory_space<hbm>>
      tpu.enqueue_dma source(%dma_start3A_131 : memref<5x128xi32, #tpu.memory_space<hbm>>) target(%arg12 : memref<5x128xi32, #tpu.memory_space<vmem>>) target_semaphore(%run_scoped3A_123 : memref<!tpu.dma_semaphore, #tpu.memory_space<semaphore_mem>>)
      %dma_wait3A_132 = arith.constant 0 : i32
      %dma_wait3A_133 = arith.constant 0 : i32
      %dma_wait3A_134 = tpu.memref_slice %arg6[%arg1, %dma_wait3A_132, %dma_wait3A_133] : memref<16x5x128xi32, #tpu.memory_space<hbm>> -> memref<1x5x128xi32, #tpu.memory_space<hbm>>
      %dma_wait3A_135 = tpu.memref_squeeze %dma_wait3A_134 : memref<1x5x128xi32, #tpu.memory_space<hbm>> -> memref<5x128xi32, #tpu.memory_space<hbm>>
      %dma_wait3A_136 = arith.constant 0 : i32
      %dma_wait3A_137 = arith.constant 0 : i32
      %dma_wait3A_138 = tpu.memref_slice %arg6[%arg1, %dma_wait3A_136, %dma_wait3A_137] : memref<16x5x128xi32, #tpu.memory_space<hbm>> -> memref<1x5x128xi32, #tpu.memory_space<hbm>>
      %dma_wait3A_139 = tpu.memref_squeeze %dma_wait3A_138 : memref<1x5x128xi32, #tpu.memory_space<hbm>> -> memref<5x128xi32, #tpu.memory_space<hbm>>
      tpu.wait_dma2 semaphore(%run_scoped3A_123 : memref<!tpu.dma_semaphore, #tpu.memory_space<semaphore_mem>>) src(%dma_wait3A_139 : memref<5x128xi32, #tpu.memory_space<hbm>>) dst(%arg12 : memref<5x128xi32, #tpu.memory_space<vmem>>)
      tpu.yield
    }) : () -> ()
    "tpu.region"() ({
      %run_scoped3A_123 = tpu.sem_alloc : memref<!tpu.dma_semaphore, #tpu.memory_space<semaphore_mem>>
      tpu.enqueue_dma source(%arg5 : memref<128x128xf32, #tpu.memory_space<hbm>>) target(%arg10 : memref<128x128xf32, #tpu.memory_space<vmem>>) target_semaphore(%run_scoped3A_123 : memref<!tpu.dma_semaphore, #tpu.memory_space<semaphore_mem>>)
      tpu.wait_dma2 semaphore(%run_scoped3A_123 : memref<!tpu.dma_semaphore, #tpu.memory_space<semaphore_mem>>) src(%arg5 : memref<128x128xf32, #tpu.memory_space<hbm>>) dst(%arg10 : memref<128x128xf32, #tpu.memory_space<vmem>>)
      tpu.yield
    }) : () -> ()
    %run_scoped3A = arith.constant 0 : i32
    "tpu.region"() ({
      %run_scoped3A_123 = tpu.sem_alloc : memref<!tpu.dma_semaphore, #tpu.memory_space<semaphore_mem>>
      %dma_start3A_124 = arith.constant 0 : i32
      %dma_start3A_125 = tpu.memref_slice %arg12[%run_scoped3A, %dma_start3A_124] : memref<5x128xi32, #tpu.memory_space<vmem>> -> memref<1x128xi32, #tpu.memory_space<vmem>>
      %dma_start3A_126 = tpu.memref_squeeze %dma_start3A_125 : memref<1x128xi32, #tpu.memory_space<vmem>> -> memref<128xi32, #tpu.memory_space<vmem>>
      %dma_start3A_127 = arith.constant 0 : i32
      %dma_start3A_128 = arith.constant 0 : i32
      %dma_start3A_129 = tpu.memref_slice %arg13[%dma_start3A_127, %dma_start3A_128] : memref<10240x128xf32, #tpu.memory_space<vmem_shared>> -> memref<10240x128xf32, #tpu.memory_space<vmem_shared>>
      tpu.enqueue_indirect_dma source(%arg10 : memref<128x128xf32, #tpu.memory_space<vmem>>) target(%dma_start3A_129 : memref<10240x128xf32, #tpu.memory_space<vmem_shared>>) offsets(%dma_start3A_126 : memref<128xi32, #tpu.memory_space<vmem>>) semaphore(%run_scoped3A_123 : memref<!tpu.dma_semaphore, #tpu.memory_space<semaphore_mem>>)
      %dma_wait3A_130 = arith.constant 0 : i32
      %dma_wait3A_131 = tpu.memref_slice %arg12[%run_scoped3A, %dma_wait3A_130] : memref<5x128xi32, #tpu.memory_space<vmem>> -> memref<1x128xi32, #tpu.memory_space<vmem>>
      %dma_wait3A_132 = tpu.memref_squeeze %dma_wait3A_131 : memref<1x128xi32, #tpu.memory_space<vmem>> -> memref<128xi32, #tpu.memory_space<vmem>>
      %dma_wait3A_133 = arith.constant 0 : i32
      %dma_wait3A_134 = arith.constant 0 : i32
      %dma_wait3A_135 = tpu.memref_slice %arg13[%dma_wait3A_133, %dma_wait3A_134] : memref<10240x128xf32, #tpu.memory_space<vmem_shared>> -> memref<10240x128xf32, #tpu.memory_space<vmem_shared>>
      tpu.wait_indirect_dma semaphore(%run_scoped3A_123 : memref<!tpu.dma_semaphore, #tpu.memory_space<semaphore_mem>>) src(%arg10 : memref<128x128xf32, #tpu.memory_space<vmem>>) dst(%dma_wait3A_135 : memref<10240x128xf32, #tpu.memory_space<vmem_shared>>)
      tpu.yield
    }) : () -> ()
    %run_scoped3A_3 = arith.constant 1 : i32
    "tpu.region"() ({
      %run_scoped3A_123 = tpu.sem_alloc : memref<!tpu.dma_semaphore, #tpu.memory_space<semaphore_mem>>
      %dma_start3A_124 = arith.constant 0 : i32
      %dma_start3A_125 = tpu.memref_slice %arg12[%run_scoped3A_3, %dma_start3A_124] : memref<5x128xi32, #tpu.memory_space<vmem>> -> memref<1x128xi32, #tpu.memory_space<vmem>>
      %dma_start3A_126 = tpu.memref_squeeze %dma_start3A_125 : memref<1x128xi32, #tpu.memory_space<vmem>> -> memref<128xi32, #tpu.memory_space<vmem>>
      %dma_start3A_127 = arith.constant 0 : i32
      %dma_start3A_128 = arith.constant 0 : i32
      %dma_start3A_129 = tpu.memref_slice %arg13[%dma_start3A_127, %dma_start3A_128] : memref<10240x128xf32, #tpu.memory_space<vmem_shared>> -> memref<10240x128xf32, #tpu.memory_space<vmem_shared>>
      tpu.enqueue_indirect_dma source(%arg10 : memref<128x128xf32, #tpu.memory_space<vmem>>) target(%dma_start3A_129 : memref<10240x128xf32, #tpu.memory_space<vmem_shared>>) offsets(%dma_start3A_126 : memref<128xi32, #tpu.memory_space<vmem>>) semaphore(%run_scoped3A_123 : memref<!tpu.dma_semaphore, #tpu.memory_space<semaphore_mem>>)
      %dma_wait3A_130 = arith.constant 0 : i32
      %dma_wait3A_131 = tpu.memref_slice %arg12[%run_scoped3A_3, %dma_wait3A_130] : memref<5x128xi32, #tpu.memory_space<vmem>> -> memref<1x128xi32, #tpu.memory_space<vmem>>
      %dma_wait3A_132 = tpu.memref_squeeze %dma_wait3A_131 : memref<1x128xi32, #tpu.memory_space<vmem>> -> memref<128xi32, #tpu.memory_space<vmem>>
      %dma_wait3A_133 = arith.constant 0 : i32
      %dma_wait3A_134 = arith.constant 0 : i32
      %dma_wait3A_135 = tpu.memref_slice %arg13[%dma_wait3A_133, %dma_wait3A_134] : memref<10240x128xf32, #tpu.memory_space<vmem_shared>> -> memref<10240x128xf32, #tpu.memory_space<vmem_shared>>
      tpu.wait_indirect_dma semaphore(%run_scoped3A_123 : memref<!tpu.dma_semaphore, #tpu.memory_space<semaphore_mem>>) src(%arg10 : memref<128x128xf32, #tpu.memory_space<vmem>>) dst(%dma_wait3A_135 : memref<10240x128xf32, #tpu.memory_space<vmem_shared>>)
      tpu.yield
    }) : () -> ()
    %run_scoped3A_4 = arith.constant 2 : i32
    "tpu.region"() ({
      %run_scoped3A_123 = tpu.sem_alloc : memref<!tpu.dma_semaphore, #tpu.memory_space<semaphore_mem>>
      %dma_start3A_124 = arith.constant 0 : i32
      %dma_start3A_125 = tpu.memref_slice %arg12[%run_scoped3A_4, %dma_start3A_124] : memref<5x128xi32, #tpu.memory_space<vmem>> -> memref<1x128xi32, #tpu.memory_space<vmem>>
      %dma_start3A_126 = tpu.memref_squeeze %dma_start3A_125 : memref<1x128xi32, #tpu.memory_space<vmem>> -> memref<128xi32, #tpu.memory_space<vmem>>
      %dma_start3A_127 = arith.constant 0 : i32
      %dma_start3A_128 = arith.constant 0 : i32
      %dma_start3A_129 = tpu.memref_slice %arg13[%dma_start3A_127, %dma_start3A_128] : memref<10240x128xf32, #tpu.memory_space<vmem_shared>> -> memref<10240x128xf32, #tpu.memory_space<vmem_shared>>
      tpu.enqueue_indirect_dma source(%arg10 : memref<128x128xf32, #tpu.memory_space<vmem>>) target(%dma_start3A_129 : memref<10240x128xf32, #tpu.memory_space<vmem_shared>>) offsets(%dma_start3A_126 : memref<128xi32, #tpu.memory_space<vmem>>) semaphore(%run_scoped3A_123 : memref<!tpu.dma_semaphore, #tpu.memory_space<semaphore_mem>>)
      %dma_wait3A_130 = arith.constant 0 : i32
      %dma_wait3A_131 = tpu.memref_slice %arg12[%run_scoped3A_4, %dma_wait3A_130] : memref<5x128xi32, #tpu.memory_space<vmem>> -> memref<1x128xi32, #tpu.memory_space<vmem>>
      %dma_wait3A_132 = tpu.memref_squeeze %dma_wait3A_131 : memref<1x128xi32, #tpu.memory_space<vmem>> -> memref<128xi32, #tpu.memory_space<vmem>>
      %dma_wait3A_133 = arith.constant 0 : i32
      %dma_wait3A_134 = arith.constant 0 : i32
      %dma_wait3A_135 = tpu.memref_slice %arg13[%dma_wait3A_133, %dma_wait3A_134] : memref<10240x128xf32, #tpu.memory_space<vmem_shared>> -> memref<10240x128xf32, #tpu.memory_space<vmem_shared>>
      tpu.wait_indirect_dma semaphore(%run_scoped3A_123 : memref<!tpu.dma_semaphore, #tpu.memory_space<semaphore_mem>>) src(%arg10 : memref<128x128xf32, #tpu.memory_space<vmem>>) dst(%dma_wait3A_135 : memref<10240x128xf32, #tpu.memory_space<vmem_shared>>)
      tpu.yield
    }) : () -> ()
    %run_scoped3A_5 = arith.constant 3 : i32
    "tpu.region"() ({
      %run_scoped3A_123 = tpu.sem_alloc : memref<!tpu.dma_semaphore, #tpu.memory_space<semaphore_mem>>
      %dma_start3A_124 = arith.constant 0 : i32
      %dma_start3A_125 = tpu.memref_slice %arg12[%run_scoped3A_5, %dma_start3A_124] : memref<5x128xi32, #tpu.memory_space<vmem>> -> memref<1x128xi32, #tpu.memory_space<vmem>>
      %dma_start3A_126 = tpu.memref_squeeze %dma_start3A_125 : memref<1x128xi32, #tpu.memory_space<vmem>> -> memref<128xi32, #tpu.memory_space<vmem>>
      %dma_start3A_127 = arith.constant 0 : i32
      %dma_start3A_128 = arith.constant 0 : i32
      %dma_start3A_129 = tpu.memref_slice %arg13[%dma_start3A_127, %dma_start3A_128] : memref<10240x128xf32, #tpu.memory_space<vmem_shared>> -> memref<10240x128xf32, #tpu.memory_space<vmem_shared>>
      tpu.enqueue_indirect_dma source(%arg10 : memref<128x128xf32, #tpu.memory_space<vmem>>) target(%dma_start3A_129 : memref<10240x128xf32, #tpu.memory_space<vmem_shared>>) offsets(%dma_start3A_126 : memref<128xi32, #tpu.memory_space<vmem>>) semaphore(%run_scoped3A_123 : memref<!tpu.dma_semaphore, #tpu.memory_space<semaphore_mem>>)
      %dma_wait3A_130 = arith.constant 0 : i32
      %dma_wait3A_131 = tpu.memref_slice %arg12[%run_scoped3A_5, %dma_wait3A_130] : memref<5x128xi32, #tpu.memory_space<vmem>> -> memref<1x128xi32, #tpu.memory_space<vmem>>
      %dma_wait3A_132 = tpu.memref_squeeze %dma_wait3A_131 : memref<1x128xi32, #tpu.memory_space<vmem>> -> memref<128xi32, #tpu.memory_space<vmem>>
      %dma_wait3A_133 = arith.constant 0 : i32
      %dma_wait3A_134 = arith.constant 0 : i32
      %dma_wait3A_135 = tpu.memref_slice %arg13[%dma_wait3A_133, %dma_wait3A_134] : memref<10240x128xf32, #tpu.memory_space<vmem_shared>> -> memref<10240x128xf32, #tpu.memory_space<vmem_shared>>
      tpu.wait_indirect_dma semaphore(%run_scoped3A_123 : memref<!tpu.dma_semaphore, #tpu.memory_space<semaphore_mem>>) src(%arg10 : memref<128x128xf32, #tpu.memory_space<vmem>>) dst(%dma_wait3A_135 : memref<10240x128xf32, #tpu.memory_space<vmem_shared>>)
      tpu.yield
    }) : () -> ()
    %run_scoped3A_6 = arith.constant 4 : i32
    "tpu.region"() ({
      %run_scoped3A_123 = tpu.sem_alloc : memref<!tpu.dma_semaphore, #tpu.memory_space<semaphore_mem>>
      %dma_start3A_124 = arith.constant 0 : i32
      %dma_start3A_125 = tpu.memref_slice %arg12[%run_scoped3A_6, %dma_start3A_124] : memref<5x128xi32, #tpu.memory_space<vmem>> -> memref<1x128xi32, #tpu.memory_space<vmem>>
      %dma_start3A_126 = tpu.memref_squeeze %dma_start3A_125 : memref<1x128xi32, #tpu.memory_space<vmem>> -> memref<128xi32, #tpu.memory_space<vmem>>
      %dma_start3A_127 = arith.constant 0 : i32
      %dma_start3A_128 = arith.constant 0 : i32
      %dma_start3A_129 = tpu.memref_slice %arg13[%dma_start3A_127, %dma_start3A_128] : memref<10240x128xf32, #tpu.memory_space<vmem_shared>> -> memref<10240x128xf32, #tpu.memory_space<vmem_shared>>
      tpu.enqueue_indirect_dma source(%arg10 : memref<128x128xf32, #tpu.memory_space<vmem>>) target(%dma_start3A_129 : memref<10240x128xf32, #tpu.memory_space<vmem_shared>>) offsets(%dma_start3A_126 : memref<128xi32, #tpu.memory_space<vmem>>) semaphore(%run_scoped3A_123 : memref<!tpu.dma_semaphore, #tpu.memory_space<semaphore_mem>>)
      %dma_wait3A_130 = arith.constant 0 : i32
      %dma_wait3A_131 = tpu.memref_slice %arg12[%run_scoped3A_6, %dma_wait3A_130] : memref<5x128xi32, #tpu.memory_space<vmem>> -> memref<1x128xi32, #tpu.memory_space<vmem>>
      %dma_wait3A_132 = tpu.memref_squeeze %dma_wait3A_131 : memref<1x128xi32, #tpu.memory_space<vmem>> -> memref<128xi32, #tpu.memory_space<vmem>>
      %dma_wait3A_133 = arith.constant 0 : i32
      %dma_wait3A_134 = arith.constant 0 : i32
      %dma_wait3A_135 = tpu.memref_slice %arg13[%dma_wait3A_133, %dma_wait3A_134] : memref<10240x128xf32, #tpu.memory_space<vmem_shared>> -> memref<10240x128xf32, #tpu.memory_space<vmem_shared>>
      tpu.wait_indirect_dma semaphore(%run_scoped3A_123 : memref<!tpu.dma_semaphore, #tpu.memory_space<semaphore_mem>>) src(%arg10 : memref<128x128xf32, #tpu.memory_space<vmem>>) dst(%dma_wait3A_135 : memref<10240x128xf32, #tpu.memory_space<vmem_shared>>)
      tpu.yield
    }) : () -> ()
    %barrier3A = arith.constant 0 : index
    tpu.barrier barrier_id(%barrier3A)
    "tpu.region"() ({
      %run_scoped3A_123 = tpu.sem_alloc : memref<!tpu.dma_semaphore, #tpu.memory_space<semaphore_mem>>
      %dma_start3A_124 = arith.constant 0 : i32
      %dma_start3A_125 = arith.constant 0 : i32
      %dma_start3A_126 = tpu.memref_slice %arg3[%add3A, %dma_start3A_124, %dma_start3A_125] : memref<32x80x128xi32, #tpu.memory_space<hbm>> -> memref<1x80x128xi32, #tpu.memory_space<hbm>>
      %dma_start3A_127 = tpu.memref_squeeze %dma_start3A_126 : memref<1x80x128xi32, #tpu.memory_space<hbm>> -> memref<80x128xi32, #tpu.memory_space<hbm>>
      %dma_start3A_128 = arith.constant 0 : i32
      %dma_start3A_129 = arith.constant 0 : i32
      %dma_start3A_130 = tpu.memref_slice %dma_start3A_127[%dma_start3A_128, %dma_start3A_129] : memref<80x128xi32, #tpu.memory_space<hbm>> -> memref<40x128xi32, #tpu.memory_space<hbm>>
      %dma_start3A_131 = arith.constant 0 : i32
      %dma_start3A_132 = arith.constant 0 : i32
      %dma_start3A_133 = tpu.memref_slice %arg3[%add3A, %dma_start3A_131, %dma_start3A_132] : memref<32x80x128xi32, #tpu.memory_space<hbm>> -> memref<1x80x128xi32, #tpu.memory_space<hbm>>
      %dma_start3A_134 = tpu.memref_squeeze %dma_start3A_133 : memref<1x80x128xi32, #tpu.memory_space<hbm>> -> memref<80x128xi32, #tpu.memory_space<hbm>>
      %dma_start3A_135 = arith.constant 0 : i32
      %dma_start3A_136 = arith.constant 0 : i32
      %dma_start3A_137 = tpu.memref_slice %dma_start3A_134[%dma_start3A_135, %dma_start3A_136] : memref<80x128xi32, #tpu.memory_space<hbm>> -> memref<40x128xi32, #tpu.memory_space<hbm>>
      tpu.enqueue_dma source(%dma_start3A_137 : memref<40x128xi32, #tpu.memory_space<hbm>>) target(%arg8 : memref<40x128xi32, #tpu.memory_space<vmem>>) target_semaphore(%run_scoped3A_123 : memref<!tpu.dma_semaphore, #tpu.memory_space<semaphore_mem>>)
      %dma_wait3A_138 = arith.constant 0 : i32
      %dma_wait3A_139 = arith.constant 0 : i32
      %dma_wait3A_140 = tpu.memref_slice %arg3[%add3A, %dma_wait3A_138, %dma_wait3A_139] : memref<32x80x128xi32, #tpu.memory_space<hbm>> -> memref<1x80x128xi32, #tpu.memory_space<hbm>>
      %dma_wait3A_141 = tpu.memref_squeeze %dma_wait3A_140 : memref<1x80x128xi32, #tpu.memory_space<hbm>> -> memref<80x128xi32, #tpu.memory_space<hbm>>
      %dma_wait3A_142 = arith.constant 0 : i32
      %dma_wait3A_143 = arith.constant 0 : i32
      %dma_wait3A_144 = tpu.memref_slice %dma_wait3A_141[%dma_wait3A_142, %dma_wait3A_143] : memref<80x128xi32, #tpu.memory_space<hbm>> -> memref<40x128xi32, #tpu.memory_space<hbm>>
      %dma_wait3A_145 = arith.constant 0 : i32
      %dma_wait3A_146 = arith.constant 0 : i32
      %dma_wait3A_147 = tpu.memref_slice %arg3[%add3A, %dma_wait3A_145, %dma_wait3A_146] : memref<32x80x128xi32, #tpu.memory_space<hbm>> -> memref<1x80x128xi32, #tpu.memory_space<hbm>>
      %dma_wait3A_148 = tpu.memref_squeeze %dma_wait3A_147 : memref<1x80x128xi32, #tpu.memory_space<hbm>> -> memref<80x128xi32, #tpu.memory_space<hbm>>
      %dma_wait3A_149 = arith.constant 0 : i32
      %dma_wait3A_150 = arith.constant 0 : i32
      %dma_wait3A_151 = tpu.memref_slice %dma_wait3A_148[%dma_wait3A_149, %dma_wait3A_150] : memref<80x128xi32, #tpu.memory_space<hbm>> -> memref<40x128xi32, #tpu.memory_space<hbm>>
      tpu.wait_dma2 semaphore(%run_scoped3A_123 : memref<!tpu.dma_semaphore, #tpu.memory_space<semaphore_mem>>) src(%dma_wait3A_151 : memref<40x128xi32, #tpu.memory_space<hbm>>) dst(%arg8 : memref<40x128xi32, #tpu.memory_space<vmem>>)
      tpu.yield
    }) : () -> ()
    "tpu.region"() ({
      %run_scoped3A_123 = tpu.sem_alloc : memref<!tpu.dma_semaphore, #tpu.memory_space<semaphore_mem>>
      %dma_start3A_124 = arith.constant 0 : i32
      %dma_start3A_125 = arith.constant 0 : i32
      %dma_start3A_126 = tpu.memref_slice %arg4[%add3A, %dma_start3A_124, %dma_start3A_125] : memref<32x80x128xi32, #tpu.memory_space<hbm>> -> memref<1x80x128xi32, #tpu.memory_space<hbm>>
      %dma_start3A_127 = tpu.memref_squeeze %dma_start3A_126 : memref<1x80x128xi32, #tpu.memory_space<hbm>> -> memref<80x128xi32, #tpu.memory_space<hbm>>
      %dma_start3A_128 = arith.constant 0 : i32
      %dma_start3A_129 = arith.constant 0 : i32
      %dma_start3A_130 = tpu.memref_slice %dma_start3A_127[%dma_start3A_128, %dma_start3A_129] : memref<80x128xi32, #tpu.memory_space<hbm>> -> memref<40x128xi32, #tpu.memory_space<hbm>>
      %dma_start3A_131 = arith.constant 0 : i32
      %dma_start3A_132 = arith.constant 0 : i32
      %dma_start3A_133 = tpu.memref_slice %arg4[%add3A, %dma_start3A_131, %dma_start3A_132] : memref<32x80x128xi32, #tpu.memory_space<hbm>> -> memref<1x80x128xi32, #tpu.memory_space<hbm>>
      %dma_start3A_134 = tpu.memref_squeeze %dma_start3A_133 : memref<1x80x128xi32, #tpu.memory_space<hbm>> -> memref<80x128xi32, #tpu.memory_space<hbm>>
      %dma_start3A_135 = arith.constant 0 : i32
      %dma_start3A_136 = arith.constant 0 : i32
      %dma_start3A_137 = tpu.memref_slice %dma_start3A_134[%dma_start3A_135, %dma_start3A_136] : memref<80x128xi32, #tpu.memory_space<hbm>> -> memref<40x128xi32, #tpu.memory_space<hbm>>
      tpu.enqueue_dma source(%dma_start3A_137 : memref<40x128xi32, #tpu.memory_space<hbm>>) target(%arg9 : memref<40x128xi32, #tpu.memory_space<vmem>>) target_semaphore(%run_scoped3A_123 : memref<!tpu.dma_semaphore, #tpu.memory_space<semaphore_mem>>)
      %dma_wait3A_138 = arith.constant 0 : i32
      %dma_wait3A_139 = arith.constant 0 : i32
      %dma_wait3A_140 = tpu.memref_slice %arg4[%add3A, %dma_wait3A_138, %dma_wait3A_139] : memref<32x80x128xi32, #tpu.memory_space<hbm>> -> memref<1x80x128xi32, #tpu.memory_space<hbm>>
      %dma_wait3A_141 = tpu.memref_squeeze %dma_wait3A_140 : memref<1x80x128xi32, #tpu.memory_space<hbm>> -> memref<80x128xi32, #tpu.memory_space<hbm>>
      %dma_wait3A_142 = arith.constant 0 : i32
      %dma_wait3A_143 = arith.constant 0 : i32
      %dma_wait3A_144 = tpu.memref_slice %dma_wait3A_141[%dma_wait3A_142, %dma_wait3A_143] : memref<80x128xi32, #tpu.memory_space<hbm>> -> memref<40x128xi32, #tpu.memory_space<hbm>>
      %dma_wait3A_145 = arith.constant 0 : i32
      %dma_wait3A_146 = arith.constant 0 : i32
      %dma_wait3A_147 = tpu.memref_slice %arg4[%add3A, %dma_wait3A_145, %dma_wait3A_146] : memref<32x80x128xi32, #tpu.memory_space<hbm>> -> memref<1x80x128xi32, #tpu.memory_space<hbm>>
      %dma_wait3A_148 = tpu.memref_squeeze %dma_wait3A_147 : memref<1x80x128xi32, #tpu.memory_space<hbm>> -> memref<80x128xi32, #tpu.memory_space<hbm>>
      %dma_wait3A_149 = arith.constant 0 : i32
      %dma_wait3A_150 = arith.constant 0 : i32
      %dma_wait3A_151 = tpu.memref_slice %dma_wait3A_148[%dma_wait3A_149, %dma_wait3A_150] : memref<80x128xi32, #tpu.memory_space<hbm>> -> memref<40x128xi32, #tpu.memory_space<hbm>>
      tpu.wait_dma2 semaphore(%run_scoped3A_123 : memref<!tpu.dma_semaphore, #tpu.memory_space<semaphore_mem>>) src(%dma_wait3A_151 : memref<40x128xi32, #tpu.memory_space<hbm>>) dst(%arg9 : memref<40x128xi32, #tpu.memory_space<vmem>>)
      tpu.yield
    }) : () -> ()
    %dma_start3A = arith.constant 0 : i32
    %dma_start3A_7 = arith.constant 0 : i32
    %dma_start3A_8 = tpu.memref_slice %arg8[%dma_start3A, %dma_start3A_7] : memref<40x128xi32, #tpu.memory_space<vmem>> -> memref<1x128xi32, #tpu.memory_space<vmem>>
    %dma_start3A_9 = tpu.memref_squeeze %dma_start3A_8 : memref<1x128xi32, #tpu.memory_space<vmem>> -> memref<128xi32, #tpu.memory_space<vmem>>
    %dma_start3A_10 = arith.constant 0 : i32
    %dma_start3A_11 = arith.constant 0 : i32
    %dma_start3A_12 = tpu.memref_slice %arg2[%dma_start3A_10, %dma_start3A_11] : memref<10240x128xf32, #tpu.memory_space<hbm>> -> memref<10240x128xf32, #tpu.memory_space<hbm>>
    tpu.enqueue_indirect_dma source(%dma_start3A_12 : memref<10240x128xf32, #tpu.memory_space<hbm>>) target(%arg10 : memref<128x128xf32, #tpu.memory_space<vmem>>) offsets(%dma_start3A_9 : memref<128xi32, #tpu.memory_space<vmem>>) semaphore(%arg14 : memref<!tpu.dma_semaphore, #tpu.memory_space<semaphore_mem>>)
    %scan3A = arith.constant 0 : i32
    %scan3A_13 = arith.constant 20 : i32
    %scan3A_14 = arith.addi %scan3A, %scan3A_13 : i32
    %scan3A_15 = arith.constant 1 : i32
    scf.for %scan3A_123 = %scan3A to %scan3A_14 step %scan3A_15  : i32 {
      %mul3A_124 = arith.constant 2 : i32
      %mul3A_125 = arith.muli %scan3A_123, %mul3A_124 : i32
      %add3A_126 = arith.constant 0 : i32
      %add3A_127 = arith.addi %add3A_126, %mul3A_125 : i32
      %add3A_128 = arith.constant 1 : i32
      %add3A_129 = arith.addi %add3A_127, %add3A_128 : i32
      %dma_start3A_130 = arith.constant 0 : i32
      %dma_start3A_131 = tpu.memref_slice %arg8[%add3A_129, %dma_start3A_130] : memref<40x128xi32, #tpu.memory_space<vmem>> -> memref<1x128xi32, #tpu.memory_space<vmem>>
      %dma_start3A_132 = tpu.memref_squeeze %dma_start3A_131 : memref<1x128xi32, #tpu.memory_space<vmem>> -> memref<128xi32, #tpu.memory_space<vmem>>
      %dma_start3A_133 = arith.constant 0 : i32
      %dma_start3A_134 = arith.constant 0 : i32
      %dma_start3A_135 = tpu.memref_slice %arg2[%dma_start3A_133, %dma_start3A_134] : memref<10240x128xf32, #tpu.memory_space<hbm>> -> memref<10240x128xf32, #tpu.memory_space<hbm>>
      tpu.enqueue_indirect_dma source(%dma_start3A_135 : memref<10240x128xf32, #tpu.memory_space<hbm>>) target(%arg11 : memref<128x128xf32, #tpu.memory_space<vmem>>) offsets(%dma_start3A_132 : memref<128xi32, #tpu.memory_space<vmem>>) semaphore(%arg15 : memref<!tpu.dma_semaphore, #tpu.memory_space<semaphore_mem>>)
      %dma_wait3A_136 = arith.constant 0 : i32
      %dma_wait3A_137 = tpu.memref_slice %arg8[%add3A_127, %dma_wait3A_136] : memref<40x128xi32, #tpu.memory_space<vmem>> -> memref<1x128xi32, #tpu.memory_space<vmem>>
      %dma_wait3A_138 = tpu.memref_squeeze %dma_wait3A_137 : memref<1x128xi32, #tpu.memory_space<vmem>> -> memref<128xi32, #tpu.memory_space<vmem>>
      %dma_wait3A_139 = arith.constant 0 : i32
      %dma_wait3A_140 = arith.constant 0 : i32
      %dma_wait3A_141 = tpu.memref_slice %arg2[%dma_wait3A_139, %dma_wait3A_140] : memref<10240x128xf32, #tpu.memory_space<hbm>> -> memref<10240x128xf32, #tpu.memory_space<hbm>>
      tpu.wait_indirect_dma semaphore(%arg14 : memref<!tpu.dma_semaphore, #tpu.memory_space<semaphore_mem>>) src(%dma_wait3A_141 : memref<10240x128xf32, #tpu.memory_space<hbm>>) dst(%arg10 : memref<128x128xf32, #tpu.memory_space<vmem>>)
      "tpu.region"() ({
        %run_scoped3A_159 = tpu.sem_alloc : memref<!tpu.dma_semaphore, #tpu.memory_space<semaphore_mem>>
        %dma_start3A_160 = arith.constant 0 : i32
        %dma_start3A_161 = tpu.memref_slice %arg9[%add3A_127, %dma_start3A_160] : memref<40x128xi32, #tpu.memory_space<vmem>> -> memref<1x128xi32, #tpu.memory_space<vmem>>
        %dma_start3A_162 = tpu.memref_squeeze %dma_start3A_161 : memref<1x128xi32, #tpu.memory_space<vmem>> -> memref<128xi32, #tpu.memory_space<vmem>>
        %dma_start3A_163 = arith.constant 0 : i32
        %dma_start3A_164 = arith.constant 0 : i32
        %dma_start3A_165 = tpu.memref_slice %arg13[%dma_start3A_163, %dma_start3A_164] : memref<10240x128xf32, #tpu.memory_space<vmem_shared>> -> memref<10240x128xf32, #tpu.memory_space<vmem_shared>>
        tpu.enqueue_indirect_dma source(%arg10 : memref<128x128xf32, #tpu.memory_space<vmem>>) target(%dma_start3A_165 : memref<10240x128xf32, #tpu.memory_space<vmem_shared>>) offsets(%dma_start3A_162 : memref<128xi32, #tpu.memory_space<vmem>>) semaphore(%run_scoped3A_159 : memref<!tpu.dma_semaphore, #tpu.memory_space<semaphore_mem>>) {add = true}
        %dma_wait3A_166 = arith.constant 0 : i32
        %dma_wait3A_167 = tpu.memref_slice %arg9[%add3A_127, %dma_wait3A_166] : memref<40x128xi32, #tpu.memory_space<vmem>> -> memref<1x128xi32, #tpu.memory_space<vmem>>
        %dma_wait3A_168 = tpu.memref_squeeze %dma_wait3A_167 : memref<1x128xi32, #tpu.memory_space<vmem>> -> memref<128xi32, #tpu.memory_space<vmem>>
        %dma_wait3A_169 = arith.constant 0 : i32
        %dma_wait3A_170 = arith.constant 0 : i32
        %dma_wait3A_171 = tpu.memref_slice %arg13[%dma_wait3A_169, %dma_wait3A_170] : memref<10240x128xf32, #tpu.memory_space<vmem_shared>> -> memref<10240x128xf32, #tpu.memory_space<vmem_shared>>
        tpu.wait_indirect_dma semaphore(%run_scoped3A_159 : memref<!tpu.dma_semaphore, #tpu.memory_space<semaphore_mem>>) src(%arg10 : memref<128x128xf32, #tpu.memory_space<vmem>>) dst(%dma_wait3A_171 : memref<10240x128xf32, #tpu.memory_space<vmem_shared>>)
        tpu.yield
      }) : () -> ()
      %add3A_142 = arith.constant 2 : i32
      %add3A_143 = arith.addi %add3A_127, %add3A_142 : i32
      %min3A = arith.constant 39 : i32
      %min3A_144 = arith.minsi %add3A_143, %min3A : i32
      %dma_start3A_145 = arith.constant 0 : i32
      %dma_start3A_146 = tpu.memref_slice %arg8[%min3A_144, %dma_start3A_145] : memref<40x128xi32, #tpu.memory_space<vmem>> -> memref<1x128xi32, #tpu.memory_space<vmem>>
      %dma_start3A_147 = tpu.memref_squeeze %dma_start3A_146 : memref<1x128xi32, #tpu.memory_space<vmem>> -> memref<128xi32, #tpu.memory_space<vmem>>
      %dma_start3A_148 = arith.constant 0 : i32
      %dma_start3A_149 = arith.constant 0 : i32
      %dma_start3A_150 = tpu.memref_slice %arg2[%dma_start3A_148, %dma_start3A_149] : memref<10240x128xf32, #tpu.memory_space<hbm>> -> memref<10240x128xf32, #tpu.memory_space<hbm>>
      tpu.enqueue_indirect_dma source(%dma_start3A_150 : memref<10240x128xf32, #tpu.memory_space<hbm>>) target(%arg10 : memref<128x128xf32, #tpu.memory_space<vmem>>) offsets(%dma_start3A_147 : memref<128xi32, #tpu.memory_space<vmem>>) semaphore(%arg14 : memref<!tpu.dma_semaphore, #tpu.memory_space<semaphore_mem>>)
      %dma_wait3A_151 = arith.constant 0 : i32
      %dma_wait3A_152 = tpu.memref_slice %arg8[%add3A_127, %dma_wait3A_151] : memref<40x128xi32, #tpu.memory_space<vmem>> -> memref<1x128xi32, #tpu.memory_space<vmem>>
      %dma_wait3A_153 = tpu.memref_squeeze %dma_wait3A_152 : memref<1x128xi32, #tpu.memory_space<vmem>> -> memref<128xi32, #tpu.memory_space<vmem>>
      %dma_wait3A_154 = arith.constant 0 : i32
      %dma_wait3A_155 = arith.constant 0 : i32
      %dma_wait3A_156 = tpu.memref_slice %arg2[%dma_wait3A_154, %dma_wait3A_155] : memref<10240x128xf32, #tpu.memory_space<hbm>> -> memref<10240x128xf32, #tpu.memory_space<hbm>>
      tpu.wait_indirect_dma semaphore(%arg15 : memref<!tpu.dma_semaphore, #tpu.memory_space<semaphore_mem>>) src(%dma_wait3A_156 : memref<10240x128xf32, #tpu.memory_space<hbm>>) dst(%arg11 : memref<128x128xf32, #tpu.memory_space<vmem>>)
      %add3A_157 = arith.constant 1 : i32
      %add3A_158 = arith.addi %add3A_127, %add3A_157 : i32
      "tpu.region"() ({
        %run_scoped3A_159 = tpu.sem_alloc : memref<!tpu.dma_semaphore, #tpu.memory_space<semaphore_mem>>
        %dma_start3A_160 = arith.constant 0 : i32
        %dma_start3A_161 = tpu.memref_slice %arg9[%add3A_158, %dma_start3A_160] : memref<40x128xi32, #tpu.memory_space<vmem>> -> memref<1x128xi32, #tpu.memory_space<vmem>>
        %dma_start3A_162 = tpu.memref_squeeze %dma_start3A_161 : memref<1x128xi32, #tpu.memory_space<vmem>> -> memref<128xi32, #tpu.memory_space<vmem>>
        %dma_start3A_163 = arith.constant 0 : i32
        %dma_start3A_164 = arith.constant 0 : i32
        %dma_start3A_165 = tpu.memref_slice %arg13[%dma_start3A_163, %dma_start3A_164] : memref<10240x128xf32, #tpu.memory_space<vmem_shared>> -> memref<10240x128xf32, #tpu.memory_space<vmem_shared>>
        tpu.enqueue_indirect_dma source(%arg11 : memref<128x128xf32, #tpu.memory_space<vmem>>) target(%dma_start3A_165 : memref<10240x128xf32, #tpu.memory_space<vmem_shared>>) offsets(%dma_start3A_162 : memref<128xi32, #tpu.memory_space<vmem>>) semaphore(%run_scoped3A_159 : memref<!tpu.dma_semaphore, #tpu.memory_space<semaphore_mem>>) {add = true}
        %dma_wait3A_166 = arith.constant 0 : i32
        %dma_wait3A_167 = tpu.memref_slice %arg9[%add3A_158, %dma_wait3A_166] : memref<40x128xi32, #tpu.memory_space<vmem>> -> memref<1x128xi32, #tpu.memory_space<vmem>>
        %dma_wait3A_168 = tpu.memref_squeeze %dma_wait3A_167 : memref<1x128xi32, #tpu.memory_space<vmem>> -> memref<128xi32, #tpu.memory_space<vmem>>
        %dma_wait3A_169 = arith.constant 0 : i32
        %dma_wait3A_170 = arith.constant 0 : i32
        %dma_wait3A_171 = tpu.memref_slice %arg13[%dma_wait3A_169, %dma_wait3A_170] : memref<10240x128xf32, #tpu.memory_space<vmem_shared>> -> memref<10240x128xf32, #tpu.memory_space<vmem_shared>>
        tpu.wait_indirect_dma semaphore(%run_scoped3A_159 : memref<!tpu.dma_semaphore, #tpu.memory_space<semaphore_mem>>) src(%arg11 : memref<128x128xf32, #tpu.memory_space<vmem>>) dst(%dma_wait3A_171 : memref<10240x128xf32, #tpu.memory_space<vmem_shared>>)
        tpu.yield
      }) : () -> ()
    }
    %scan3A_16 = arith.constant 20 : i32
    %dma_wait3A = arith.constant 0 : i32
    %dma_wait3A_17 = arith.constant 0 : i32
    %dma_wait3A_18 = tpu.memref_slice %arg8[%dma_wait3A, %dma_wait3A_17] : memref<40x128xi32, #tpu.memory_space<vmem>> -> memref<1x128xi32, #tpu.memory_space<vmem>>
    %dma_wait3A_19 = tpu.memref_squeeze %dma_wait3A_18 : memref<1x128xi32, #tpu.memory_space<vmem>> -> memref<128xi32, #tpu.memory_space<vmem>>
    %dma_wait3A_20 = arith.constant 0 : i32
    %dma_wait3A_21 = arith.constant 0 : i32
    %dma_wait3A_22 = tpu.memref_slice %arg2[%dma_wait3A_20, %dma_wait3A_21] : memref<10240x128xf32, #tpu.memory_space<hbm>> -> memref<10240x128xf32, #tpu.memory_space<hbm>>
    tpu.wait_indirect_dma semaphore(%arg14 : memref<!tpu.dma_semaphore, #tpu.memory_space<semaphore_mem>>) src(%dma_wait3A_22 : memref<10240x128xf32, #tpu.memory_space<hbm>>) dst(%arg10 : memref<128x128xf32, #tpu.memory_space<vmem>>)
    "tpu.region"() ({
      %run_scoped3A_123 = tpu.sem_alloc : memref<!tpu.dma_semaphore, #tpu.memory_space<semaphore_mem>>
      %dma_start3A_124 = arith.constant 0 : i32
      %dma_start3A_125 = arith.constant 0 : i32
      %dma_start3A_126 = tpu.memref_slice %arg3[%add3A, %dma_start3A_124, %dma_start3A_125] : memref<32x80x128xi32, #tpu.memory_space<hbm>> -> memref<1x80x128xi32, #tpu.memory_space<hbm>>
      %dma_start3A_127 = tpu.memref_squeeze %dma_start3A_126 : memref<1x80x128xi32, #tpu.memory_space<hbm>> -> memref<80x128xi32, #tpu.memory_space<hbm>>
      %dma_start3A_128 = arith.constant 40 : i32
      %dma_start3A_129 = arith.constant 0 : i32
      %dma_start3A_130 = tpu.memref_slice %dma_start3A_127[%dma_start3A_128, %dma_start3A_129] : memref<80x128xi32, #tpu.memory_space<hbm>> -> memref<40x128xi32, #tpu.memory_space<hbm>>
      %dma_start3A_131 = arith.constant 0 : i32
      %dma_start3A_132 = arith.constant 0 : i32
      %dma_start3A_133 = tpu.memref_slice %arg3[%add3A, %dma_start3A_131, %dma_start3A_132] : memref<32x80x128xi32, #tpu.memory_space<hbm>> -> memref<1x80x128xi32, #tpu.memory_space<hbm>>
      %dma_start3A_134 = tpu.memref_squeeze %dma_start3A_133 : memref<1x80x128xi32, #tpu.memory_space<hbm>> -> memref<80x128xi32, #tpu.memory_space<hbm>>
      %dma_start3A_135 = arith.constant 40 : i32
      %dma_start3A_136 = arith.constant 0 : i32
      %dma_start3A_137 = tpu.memref_slice %dma_start3A_134[%dma_start3A_135, %dma_start3A_136] : memref<80x128xi32, #tpu.memory_space<hbm>> -> memref<40x128xi32, #tpu.memory_space<hbm>>
      tpu.enqueue_dma source(%dma_start3A_137 : memref<40x128xi32, #tpu.memory_space<hbm>>) target(%arg8 : memref<40x128xi32, #tpu.memory_space<vmem>>) target_semaphore(%run_scoped3A_123 : memref<!tpu.dma_semaphore, #tpu.memory_space<semaphore_mem>>)
      %dma_wait3A_138 = arith.constant 0 : i32
      %dma_wait3A_139 = arith.constant 0 : i32
      %dma_wait3A_140 = tpu.memref_slice %arg3[%add3A, %dma_wait3A_138, %dma_wait3A_139] : memref<32x80x128xi32, #tpu.memory_space<hbm>> -> memref<1x80x128xi32, #tpu.memory_space<hbm>>
      %dma_wait3A_141 = tpu.memref_squeeze %dma_wait3A_140 : memref<1x80x128xi32, #tpu.memory_space<hbm>> -> memref<80x128xi32, #tpu.memory_space<hbm>>
      %dma_wait3A_142 = arith.constant 40 : i32
      %dma_wait3A_143 = arith.constant 0 : i32
      %dma_wait3A_144 = tpu.memref_slice %dma_wait3A_141[%dma_wait3A_142, %dma_wait3A_143] : memref<80x128xi32, #tpu.memory_space<hbm>> -> memref<40x128xi32, #tpu.memory_space<hbm>>
      %dma_wait3A_145 = arith.constant 0 : i32
      %dma_wait3A_146 = arith.constant 0 : i32
      %dma_wait3A_147 = tpu.memref_slice %arg3[%add3A, %dma_wait3A_145, %dma_wait3A_146] : memref<32x80x128xi32, #tpu.memory_space<hbm>> -> memref<1x80x128xi32, #tpu.memory_space<hbm>>
      %dma_wait3A_148 = tpu.memref_squeeze %dma_wait3A_147 : memref<1x80x128xi32, #tpu.memory_space<hbm>> -> memref<80x128xi32, #tpu.memory_space<hbm>>
      %dma_wait3A_149 = arith.constant 40 : i32
      %dma_wait3A_150 = arith.constant 0 : i32
      %dma_wait3A_151 = tpu.memref_slice %dma_wait3A_148[%dma_wait3A_149, %dma_wait3A_150] : memref<80x128xi32, #tpu.memory_space<hbm>> -> memref<40x128xi32, #tpu.memory_space<hbm>>
      tpu.wait_dma2 semaphore(%run_scoped3A_123 : memref<!tpu.dma_semaphore, #tpu.memory_space<semaphore_mem>>) src(%dma_wait3A_151 : memref<40x128xi32, #tpu.memory_space<hbm>>) dst(%arg8 : memref<40x128xi32, #tpu.memory_space<vmem>>)
      tpu.yield
    }) : () -> ()
    "tpu.region"() ({
      %run_scoped3A_123 = tpu.sem_alloc : memref<!tpu.dma_semaphore, #tpu.memory_space<semaphore_mem>>
      %dma_start3A_124 = arith.constant 0 : i32
      %dma_start3A_125 = arith.constant 0 : i32
      %dma_start3A_126 = tpu.memref_slice %arg4[%add3A, %dma_start3A_124, %dma_start3A_125] : memref<32x80x128xi32, #tpu.memory_space<hbm>> -> memref<1x80x128xi32, #tpu.memory_space<hbm>>
      %dma_start3A_127 = tpu.memref_squeeze %dma_start3A_126 : memref<1x80x128xi32, #tpu.memory_space<hbm>> -> memref<80x128xi32, #tpu.memory_space<hbm>>
      %dma_start3A_128 = arith.constant 40 : i32
      %dma_start3A_129 = arith.constant 0 : i32
      %dma_start3A_130 = tpu.memref_slice %dma_start3A_127[%dma_start3A_128, %dma_start3A_129] : memref<80x128xi32, #tpu.memory_space<hbm>> -> memref<40x128xi32, #tpu.memory_space<hbm>>
      %dma_start3A_131 = arith.constant 0 : i32
      %dma_start3A_132 = arith.constant 0 : i32
      %dma_start3A_133 = tpu.memref_slice %arg4[%add3A, %dma_start3A_131, %dma_start3A_132] : memref<32x80x128xi32, #tpu.memory_space<hbm>> -> memref<1x80x128xi32, #tpu.memory_space<hbm>>
      %dma_start3A_134 = tpu.memref_squeeze %dma_start3A_133 : memref<1x80x128xi32, #tpu.memory_space<hbm>> -> memref<80x128xi32, #tpu.memory_space<hbm>>
      %dma_start3A_135 = arith.constant 40 : i32
      %dma_start3A_136 = arith.constant 0 : i32
      %dma_start3A_137 = tpu.memref_slice %dma_start3A_134[%dma_start3A_135, %dma_start3A_136] : memref<80x128xi32, #tpu.memory_space<hbm>> -> memref<40x128xi32, #tpu.memory_space<hbm>>
      tpu.enqueue_dma source(%dma_start3A_137 : memref<40x128xi32, #tpu.memory_space<hbm>>) target(%arg9 : memref<40x128xi32, #tpu.memory_space<vmem>>) target_semaphore(%run_scoped3A_123 : memref<!tpu.dma_semaphore, #tpu.memory_space<semaphore_mem>>)
      %dma_wait3A_138 = arith.constant 0 : i32
      %dma_wait3A_139 = arith.constant 0 : i32
      %dma_wait3A_140 = tpu.memref_slice %arg4[%add3A, %dma_wait3A_138, %dma_wait3A_139] : memref<32x80x128xi32, #tpu.memory_space<hbm>> -> memref<1x80x128xi32, #tpu.memory_space<hbm>>
      %dma_wait3A_141 = tpu.memref_squeeze %dma_wait3A_140 : memref<1x80x128xi32, #tpu.memory_space<hbm>> -> memref<80x128xi32, #tpu.memory_space<hbm>>
      %dma_wait3A_142 = arith.constant 40 : i32
      %dma_wait3A_143 = arith.constant 0 : i32
      %dma_wait3A_144 = tpu.memref_slice %dma_wait3A_141[%dma_wait3A_142, %dma_wait3A_143] : memref<80x128xi32, #tpu.memory_space<hbm>> -> memref<40x128xi32, #tpu.memory_space<hbm>>
      %dma_wait3A_145 = arith.constant 0 : i32
      %dma_wait3A_146 = arith.constant 0 : i32
      %dma_wait3A_147 = tpu.memref_slice %arg4[%add3A, %dma_wait3A_145, %dma_wait3A_146] : memref<32x80x128xi32, #tpu.memory_space<hbm>> -> memref<1x80x128xi32, #tpu.memory_space<hbm>>
      %dma_wait3A_148 = tpu.memref_squeeze %dma_wait3A_147 : memref<1x80x128xi32, #tpu.memory_space<hbm>> -> memref<80x128xi32, #tpu.memory_space<hbm>>
      %dma_wait3A_149 = arith.constant 40 : i32
      %dma_wait3A_150 = arith.constant 0 : i32
      %dma_wait3A_151 = tpu.memref_slice %dma_wait3A_148[%dma_wait3A_149, %dma_wait3A_150] : memref<80x128xi32, #tpu.memory_space<hbm>> -> memref<40x128xi32, #tpu.memory_space<hbm>>
      tpu.wait_dma2 semaphore(%run_scoped3A_123 : memref<!tpu.dma_semaphore, #tpu.memory_space<semaphore_mem>>) src(%dma_wait3A_151 : memref<40x128xi32, #tpu.memory_space<hbm>>) dst(%arg9 : memref<40x128xi32, #tpu.memory_space<vmem>>)
      tpu.yield
    }) : () -> ()
    %dma_start3A_23 = arith.constant 0 : i32
    %dma_start3A_24 = arith.constant 0 : i32
    %dma_start3A_25 = tpu.memref_slice %arg8[%dma_start3A_23, %dma_start3A_24] : memref<40x128xi32, #tpu.memory_space<vmem>> -> memref<1x128xi32, #tpu.memory_space<vmem>>
    %dma_start3A_26 = tpu.memref_squeeze %dma_start3A_25 : memref<1x128xi32, #tpu.memory_space<vmem>> -> memref<128xi32, #tpu.memory_space<vmem>>
    %dma_start3A_27 = arith.constant 0 : i32
    %dma_start3A_28 = arith.constant 0 : i32
    %dma_start3A_29 = tpu.memref_slice %arg2[%dma_start3A_27, %dma_start3A_28] : memref<10240x128xf32, #tpu.memory_space<hbm>> -> memref<10240x128xf32, #tpu.memory_space<hbm>>
    tpu.enqueue_indirect_dma source(%dma_start3A_29 : memref<10240x128xf32, #tpu.memory_space<hbm>>) target(%arg10 : memref<128x128xf32, #tpu.memory_space<vmem>>) offsets(%dma_start3A_26 : memref<128xi32, #tpu.memory_space<vmem>>) semaphore(%arg14 : memref<!tpu.dma_semaphore, #tpu.memory_space<semaphore_mem>>)
    %scan3A_30 = arith.constant 0 : i32
    %scan3A_31 = arith.constant 20 : i32
    %scan3A_32 = arith.addi %scan3A_30, %scan3A_31 : i32
    %scan3A_33 = arith.constant 1 : i32
    scf.for %scan3A_123 = %scan3A_30 to %scan3A_32 step %scan3A_33  : i32 {
      %mul3A_124 = arith.constant 2 : i32
      %mul3A_125 = arith.muli %scan3A_123, %mul3A_124 : i32
      %add3A_126 = arith.constant 0 : i32
      %add3A_127 = arith.addi %add3A_126, %mul3A_125 : i32
      %add3A_128 = arith.constant 1 : i32
      %add3A_129 = arith.addi %add3A_127, %add3A_128 : i32
      %dma_start3A_130 = arith.constant 0 : i32
      %dma_start3A_131 = tpu.memref_slice %arg8[%add3A_129, %dma_start3A_130] : memref<40x128xi32, #tpu.memory_space<vmem>> -> memref<1x128xi32, #tpu.memory_space<vmem>>
      %dma_start3A_132 = tpu.memref_squeeze %dma_start3A_131 : memref<1x128xi32, #tpu.memory_space<vmem>> -> memref<128xi32, #tpu.memory_space<vmem>>
      %dma_start3A_133 = arith.constant 0 : i32
      %dma_start3A_134 = arith.constant 0 : i32
      %dma_start3A_135 = tpu.memref_slice %arg2[%dma_start3A_133, %dma_start3A_134] : memref<10240x128xf32, #tpu.memory_space<hbm>> -> memref<10240x128xf32, #tpu.memory_space<hbm>>
      tpu.enqueue_indirect_dma source(%dma_start3A_135 : memref<10240x128xf32, #tpu.memory_space<hbm>>) target(%arg11 : memref<128x128xf32, #tpu.memory_space<vmem>>) offsets(%dma_start3A_132 : memref<128xi32, #tpu.memory_space<vmem>>) semaphore(%arg15 : memref<!tpu.dma_semaphore, #tpu.memory_space<semaphore_mem>>)
      %dma_wait3A_136 = arith.constant 0 : i32
      %dma_wait3A_137 = tpu.memref_slice %arg8[%add3A_127, %dma_wait3A_136] : memref<40x128xi32, #tpu.memory_space<vmem>> -> memref<1x128xi32, #tpu.memory_space<vmem>>
      %dma_wait3A_138 = tpu.memref_squeeze %dma_wait3A_137 : memref<1x128xi32, #tpu.memory_space<vmem>> -> memref<128xi32, #tpu.memory_space<vmem>>
      %dma_wait3A_139 = arith.constant 0 : i32
      %dma_wait3A_140 = arith.constant 0 : i32
      %dma_wait3A_141 = tpu.memref_slice %arg2[%dma_wait3A_139, %dma_wait3A_140] : memref<10240x128xf32, #tpu.memory_space<hbm>> -> memref<10240x128xf32, #tpu.memory_space<hbm>>
      tpu.wait_indirect_dma semaphore(%arg14 : memref<!tpu.dma_semaphore, #tpu.memory_space<semaphore_mem>>) src(%dma_wait3A_141 : memref<10240x128xf32, #tpu.memory_space<hbm>>) dst(%arg10 : memref<128x128xf32, #tpu.memory_space<vmem>>)
      "tpu.region"() ({
        %run_scoped3A_159 = tpu.sem_alloc : memref<!tpu.dma_semaphore, #tpu.memory_space<semaphore_mem>>
        %dma_start3A_160 = arith.constant 0 : i32
        %dma_start3A_161 = tpu.memref_slice %arg9[%add3A_127, %dma_start3A_160] : memref<40x128xi32, #tpu.memory_space<vmem>> -> memref<1x128xi32, #tpu.memory_space<vmem>>
        %dma_start3A_162 = tpu.memref_squeeze %dma_start3A_161 : memref<1x128xi32, #tpu.memory_space<vmem>> -> memref<128xi32, #tpu.memory_space<vmem>>
        %dma_start3A_163 = arith.constant 0 : i32
        %dma_start3A_164 = arith.constant 0 : i32
        %dma_start3A_165 = tpu.memref_slice %arg13[%dma_start3A_163, %dma_start3A_164] : memref<10240x128xf32, #tpu.memory_space<vmem_shared>> -> memref<10240x128xf32, #tpu.memory_space<vmem_shared>>
        tpu.enqueue_indirect_dma source(%arg10 : memref<128x128xf32, #tpu.memory_space<vmem>>) target(%dma_start3A_165 : memref<10240x128xf32, #tpu.memory_space<vmem_shared>>) offsets(%dma_start3A_162 : memref<128xi32, #tpu.memory_space<vmem>>) semaphore(%run_scoped3A_159 : memref<!tpu.dma_semaphore, #tpu.memory_space<semaphore_mem>>) {add = true}
        %dma_wait3A_166 = arith.constant 0 : i32
        %dma_wait3A_167 = tpu.memref_slice %arg9[%add3A_127, %dma_wait3A_166] : memref<40x128xi32, #tpu.memory_space<vmem>> -> memref<1x128xi32, #tpu.memory_space<vmem>>
        %dma_wait3A_168 = tpu.memref_squeeze %dma_wait3A_167 : memref<1x128xi32, #tpu.memory_space<vmem>> -> memref<128xi32, #tpu.memory_space<vmem>>
        %dma_wait3A_169 = arith.constant 0 : i32
        %dma_wait3A_170 = arith.constant 0 : i32
        %dma_wait3A_171 = tpu.memref_slice %arg13[%dma_wait3A_169, %dma_wait3A_170] : memref<10240x128xf32, #tpu.memory_space<vmem_shared>> -> memref<10240x128xf32, #tpu.memory_space<vmem_shared>>
        tpu.wait_indirect_dma semaphore(%run_scoped3A_159 : memref<!tpu.dma_semaphore, #tpu.memory_space<semaphore_mem>>) src(%arg10 : memref<128x128xf32, #tpu.memory_space<vmem>>) dst(%dma_wait3A_171 : memref<10240x128xf32, #tpu.memory_space<vmem_shared>>)
        tpu.yield
      }) : () -> ()
      %add3A_142 = arith.constant 2 : i32
      %add3A_143 = arith.addi %add3A_127, %add3A_142 : i32
      %min3A = arith.constant 39 : i32
      %min3A_144 = arith.minsi %add3A_143, %min3A : i32
      %dma_start3A_145 = arith.constant 0 : i32
      %dma_start3A_146 = tpu.memref_slice %arg8[%min3A_144, %dma_start3A_145] : memref<40x128xi32, #tpu.memory_space<vmem>> -> memref<1x128xi32, #tpu.memory_space<vmem>>
      %dma_start3A_147 = tpu.memref_squeeze %dma_start3A_146 : memref<1x128xi32, #tpu.memory_space<vmem>> -> memref<128xi32, #tpu.memory_space<vmem>>
      %dma_start3A_148 = arith.constant 0 : i32
      %dma_start3A_149 = arith.constant 0 : i32
      %dma_start3A_150 = tpu.memref_slice %arg2[%dma_start3A_148, %dma_start3A_149] : memref<10240x128xf32, #tpu.memory_space<hbm>> -> memref<10240x128xf32, #tpu.memory_space<hbm>>
      tpu.enqueue_indirect_dma source(%dma_start3A_150 : memref<10240x128xf32, #tpu.memory_space<hbm>>) target(%arg10 : memref<128x128xf32, #tpu.memory_space<vmem>>) offsets(%dma_start3A_147 : memref<128xi32, #tpu.memory_space<vmem>>) semaphore(%arg14 : memref<!tpu.dma_semaphore, #tpu.memory_space<semaphore_mem>>)
      %dma_wait3A_151 = arith.constant 0 : i32
      %dma_wait3A_152 = tpu.memref_slice %arg8[%add3A_127, %dma_wait3A_151] : memref<40x128xi32, #tpu.memory_space<vmem>> -> memref<1x128xi32, #tpu.memory_space<vmem>>
      %dma_wait3A_153 = tpu.memref_squeeze %dma_wait3A_152 : memref<1x128xi32, #tpu.memory_space<vmem>> -> memref<128xi32, #tpu.memory_space<vmem>>
      %dma_wait3A_154 = arith.constant 0 : i32
      %dma_wait3A_155 = arith.constant 0 : i32
      %dma_wait3A_156 = tpu.memref_slice %arg2[%dma_wait3A_154, %dma_wait3A_155] : memref<10240x128xf32, #tpu.memory_space<hbm>> -> memref<10240x128xf32, #tpu.memory_space<hbm>>
      tpu.wait_indirect_dma semaphore(%arg15 : memref<!tpu.dma_semaphore, #tpu.memory_space<semaphore_mem>>) src(%dma_wait3A_156 : memref<10240x128xf32, #tpu.memory_space<hbm>>) dst(%arg11 : memref<128x128xf32, #tpu.memory_space<vmem>>)
      %add3A_157 = arith.constant 1 : i32
      %add3A_158 = arith.addi %add3A_127, %add3A_157 : i32
      "tpu.region"() ({
        %run_scoped3A_159 = tpu.sem_alloc : memref<!tpu.dma_semaphore, #tpu.memory_space<semaphore_mem>>
        %dma_start3A_160 = arith.constant 0 : i32
        %dma_start3A_161 = tpu.memref_slice %arg9[%add3A_158, %dma_start3A_160] : memref<40x128xi32, #tpu.memory_space<vmem>> -> memref<1x128xi32, #tpu.memory_space<vmem>>
        %dma_start3A_162 = tpu.memref_squeeze %dma_start3A_161 : memref<1x128xi32, #tpu.memory_space<vmem>> -> memref<128xi32, #tpu.memory_space<vmem>>
        %dma_start3A_163 = arith.constant 0 : i32
        %dma_start3A_164 = arith.constant 0 : i32
        %dma_start3A_165 = tpu.memref_slice %arg13[%dma_start3A_163, %dma_start3A_164] : memref<10240x128xf32, #tpu.memory_space<vmem_shared>> -> memref<10240x128xf32, #tpu.memory_space<vmem_shared>>
        tpu.enqueue_indirect_dma source(%arg11 : memref<128x128xf32, #tpu.memory_space<vmem>>) target(%dma_start3A_165 : memref<10240x128xf32, #tpu.memory_space<vmem_shared>>) offsets(%dma_start3A_162 : memref<128xi32, #tpu.memory_space<vmem>>) semaphore(%run_scoped3A_159 : memref<!tpu.dma_semaphore, #tpu.memory_space<semaphore_mem>>) {add = true}
        %dma_wait3A_166 = arith.constant 0 : i32
        %dma_wait3A_167 = tpu.memref_slice %arg9[%add3A_158, %dma_wait3A_166] : memref<40x128xi32, #tpu.memory_space<vmem>> -> memref<1x128xi32, #tpu.memory_space<vmem>>
        %dma_wait3A_168 = tpu.memref_squeeze %dma_wait3A_167 : memref<1x128xi32, #tpu.memory_space<vmem>> -> memref<128xi32, #tpu.memory_space<vmem>>
        %dma_wait3A_169 = arith.constant 0 : i32
        %dma_wait3A_170 = arith.constant 0 : i32
        %dma_wait3A_171 = tpu.memref_slice %arg13[%dma_wait3A_169, %dma_wait3A_170] : memref<10240x128xf32, #tpu.memory_space<vmem_shared>> -> memref<10240x128xf32, #tpu.memory_space<vmem_shared>>
        tpu.wait_indirect_dma semaphore(%run_scoped3A_159 : memref<!tpu.dma_semaphore, #tpu.memory_space<semaphore_mem>>) src(%arg11 : memref<128x128xf32, #tpu.memory_space<vmem>>) dst(%dma_wait3A_171 : memref<10240x128xf32, #tpu.memory_space<vmem_shared>>)
        tpu.yield
      }) : () -> ()
    }
    %scan3A_34 = arith.constant 20 : i32
    %dma_wait3A_35 = arith.constant 0 : i32
    %dma_wait3A_36 = arith.constant 0 : i32
    %dma_wait3A_37 = tpu.memref_slice %arg8[%dma_wait3A_35, %dma_wait3A_36] : memref<40x128xi32, #tpu.memory_space<vmem>> -> memref<1x128xi32, #tpu.memory_space<vmem>>
    %dma_wait3A_38 = tpu.memref_squeeze %dma_wait3A_37 : memref<1x128xi32, #tpu.memory_space<vmem>> -> memref<128xi32, #tpu.memory_space<vmem>>
    %dma_wait3A_39 = arith.constant 0 : i32
    %dma_wait3A_40 = arith.constant 0 : i32
    %dma_wait3A_41 = tpu.memref_slice %arg2[%dma_wait3A_39, %dma_wait3A_40] : memref<10240x128xf32, #tpu.memory_space<hbm>> -> memref<10240x128xf32, #tpu.memory_space<hbm>>
    tpu.wait_indirect_dma semaphore(%arg14 : memref<!tpu.dma_semaphore, #tpu.memory_space<semaphore_mem>>) src(%dma_wait3A_41 : memref<10240x128xf32, #tpu.memory_space<hbm>>) dst(%arg10 : memref<128x128xf32, #tpu.memory_space<vmem>>)
    %barrier3A_42 = arith.constant 0 : index
    tpu.barrier barrier_id(%barrier3A_42)
    %dma_start3A_43 = arith.constant 0 : i32
    %dma_start3A_44 = arith.constant 0 : i32
    %dma_start3A_45 = tpu.memref_slice %arg12[%dma_start3A_43, %dma_start3A_44] : memref<5x128xi32, #tpu.memory_space<vmem>> -> memref<1x128xi32, #tpu.memory_space<vmem>>
    %dma_start3A_46 = tpu.memref_squeeze %dma_start3A_45 : memref<1x128xi32, #tpu.memory_space<vmem>> -> memref<128xi32, #tpu.memory_space<vmem>>
    %dma_start3A_47 = arith.constant 0 : i32
    %dma_start3A_48 = arith.constant 0 : i32
    %dma_start3A_49 = tpu.memref_slice %arg13[%dma_start3A_47, %dma_start3A_48] : memref<10240x128xf32, #tpu.memory_space<vmem_shared>> -> memref<10240x128xf32, #tpu.memory_space<vmem_shared>>
    tpu.enqueue_indirect_dma source(%dma_start3A_49 : memref<10240x128xf32, #tpu.memory_space<vmem_shared>>) target(%arg10 : memref<128x128xf32, #tpu.memory_space<vmem>>) offsets(%dma_start3A_46 : memref<128xi32, #tpu.memory_space<vmem>>) semaphore(%arg14 : memref<!tpu.dma_semaphore, #tpu.memory_space<semaphore_mem>>)
    %dma_wait3A_50 = arith.constant 0 : i32
    %dma_wait3A_51 = arith.constant 0 : i32
    %dma_wait3A_52 = tpu.memref_slice %arg12[%dma_wait3A_50, %dma_wait3A_51] : memref<5x128xi32, #tpu.memory_space<vmem>> -> memref<1x128xi32, #tpu.memory_space<vmem>>
    %dma_wait3A_53 = tpu.memref_squeeze %dma_wait3A_52 : memref<1x128xi32, #tpu.memory_space<vmem>> -> memref<128xi32, #tpu.memory_space<vmem>>
    %dma_wait3A_54 = arith.constant 0 : i32
    %dma_wait3A_55 = arith.constant 0 : i32
    %dma_wait3A_56 = tpu.memref_slice %arg13[%dma_wait3A_54, %dma_wait3A_55] : memref<10240x128xf32, #tpu.memory_space<vmem_shared>> -> memref<10240x128xf32, #tpu.memory_space<vmem_shared>>
    tpu.wait_indirect_dma semaphore(%arg14 : memref<!tpu.dma_semaphore, #tpu.memory_space<semaphore_mem>>) src(%dma_wait3A_56 : memref<10240x128xf32, #tpu.memory_space<vmem_shared>>) dst(%arg10 : memref<128x128xf32, #tpu.memory_space<vmem>>)
    %add3A_57 = arith.constant 0 : i32
    %add3A_58 = arith.addi %mul3A_2, %add3A_57 : i32
    "tpu.region"() ({
      %run_scoped3A_123 = tpu.sem_alloc : memref<!tpu.dma_semaphore, #tpu.memory_space<semaphore_mem>>
      %dma_start3A_124 = arith.constant 0 : i32
      %dma_start3A_125 = arith.constant 0 : i32
      %dma_start3A_126 = tpu.memref_slice %arg7[%arg0, %dma_start3A_124, %dma_start3A_125] : memref<2x10240x128xf32, #tpu.memory_space<hbm>> -> memref<1x10240x128xf32, #tpu.memory_space<hbm>>
      %dma_start3A_127 = tpu.memref_squeeze %dma_start3A_126 : memref<1x10240x128xf32, #tpu.memory_space<hbm>> -> memref<10240x128xf32, #tpu.memory_space<hbm>>
      %dma_start3A_128 = arith.constant 0 : i32
      %dma_start3A_129 = tpu.memref_slice %dma_start3A_127[%add3A_58, %dma_start3A_128] : memref<10240x128xf32, #tpu.memory_space<hbm>> -> memref<128x128xf32, #tpu.memory_space<hbm>>
      %dma_start3A_130 = arith.constant 0 : i32
      %dma_start3A_131 = arith.constant 0 : i32
      %dma_start3A_132 = tpu.memref_slice %arg7[%arg0, %dma_start3A_130, %dma_start3A_131] : memref<2x10240x128xf32, #tpu.memory_space<hbm>> -> memref<1x10240x128xf32, #tpu.memory_space<hbm>>
      %dma_start3A_133 = tpu.memref_squeeze %dma_start3A_132 : memref<1x10240x128xf32, #tpu.memory_space<hbm>> -> memref<10240x128xf32, #tpu.memory_space<hbm>>
      %dma_start3A_134 = arith.constant 0 : i32
      %dma_start3A_135 = tpu.memref_slice %dma_start3A_133[%add3A_58, %dma_start3A_134] : memref<10240x128xf32, #tpu.memory_space<hbm>> -> memref<128x128xf32, #tpu.memory_space<hbm>>
      tpu.enqueue_dma source(%arg10 : memref<128x128xf32, #tpu.memory_space<vmem>>) target(%dma_start3A_135 : memref<128x128xf32, #tpu.memory_space<hbm>>) target_semaphore(%run_scoped3A_123 : memref<!tpu.dma_semaphore, #tpu.memory_space<semaphore_mem>>)
      %dma_wait3A_136 = arith.constant 0 : i32
      %dma_wait3A_137 = arith.constant 0 : i32
      %dma_wait3A_138 = tpu.memref_slice %arg7[%arg0, %dma_wait3A_136, %dma_wait3A_137] : memref<2x10240x128xf32, #tpu.memory_space<hbm>> -> memref<1x10240x128xf32, #tpu.memory_space<hbm>>
      %dma_wait3A_139 = tpu.memref_squeeze %dma_wait3A_138 : memref<1x10240x128xf32, #tpu.memory_space<hbm>> -> memref<10240x128xf32, #tpu.memory_space<hbm>>
      %dma_wait3A_140 = arith.constant 0 : i32
      %dma_wait3A_141 = tpu.memref_slice %dma_wait3A_139[%add3A_58, %dma_wait3A_140] : memref<10240x128xf32, #tpu.memory_space<hbm>> -> memref<128x128xf32, #tpu.memory_space<hbm>>
      %dma_wait3A_142 = arith.constant 0 : i32
      %dma_wait3A_143 = arith.constant 0 : i32
      %dma_wait3A_144 = tpu.memref_slice %arg7[%arg0, %dma_wait3A_142, %dma_wait3A_143] : memref<2x10240x128xf32, #tpu.memory_space<hbm>> -> memref<1x10240x128xf32, #tpu.memory_space<hbm>>
      %dma_wait3A_145 = tpu.memref_squeeze %dma_wait3A_144 : memref<1x10240x128xf32, #tpu.memory_space<hbm>> -> memref<10240x128xf32, #tpu.memory_space<hbm>>
      %dma_wait3A_146 = arith.constant 0 : i32
      %dma_wait3A_147 = tpu.memref_slice %dma_wait3A_145[%add3A_58, %dma_wait3A_146] : memref<10240x128xf32, #tpu.memory_space<hbm>> -> memref<128x128xf32, #tpu.memory_space<hbm>>
      tpu.wait_dma2 semaphore(%run_scoped3A_123 : memref<!tpu.dma_semaphore, #tpu.memory_space<semaphore_mem>>) src(%arg10 : memref<128x128xf32, #tpu.memory_space<vmem>>) dst(%dma_wait3A_147 : memref<128x128xf32, #tpu.memory_space<hbm>>)
      tpu.yield
    }) : () -> ()
    %dma_start3A_59 = arith.constant 1 : i32
    %dma_start3A_60 = arith.constant 0 : i32
    %dma_start3A_61 = tpu.memref_slice %arg12[%dma_start3A_59, %dma_start3A_60] : memref<5x128xi32, #tpu.memory_space<vmem>> -> memref<1x128xi32, #tpu.memory_space<vmem>>
    %dma_start3A_62 = tpu.memref_squeeze %dma_start3A_61 : memref<1x128xi32, #tpu.memory_space<vmem>> -> memref<128xi32, #tpu.memory_space<vmem>>
    %dma_start3A_63 = arith.constant 0 : i32
    %dma_start3A_64 = arith.constant 0 : i32
    %dma_start3A_65 = tpu.memref_slice %arg13[%dma_start3A_63, %dma_start3A_64] : memref<10240x128xf32, #tpu.memory_space<vmem_shared>> -> memref<10240x128xf32, #tpu.memory_space<vmem_shared>>
    tpu.enqueue_indirect_dma source(%dma_start3A_65 : memref<10240x128xf32, #tpu.memory_space<vmem_shared>>) target(%arg10 : memref<128x128xf32, #tpu.memory_space<vmem>>) offsets(%dma_start3A_62 : memref<128xi32, #tpu.memory_space<vmem>>) semaphore(%arg14 : memref<!tpu.dma_semaphore, #tpu.memory_space<semaphore_mem>>)
    %dma_wait3A_66 = arith.constant 1 : i32
    %dma_wait3A_67 = arith.constant 0 : i32
    %dma_wait3A_68 = tpu.memref_slice %arg12[%dma_wait3A_66, %dma_wait3A_67] : memref<5x128xi32, #tpu.memory_space<vmem>> -> memref<1x128xi32, #tpu.memory_space<vmem>>
    %dma_wait3A_69 = tpu.memref_squeeze %dma_wait3A_68 : memref<1x128xi32, #tpu.memory_space<vmem>> -> memref<128xi32, #tpu.memory_space<vmem>>
    %dma_wait3A_70 = arith.constant 0 : i32
    %dma_wait3A_71 = arith.constant 0 : i32
    %dma_wait3A_72 = tpu.memref_slice %arg13[%dma_wait3A_70, %dma_wait3A_71] : memref<10240x128xf32, #tpu.memory_space<vmem_shared>> -> memref<10240x128xf32, #tpu.memory_space<vmem_shared>>
    tpu.wait_indirect_dma semaphore(%arg14 : memref<!tpu.dma_semaphore, #tpu.memory_space<semaphore_mem>>) src(%dma_wait3A_72 : memref<10240x128xf32, #tpu.memory_space<vmem_shared>>) dst(%arg10 : memref<128x128xf32, #tpu.memory_space<vmem>>)
    %add3A_73 = arith.constant 128 : i32
    %add3A_74 = arith.addi %mul3A_2, %add3A_73 : i32
    "tpu.region"() ({
      %run_scoped3A_123 = tpu.sem_alloc : memref<!tpu.dma_semaphore, #tpu.memory_space<semaphore_mem>>
      %dma_start3A_124 = arith.constant 0 : i32
      %dma_start3A_125 = arith.constant 0 : i32
      %dma_start3A_126 = tpu.memref_slice %arg7[%arg0, %dma_start3A_124, %dma_start3A_125] : memref<2x10240x128xf32, #tpu.memory_space<hbm>> -> memref<1x10240x128xf32, #tpu.memory_space<hbm>>
      %dma_start3A_127 = tpu.memref_squeeze %dma_start3A_126 : memref<1x10240x128xf32, #tpu.memory_space<hbm>> -> memref<10240x128xf32, #tpu.memory_space<hbm>>
      %dma_start3A_128 = arith.constant 0 : i32
      %dma_start3A_129 = tpu.memref_slice %dma_start3A_127[%add3A_74, %dma_start3A_128] : memref<10240x128xf32, #tpu.memory_space<hbm>> -> memref<128x128xf32, #tpu.memory_space<hbm>>
      %dma_start3A_130 = arith.constant 0 : i32
      %dma_start3A_131 = arith.constant 0 : i32
      %dma_start3A_132 = tpu.memref_slice %arg7[%arg0, %dma_start3A_130, %dma_start3A_131] : memref<2x10240x128xf32, #tpu.memory_space<hbm>> -> memref<1x10240x128xf32, #tpu.memory_space<hbm>>
      %dma_start3A_133 = tpu.memref_squeeze %dma_start3A_132 : memref<1x10240x128xf32, #tpu.memory_space<hbm>> -> memref<10240x128xf32, #tpu.memory_space<hbm>>
      %dma_start3A_134 = arith.constant 0 : i32
      %dma_start3A_135 = tpu.memref_slice %dma_start3A_133[%add3A_74, %dma_start3A_134] : memref<10240x128xf32, #tpu.memory_space<hbm>> -> memref<128x128xf32, #tpu.memory_space<hbm>>
      tpu.enqueue_dma source(%arg10 : memref<128x128xf32, #tpu.memory_space<vmem>>) target(%dma_start3A_135 : memref<128x128xf32, #tpu.memory_space<hbm>>) target_semaphore(%run_scoped3A_123 : memref<!tpu.dma_semaphore, #tpu.memory_space<semaphore_mem>>)
      %dma_wait3A_136 = arith.constant 0 : i32
      %dma_wait3A_137 = arith.constant 0 : i32
      %dma_wait3A_138 = tpu.memref_slice %arg7[%arg0, %dma_wait3A_136, %dma_wait3A_137] : memref<2x10240x128xf32, #tpu.memory_space<hbm>> -> memref<1x10240x128xf32, #tpu.memory_space<hbm>>
      %dma_wait3A_139 = tpu.memref_squeeze %dma_wait3A_138 : memref<1x10240x128xf32, #tpu.memory_space<hbm>> -> memref<10240x128xf32, #tpu.memory_space<hbm>>
      %dma_wait3A_140 = arith.constant 0 : i32
      %dma_wait3A_141 = tpu.memref_slice %dma_wait3A_139[%add3A_74, %dma_wait3A_140] : memref<10240x128xf32, #tpu.memory_space<hbm>> -> memref<128x128xf32, #tpu.memory_space<hbm>>
      %dma_wait3A_142 = arith.constant 0 : i32
      %dma_wait3A_143 = arith.constant 0 : i32
      %dma_wait3A_144 = tpu.memref_slice %arg7[%arg0, %dma_wait3A_142, %dma_wait3A_143] : memref<2x10240x128xf32, #tpu.memory_space<hbm>> -> memref<1x10240x128xf32, #tpu.memory_space<hbm>>
      %dma_wait3A_145 = tpu.memref_squeeze %dma_wait3A_144 : memref<1x10240x128xf32, #tpu.memory_space<hbm>> -> memref<10240x128xf32, #tpu.memory_space<hbm>>
      %dma_wait3A_146 = arith.constant 0 : i32
      %dma_wait3A_147 = tpu.memref_slice %dma_wait3A_145[%add3A_74, %dma_wait3A_146] : memref<10240x128xf32, #tpu.memory_space<hbm>> -> memref<128x128xf32, #tpu.memory_space<hbm>>
      tpu.wait_dma2 semaphore(%run_scoped3A_123 : memref<!tpu.dma_semaphore, #tpu.memory_space<semaphore_mem>>) src(%arg10 : memref<128x128xf32, #tpu.memory_space<vmem>>) dst(%dma_wait3A_147 : memref<128x128xf32, #tpu.memory_space<hbm>>)
      tpu.yield
    }) : () -> ()
    %dma_start3A_75 = arith.constant 2 : i32
    %dma_start3A_76 = arith.constant 0 : i32
    %dma_start3A_77 = tpu.memref_slice %arg12[%dma_start3A_75, %dma_start3A_76] : memref<5x128xi32, #tpu.memory_space<vmem>> -> memref<1x128xi32, #tpu.memory_space<vmem>>
    %dma_start3A_78 = tpu.memref_squeeze %dma_start3A_77 : memref<1x128xi32, #tpu.memory_space<vmem>> -> memref<128xi32, #tpu.memory_space<vmem>>
    %dma_start3A_79 = arith.constant 0 : i32
    %dma_start3A_80 = arith.constant 0 : i32
    %dma_start3A_81 = tpu.memref_slice %arg13[%dma_start3A_79, %dma_start3A_80] : memref<10240x128xf32, #tpu.memory_space<vmem_shared>> -> memref<10240x128xf32, #tpu.memory_space<vmem_shared>>
    tpu.enqueue_indirect_dma source(%dma_start3A_81 : memref<10240x128xf32, #tpu.memory_space<vmem_shared>>) target(%arg10 : memref<128x128xf32, #tpu.memory_space<vmem>>) offsets(%dma_start3A_78 : memref<128xi32, #tpu.memory_space<vmem>>) semaphore(%arg14 : memref<!tpu.dma_semaphore, #tpu.memory_space<semaphore_mem>>)
    %dma_wait3A_82 = arith.constant 2 : i32
    %dma_wait3A_83 = arith.constant 0 : i32
    %dma_wait3A_84 = tpu.memref_slice %arg12[%dma_wait3A_82, %dma_wait3A_83] : memref<5x128xi32, #tpu.memory_space<vmem>> -> memref<1x128xi32, #tpu.memory_space<vmem>>
    %dma_wait3A_85 = tpu.memref_squeeze %dma_wait3A_84 : memref<1x128xi32, #tpu.memory_space<vmem>> -> memref<128xi32, #tpu.memory_space<vmem>>
    %dma_wait3A_86 = arith.constant 0 : i32
    %dma_wait3A_87 = arith.constant 0 : i32
    %dma_wait3A_88 = tpu.memref_slice %arg13[%dma_wait3A_86, %dma_wait3A_87] : memref<10240x128xf32, #tpu.memory_space<vmem_shared>> -> memref<10240x128xf32, #tpu.memory_space<vmem_shared>>
    tpu.wait_indirect_dma semaphore(%arg14 : memref<!tpu.dma_semaphore, #tpu.memory_space<semaphore_mem>>) src(%dma_wait3A_88 : memref<10240x128xf32, #tpu.memory_space<vmem_shared>>) dst(%arg10 : memref<128x128xf32, #tpu.memory_space<vmem>>)
    %add3A_89 = arith.constant 256 : i32
    %add3A_90 = arith.addi %mul3A_2, %add3A_89 : i32
    "tpu.region"() ({
      %run_scoped3A_123 = tpu.sem_alloc : memref<!tpu.dma_semaphore, #tpu.memory_space<semaphore_mem>>
      %dma_start3A_124 = arith.constant 0 : i32
      %dma_start3A_125 = arith.constant 0 : i32
      %dma_start3A_126 = tpu.memref_slice %arg7[%arg0, %dma_start3A_124, %dma_start3A_125] : memref<2x10240x128xf32, #tpu.memory_space<hbm>> -> memref<1x10240x128xf32, #tpu.memory_space<hbm>>
      %dma_start3A_127 = tpu.memref_squeeze %dma_start3A_126 : memref<1x10240x128xf32, #tpu.memory_space<hbm>> -> memref<10240x128xf32, #tpu.memory_space<hbm>>
      %dma_start3A_128 = arith.constant 0 : i32
      %dma_start3A_129 = tpu.memref_slice %dma_start3A_127[%add3A_90, %dma_start3A_128] : memref<10240x128xf32, #tpu.memory_space<hbm>> -> memref<128x128xf32, #tpu.memory_space<hbm>>
      %dma_start3A_130 = arith.constant 0 : i32
      %dma_start3A_131 = arith.constant 0 : i32
      %dma_start3A_132 = tpu.memref_slice %arg7[%arg0, %dma_start3A_130, %dma_start3A_131] : memref<2x10240x128xf32, #tpu.memory_space<hbm>> -> memref<1x10240x128xf32, #tpu.memory_space<hbm>>
      %dma_start3A_133 = tpu.memref_squeeze %dma_start3A_132 : memref<1x10240x128xf32, #tpu.memory_space<hbm>> -> memref<10240x128xf32, #tpu.memory_space<hbm>>
      %dma_start3A_134 = arith.constant 0 : i32
      %dma_start3A_135 = tpu.memref_slice %dma_start3A_133[%add3A_90, %dma_start3A_134] : memref<10240x128xf32, #tpu.memory_space<hbm>> -> memref<128x128xf32, #tpu.memory_space<hbm>>
      tpu.enqueue_dma source(%arg10 : memref<128x128xf32, #tpu.memory_space<vmem>>) target(%dma_start3A_135 : memref<128x128xf32, #tpu.memory_space<hbm>>) target_semaphore(%run_scoped3A_123 : memref<!tpu.dma_semaphore, #tpu.memory_space<semaphore_mem>>)
      %dma_wait3A_136 = arith.constant 0 : i32
      %dma_wait3A_137 = arith.constant 0 : i32
      %dma_wait3A_138 = tpu.memref_slice %arg7[%arg0, %dma_wait3A_136, %dma_wait3A_137] : memref<2x10240x128xf32, #tpu.memory_space<hbm>> -> memref<1x10240x128xf32, #tpu.memory_space<hbm>>
      %dma_wait3A_139 = tpu.memref_squeeze %dma_wait3A_138 : memref<1x10240x128xf32, #tpu.memory_space<hbm>> -> memref<10240x128xf32, #tpu.memory_space<hbm>>
      %dma_wait3A_140 = arith.constant 0 : i32
      %dma_wait3A_141 = tpu.memref_slice %dma_wait3A_139[%add3A_90, %dma_wait3A_140] : memref<10240x128xf32, #tpu.memory_space<hbm>> -> memref<128x128xf32, #tpu.memory_space<hbm>>
      %dma_wait3A_142 = arith.constant 0 : i32
      %dma_wait3A_143 = arith.constant 0 : i32
      %dma_wait3A_144 = tpu.memref_slice %arg7[%arg0, %dma_wait3A_142, %dma_wait3A_143] : memref<2x10240x128xf32, #tpu.memory_space<hbm>> -> memref<1x10240x128xf32, #tpu.memory_space<hbm>>
      %dma_wait3A_145 = tpu.memref_squeeze %dma_wait3A_144 : memref<1x10240x128xf32, #tpu.memory_space<hbm>> -> memref<10240x128xf32, #tpu.memory_space<hbm>>
      %dma_wait3A_146 = arith.constant 0 : i32
      %dma_wait3A_147 = tpu.memref_slice %dma_wait3A_145[%add3A_90, %dma_wait3A_146] : memref<10240x128xf32, #tpu.memory_space<hbm>> -> memref<128x128xf32, #tpu.memory_space<hbm>>
      tpu.wait_dma2 semaphore(%run_scoped3A_123 : memref<!tpu.dma_semaphore, #tpu.memory_space<semaphore_mem>>) src(%arg10 : memref<128x128xf32, #tpu.memory_space<vmem>>) dst(%dma_wait3A_147 : memref<128x128xf32, #tpu.memory_space<hbm>>)
      tpu.yield
    }) : () -> ()
    %dma_start3A_91 = arith.constant 3 : i32
    %dma_start3A_92 = arith.constant 0 : i32
    %dma_start3A_93 = tpu.memref_slice %arg12[%dma_start3A_91, %dma_start3A_92] : memref<5x128xi32, #tpu.memory_space<vmem>> -> memref<1x128xi32, #tpu.memory_space<vmem>>
    %dma_start3A_94 = tpu.memref_squeeze %dma_start3A_93 : memref<1x128xi32, #tpu.memory_space<vmem>> -> memref<128xi32, #tpu.memory_space<vmem>>
    %dma_start3A_95 = arith.constant 0 : i32
    %dma_start3A_96 = arith.constant 0 : i32
    %dma_start3A_97 = tpu.memref_slice %arg13[%dma_start3A_95, %dma_start3A_96] : memref<10240x128xf32, #tpu.memory_space<vmem_shared>> -> memref<10240x128xf32, #tpu.memory_space<vmem_shared>>
    tpu.enqueue_indirect_dma source(%dma_start3A_97 : memref<10240x128xf32, #tpu.memory_space<vmem_shared>>) target(%arg10 : memref<128x128xf32, #tpu.memory_space<vmem>>) offsets(%dma_start3A_94 : memref<128xi32, #tpu.memory_space<vmem>>) semaphore(%arg14 : memref<!tpu.dma_semaphore, #tpu.memory_space<semaphore_mem>>)
    %dma_wait3A_98 = arith.constant 3 : i32
    %dma_wait3A_99 = arith.constant 0 : i32
    %dma_wait3A_100 = tpu.memref_slice %arg12[%dma_wait3A_98, %dma_wait3A_99] : memref<5x128xi32, #tpu.memory_space<vmem>> -> memref<1x128xi32, #tpu.memory_space<vmem>>
    %dma_wait3A_101 = tpu.memref_squeeze %dma_wait3A_100 : memref<1x128xi32, #tpu.memory_space<vmem>> -> memref<128xi32, #tpu.memory_space<vmem>>
    %dma_wait3A_102 = arith.constant 0 : i32
    %dma_wait3A_103 = arith.constant 0 : i32
    %dma_wait3A_104 = tpu.memref_slice %arg13[%dma_wait3A_102, %dma_wait3A_103] : memref<10240x128xf32, #tpu.memory_space<vmem_shared>> -> memref<10240x128xf32, #tpu.memory_space<vmem_shared>>
    tpu.wait_indirect_dma semaphore(%arg14 : memref<!tpu.dma_semaphore, #tpu.memory_space<semaphore_mem>>) src(%dma_wait3A_104 : memref<10240x128xf32, #tpu.memory_space<vmem_shared>>) dst(%arg10 : memref<128x128xf32, #tpu.memory_space<vmem>>)
    %add3A_105 = arith.constant 384 : i32
    %add3A_106 = arith.addi %mul3A_2, %add3A_105 : i32
    "tpu.region"() ({
      %run_scoped3A_123 = tpu.sem_alloc : memref<!tpu.dma_semaphore, #tpu.memory_space<semaphore_mem>>
      %dma_start3A_124 = arith.constant 0 : i32
      %dma_start3A_125 = arith.constant 0 : i32
      %dma_start3A_126 = tpu.memref_slice %arg7[%arg0, %dma_start3A_124, %dma_start3A_125] : memref<2x10240x128xf32, #tpu.memory_space<hbm>> -> memref<1x10240x128xf32, #tpu.memory_space<hbm>>
      %dma_start3A_127 = tpu.memref_squeeze %dma_start3A_126 : memref<1x10240x128xf32, #tpu.memory_space<hbm>> -> memref<10240x128xf32, #tpu.memory_space<hbm>>
      %dma_start3A_128 = arith.constant 0 : i32
      %dma_start3A_129 = tpu.memref_slice %dma_start3A_127[%add3A_106, %dma_start3A_128] : memref<10240x128xf32, #tpu.memory_space<hbm>> -> memref<128x128xf32, #tpu.memory_space<hbm>>
      %dma_start3A_130 = arith.constant 0 : i32
      %dma_start3A_131 = arith.constant 0 : i32
      %dma_start3A_132 = tpu.memref_slice %arg7[%arg0, %dma_start3A_130, %dma_start3A_131] : memref<2x10240x128xf32, #tpu.memory_space<hbm>> -> memref<1x10240x128xf32, #tpu.memory_space<hbm>>
      %dma_start3A_133 = tpu.memref_squeeze %dma_start3A_132 : memref<1x10240x128xf32, #tpu.memory_space<hbm>> -> memref<10240x128xf32, #tpu.memory_space<hbm>>
      %dma_start3A_134 = arith.constant 0 : i32
      %dma_start3A_135 = tpu.memref_slice %dma_start3A_133[%add3A_106, %dma_start3A_134] : memref<10240x128xf32, #tpu.memory_space<hbm>> -> memref<128x128xf32, #tpu.memory_space<hbm>>
      tpu.enqueue_dma source(%arg10 : memref<128x128xf32, #tpu.memory_space<vmem>>) target(%dma_start3A_135 : memref<128x128xf32, #tpu.memory_space<hbm>>) target_semaphore(%run_scoped3A_123 : memref<!tpu.dma_semaphore, #tpu.memory_space<semaphore_mem>>)
      %dma_wait3A_136 = arith.constant 0 : i32
      %dma_wait3A_137 = arith.constant 0 : i32
      %dma_wait3A_138 = tpu.memref_slice %arg7[%arg0, %dma_wait3A_136, %dma_wait3A_137] : memref<2x10240x128xf32, #tpu.memory_space<hbm>> -> memref<1x10240x128xf32, #tpu.memory_space<hbm>>
      %dma_wait3A_139 = tpu.memref_squeeze %dma_wait3A_138 : memref<1x10240x128xf32, #tpu.memory_space<hbm>> -> memref<10240x128xf32, #tpu.memory_space<hbm>>
      %dma_wait3A_140 = arith.constant 0 : i32
      %dma_wait3A_141 = tpu.memref_slice %dma_wait3A_139[%add3A_106, %dma_wait3A_140] : memref<10240x128xf32, #tpu.memory_space<hbm>> -> memref<128x128xf32, #tpu.memory_space<hbm>>
      %dma_wait3A_142 = arith.constant 0 : i32
      %dma_wait3A_143 = arith.constant 0 : i32
      %dma_wait3A_144 = tpu.memref_slice %arg7[%arg0, %dma_wait3A_142, %dma_wait3A_143] : memref<2x10240x128xf32, #tpu.memory_space<hbm>> -> memref<1x10240x128xf32, #tpu.memory_space<hbm>>
      %dma_wait3A_145 = tpu.memref_squeeze %dma_wait3A_144 : memref<1x10240x128xf32, #tpu.memory_space<hbm>> -> memref<10240x128xf32, #tpu.memory_space<hbm>>
      %dma_wait3A_146 = arith.constant 0 : i32
      %dma_wait3A_147 = tpu.memref_slice %dma_wait3A_145[%add3A_106, %dma_wait3A_146] : memref<10240x128xf32, #tpu.memory_space<hbm>> -> memref<128x128xf32, #tpu.memory_space<hbm>>
      tpu.wait_dma2 semaphore(%run_scoped3A_123 : memref<!tpu.dma_semaphore, #tpu.memory_space<semaphore_mem>>) src(%arg10 : memref<128x128xf32, #tpu.memory_space<vmem>>) dst(%dma_wait3A_147 : memref<128x128xf32, #tpu.memory_space<hbm>>)
      tpu.yield
    }) : () -> ()
    %dma_start3A_107 = arith.constant 4 : i32
    %dma_start3A_108 = arith.constant 0 : i32
    %dma_start3A_109 = tpu.memref_slice %arg12[%dma_start3A_107, %dma_start3A_108] : memref<5x128xi32, #tpu.memory_space<vmem>> -> memref<1x128xi32, #tpu.memory_space<vmem>>
    %dma_start3A_110 = tpu.memref_squeeze %dma_start3A_109 : memref<1x128xi32, #tpu.memory_space<vmem>> -> memref<128xi32, #tpu.memory_space<vmem>>
    %dma_start3A_111 = arith.constant 0 : i32
    %dma_start3A_112 = arith.constant 0 : i32
    %dma_start3A_113 = tpu.memref_slice %arg13[%dma_start3A_111, %dma_start3A_112] : memref<10240x128xf32, #tpu.memory_space<vmem_shared>> -> memref<10240x128xf32, #tpu.memory_space<vmem_shared>>
    tpu.enqueue_indirect_dma source(%dma_start3A_113 : memref<10240x128xf32, #tpu.memory_space<vmem_shared>>) target(%arg10 : memref<128x128xf32, #tpu.memory_space<vmem>>) offsets(%dma_start3A_110 : memref<128xi32, #tpu.memory_space<vmem>>) semaphore(%arg14 : memref<!tpu.dma_semaphore, #tpu.memory_space<semaphore_mem>>)
    %dma_wait3A_114 = arith.constant 4 : i32
    %dma_wait3A_115 = arith.constant 0 : i32
    %dma_wait3A_116 = tpu.memref_slice %arg12[%dma_wait3A_114, %dma_wait3A_115] : memref<5x128xi32, #tpu.memory_space<vmem>> -> memref<1x128xi32, #tpu.memory_space<vmem>>
    %dma_wait3A_117 = tpu.memref_squeeze %dma_wait3A_116 : memref<1x128xi32, #tpu.memory_space<vmem>> -> memref<128xi32, #tpu.memory_space<vmem>>
    %dma_wait3A_118 = arith.constant 0 : i32
    %dma_wait3A_119 = arith.constant 0 : i32
    %dma_wait3A_120 = tpu.memref_slice %arg13[%dma_wait3A_118, %dma_wait3A_119] : memref<10240x128xf32, #tpu.memory_space<vmem_shared>> -> memref<10240x128xf32, #tpu.memory_space<vmem_shared>>
    tpu.wait_indirect_dma semaphore(%arg14 : memref<!tpu.dma_semaphore, #tpu.memory_space<semaphore_mem>>) src(%dma_wait3A_120 : memref<10240x128xf32, #tpu.memory_space<vmem_shared>>) dst(%arg10 : memref<128x128xf32, #tpu.memory_space<vmem>>)
    %add3A_121 = arith.constant 512 : i32
    %add3A_122 = arith.addi %mul3A_2, %add3A_121 : i32
    "tpu.region"() ({
      %run_scoped3A_123 = tpu.sem_alloc : memref<!tpu.dma_semaphore, #tpu.memory_space<semaphore_mem>>
      %dma_start3A_124 = arith.constant 0 : i32
      %dma_start3A_125 = arith.constant 0 : i32
      %dma_start3A_126 = tpu.memref_slice %arg7[%arg0, %dma_start3A_124, %dma_start3A_125] : memref<2x10240x128xf32, #tpu.memory_space<hbm>> -> memref<1x10240x128xf32, #tpu.memory_space<hbm>>
      %dma_start3A_127 = tpu.memref_squeeze %dma_start3A_126 : memref<1x10240x128xf32, #tpu.memory_space<hbm>> -> memref<10240x128xf32, #tpu.memory_space<hbm>>
      %dma_start3A_128 = arith.constant 0 : i32
      %dma_start3A_129 = tpu.memref_slice %dma_start3A_127[%add3A_122, %dma_start3A_128] : memref<10240x128xf32, #tpu.memory_space<hbm>> -> memref<128x128xf32, #tpu.memory_space<hbm>>
      %dma_start3A_130 = arith.constant 0 : i32
      %dma_start3A_131 = arith.constant 0 : i32
      %dma_start3A_132 = tpu.memref_slice %arg7[%arg0, %dma_start3A_130, %dma_start3A_131] : memref<2x10240x128xf32, #tpu.memory_space<hbm>> -> memref<1x10240x128xf32, #tpu.memory_space<hbm>>
      %dma_start3A_133 = tpu.memref_squeeze %dma_start3A_132 : memref<1x10240x128xf32, #tpu.memory_space<hbm>> -> memref<10240x128xf32, #tpu.memory_space<hbm>>
      %dma_start3A_134 = arith.constant 0 : i32
      %dma_start3A_135 = tpu.memref_slice %dma_start3A_133[%add3A_122, %dma_start3A_134] : memref<10240x128xf32, #tpu.memory_space<hbm>> -> memref<128x128xf32, #tpu.memory_space<hbm>>
      tpu.enqueue_dma source(%arg10 : memref<128x128xf32, #tpu.memory_space<vmem>>) target(%dma_start3A_135 : memref<128x128xf32, #tpu.memory_space<hbm>>) target_semaphore(%run_scoped3A_123 : memref<!tpu.dma_semaphore, #tpu.memory_space<semaphore_mem>>)
      %dma_wait3A_136 = arith.constant 0 : i32
      %dma_wait3A_137 = arith.constant 0 : i32
      %dma_wait3A_138 = tpu.memref_slice %arg7[%arg0, %dma_wait3A_136, %dma_wait3A_137] : memref<2x10240x128xf32, #tpu.memory_space<hbm>> -> memref<1x10240x128xf32, #tpu.memory_space<hbm>>
      %dma_wait3A_139 = tpu.memref_squeeze %dma_wait3A_138 : memref<1x10240x128xf32, #tpu.memory_space<hbm>> -> memref<10240x128xf32, #tpu.memory_space<hbm>>
      %dma_wait3A_140 = arith.constant 0 : i32
      %dma_wait3A_141 = tpu.memref_slice %dma_wait3A_139[%add3A_122, %dma_wait3A_140] : memref<10240x128xf32, #tpu.memory_space<hbm>> -> memref<128x128xf32, #tpu.memory_space<hbm>>
      %dma_wait3A_142 = arith.constant 0 : i32
      %dma_wait3A_143 = arith.constant 0 : i32
      %dma_wait3A_144 = tpu.memref_slice %arg7[%arg0, %dma_wait3A_142, %dma_wait3A_143] : memref<2x10240x128xf32, #tpu.memory_space<hbm>> -> memref<1x10240x128xf32, #tpu.memory_space<hbm>>
      %dma_wait3A_145 = tpu.memref_squeeze %dma_wait3A_144 : memref<1x10240x128xf32, #tpu.memory_space<hbm>> -> memref<10240x128xf32, #tpu.memory_space<hbm>>
      %dma_wait3A_146 = arith.constant 0 : i32
      %dma_wait3A_147 = tpu.memref_slice %dma_wait3A_145[%add3A_122, %dma_wait3A_146] : memref<10240x128xf32, #tpu.memory_space<hbm>> -> memref<128x128xf32, #tpu.memory_space<hbm>>
      tpu.wait_dma2 semaphore(%run_scoped3A_123 : memref<!tpu.dma_semaphore, #tpu.memory_space<semaphore_mem>>) src(%arg10 : memref<128x128xf32, #tpu.memory_space<vmem>>) dst(%dma_wait3A_147 : memref<128x128xf32, #tpu.memory_space<hbm>>)
      tpu.yield
    }) : () -> ()
    return
  }
}

module attributes {stable_mosaic.version = 14 : i64} {
  func.func @_dis_body(%arg0: i32, %arg1: memref<2x1280x128xf32, #tpu.memory_space<vmem>>, %arg2: memref<1280x128xf32, #tpu.memory_space<vmem>>) attributes {dimension_semantics = [#tpu.dimension_semantics<arbitrary>], iteration_bounds = array<i64: 8>, scalar_prefetch = 0 : i64, scratch_operands = 0 : i64, tpu.core_type = #tpu.core_type<tc>, window_params = [{transform_indices = @transform_0, window_bounds = array<i64: 2, 1280, 128>}, {transform_indices = @transform_1, window_bounds = array<i64: 1280, 128>}]} {
    %get3A = arith.constant 0 : index
    %get3A_0 = arith.constant 0 : index
    %get3A_1 = arith.constant 0 : index
    %get3A_2 = vector.load %arg1[%get3A, %get3A_0, %get3A_1] : memref<2x1280x128xf32, #tpu.memory_space<vmem>>, vector<1x1280x128xf32>
    %get3A_3 = vector.shape_cast %get3A_2 : vector<1x1280x128xf32> to vector<1280x128xf32>
    %add3A = arith.constant 1.000000e+00 : f32
    %add3A_4 = vector.broadcast %add3A : f32 to vector<1280x128xf32>
    %add3A_5 = arith.addf %add3A_4, %get3A_3 : vector<1280x128xf32>
    %get3A_6 = arith.constant 1 : index
    %get3A_7 = arith.constant 0 : index
    %get3A_8 = arith.constant 0 : index
    %get3A_9 = vector.load %arg1[%get3A_6, %get3A_7, %get3A_8] : memref<2x1280x128xf32, #tpu.memory_space<vmem>>, vector<1x1280x128xf32>
    %get3A_10 = vector.shape_cast %get3A_9 : vector<1x1280x128xf32> to vector<1280x128xf32>
    %add3A_11 = arith.addf %add3A_5, %get3A_10 : vector<1280x128xf32>
    %rsqrt3A = math.rsqrt %add3A_11 : vector<1280x128xf32>
    %swap3A = arith.constant 0 : index
    %swap3A_12 = arith.constant 0 : index
    %swap3A_13 = vector.load %arg2[%swap3A, %swap3A_12] : memref<1280x128xf32, #tpu.memory_space<vmem>>, vector<1280x128xf32>
    tpu.vector_store %arg2[%swap3A, %swap3A_12], %rsqrt3A {strides = array<i32>} : memref<1280x128xf32, #tpu.memory_space<vmem>>, vector<1280x128xf32>,
    return
  }
  func.func @transform_0(%arg0: i32) -> (i32, i32, i32) {
    %c0_i32 = arith.constant 0 : i32
    %c0_i32_0 = arith.constant 0 : i32
    %c0_i32_1 = arith.constant 0 : i32
    return %c0_i32, %arg0, %c0_i32_0 : i32, i32, i32
  }
  func.func @transform_1(%arg0: i32) -> (i32, i32) {
    %c0_i32 = arith.constant 0 : i32
    %c0_i32_0 = arith.constant 0 : i32
    return %arg0, %c0_i32 : i32, i32
  }
}

module attributes {stable_mosaic.version = 14 : i64} {
  func.func @_pre_body(%arg0: i32, %arg1: memref<1280x128xf32, #tpu.memory_space<vmem>>, %arg2: memref<128x128xf32, #tpu.memory_space<vmem>>, %arg3: memref<1280x128xf32, #tpu.memory_space<vmem>>, %arg4: memref<1280x128xf32, #tpu.memory_space<vmem>>) attributes {dimension_semantics = [#tpu.dimension_semantics<arbitrary>], iteration_bounds = array<i64: 8>, scalar_prefetch = 0 : i64, scratch_operands = 0 : i64, tpu.core_type = #tpu.core_type<tc>, window_params = [{transform_indices = @transform_0, window_bounds = array<i64: 1280, 128>}, {pipeline_mode = #tpu.pipeline_mode<synchronous>, transform_indices = @transform_1, window_bounds = array<i64: 128, 128>}, {transform_indices = @transform_2, window_bounds = array<i64: 1280, 128>}, {transform_indices = @transform_3, window_bounds = array<i64: 1280, 128>}]} {
    %get3A = arith.constant 0 : index
    %get3A_0 = arith.constant 0 : index
    %get3A_1 = vector.load %arg1[%get3A, %get3A_0] : memref<1280x128xf32, #tpu.memory_space<vmem>>, vector<1280x128xf32>
    %get3A_2 = arith.constant 0 : index
    %get3A_3 = arith.constant 0 : index
    %get3A_4 = vector.load %arg2[%get3A_2, %get3A_3] : memref<128x128xf32, #tpu.memory_space<vmem>>, vector<128x128xf32>
    %dot_general3A = arith.constant dense<0.000000e+00> : vector<1280x128xf32>
    %dot_general3A_5 = tpu.matmul %get3A_1, %get3A_4, %dot_general3A {dimension_numbers = #tpu.dot_dimension_numbers<[1], [0], [0], [1], [0, 0, 1, 1], [], []>, precision = #tpu.contract_precision<fp32>, transpose_lhs_hint = false} : vector<1280x128xf32>, vector<128x128xf32>, vector<1280x128xf32> -> vector<1280x128xf32>
    %get3A_6 = arith.constant 0 : index
    %get3A_7 = arith.constant 0 : index
    %get3A_8 = vector.load %arg3[%get3A_6, %get3A_7] : memref<1280x128xf32, #tpu.memory_space<vmem>>, vector<1280x128xf32>
    %mul3A = arith.mulf %dot_general3A_5, %get3A_8 : vector<1280x128xf32>
    %swap3A = arith.constant 0 : index
    %swap3A_9 = arith.constant 0 : index
    %swap3A_10 = vector.load %arg4[%swap3A, %swap3A_9] : memref<1280x128xf32, #tpu.memory_space<vmem>>, vector<1280x128xf32>
    tpu.vector_store %arg4[%swap3A, %swap3A_9], %mul3A {strides = array<i32>} : memref<1280x128xf32, #tpu.memory_space<vmem>>, vector<1280x128xf32>,
    return
  }
  func.func @transform_0(%arg0: i32) -> (i32, i32) {
    %c0_i32 = arith.constant 0 : i32
    %c0_i32_0 = arith.constant 0 : i32
    return %arg0, %c0_i32 : i32, i32
  }
  func.func @transform_1(%arg0: i32) -> (i32, i32) {
    %c0_i32 = arith.constant 0 : i32
    %c0_i32_0 = arith.constant 0 : i32
    %c0_i32_1 = arith.constant 0 : i32
    return %c0_i32, %c0_i32_0 : i32, i32
  }
  func.func @transform_2(%arg0: i32) -> (i32, i32) {
    %c0_i32 = arith.constant 0 : i32
    %c0_i32_0 = arith.constant 0 : i32
    return %arg0, %c0_i32 : i32, i32
  }
  func.func @transform_3(%arg0: i32) -> (i32, i32) {
    %c0_i32 = arith.constant 0 : i32
    %c0_i32_0 = arith.constant 0 : i32
    return %arg0, %c0_i32 : i32, i32
  }
}

module attributes {stable_mosaic.version = 14 : i64} {
  func.func @_mid_body(%arg0: i32, %arg1: memref<2x1280x128xf32, #tpu.memory_space<vmem>>, %arg2: memref<1280x128xf32, #tpu.memory_space<vmem>>, %arg3: memref<1280x128xf32, #tpu.memory_space<vmem>>, %arg4: memref<1x128xf32, #tpu.memory_space<vmem>>, %arg5: memref<128x128xf32, #tpu.memory_space<vmem>>, %arg6: memref<1280x128xf32, #tpu.memory_space<vmem>>) attributes {dimension_semantics = [#tpu.dimension_semantics<arbitrary>], iteration_bounds = array<i64: 8>, scalar_prefetch = 0 : i64, scratch_operands = 0 : i64, tpu.core_type = #tpu.core_type<tc>, window_params = [{transform_indices = @transform_0, window_bounds = array<i64: 2, 1280, 128>}, {transform_indices = @transform_1, window_bounds = array<i64: 1280, 128>}, {transform_indices = @transform_2, window_bounds = array<i64: 1280, 128>}, {pipeline_mode = #tpu.pipeline_mode<synchronous>, transform_indices = @transform_3, window_bounds = array<i64: 1, 128>}, {pipeline_mode = #tpu.pipeline_mode<synchronous>, transform_indices = @transform_4, window_bounds = array<i64: 128, 128>}, {transform_indices = @transform_5, window_bounds = array<i64: 1280, 128>}]} {
    %get3A = arith.constant 0 : index
    %get3A_0 = arith.constant 0 : index
    %get3A_1 = arith.constant 0 : index
    %get3A_2 = vector.load %arg1[%get3A, %get3A_0, %get3A_1] : memref<2x1280x128xf32, #tpu.memory_space<vmem>>, vector<1x1280x128xf32>
    %get3A_3 = vector.shape_cast %get3A_2 : vector<1x1280x128xf32> to vector<1280x128xf32>
    %get3A_4 = arith.constant 1 : index
    %get3A_5 = arith.constant 0 : index
    %get3A_6 = arith.constant 0 : index
    %get3A_7 = vector.load %arg1[%get3A_4, %get3A_5, %get3A_6] : memref<2x1280x128xf32, #tpu.memory_space<vmem>>, vector<1x1280x128xf32>
    %get3A_8 = vector.shape_cast %get3A_7 : vector<1x1280x128xf32> to vector<1280x128xf32>
    %add3A = arith.addf %get3A_3, %get3A_8 : vector<1280x128xf32>
    %get3A_9 = arith.constant 0 : index
    %get3A_10 = arith.constant 0 : index
    %get3A_11 = vector.load %arg2[%get3A_9, %get3A_10] : memref<1280x128xf32, #tpu.memory_space<vmem>>, vector<1280x128xf32>
    %add3A_12 = arith.addf %add3A, %get3A_11 : vector<1280x128xf32>
    %get3A_13 = arith.constant 0 : index
    %get3A_14 = arith.constant 0 : index
    %get3A_15 = vector.load %arg3[%get3A_13, %get3A_14] : memref<1280x128xf32, #tpu.memory_space<vmem>>, vector<1280x128xf32>
    %mul3A = arith.mulf %get3A_15, %add3A_12 : vector<1280x128xf32>
    %get3A_16 = arith.constant 0 : index
    %get3A_17 = arith.constant 0 : index
    %get3A_18 = vector.load %arg4[%get3A_16, %get3A_17] : memref<1x128xf32, #tpu.memory_space<vmem>>, vector<1x128xf32>
    %add3A_19 = vector.broadcast %get3A_18 : vector<1x128xf32> to vector<1280x128xf32>
    %add3A_20 = arith.addf %mul3A, %add3A_19 : vector<1280x128xf32>
    %max3A = arith.constant 0.000000e+00 : f32
    %max3A_21 = vector.broadcast %max3A : f32 to vector<1280x128xf32>
    %max3A_22 = arith.maximumf %add3A_20, %max3A_21 : vector<1280x128xf32>
    %get3A_23 = arith.constant 0 : index
    %get3A_24 = arith.constant 0 : index
    %get3A_25 = vector.load %arg5[%get3A_23, %get3A_24] : memref<128x128xf32, #tpu.memory_space<vmem>>, vector<128x128xf32>
    %dot_general3A = arith.constant dense<0.000000e+00> : vector<1280x128xf32>
    %dot_general3A_26 = tpu.matmul %max3A_22, %get3A_25, %dot_general3A {dimension_numbers = #tpu.dot_dimension_numbers<[1], [0], [0], [1], [0, 0, 1, 1], [], []>, precision = #tpu.contract_precision<fp32>, transpose_lhs_hint = false} : vector<1280x128xf32>, vector<128x128xf32>, vector<1280x128xf32> -> vector<1280x128xf32>
    %get3A_27 = arith.constant 0 : index
    %get3A_28 = arith.constant 0 : index
    %get3A_29 = vector.load %arg3[%get3A_27, %get3A_28] : memref<1280x128xf32, #tpu.memory_space<vmem>>, vector<1280x128xf32>
    %mul3A_30 = arith.mulf %dot_general3A_26, %get3A_29 : vector<1280x128xf32>
    %swap3A = arith.constant 0 : index
    %swap3A_31 = arith.constant 0 : index
    %swap3A_32 = vector.load %arg6[%swap3A, %swap3A_31] : memref<1280x128xf32, #tpu.memory_space<vmem>>, vector<1280x128xf32>
    tpu.vector_store %arg6[%swap3A, %swap3A_31], %mul3A_30 {strides = array<i32>} : memref<1280x128xf32, #tpu.memory_space<vmem>>, vector<1280x128xf32>,
    return
  }
  func.func @transform_0(%arg0: i32) -> (i32, i32, i32) {
    %c0_i32 = arith.constant 0 : i32
    %c0_i32_0 = arith.constant 0 : i32
    %c0_i32_1 = arith.constant 0 : i32
    return %c0_i32, %arg0, %c0_i32_0 : i32, i32, i32
  }
  func.func @transform_1(%arg0: i32) -> (i32, i32) {
    %c0_i32 = arith.constant 0 : i32
    %c0_i32_0 = arith.constant 0 : i32
    return %arg0, %c0_i32 : i32, i32
  }
  func.func @transform_2(%arg0: i32) -> (i32, i32) {
    %c0_i32 = arith.constant 0 : i32
    %c0_i32_0 = arith.constant 0 : i32
    return %arg0, %c0_i32 : i32, i32
  }
  func.func @transform_3(%arg0: i32) -> (i32, i32) {
    %c0_i32 = arith.constant 0 : i32
    %c0_i32_0 = arith.constant 0 : i32
    %c0_i32_1 = arith.constant 0 : i32
    return %c0_i32, %c0_i32_0 : i32, i32
  }
  func.func @transform_4(%arg0: i32) -> (i32, i32) {
    %c0_i32 = arith.constant 0 : i32
    %c0_i32_0 = arith.constant 0 : i32
    %c0_i32_1 = arith.constant 0 : i32
    return %c0_i32, %c0_i32_0 : i32, i32
  }
  func.func @transform_5(%arg0: i32) -> (i32, i32) {
    %c0_i32 = arith.constant 0 : i32
    %c0_i32_0 = arith.constant 0 : i32
    return %arg0, %c0_i32 : i32, i32
  }
}

module attributes {stable_mosaic.version = 14 : i64} {
  func.func @_post_body(%arg0: i32, %arg1: memref<2x1280x128xf32, #tpu.memory_space<vmem>>, %arg2: memref<1280x128xf32, #tpu.memory_space<vmem>>, %arg3: memref<1280x128xf32, #tpu.memory_space<vmem>>, %arg4: memref<1x128xf32, #tpu.memory_space<vmem>>, %arg5: memref<1280x128xf32, #tpu.memory_space<vmem>>) attributes {dimension_semantics = [#tpu.dimension_semantics<arbitrary>], iteration_bounds = array<i64: 8>, scalar_prefetch = 0 : i64, scratch_operands = 0 : i64, tpu.core_type = #tpu.core_type<tc>, window_params = [{transform_indices = @transform_0, window_bounds = array<i64: 2, 1280, 128>}, {transform_indices = @transform_1, window_bounds = array<i64: 1280, 128>}, {transform_indices = @transform_2, window_bounds = array<i64: 1280, 128>}, {pipeline_mode = #tpu.pipeline_mode<synchronous>, transform_indices = @transform_3, window_bounds = array<i64: 1, 128>}, {transform_indices = @transform_4, window_bounds = array<i64: 1280, 128>}]} {
    %get3A = arith.constant 0 : index
    %get3A_0 = arith.constant 0 : index
    %get3A_1 = arith.constant 0 : index
    %get3A_2 = vector.load %arg1[%get3A, %get3A_0, %get3A_1] : memref<2x1280x128xf32, #tpu.memory_space<vmem>>, vector<1x1280x128xf32>
    %get3A_3 = vector.shape_cast %get3A_2 : vector<1x1280x128xf32> to vector<1280x128xf32>
    %get3A_4 = arith.constant 1 : index
    %get3A_5 = arith.constant 0 : index
    %get3A_6 = arith.constant 0 : index
    %get3A_7 = vector.load %arg1[%get3A_4, %get3A_5, %get3A_6] : memref<2x1280x128xf32, #tpu.memory_space<vmem>>, vector<1x1280x128xf32>
    %get3A_8 = vector.shape_cast %get3A_7 : vector<1x1280x128xf32> to vector<1280x128xf32>
    %add3A = arith.addf %get3A_3, %get3A_8 : vector<1280x128xf32>
    %get3A_9 = arith.constant 0 : index
    %get3A_10 = arith.constant 0 : index
    %get3A_11 = vector.load %arg2[%get3A_9, %get3A_10] : memref<1280x128xf32, #tpu.memory_space<vmem>>, vector<1280x128xf32>
    %add3A_12 = arith.addf %add3A, %get3A_11 : vector<1280x128xf32>
    %get3A_13 = arith.constant 0 : index
    %get3A_14 = arith.constant 0 : index
    %get3A_15 = vector.load %arg3[%get3A_13, %get3A_14] : memref<1280x128xf32, #tpu.memory_space<vmem>>, vector<1280x128xf32>
    %mul3A = arith.mulf %get3A_15, %add3A_12 : vector<1280x128xf32>
    %get3A_16 = arith.constant 0 : index
    %get3A_17 = arith.constant 0 : index
    %get3A_18 = vector.load %arg4[%get3A_16, %get3A_17] : memref<1x128xf32, #tpu.memory_space<vmem>>, vector<1x128xf32>
    %add3A_19 = vector.broadcast %get3A_18 : vector<1x128xf32> to vector<1280x128xf32>
    %add3A_20 = arith.addf %mul3A, %add3A_19 : vector<1280x128xf32>
    %swap3A = arith.constant 0 : index
    %swap3A_21 = arith.constant 0 : index
    %swap3A_22 = vector.load %arg5[%swap3A, %swap3A_21] : memref<1280x128xf32, #tpu.memory_space<vmem>>, vector<1280x128xf32>
    tpu.vector_store %arg5[%swap3A, %swap3A_21], %add3A_20 {strides = array<i32>} : memref<1280x128xf32, #tpu.memory_space<vmem>>, vector<1280x128xf32>,
    return
  }
  func.func @transform_0(%arg0: i32) -> (i32, i32, i32) {
    %c0_i32 = arith.constant 0 : i32
    %c0_i32_0 = arith.constant 0 : i32
    %c0_i32_1 = arith.constant 0 : i32
    return %c0_i32, %arg0, %c0_i32_0 : i32, i32, i32
  }
  func.func @transform_1(%arg0: i32) -> (i32, i32) {
    %c0_i32 = arith.constant 0 : i32
    %c0_i32_0 = arith.constant 0 : i32
    return %arg0, %c0_i32 : i32, i32
  }
  func.func @transform_2(%arg0: i32) -> (i32, i32) {
    %c0_i32 = arith.constant 0 : i32
    %c0_i32_0 = arith.constant 0 : i32
    return %arg0, %c0_i32 : i32, i32
  }
  func.func @transform_3(%arg0: i32) -> (i32, i32) {
    %c0_i32 = arith.constant 0 : i32
    %c0_i32_0 = arith.constant 0 : i32
    %c0_i32_1 = arith.constant 0 : i32
    return %c0_i32, %c0_i32_0 : i32, i32
  }
  func.func @transform_4(%arg0: i32) -> (i32, i32) {
    %c0_i32 = arith.constant 0 : i32
    %c0_i32_0 = arith.constant 0 : i32
    return %arg0, %c0_i32 : i32, i32
  }
}

</mosaic_0001>

<sc_bundles>
// kernel: kernel.12.cloned.1.call-start
scs
__scs_entry_jumppad:
0x0: {  	(pc) =	sbr.rel $0x88, $3  }
0x1: {  	(tag) =	ssettag $0x0;
	lr =	simm.s32 $0x1  }
0x2: {  	[smem:$0x3F9B] =	sst lr;
	_ =	strace $0xD0000000  }
0x3: {  	_ = 	snop  }
0x4: {  	_ = 	snop  }
0x5: {  	_ = 	snop  }
0x6: {  	_ = 	snop  }
0x7: {  	_ = 	snop  }
__scs_overlays_trampoline_lowered:
0x8: {  	[smem:$0x3FAA] =	sst s0  }
0x9: {  	[smem:$0x3FAB] =	sst s1  }
0xa: {  	[smem:$0x3FAC] =	sst s2  }
0xb: {  	[smem:$0x3FAD] =	sst s3  }
0xc: {  	[smem:$0x3FAE] =	sst s4  }
0xd: {  	[smem:$0x3FAF] =	sst s5  }
0xe: {  	[smem:$0x3FB0] =	sst s6  }
0xf: {  	[smem:$0x3FB1] =	sst s7  }
0x10: {  	[smem:$0x3FB2] =	sst s8  }
0x11: {  	[smem:$0x3FB3] =	sst s9;
	s0 =	simm.s32 @!p0 $0x0  }
0x12: {  	s1 =	sld [smem:$0x3F99];
	s0 =	simm.s32 @p0 $0x1  }
0x13: {  	[smem:$0x3FB4] =	sst s0;
	s0 =	simm.s32 @!p1 $0x0  }
0x14: {  	s2 =	sld [smem:$0x3F98];
	s0 =	simm.s32 @p1 $0x1  }
0x15: {  	[smem:$0x3FB5] =	sst s0;
	s0 =	simm.s32 @!p2 $0x0  }
0x16: {  	s3 =	sld [smem:$0x3FDB];
	s0 =	simm.s32 @p2 $0x1  }
0x17: {  	s4 =	simm.s32 $0x1BF5;
	[smem:$0x3FB7] =	sst s0  }
0x18: {  	s0 =	sld [smem:$0x3F9A];
	_ =	swait.ge [sflag:s4], $0x0  }
0x19: {  	s7 =	sld [smem:$0x3F9B]  }
0x1a: {  	s8 =	sadd.s32 $0xFFFFE003, lr  }
0x1b: {  	s9 =	sadd.s32 $0xFFFFFEF7, lr;
	s5 =	simm.s32 $0xFFFFFFFF;
	p2 =	slt.u32 s8, $0xFFFFF086  }
0x1c: {  	p1 =	slt.u32 s9, $0xF7A;
	s5 =	simm.s32 @!p2 $0x0  }
0x1d: {  	s5 =	simm.s32 @p1 $0x1;
	p0 =	seq.s32 s7, s2  }
0x1e: {  	s7 =	smul.u32 @!p0 $0xF7A, s2;
	p2 =	seq.s32 @!p0 s5, $0x0  }
0x1f: {  	s9 =	smul.u32 $0xF7A, s1;
	s8 =	simm.s32 @!p0 $0x1BF5;
	p2 =	por !p2, p0  }
0x20: {  	[sflag:s8] =	ssyncset.s32 @!p0 $0xFFFFF086;
	s6 =	sadd.s32 @!p0 s3, s7;
	s7 =	simm.s32 @!p0 $0x108  }
0x21: {  	s3 =	sadd.s32 s3, s9;
	s6 =	sadd.s32 @!p0 $0x88, s6;
	s7 =	simm.s32 @p2 $0x1082  }
0x22: {  	[simem:s7], [sflag:s8] =	dma.local @!p0 [hbm:s6], $0xF7A  }
0x23: {  	s9 =	sor.u32 $0xD0000000, s2;
	s6 =	simm.s32 $0x108;
	_ =	swait.ge @!p0 [sflag:s8], $0x0  }
0x24: {  	s3 =	sadd.s32 $0x88, s3;
	s6 =	simm.s32 @!p1 $0x1082;
	[sflag:s4] =	ssyncset.s32 $0xFFFFF086  }
0x25: {  	[simem:s6], [sflag:s4] =	dma.local [hbm:s3], $0xF7A  }
0x26: {  	[smem:$0x3F9B] =	sst s1;
	(tag) =	ssettag s2;
	_ =	strace s9  }
0x27: {  	s1 =	sld [smem:$0x3FAB]  }
0x28: {  	s2 =	sld [smem:$0x3FAC]  }
0x29: {  	s4 =	sld [smem:$0x3FAE]  }
0x2a: {  	p0 =	seq.s32 s5, $0x0;
	s5 =	sld [smem:$0x3FAF]  }
0x2b: {  	s6 =	sld [smem:$0x3FB0]  }
0x2c: {  	s7 =	sld [smem:$0x3FB1]  }
0x2d: {  	s3 =	simm.s32 $0x108;
	s8 =	sld [smem:$0x3FB2]  }
0x2e: {  	s3 =	simm.s32 @!p0 $0x1082;
	s9 =	sld [smem:$0x3FB3]  }
0x2f: {  	lr =	sadd.s32 s0, s3;
	s0 =	sld [smem:$0x3FAA]  }
0x30: {  	s3 =	sld [smem:$0x3FAD]  }
0x31: {  	[smem:$0x3FB6] =	sst s10  }
0x32: {  	s10 =	sld [smem:$0x3FB4];
	_ =	sdelay $0x3  }
0x33: {  	p0 =	seq.s32 s10, $0x1;
	s10 =	sld [smem:$0x3FB6];
	_ =	sdelay $0x3  }
0x34: {  	[smem:$0x3FB6] =	sst s10  }
0x35: {  	s10 =	sld [smem:$0x3FB5];
	_ =	sdelay $0x3  }
0x36: {  	p1 =	seq.s32 s10, $0x1;
	s10 =	sld [smem:$0x3FB6];
	_ =	sdelay $0x3  }
0x37: {  	[smem:$0x3FB6] =	sst s10  }
0x38: {  	s10 =	sld [smem:$0x3FB7]  }
0x39: {  	_ = 	snop;
	(pc) =	sbr.ind lr, $3  }
0x3a: {  	_ = 	snop  }
0x3b: {  	_ = 	snop  }
0x3c: {  	p2 =	seq.s32 s10, $0x1;
	s10 =	sld [smem:$0x3FB6]  }
0x3d: {  	_ =	shalt  }
0x3e: {  	_ =	shalt  }
0x3f: {  	_ =	shalt  }
0x40: {  	_ =	shalt  }
0x41: {  	_ =	shalt  }
0x42: {  	_ =	shalt  }
0x43: {  	_ =	shalt  }
0x44: {  	_ =	shalt  }
0x45: {  	_ =	shalt  }
0x46: {  	_ =	shalt  }
0x47: {  	_ =	shalt  }
0x48: {  	_ =	shalt  }
0x49: {  	_ =	shalt  }
0x4a: {  	_ =	shalt  }
0x4b: {  	_ =	shalt  }
0x4c: {  	_ =	shalt  }
0x4d: {  	_ =	shalt  }
0x4e: {  	_ =	shalt  }
0x4f: {  	_ =	shalt  }
0x50: {  	_ =	shalt  }
0x51: {  	_ =	shalt  }
0x52: {  	_ =	shalt  }
0x53: {  	_ =	shalt  }
0x54: {  	_ =	shalt  }
0x55: {  	_ =	shalt  }
0x56: {  	_ =	shalt  }
0x57: {  	_ =	shalt  }
0x58: {  	_ =	shalt  }
0x59: {  	_ =	shalt  }
0x5a: {  	_ =	shalt  }
0x5b: {  	_ =	shalt  }
0x5c: {  	_ =	shalt  }
0x5d: {  	_ =	shalt  }
0x5e: {  	_ =	shalt  }
0x5f: {  	_ =	shalt  }
0x60: {  	_ =	shalt  }
0x61: {  	_ =	shalt  }
0x62: {  	_ =	shalt  }
0x63: {  	_ =	shalt  }
0x64: {  	_ =	shalt  }
0x65: {  	_ =	shalt  }
0x66: {  	_ =	shalt  }
0x67: {  	_ =	shalt  }
0x68: {  	_ =	shalt  }
0x69: {  	_ =	shalt  }
0x6a: {  	_ =	shalt  }
0x6b: {  	_ =	shalt  }
0x6c: {  	_ =	shalt  }
0x6d: {  	_ =	shalt  }
0x6e: {  	_ =	shalt  }
0x6f: {  	_ =	shalt  }
0x70: {  	_ =	shalt  }
0x71: {  	_ =	shalt  }
0x72: {  	_ =	shalt  }
0x73: {  	_ =	shalt  }
0x74: {  	_ =	shalt  }
0x75: {  	_ =	shalt  }
0x76: {  	_ =	shalt  }
0x77: {  	_ =	shalt  }
0x78: {  	_ =	shalt  }
0x79: {  	_ =	shalt  }
0x7a: {  	_ =	shalt  }
0x7b: {  	_ =	shalt  }
0x7c: {  	_ =	shalt  }
0x7d: {  	_ =	shalt  }
0x7e: {  	_ =	shalt  }
0x7f: {  	_ =	shalt  }
0x80: {  	_ =	shalt  }
0x81: {  	_ =	shalt  }
0x82: {  	_ =	shalt  }
0x83: {  	_ =	shalt  }
0x84: {  	_ =	shalt  }
0x85: {  	_ =	shalt  }
0x86: {  	_ =	shalt  }
0x87: {  	_ =	shalt  }
.Lfunc_end0:
.L_simem_size_0:
called_computation.1_lowered:
.L_overlay_start_0:
0x88: {  	s2 =	sld [smem:$0x3FD9]  }
0x89: {  	s3 =	sld [smem:$0x3FFE];
	_ =	sdelay $0x1  }
0x8a: {  	s1 =	srdreg.scid  }
0x8b: {  	s0 =	sand.u32 $0x1, s1  }
0x8c: {  	s17 =	sshll.u32 s0, $0xA;
	s2 =	sadd.s32 s3, s2  }
0x8d: {  	s2 =	sadd.s32 s2, s17  }
0x8e: {  	[smem:$0x3FC2] =	sst s2  }
0x8f: {  	_ = 	snop  }
0x90: {  	s2 =	sld [smem:$0x3FD0];
	(tm) =	ssettm $0x1  }
0x91: {  	s18 =	sld [smem:$0x3FFB];
	_ =	sdelay $0x3  }
0x92: {  	_ =	strace s18  }
0x93: {  	s3 =	sld [smem:$0x3FFC];
	_ =	sdelay $0x3  }
0x94: {  	_ =	strace s3  }
0x95: {  	s3 =	sld [smem:$0x3FFD];
	_ =	sdelay $0x3  }
0x96: {  	_ =	strace s3  }
0x97: {  	_ =	strace $0x8FFFFFFF  }
0x98: {  	s19 =	sld [smem:$0x3FDB];
	_ =	sdelay $0x1  }
0x99: {  	s4 =	simm.s32 $_scs_section_size  }
0x9a: {  	s5 =	simm.s32 $_size__tile_overlayer_lowered;
	s6 =	simm.s32 $_tile_overlayer_lowered  }
0x9b: {  	s22 =	simm.s32 $0x1BFF;
	s21 =	sshll.u32 s6, $0x1;
	s3 =	sadd.s32 s4, s19  }
0x9c: {  	s7 =	simm.s32 $0x0;
	s20 =	sshll.u32 s5, $0x1;
	s5 =	sadd.s32 s21, s3  }
0x9d: {  	[timem:s7], [sflag:s22] =	dma.local [hbm:s5], s20  }
0x9e: {  	_ =	swait.ge [sflag:s22], s20  }
0x9f: {  	s4 =	ssub.s32 $0x0, s20;
	[sflag:s22] =	ssyncset.done $0x0  }
0xa0: {  	[sflag:s22] =	ssyncadd.s32 s4;
	_ =	sdelay $0x1  }
0xa1: {  	s23 =	simm.s32 $0x1B8B  }
0xa2: {  	_ =	swait.ge [sflag:s23], $0x1  }
0xa3: {  	[sflag:s23] =	ssyncset.done $0x0  }
0xa4: {  	s25 =	simm.s32 $0x1B8E;
	s24 =	sld [smem:$0x3FFE];
	[sflag:s23] =	ssyncadd.s32 $0xFFFFFFFF  }
0xa5: {  	s26 =	simm.s32 $execute0_lowered;
	[smem:$0x3FD2] =	sst s25  }
0xa6: {  	s5 =	sshll.u32 s26, $0x1;
	_ =	strace $0x80000049;
	[dreg:$0x1] =	wrdreg $0xFFFFFFFF  }
0xa7: {  	s28 =	simm.s32 $_size_execute0_lowered;
	s3 =	sadd.s32 s3, s5;
	[dreg:$0x0] =	wrdreg $0x0  }
0xa8: {  	s5 =	sshll.u32 s28, $0x1;
	[dreg:$0x2] =	wrdreg s3  }
0xa9: {  	[dreg:$0x3] =	wrdreg s5  }
0xaa: {  	[dreg:$0x4] =	wrdreg $0xC0  }
0xab: {  	_ =	task [dreg:s7], $0x5FFFF  }
0xac: {  	[dreg:$0x1] =	wrdreg $0xFFFFFFFF  }
0xad: {  	[dreg:$0x0] =	wrdreg $0x60  }
0xae: {  	[dreg:$0x2] =	wrdreg s24  }
0xaf: {  	[dreg:$0x3] =	wrdreg s2  }
0xb0: {  	[dreg:$0x4] =	wrdreg $0xAC000  }
0xb1: {  	[dreg:$0x5] =	wrdreg $0x9  }
0xb2: {  	_ =	task.clear_ibuf [dreg:s7], $0x6FFFF;
	_ =	strace $0x90000049  }
0xb3: {  	s29 =	simm.s32 $0x9;
	_ =	strace $0x8000004B  }
0xb4: {  	_ =	swait.ge [sflag:s29], $0x1  }
0xb5: {  	[sflag:s29] =	ssyncadd.s32 $0xFFFFFFFF  }
0xb6: {  	_ =	strace $0x9000004B  }
0xb7: {  	_ =	sfence  }
0xb8: {  	s30 =	sld [smem:$0x0];
	_ =	sdelay $0x2  }
0xb9: {  	s31 =	sshll.u32 s1, $0xD;
	s1 =	sshrl.u32 s1, $0x2  }
0xba: {  	s3 =	sand.u32 $0x4000, s31;
	s1 =	sadd.s32 s1, s30  }
0xbb: {  	s0 =	sor.u32 s3, s0;
	s1 =	sshll.u32 s1, $0x11  }
0xbc: {  	s0 =	sor.u32 s1, s0  }
0xbd: {  	s0 =	sadd.s32 $0x8F2B, s0  }
0xbe: {  	[sflag:s0] =	ssyncadd.remote.s32 $0x1  }
0xbf: {  	_ =	sfence.sel $0xFFFF  }
0xc0: {  	[dreg:$0x0] =	wrdreg $0xFFFFFFFF;
	(pc) =	sbr.abs _section_cstart, $3  }
0xc1: {  	[dreg:$0x1] =	wrdreg $0xFFFFFFFF  }
0xc2: {  	_ =	task.clear_ibuf [dreg:s7], $0x2FFFF;
	_ =	strace $0x9FFFFFFF  }
0xc3: {  	(tm) =	ssettm $0x7FFFFFFF  }
tec
execute0_lowered:
.L_overlay_start_1:
0x0: {  	(tag) =	ssettag $0x1  }
0x1: {  	s0 =	rddreg [dreg:$0x0]  }
0x2: {  	s1 =	rddreg [dreg:$0x1];
	s3 =	srdreg.scid  }
0x3: {  	s5 =	stileid.u32;
	s2 =	rddreg [dreg:$0x2];
	s12 =	simm.s32 $0x2800  }
0x4: {  	s13 =	simm.s32 $0x80;
	s15 =	simm.s32 $0xA900;
	s16 =	simm.s32 $0xA980  }
0x5: {  	s17 =	simm.s32 $0xAA00;
	s18 =	simm.s32 $0x1400;
	s19 =	simm.s32 $0x6800  }
0x6: {  	s28 =	simm.s32 $0x1380;
	s29 =	simm.s32 $0x2700;
	s30 =	simm.s32 $0x2780  }
0x7: {  	s31 =	simm.s32 $0x0;
	s6 =	sand.u32 $0x1, s3;
	s4 =	sshll.u32 s5, $0x1  }
0x8: {  	s3 =	simm.s32 $0x0;
	s9 =	sshll.u32 s5, $0x7;
	s24 =	smul.u32 $0x14000, s5  }
0x9: {  	s11 =	sadd.s32 $0x2600, s0;
	s20 =	smul.u32 $0x2800, s5;
	s5 =	simm.s32 $0xA880  }
0xa: {  	s4 =	sor.u32 s6, s4;
	[smem:$0x7FF] =	sst s3;
	s10 =	smul.u32 $0x28000, s6  }
0xb: {  	s9 =	sadd.s32 s9, s0;
	s6 =	ssub.s32 $0x2, s6;
	s8 =	smul.u32 $0x500, s4  }
0xc: {  	_ =	strace $0x8000004A;
	s4 =	sadd.s32 $0x2E00, s0;
	[dreg:$0x4] =	wrdreg s11  }
0xd: {  	s23 =	sshrl.u32 s6, $0x1;
	s25 =	sadd.s32 $0x1E00, s9;
	s26 =	sshrl.u32 s24, $0x3  }
0xe: {  	s11 =	simm.s32 $0x3;
	[dreg:$0x5] =	wrdreg s25;
	s21 =	sadd.s32 $0x800, s26  }
0xf: {  	s22 =	sadd.s32 $0x1000, s26;
	s25 =	simm.s32 $0x1;
	s7 =	sadd.s32 s8, s0  }
0x10: {  	s0 =	sadd.s32 s10, s0;
	s10 =	ssub.s32 s6, s23;
	s8 =	sadd.s32 s1, s8  }
0x11: {  	s23 =	sadd.s32 $0x1800, s26;
	s1 =	sadd.s32 $0x2000, s26;
	s26 =	simm.s32 $0x2  }
0x12: {  	s7 =	sadd.s32 $0x53600, s7;
	s0 =	sadd.s32 $0x5D600, s0;
	s9 =	smax.u32 s10, $0x1  }
0x13: {  	s10 =	simm.s32 $0xA800;
	s20 =	sadd.s32 s20, s0;
	s21 =	sadd.s32 s21, s0  }
0x14: {  	s22 =	sadd.s32 s22, s0;
	s23 =	sadd.s32 s23, s0;
	s24 =	sadd.s32 s1, s0  }
.LBB2_1:
0x15: {  	s0 =	rddreg [dreg:$0x5]  }
0x16: {  	[tilespmem:s10], [sflag:$0x3] =	stream.linear.gather [hbm4b:s0+s3], $0x280, $0x38;
	[tilespmem:$0x1EC00] =	vst v63  }
0x17: {  	_ =	swait.ge [sflag:s11], $0x280  }
0x18: {  	[sflag:s11] =	ssyncset.done $0x0  }
0x19: {  	s14 =	rddreg [dreg:$0x4];
	[sflag:s11] =	ssyncadd.s32 $0xFFFFFD80  }
0x1a: {  	[tilespmem:s12], [sflag:$0x3] =	stream.linear.gather [hbm4b:s14+s3], $0x4000, $0x38;
	[tilespmem:$0x1EC00] =	vst v63  }
0x1b: {  	_ =	swait.ge [sflag:s11], $0x4000  }
0x1c: {  	[sflag:s11] =	ssyncset.done $0x0  }
0x1d: {  	[sflag:s11] =	ssyncadd.s32 $0xFFFFC000  }
0x1e: {  	[spmem:s2] =	stream.indirect.scatter [tilespmem:s12], [sflag:$0x3], $0x80, s10, s13, $0xb8;
	[tilespmem:$0x1EC00] =	vst v63  }
0x1f: {  	_ =	swait.ge [sflag:s11], $0x4000  }
0x20: {  	[sflag:s11] =	ssyncset.done $0x0  }
0x21: {  	[sflag:s11] =	ssyncadd.s32 $0xFFFFC000  }
0x22: {  	[spmem:s2] =	stream.indirect.scatter [tilespmem:s12], [sflag:$0x3], $0x80, s5, s13, $0xb8;
	[tilespmem:$0x1EC00] =	vst v63  }
0x23: {  	_ =	swait.ge [sflag:s11], $0x4000  }
0x24: {  	[sflag:s11] =	ssyncset.done $0x0  }
0x25: {  	[sflag:s11] =	ssyncadd.s32 $0xFFFFC000  }
0x26: {  	[spmem:s2] =	stream.indirect.scatter [tilespmem:s12], [sflag:$0x3], $0x80, s15, s13, $0xb8;
	[tilespmem:$0x1EC00] =	vst v63  }
0x27: {  	_ =	swait.ge [sflag:s11], $0x4000  }
0x28: {  	[sflag:s11] =	ssyncset.done $0x0  }
0x29: {  	[sflag:s11] =	ssyncadd.s32 $0xFFFFC000  }
0x2a: {  	[spmem:s2] =	stream.indirect.scatter [tilespmem:s12], [sflag:$0x3], $0x80, s16, s13, $0xb8;
	[tilespmem:$0x1EC00] =	vst v63  }
0x2b: {  	_ =	swait.ge [sflag:s11], $0x4000  }
0x2c: {  	[sflag:s11] =	ssyncset.done $0x0  }
0x2d: {  	[sflag:s11] =	ssyncadd.s32 $0xFFFFC000  }
0x2e: {  	[spmem:s2] =	stream.indirect.scatter [tilespmem:s12], [sflag:$0x3], $0x80, s17, s13, $0xb8;
	[tilespmem:$0x1EC00] =	vst v63  }
0x2f: {  	_ =	swait.ge [sflag:s11], $0x4000  }
0x30: {  	[sflag:s11] =	ssyncset.done $0x0  }
0x31: {  	[sflag:s11] =	ssyncadd.s32 $0xFFFFC000  }
0x32: {  	[bflag:$0x0] =	sbarrier.arrive $0xFFFF  }
0x33: {  	[tilespmem:s3], [sflag:$0x3] =	stream.linear.gather [hbm4b:s7+s3], $0x1400, $0x38;
	[tilespmem:$0x1EC00] =	vst v63  }
0x34: {  	_ =	swait.ge [sflag:s11], $0x1400  }
0x35: {  	[sflag:s11] =	ssyncset.done $0x0  }
0x36: {  	[sflag:s11] =	ssyncadd.s32 $0xFFFFEC00  }
0x37: {  	[tilespmem:s18], [sflag:$0x3] =	stream.linear.gather [hbm4b:s8+s3], $0x1400, $0x38;
	[tilespmem:$0x1EC00] =	vst v63  }
0x38: {  	_ =	swait.ge [sflag:s11], $0x1400  }
0x39: {  	[sflag:s11] =	ssyncset.done $0x0  }
0x3a: {  	[sflag:s11] =	ssyncadd.s32 $0xFFFFEC00  }
0x3b: {  	[tilespmem:s12], [sflag:$0x1] =	stream.indirect.gather [hbm4b:s4+s13], $0x80, s3, s13, $0xb8;
	[tilespmem:$0x1EC00] =	vst v63  }
0x3c: {  	s1 =	simm.s32 $0x80  }
0x3d: {  	[tilespmem:s19], [sflag:$0x2] =	stream.indirect.gather [hbm4b:s4+s13], $0x80, s1, s13, $0xb8;
	[tilespmem:$0x1EC00] =	vst v63  }
0x3e: {  	_ =	swait.ge [sflag:s25], $0x4000  }
0x3f: {  	[sflag:s25] =	ssyncset.done $0x0  }
0x40: {  	s5 =	simm.s32 $0x1400;
	[sflag:s25] =	ssyncadd.s32 $0xFFFFC000  }
0x41: {  	[spmem:s2] =	stream.indirect.scatter.add.f32 [tilespmem:s12], [sflag:$0x3], $0x80, s5, s13, $0xb8;
	[tilespmem:$0x1EC00] =	vst v63  }
0x42: {  	_ =	swait.ge [sflag:s11], $0x4000  }
0x43: {  	[sflag:s11] =	ssyncset.done $0x0  }
0x44: {  	s6 =	simm.s32 $0x100;
	[sflag:s11] =	ssyncadd.s32 $0xFFFFC000  }
0x45: {  	[tilespmem:s12], [sflag:$0x1] =	stream.indirect.gather [hbm4b:s4+s13], $0x80, s6, s13, $0xb8;
	[tilespmem:$0x1EC00] =	vst v63  }
0x46: {  	_ =	swait.ge [sflag:s26], $0x4000  }
0x47: {  	[sflag:s26] =	ssyncset.done $0x0  }
0x48: {  	s14 =	simm.s32 $0x1480;
	[sflag:s26] =	ssyncadd.s32 $0xFFFFC000  }
0x49: {  	[spmem:s2] =	stream.indirect.scatter.add.f32 [tilespmem:s19], [sflag:$0x3], $0x80, s14, s13, $0xb8;
	[tilespmem:$0x1EC00] =	vst v63  }
0x4a: {  	_ =	swait.ge [sflag:s11], $0x4000  }
0x4b: {  	s0 =	simm.s32 $0x800;
	s1 =	simm.s32 $0x100;
	[sflag:s11] =	ssyncset.done $0x0  }
.LBB2_2:
0x4c: {  	s5 =	sadd.s32 $0x80, s1  }
0x4d: {  	[sflag:s11] =	ssyncadd.s32 $0xFFFFC000;
	s6 =	smov.u32 s0;
	s14 =	sadd.s32 $0x400, s0  }
0x4e: {  	[tilespmem:s19], [sflag:$0x2] =	stream.indirect.gather [hbm4b:s4+s13], $0x80, s5, s13, $0xb8;
	[tilespmem:$0x1EC00] =	vst v63  }
0x4f: {  	p0 =	sne.s32 s0, $0x4800;
	_ =	swait.ge [sflag:s25], $0x4000  }
0x50: {  	[sflag:s25] =	ssyncset.done $0x0  }
0x51: {  	s0 =	sadd.s32 $0x1400, s1;
	[sflag:s25] =	ssyncadd.s32 $0xFFFFC000  }
0x52: {  	[spmem:s2] =	stream.indirect.scatter.add.f32 [tilespmem:s12], [sflag:$0x3], $0x80, s0, s13, $0xb8;
	[tilespmem:$0x1EC00] =	vst v63  }
0x53: {  	_ =	swait.ge [sflag:s11], $0x4000  }
0x54: {  	[sflag:s11] =	ssyncset.done $0x0  }
0x55: {  	s0 =	sadd.s32 $0x100, s1;
	[sflag:s11] =	ssyncadd.s32 $0xFFFFC000  }
0x56: {  	[tilespmem:s12], [sflag:$0x1] =	stream.indirect.gather [hbm4b:s4+s13], $0x80, s0, s13, $0xb8;
	[tilespmem:$0x1EC00] =	vst v63  }
0x57: {  	_ =	swait.ge [sflag:s26], $0x4000  }
.Ltmp0:
0x58: {  	[sflag:s26] =	ssyncset.done $0x0;
	(pc) =	sbr.rel @p0 .LBB2_2-.Ltmp0, $4  }
0x59: {  	s0 =	sadd.s32 $0x1480, s1;
	[sflag:s26] =	ssyncadd.s32 $0xFFFFC000  }
0x5a: {  	[spmem:s2] =	stream.indirect.scatter.add.f32 [tilespmem:s19], [sflag:$0x3], $0x80, s0, s13, $0xb8;
	[tilespmem:$0x1EC00] =	vst v63  }
0x5b: {  	_ =	swait.ge [sflag:s11], $0x4000  }
0x5c: {  	s1 =	sshra.s32 s6, $0x2;
	s0 =	smov.u32 s14;
	[sflag:s11] =	ssyncset.done $0x0  }
0x5d: {  	s0 =	sadd.s32 $0x80, s1;
	[sflag:s11] =	ssyncadd.s32 $0xFFFFC000  }
0x5e: {  	[tilespmem:s19], [sflag:$0x2] =	stream.indirect.gather [hbm4b:s4+s13], $0x80, s0, s13, $0xb8;
	[tilespmem:$0x1EC00] =	vst v63  }
0x5f: {  	_ =	swait.ge [sflag:s25], $0x4000  }
0x60: {  	[sflag:s25] =	ssyncset.done $0x0  }
0x61: {  	s6 =	sadd.s32 $0x1400, s1;
	[sflag:s25] =	ssyncadd.s32 $0xFFFFC000  }
0x62: {  	[spmem:s2] =	stream.indirect.scatter.add.f32 [tilespmem:s12], [sflag:$0x3], $0x80, s6, s13, $0xb8;
	[tilespmem:$0x1EC00] =	vst v63  }
0x63: {  	_ =	swait.ge [sflag:s11], $0x4000  }
0x64: {  	[sflag:s11] =	ssyncset.done $0x0  }
0x65: {  	s14 =	sadd.s32 $0x100, s1;
	[sflag:s11] =	ssyncadd.s32 $0xFFFFC000  }
0x66: {  	[tilespmem:s12], [sflag:$0x1] =	stream.indirect.gather [hbm4b:s4+s13], $0x80, s14, s13, $0xb8;
	[tilespmem:$0x1EC00] =	vst v63  }
0x67: {  	_ =	swait.ge [sflag:s26], $0x4000  }
0x68: {  	[sflag:s26] =	ssyncset.done $0x0  }
0x69: {  	s1 =	sadd.s32 $0x1480, s1;
	[sflag:s26] =	ssyncadd.s32 $0xFFFFC000  }
0x6a: {  	[spmem:s2] =	stream.indirect.scatter.add.f32 [tilespmem:s19], [sflag:$0x3], $0x80, s1, s13, $0xb8;
	[tilespmem:$0x1EC00] =	vst v63  }
0x6b: {  	_ =	swait.ge [sflag:s11], $0x4000  }
0x6c: {  	[sflag:s11] =	ssyncset.done $0x0  }
0x6d: {  	[sflag:s11] =	ssyncadd.s32 $0xFFFFC000  }
0x6e: {  	[tilespmem:s19], [sflag:$0x2] =	stream.indirect.gather [hbm4b:s4+s13], $0x80, s28, s13, $0xb8;
	[tilespmem:$0x1EC00] =	vst v63  }
0x6f: {  	_ =	swait.ge [sflag:s25], $0x4000  }
0x70: {  	[sflag:s25] =	ssyncset.done $0x0  }
0x71: {  	[sflag:s25] =	ssyncadd.s32 $0xFFFFC000  }
0x72: {  	[spmem:s2] =	stream.indirect.scatter.add.f32 [tilespmem:s12], [sflag:$0x3], $0x80, s29, s13, $0xb8;
	[tilespmem:$0x1EC00] =	vst v63  }
0x73: {  	_ =	swait.ge [sflag:s11], $0x4000  }
0x74: {  	[sflag:s11] =	ssyncset.done $0x0  }
0x75: {  	[sflag:s11] =	ssyncadd.s32 $0xFFFFC000  }
0x76: {  	[tilespmem:s12], [sflag:$0x1] =	stream.indirect.gather [hbm4b:s4+s13], $0x80, s28, s13, $0xb8;
	[tilespmem:$0x1EC00] =	vst v63  }
0x77: {  	_ =	swait.ge [sflag:s26], $0x4000  }
0x78: {  	[sflag:s26] =	ssyncset.done $0x0  }
0x79: {  	[sflag:s26] =	ssyncadd.s32 $0xFFFFC000  }
0x7a: {  	[spmem:s2] =	stream.indirect.scatter.add.f32 [tilespmem:s19], [sflag:$0x3], $0x80, s30, s13, $0xb8;
	[tilespmem:$0x1EC00] =	vst v63  }
0x7b: {  	_ =	swait.ge [sflag:s11], $0x4000  }
0x7c: {  	[sflag:s11] =	ssyncset.done $0x0  }
0x7d: {  	[sflag:s11] =	ssyncadd.s32 $0xFFFFC000  }
0x7e: {  	_ =	swait.ge [sflag:s25], $0x4000  }
0x7f: {  	[sflag:s25] =	ssyncset.done $0x0  }
0x80: {  	s5 =	sadd.s32 $0x280, s7;
	s6 =	simm.s32 $0x0;
	[sflag:s25] =	ssyncadd.s32 $0xFFFFC000  }
0x81: {  	[tilespmem:s6], [sflag:$0x3] =	stream.linear.gather [hbm4b:s5+s6], $0x1400, $0x38;
	[tilespmem:$0x1EC00] =	vst v63  }
0x82: {  	_ =	swait.ge [sflag:s11], $0x1400  }
0x83: {  	[sflag:s11] =	ssyncset.done $0x0  }
0x84: {  	s14 =	sadd.s32 $0x280, s8;
	[sflag:s11] =	ssyncadd.s32 $0xFFFFEC00  }
0x85: {  	[tilespmem:s18], [sflag:$0x3] =	stream.linear.gather [hbm4b:s14+s6], $0x1400, $0x38;
	[tilespmem:$0x1EC00] =	vst v63  }
0x86: {  	_ =	swait.ge [sflag:s11], $0x1400  }
0x87: {  	[sflag:s11] =	ssyncset.done $0x0  }
0x88: {  	[sflag:s11] =	ssyncadd.s32 $0xFFFFEC00  }
0x89: {  	[tilespmem:s12], [sflag:$0x1] =	stream.indirect.gather [hbm4b:s4+s13], $0x80, s6, s13, $0xb8;
	[tilespmem:$0x1EC00] =	vst v63  }
0x8a: {  	s1 =	simm.s32 $0x80  }
0x8b: {  	[tilespmem:s19], [sflag:$0x2] =	stream.indirect.gather [hbm4b:s4+s13], $0x80, s1, s13, $0xb8;
	[tilespmem:$0x1EC00] =	vst v63  }
0x8c: {  	_ =	swait.ge [sflag:s25], $0x4000  }
0x8d: {  	[sflag:s25] =	ssyncset.done $0x0  }
0x8e: {  	s5 =	simm.s32 $0x1400;
	[sflag:s25] =	ssyncadd.s32 $0xFFFFC000  }
0x8f: {  	[spmem:s2] =	stream.indirect.scatter.add.f32 [tilespmem:s12], [sflag:$0x3], $0x80, s5, s13, $0xb8;
	[tilespmem:$0x1EC00] =	vst v63  }
0x90: {  	_ =	swait.ge [sflag:s11], $0x4000  }
0x91: {  	[sflag:s11] =	ssyncset.done $0x0  }
0x92: {  	s6 =	simm.s32 $0x100;
	[sflag:s11] =	ssyncadd.s32 $0xFFFFC000  }
0x93: {  	[tilespmem:s12], [sflag:$0x1] =	stream.indirect.gather [hbm4b:s4+s13], $0x80, s6, s13, $0xb8;
	[tilespmem:$0x1EC00] =	vst v63  }
0x94: {  	_ =	swait.ge [sflag:s26], $0x4000  }
0x95: {  	[sflag:s26] =	ssyncset.done $0x0  }
0x96: {  	s14 =	simm.s32 $0x1480;
	[sflag:s26] =	ssyncadd.s32 $0xFFFFC000  }
0x97: {  	[spmem:s2] =	stream.indirect.scatter.add.f32 [tilespmem:s19], [sflag:$0x3], $0x80, s14, s13, $0xb8;
	[tilespmem:$0x1EC00] =	vst v63  }
0x98: {  	_ =	swait.ge [sflag:s11], $0x4000  }
0x99: {  	s0 =	simm.s32 $0x800;
	s1 =	simm.s32 $0x100;
	[sflag:s11] =	ssyncset.done $0x0  }
.LBB2_4:
0x9a: {  	s5 =	sadd.s32 $0x80, s1  }
0x9b: {  	[sflag:s11] =	ssyncadd.s32 $0xFFFFC000;
	s6 =	smov.u32 s0;
	s14 =	sadd.s32 $0x400, s0  }
0x9c: {  	[tilespmem:s19], [sflag:$0x2] =	stream.indirect.gather [hbm4b:s4+s13], $0x80, s5, s13, $0xb8;
	[tilespmem:$0x1EC00] =	vst v63  }
0x9d: {  	p0 =	sne.s32 s0, $0x4800;
	_ =	swait.ge [sflag:s25], $0x4000  }
0x9e: {  	[sflag:s25] =	ssyncset.done $0x0  }
0x9f: {  	s0 =	sadd.s32 $0x1400, s1;
	[sflag:s25] =	ssyncadd.s32 $0xFFFFC000  }
0xa0: {  	[spmem:s2] =	stream.indirect.scatter.add.f32 [tilespmem:s12], [sflag:$0x3], $0x80, s0, s13, $0xb8;
	[tilespmem:$0x1EC00] =	vst v63  }
0xa1: {  	_ =	swait.ge [sflag:s11], $0x4000  }
0xa2: {  	[sflag:s11] =	ssyncset.done $0x0  }
0xa3: {  	s0 =	sadd.s32 $0x100, s1;
	[sflag:s11] =	ssyncadd.s32 $0xFFFFC000  }
0xa4: {  	[tilespmem:s12], [sflag:$0x1] =	stream.indirect.gather [hbm4b:s4+s13], $0x80, s0, s13, $0xb8;
	[tilespmem:$0x1EC00] =	vst v63  }
0xa5: {  	_ =	swait.ge [sflag:s26], $0x4000  }
.Ltmp1:
0xa6: {  	[sflag:s26] =	ssyncset.done $0x0;
	(pc) =	sbr.rel @p0 .LBB2_4-.Ltmp1, $4  }
0xa7: {  	s0 =	sadd.s32 $0x1480, s1;
	[sflag:s26] =	ssyncadd.s32 $0xFFFFC000  }
0xa8: {  	[spmem:s2] =	stream.indirect.scatter.add.f32 [tilespmem:s19], [sflag:$0x3], $0x80, s0, s13, $0xb8;
	[tilespmem:$0x1EC00] =	vst v63  }
0xa9: {  	_ =	swait.ge [sflag:s11], $0x4000  }
0xaa: {  	s1 =	sshra.s32 s6, $0x2;
	s0 =	smov.u32 s14;
	[sflag:s11] =	ssyncset.done $0x0  }
0xab: {  	s0 =	sadd.s32 $0x80, s1;
	[sflag:s11] =	ssyncadd.s32 $0xFFFFC000  }
0xac: {  	[tilespmem:s19], [sflag:$0x2] =	stream.indirect.gather [hbm4b:s4+s13], $0x80, s0, s13, $0xb8;
	[tilespmem:$0x1EC00] =	vst v63  }
0xad: {  	_ =	swait.ge [sflag:s25], $0x4000  }
0xae: {  	[sflag:s25] =	ssyncset.done $0x0  }
0xaf: {  	s5 =	sadd.s32 $0x1400, s1;
	[sflag:s25] =	ssyncadd.s32 $0xFFFFC000  }
0xb0: {  	[spmem:s2] =	stream.indirect.scatter.add.f32 [tilespmem:s12], [sflag:$0x3], $0x80, s5, s13, $0xb8;
	[tilespmem:$0x1EC00] =	vst v63  }
0xb1: {  	_ =	swait.ge [sflag:s11], $0x4000  }
0xb2: {  	[sflag:s11] =	ssyncset.done $0x0  }
0xb3: {  	s6 =	sadd.s32 $0x100, s1;
	[sflag:s11] =	ssyncadd.s32 $0xFFFFC000  }
0xb4: {  	[tilespmem:s12], [sflag:$0x1] =	stream.indirect.gather [hbm4b:s4+s13], $0x80, s6, s13, $0xb8;
	[tilespmem:$0x1EC00] =	vst v63  }
0xb5: {  	_ =	swait.ge [sflag:s26], $0x4000  }
0xb6: {  	[sflag:s26] =	ssyncset.done $0x0  }
0xb7: {  	s14 =	sadd.s32 $0x1480, s1;
	[sflag:s26] =	ssyncadd.s32 $0xFFFFC000  }
0xb8: {  	[spmem:s2] =	stream.indirect.scatter.add.f32 [tilespmem:s19], [sflag:$0x3], $0x80, s14, s13, $0xb8;
	[tilespmem:$0x1EC00] =	vst v63  }
0xb9: {  	_ =	swait.ge [sflag:s11], $0x4000  }
0xba: {  	[sflag:s11] =	ssyncset.done $0x0  }
0xbb: {  	[sflag:s11] =	ssyncadd.s32 $0xFFFFC000  }
0xbc: {  	[tilespmem:s19], [sflag:$0x2] =	stream.indirect.gather [hbm4b:s4+s13], $0x80, s28, s13, $0xb8;
	[tilespmem:$0x1EC00] =	vst v63  }
0xbd: {  	_ =	swait.ge [sflag:s25], $0x4000  }
0xbe: {  	[sflag:s25] =	ssyncset.done $0x0  }
0xbf: {  	[sflag:s25] =	ssyncadd.s32 $0xFFFFC000  }
0xc0: {  	[spmem:s2] =	stream.indirect.scatter.add.f32 [tilespmem:s12], [sflag:$0x3], $0x80, s29, s13, $0xb8;
	[tilespmem:$0x1EC00] =	vst v63  }
0xc1: {  	_ =	swait.ge [sflag:s11], $0x4000  }
0xc2: {  	[sflag:s11] =	ssyncset.done $0x0  }
0xc3: {  	[sflag:s11] =	ssyncadd.s32 $0xFFFFC000  }
0xc4: {  	[tilespmem:s12], [sflag:$0x1] =	stream.indirect.gather [hbm4b:s4+s13], $0x80, s28, s13, $0xb8;
	[tilespmem:$0x1EC00] =	vst v63  }
0xc5: {  	_ =	swait.ge [sflag:s26], $0x4000  }
0xc6: {  	[sflag:s26] =	ssyncset.done $0x0  }
0xc7: {  	[sflag:s26] =	ssyncadd.s32 $0xFFFFC000  }
0xc8: {  	[spmem:s2] =	stream.indirect.scatter.add.f32 [tilespmem:s19], [sflag:$0x3], $0x80, s30, s13, $0xb8;
	[tilespmem:$0x1EC00] =	vst v63  }
0xc9: {  	_ =	swait.ge [sflag:s11], $0x4000  }
0xca: {  	[sflag:s11] =	ssyncset.done $0x0  }
0xcb: {  	[sflag:s11] =	ssyncadd.s32 $0xFFFFC000  }
0xcc: {  	_ =	swait.ge [sflag:s25], $0x4000  }
0xcd: {  	[sflag:s25] =	ssyncset.done $0x0  }
0xce: {  	[sflag:s25] =	ssyncadd.s32 $0xFFFFC000  }
0xcf: {  	[bflag:$0x0] =	sbarrier.arrive $0xFFFF  }
0xd0: {  	[tilespmem:s12], [sflag:$0x1] =	stream.indirect.gather [spmem:s2], $0x80, s10, s13, $0xb8;
	[tilespmem:$0x1EC00] =	vst v63  }
0xd1: {  	_ =	swait.ge [sflag:s25], $0x4000  }
0xd2: {  	[sflag:s25] =	ssyncset.done $0x0  }
0xd3: {  	[sflag:s25] =	ssyncadd.s32 $0xFFFFC000  }
0xd4: {  	[hbm4b:s20+s3] =	stream.linear.scatter [tilespmem:s12], [sflag:$0x3], $0x4000, $0x38;
	[tilespmem:$0x1EC00] =	vst v63  }
0xd5: {  	_ =	swait.ge [sflag:s11], $0x4000  }
0xd6: {  	[sflag:s11] =	ssyncset.done $0x0  }
0xd7: {  	s5 =	simm.s32 $0xA880;
	[sflag:s11] =	ssyncadd.s32 $0xFFFFC000  }
0xd8: {  	[tilespmem:s12], [sflag:$0x1] =	stream.indirect.gather [spmem:s2], $0x80, s5, s13, $0xb8;
	[tilespmem:$0x1EC00] =	vst v63  }
0xd9: {  	_ =	swait.ge [sflag:s25], $0x4000  }
0xda: {  	[sflag:s25] =	ssyncset.done $0x0  }
0xdb: {  	[sflag:s25] =	ssyncadd.s32 $0xFFFFC000  }
0xdc: {  	[hbm4b:s21+s3] =	stream.linear.scatter [tilespmem:s12], [sflag:$0x3], $0x4000, $0x38;
	[tilespmem:$0x1EC00] =	vst v63  }
0xdd: {  	_ =	swait.ge [sflag:s11], $0x4000  }
0xde: {  	[sflag:s11] =	ssyncset.done $0x0  }
0xdf: {  	[sflag:s11] =	ssyncadd.s32 $0xFFFFC000  }
0xe0: {  	[tilespmem:s12], [sflag:$0x1] =	stream.indirect.gather [spmem:s2], $0x80, s15, s13, $0xb8;
	[tilespmem:$0x1EC00] =	vst v63  }
0xe1: {  	_ =	swait.ge [sflag:s25], $0x4000  }
0xe2: {  	[sflag:s25] =	ssyncset.done $0x0  }
0xe3: {  	[sflag:s25] =	ssyncadd.s32 $0xFFFFC000  }
0xe4: {  	[hbm4b:s22+s3] =	stream.linear.scatter [tilespmem:s12], [sflag:$0x3], $0x4000, $0x38;
	[tilespmem:$0x1EC00] =	vst v63  }
0xe5: {  	_ =	swait.ge [sflag:s11], $0x4000  }
0xe6: {  	[sflag:s11] =	ssyncset.done $0x0  }
0xe7: {  	[sflag:s11] =	ssyncadd.s32 $0xFFFFC000  }
0xe8: {  	[tilespmem:s12], [sflag:$0x1] =	stream.indirect.gather [spmem:s2], $0x80, s16, s13, $0xb8;
	[tilespmem:$0x1EC00] =	vst v63  }
0xe9: {  	_ =	swait.ge [sflag:s25], $0x4000  }
0xea: {  	[sflag:s25] =	ssyncset.done $0x0  }
0xeb: {  	[sflag:s25] =	ssyncadd.s32 $0xFFFFC000  }
0xec: {  	[hbm4b:s23+s3] =	stream.linear.scatter [tilespmem:s12], [sflag:$0x3], $0x4000, $0x38;
	[tilespmem:$0x1EC00] =	vst v63  }
0xed: {  	_ =	swait.ge [sflag:s11], $0x4000  }
0xee: {  	[sflag:s11] =	ssyncset.done $0x0  }
0xef: {  	[sflag:s11] =	ssyncadd.s32 $0xFFFFC000  }
0xf0: {  	[tilespmem:s12], [sflag:$0x1] =	stream.indirect.gather [spmem:s2], $0x80, s17, s13, $0xb8;
	[tilespmem:$0x1EC00] =	vst v63  }
0xf1: {  	s31 =	sadd.s32 $0x1, s31;
	_ =	swait.ge [sflag:s25], $0x4000  }
0xf2: {  	p0 =	sne.s32 s31, s9;
	[sflag:s25] =	ssyncset.done $0x0  }
.Ltmp2:
0xf3: {  	[sflag:s25] =	ssyncadd.s32 $0xFFFFC000;
	(pc) =	sbr.rel @p0 .LBB2_1-.Ltmp2, $4  }
0xf4: {  	[hbm4b:s24+s3] =	stream.linear.scatter [tilespmem:s12], [sflag:$0x3], $0x4000, $0x38;
	[tilespmem:$0x1EC00] =	vst v63  }
0xf5: {  	_ =	swait.ge [sflag:s11], $0x4000  }
0xf6: {  	[sflag:s11] =	ssyncset.done $0x0  }
0xf7: {  	[sflag:s11] =	ssyncadd.s32 $0xFFFFC000  }
0xf8: {  	_ =	sfence.sel $0x180000  }
0xf9: {  	[bflag:$0x0] =	sbarrier.arrive $0xFFFF  }
0xfa: {  	_ =	strace $0x9000004A  }
0xfb: {  	s0 =	stileid.u32;
	[bflag:$0x2] =	sbarrier.arrive $0xFFFF  }
0xfc: {  	p0 =	sne.s32 s0, $0x0;
	s0 =	rddreg [dreg:$0x3]  }
0xfd: {  	s0 =	sadd.s32 @!p0 $0x100000, s0  }
0xfe: {  	[sflag:s0] =	ssyncadd.tile.s32 @!p0 $0x1;
	_ =	shalt  }
.Lfunc_end2:
_tile_overlayer_lowered:
.L_overlay_start_2:
0xff: {  	(tag) =	ssettag $0x2  }
0x100: {  	s0 =	rddreg [dreg:$0x0];
	s2 =	stileid.u32  }
0x101: {  	s1 =	rddreg [dreg:$0x1];
	p0 =	sne.s32 s2, $0x0  }
0x102: {  	s3 =	rddreg [dreg:$0x2];
	[bflag:$0x3] =	sbarrier.arrive $0xFFFF;
	s2 =	simm.s32 @!p0 $0x1C03  }
0x103: {  	[timem:s3], [sflag:s2] =	dma.local @!p0 [hbm:s0], s1  }
0x104: {  	s0 =	simm.s32 @!p0 $0x3  }
0x105: {  	_ =	swait.ge @!p0 [sflag:s0], s1  }
0x106: {  	s1 =	ssub.s32 @!p0 $0x0, s1;
	[sflag:s0] =	ssyncset.done @!p0 $0x0  }
0x107: {  	[sflag:s0] =	ssyncadd.s32 @!p0 s1  }
0x108: {  	[bflag:$0x3] =	sbarrier.arrive $0xFFFF  }
0x109: {  	_ =	shalt  }

// kernel: kernel.15.cloned.1.call-start
scs
__scs_entry_jumppad:
0x0: {  	(pc) =	sbr.rel $0x88, $3  }
0x1: {  	(tag) =	ssettag $0x0;
	lr =	simm.s32 $0x1  }
0x2: {  	[smem:$0x3F9B] =	sst lr;
	_ =	strace $0xD0000000  }
0x3: {  	_ = 	snop  }
0x4: {  	_ = 	snop  }
0x5: {  	_ = 	snop  }
0x6: {  	_ = 	snop  }
0x7: {  	_ = 	snop  }
__scs_overlays_trampoline_lowered:
0x8: {  	[smem:$0x3FAA] =	sst s0  }
0x9: {  	[smem:$0x3FAB] =	sst s1  }
0xa: {  	[smem:$0x3FAC] =	sst s2  }
0xb: {  	[smem:$0x3FAD] =	sst s3  }
0xc: {  	[smem:$0x3FAE] =	sst s4  }
0xd: {  	[smem:$0x3FAF] =	sst s5  }
0xe: {  	[smem:$0x3FB0] =	sst s6  }
0xf: {  	[smem:$0x3FB1] =	sst s7  }
0x10: {  	[smem:$0x3FB2] =	sst s8  }
0x11: {  	[smem:$0x3FB3] =	sst s9;
	s0 =	simm.s32 @!p0 $0x0  }
0x12: {  	s1 =	sld [smem:$0x3F99];
	s0 =	simm.s32 @p0 $0x1  }
0x13: {  	[smem:$0x3FB4] =	sst s0;
	s0 =	simm.s32 @!p1 $0x0  }
0x14: {  	s2 =	sld [smem:$0x3F98];
	s0 =	simm.s32 @p1 $0x1  }
0x15: {  	[smem:$0x3FB5] =	sst s0;
	s0 =	simm.s32 @!p2 $0x0  }
0x16: {  	s3 =	sld [smem:$0x3FDB];
	s0 =	simm.s32 @p2 $0x1  }
0x17: {  	s4 =	simm.s32 $0x1BF5;
	[smem:$0x3FB7] =	sst s0  }
0x18: {  	s0 =	sld [smem:$0x3F9A];
	_ =	swait.ge [sflag:s4], $0x0  }
0x19: {  	s7 =	sld [smem:$0x3F9B]  }
0x1a: {  	s8 =	sadd.s32 $0xFFFFE003, lr  }
0x1b: {  	s9 =	sadd.s32 $0xFFFFFEF7, lr;
	s5 =	simm.s32 $0xFFFFFFFF;
	p2 =	slt.u32 s8, $0xFFFFF086  }
0x1c: {  	p1 =	slt.u32 s9, $0xF7A;
	s5 =	simm.s32 @!p2 $0x0  }
0x1d: {  	s5 =	simm.s32 @p1 $0x1;
	p0 =	seq.s32 s7, s2  }
0x1e: {  	s7 =	smul.u32 @!p0 $0xF7A, s2;
	p2 =	seq.s32 @!p0 s5, $0x0  }
0x1f: {  	s9 =	smul.u32 $0xF7A, s1;
	s8 =	simm.s32 @!p0 $0x1BF5;
	p2 =	por !p2, p0  }
0x20: {  	[sflag:s8] =	ssyncset.s32 @!p0 $0xFFFFF086;
	s6 =	sadd.s32 @!p0 s3, s7;
	s7 =	simm.s32 @!p0 $0x108  }
0x21: {  	s3 =	sadd.s32 s3, s9;
	s6 =	sadd.s32 @!p0 $0x88, s6;
	s7 =	simm.s32 @p2 $0x1082  }
0x22: {  	[simem:s7], [sflag:s8] =	dma.local @!p0 [hbm:s6], $0xF7A  }
0x23: {  	s9 =	sor.u32 $0xD0000000, s2;
	s6 =	simm.s32 $0x108;
	_ =	swait.ge @!p0 [sflag:s8], $0x0  }
0x24: {  	s3 =	sadd.s32 $0x88, s3;
	s6 =	simm.s32 @!p1 $0x1082;
	[sflag:s4] =	ssyncset.s32 $0xFFFFF086  }
0x25: {  	[simem:s6], [sflag:s4] =	dma.local [hbm:s3], $0xF7A  }
0x26: {  	[smem:$0x3F9B] =	sst s1;
	(tag) =	ssettag s2;
	_ =	strace s9  }
0x27: {  	s1 =	sld [smem:$0x3FAB]  }
0x28: {  	s2 =	sld [smem:$0x3FAC]  }
0x29: {  	s4 =	sld [smem:$0x3FAE]  }
0x2a: {  	p0 =	seq.s32 s5, $0x0;
	s5 =	sld [smem:$0x3FAF]  }
0x2b: {  	s6 =	sld [smem:$0x3FB0]  }
0x2c: {  	s7 =	sld [smem:$0x3FB1]  }
0x2d: {  	s3 =	simm.s32 $0x108;
	s8 =	sld [smem:$0x3FB2]  }
0x2e: {  	s3 =	simm.s32 @!p0 $0x1082;
	s9 =	sld [smem:$0x3FB3]  }
0x2f: {  	lr =	sadd.s32 s0, s3;
	s0 =	sld [smem:$0x3FAA]  }
0x30: {  	s3 =	sld [smem:$0x3FAD]  }
0x31: {  	[smem:$0x3FB6] =	sst s10  }
0x32: {  	s10 =	sld [smem:$0x3FB4];
	_ =	sdelay $0x3  }
0x33: {  	p0 =	seq.s32 s10, $0x1;
	s10 =	sld [smem:$0x3FB6];
	_ =	sdelay $0x3  }
0x34: {  	[smem:$0x3FB6] =	sst s10  }
0x35: {  	s10 =	sld [smem:$0x3FB5];
	_ =	sdelay $0x3  }
0x36: {  	p1 =	seq.s32 s10, $0x1;
	s10 =	sld [smem:$0x3FB6];
	_ =	sdelay $0x3  }
0x37: {  	[smem:$0x3FB6] =	sst s10  }
0x38: {  	s10 =	sld [smem:$0x3FB7]  }
0x39: {  	_ = 	snop;
	(pc) =	sbr.ind lr, $3  }
0x3a: {  	_ = 	snop  }
0x3b: {  	_ = 	snop  }
0x3c: {  	p2 =	seq.s32 s10, $0x1;
	s10 =	sld [smem:$0x3FB6]  }
0x3d: {  	_ =	shalt  }
0x3e: {  	_ =	shalt  }
0x3f: {  	_ =	shalt  }
0x40: {  	_ =	shalt  }
0x41: {  	_ =	shalt  }
0x42: {  	_ =	shalt  }
0x43: {  	_ =	shalt  }
0x44: {  	_ =	shalt  }
0x45: {  	_ =	shalt  }
0x46: {  	_ =	shalt  }
0x47: {  	_ =	shalt  }
0x48: {  	_ =	shalt  }
0x49: {  	_ =	shalt  }
0x4a: {  	_ =	shalt  }
0x4b: {  	_ =	shalt  }
0x4c: {  	_ =	shalt  }
0x4d: {  	_ =	shalt  }
0x4e: {  	_ =	shalt  }
0x4f: {  	_ =	shalt  }
0x50: {  	_ =	shalt  }
0x51: {  	_ =	shalt  }
0x52: {  	_ =	shalt  }
0x53: {  	_ =	shalt  }
0x54: {  	_ =	shalt  }
0x55: {  	_ =	shalt  }
0x56: {  	_ =	shalt  }
0x57: {  	_ =	shalt  }
0x58: {  	_ =	shalt  }
0x59: {  	_ =	shalt  }
0x5a: {  	_ =	shalt  }
0x5b: {  	_ =	shalt  }
0x5c: {  	_ =	shalt  }
0x5d: {  	_ =	shalt  }
0x5e: {  	_ =	shalt  }
0x5f: {  	_ =	shalt  }
0x60: {  	_ =	shalt  }
0x61: {  	_ =	shalt  }
0x62: {  	_ =	shalt  }
0x63: {  	_ =	shalt  }
0x64: {  	_ =	shalt  }
0x65: {  	_ =	shalt  }
0x66: {  	_ =	shalt  }
0x67: {  	_ =	shalt  }
0x68: {  	_ =	shalt  }
0x69: {  	_ =	shalt  }
0x6a: {  	_ =	shalt  }
0x6b: {  	_ =	shalt  }
0x6c: {  	_ =	shalt  }
0x6d: {  	_ =	shalt  }
0x6e: {  	_ =	shalt  }
0x6f: {  	_ =	shalt  }
0x70: {  	_ =	shalt  }
0x71: {  	_ =	shalt  }
0x72: {  	_ =	shalt  }
0x73: {  	_ =	shalt  }
0x74: {  	_ =	shalt  }
0x75: {  	_ =	shalt  }
0x76: {  	_ =	shalt  }
0x77: {  	_ =	shalt  }
0x78: {  	_ =	shalt  }
0x79: {  	_ =	shalt  }
0x7a: {  	_ =	shalt  }
0x7b: {  	_ =	shalt  }
0x7c: {  	_ =	shalt  }
0x7d: {  	_ =	shalt  }
0x7e: {  	_ =	shalt  }
0x7f: {  	_ =	shalt  }
0x80: {  	_ =	shalt  }
0x81: {  	_ =	shalt  }
0x82: {  	_ =	shalt  }
0x83: {  	_ =	shalt  }
0x84: {  	_ =	shalt  }
0x85: {  	_ =	shalt  }
0x86: {  	_ =	shalt  }
0x87: {  	_ =	shalt  }
.Lfunc_end0:
.L_simem_size_0:
called_computation.2_lowered:
.L_overlay_start_0:
0x88: {  	s2 =	sld [smem:$0x3FD9]  }
0x89: {  	s3 =	sld [smem:$0x3FFE];
	_ =	sdelay $0x1  }
0x8a: {  	s1 =	srdreg.scid  }
0x8b: {  	s0 =	sand.u32 $0x1, s1  }
0x8c: {  	s17 =	sshll.u32 s0, $0xA;
	s2 =	sadd.s32 s3, s2  }
0x8d: {  	s2 =	sadd.s32 s2, s17  }
0x8e: {  	[smem:$0x3FC2] =	sst s2  }
0x8f: {  	_ = 	snop  }
0x90: {  	s2 =	sld [smem:$0x3FD0];
	(tm) =	ssettm $0x1  }
0x91: {  	s18 =	sld [smem:$0x3FFB];
	_ =	sdelay $0x3  }
0x92: {  	_ =	strace s18  }
0x93: {  	s3 =	sld [smem:$0x3FFC];
	_ =	sdelay $0x3  }
0x94: {  	_ =	strace s3  }
0x95: {  	s3 =	sld [smem:$0x3FFD];
	_ =	sdelay $0x3  }
0x96: {  	_ =	strace s3  }
0x97: {  	_ =	strace $0x8FFFFFFF  }
0x98: {  	s19 =	sld [smem:$0x3FDB];
	_ =	sdelay $0x1  }
0x99: {  	s4 =	simm.s32 $_scs_section_size  }
0x9a: {  	s5 =	simm.s32 $_size__tile_overlayer_lowered;
	s6 =	simm.s32 $_tile_overlayer_lowered  }
0x9b: {  	s22 =	simm.s32 $0x1BFF;
	s21 =	sshll.u32 s6, $0x1;
	s3 =	sadd.s32 s4, s19  }
0x9c: {  	s7 =	simm.s32 $0x0;
	s20 =	sshll.u32 s5, $0x1;
	s5 =	sadd.s32 s21, s3  }
0x9d: {  	[timem:s7], [sflag:s22] =	dma.local [hbm:s5], s20  }
0x9e: {  	_ =	swait.ge [sflag:s22], s20  }
0x9f: {  	s4 =	ssub.s32 $0x0, s20;
	[sflag:s22] =	ssyncset.done $0x0  }
0xa0: {  	[sflag:s22] =	ssyncadd.s32 s4;
	_ =	sdelay $0x1  }
0xa1: {  	s23 =	simm.s32 $0x1B8B  }
0xa2: {  	_ =	swait.ge [sflag:s23], $0x1  }
0xa3: {  	[sflag:s23] =	ssyncset.done $0x0  }
0xa4: {  	s25 =	simm.s32 $0x1B8E;
	s24 =	sld [smem:$0x3FFE];
	[sflag:s23] =	ssyncadd.s32 $0xFFFFFFFF  }
0xa5: {  	s26 =	simm.s32 $execute0_lowered;
	[smem:$0x3FD2] =	sst s25  }
0xa6: {  	s5 =	sshll.u32 s26, $0x1;
	_ =	strace $0x8000004C;
	[dreg:$0x1] =	wrdreg $0xFFFFFFFF  }
0xa7: {  	s28 =	simm.s32 $_size_execute0_lowered;
	s3 =	sadd.s32 s3, s5;
	[dreg:$0x0] =	wrdreg $0x0  }
0xa8: {  	s5 =	sshll.u32 s28, $0x1;
	[dreg:$0x2] =	wrdreg s3  }
0xa9: {  	[dreg:$0x3] =	wrdreg s5  }
0xaa: {  	[dreg:$0x4] =	wrdreg $0xC0  }
0xab: {  	_ =	task [dreg:s7], $0x5FFFF  }
0xac: {  	[dreg:$0x1] =	wrdreg $0xFFFFFFFF  }
0xad: {  	[dreg:$0x0] =	wrdreg $0x60  }
0xae: {  	[dreg:$0x2] =	wrdreg s24  }
0xaf: {  	[dreg:$0x3] =	wrdreg s2  }
0xb0: {  	[dreg:$0x4] =	wrdreg $0xAC000  }
0xb1: {  	[dreg:$0x5] =	wrdreg $0x9  }
0xb2: {  	_ =	task.clear_ibuf [dreg:s7], $0x6FFFF;
	_ =	strace $0x9000004C  }
0xb3: {  	s29 =	simm.s32 $0x9;
	_ =	strace $0x8000004E  }
0xb4: {  	_ =	swait.ge [sflag:s29], $0x1  }
0xb5: {  	[sflag:s29] =	ssyncadd.s32 $0xFFFFFFFF  }
0xb6: {  	_ =	strace $0x9000004E  }
0xb7: {  	_ =	sfence  }
0xb8: {  	s30 =	sld [smem:$0x0];
	_ =	sdelay $0x2  }
0xb9: {  	s31 =	sshll.u32 s1, $0xD;
	s1 =	sshrl.u32 s1, $0x2  }
0xba: {  	s3 =	sand.u32 $0x4000, s31;
	s1 =	sadd.s32 s1, s30  }
0xbb: {  	s0 =	sor.u32 s3, s0;
	s1 =	sshll.u32 s1, $0x11  }
0xbc: {  	s0 =	sor.u32 s1, s0  }
0xbd: {  	s0 =	sadd.s32 $0x8F2B, s0  }
0xbe: {  	[sflag:s0] =	ssyncadd.remote.s32 $0x1  }
0xbf: {  	_ =	sfence.sel $0xFFFF  }
0xc0: {  	[dreg:$0x0] =	wrdreg $0xFFFFFFFF;
	(pc) =	sbr.abs _section_cstart, $3  }
0xc1: {  	[dreg:$0x1] =	wrdreg $0xFFFFFFFF  }
0xc2: {  	_ =	task.clear_ibuf [dreg:s7], $0x2FFFF;
	_ =	strace $0x9FFFFFFF  }
0xc3: {  	(tm) =	ssettm $0x7FFFFFFF  }
tec
execute0_lowered:
.L_overlay_start_1:
0x0: {  	(tag) =	ssettag $0x1  }
0x1: {  	s0 =	rddreg [dreg:$0x0]  }
0x2: {  	s1 =	rddreg [dreg:$0x1];
	s3 =	srdreg.scid  }
0x3: {  	s5 =	stileid.u32;
	s2 =	rddreg [dreg:$0x2];
	s12 =	simm.s32 $0x2800  }
0x4: {  	s13 =	simm.s32 $0x80;
	s15 =	simm.s32 $0xA900;
	s16 =	simm.s32 $0xA980  }
0x5: {  	s17 =	simm.s32 $0xAA00;
	s18 =	simm.s32 $0x1400;
	s19 =	simm.s32 $0x6800  }
0x6: {  	s28 =	simm.s32 $0x1380;
	s29 =	simm.s32 $0x2700;
	s30 =	simm.s32 $0x2780  }
0x7: {  	s31 =	simm.s32 $0x0;
	s6 =	sand.u32 $0x1, s3;
	s4 =	sshll.u32 s5, $0x1  }
0x8: {  	s3 =	simm.s32 $0x0;
	s9 =	sshll.u32 s5, $0x7;
	s24 =	smul.u32 $0x14000, s5  }
0x9: {  	s11 =	sadd.s32 $0x2600, s0;
	s20 =	smul.u32 $0x2800, s5;
	s5 =	simm.s32 $0xA880  }
0xa: {  	s4 =	sor.u32 s6, s4;
	[smem:$0x7FF] =	sst s3;
	s10 =	smul.u32 $0x28000, s6  }
0xb: {  	s9 =	sadd.s32 s9, s0;
	s6 =	ssub.s32 $0x2, s6;
	s8 =	smul.u32 $0x500, s4  }
0xc: {  	_ =	strace $0x8000004D;
	s4 =	sadd.s32 $0x2E00, s0;
	[dreg:$0x4] =	wrdreg s11  }
0xd: {  	s23 =	sshrl.u32 s6, $0x1;
	s25 =	sadd.s32 $0x1E00, s9;
	s26 =	sshrl.u32 s24, $0x3  }
0xe: {  	s11 =	simm.s32 $0x3;
	[dreg:$0x5] =	wrdreg s25;
	s21 =	sadd.s32 $0x800, s26  }
0xf: {  	s22 =	sadd.s32 $0x1000, s26;
	s25 =	simm.s32 $0x1;
	s7 =	sadd.s32 s8, s0  }
0x10: {  	s0 =	sadd.s32 s10, s0;
	s10 =	ssub.s32 s6, s23;
	s8 =	sadd.s32 s1, s8  }
0x11: {  	s23 =	sadd.s32 $0x1800, s26;
	s1 =	sadd.s32 $0x2000, s26;
	s26 =	simm.s32 $0x2  }
0x12: {  	s7 =	sadd.s32 $0x53600, s7;
	s0 =	sadd.s32 $0x5D600, s0;
	s9 =	smax.u32 s10, $0x1  }
0x13: {  	s10 =	simm.s32 $0xA800;
	s20 =	sadd.s32 s20, s0;
	s21 =	sadd.s32 s21, s0  }
0x14: {  	s22 =	sadd.s32 s22, s0;
	s23 =	sadd.s32 s23, s0;
	s24 =	sadd.s32 s1, s0  }
.LBB2_1:
0x15: {  	s0 =	rddreg [dreg:$0x5]  }
0x16: {  	[tilespmem:s10], [sflag:$0x3] =	stream.linear.gather [hbm4b:s0+s3], $0x280, $0x38;
	[tilespmem:$0x1EC00] =	vst v63  }
0x17: {  	_ =	swait.ge [sflag:s11], $0x280  }
0x18: {  	[sflag:s11] =	ssyncset.done $0x0  }
0x19: {  	s14 =	rddreg [dreg:$0x4];
	[sflag:s11] =	ssyncadd.s32 $0xFFFFFD80  }
0x1a: {  	[tilespmem:s12], [sflag:$0x3] =	stream.linear.gather [hbm4b:s14+s3], $0x4000, $0x38;
	[tilespmem:$0x1EC00] =	vst v63  }
0x1b: {  	_ =	swait.ge [sflag:s11], $0x4000  }
0x1c: {  	[sflag:s11] =	ssyncset.done $0x0  }
0x1d: {  	[sflag:s11] =	ssyncadd.s32 $0xFFFFC000  }
0x1e: {  	[spmem:s2] =	stream.indirect.scatter [tilespmem:s12], [sflag:$0x3], $0x80, s10, s13, $0xb8;
	[tilespmem:$0x1EC00] =	vst v63  }
0x1f: {  	_ =	swait.ge [sflag:s11], $0x4000  }
0x20: {  	[sflag:s11] =	ssyncset.done $0x0  }
0x21: {  	[sflag:s11] =	ssyncadd.s32 $0xFFFFC000  }
0x22: {  	[spmem:s2] =	stream.indirect.scatter [tilespmem:s12], [sflag:$0x3], $0x80, s5, s13, $0xb8;
	[tilespmem:$0x1EC00] =	vst v63  }
0x23: {  	_ =	swait.ge [sflag:s11], $0x4000  }
0x24: {  	[sflag:s11] =	ssyncset.done $0x0  }
0x25: {  	[sflag:s11] =	ssyncadd.s32 $0xFFFFC000  }
0x26: {  	[spmem:s2] =	stream.indirect.scatter [tilespmem:s12], [sflag:$0x3], $0x80, s15, s13, $0xb8;
	[tilespmem:$0x1EC00] =	vst v63  }
0x27: {  	_ =	swait.ge [sflag:s11], $0x4000  }
0x28: {  	[sflag:s11] =	ssyncset.done $0x0  }
0x29: {  	[sflag:s11] =	ssyncadd.s32 $0xFFFFC000  }
0x2a: {  	[spmem:s2] =	stream.indirect.scatter [tilespmem:s12], [sflag:$0x3], $0x80, s16, s13, $0xb8;
	[tilespmem:$0x1EC00] =	vst v63  }
0x2b: {  	_ =	swait.ge [sflag:s11], $0x4000  }
0x2c: {  	[sflag:s11] =	ssyncset.done $0x0  }
0x2d: {  	[sflag:s11] =	ssyncadd.s32 $0xFFFFC000  }
0x2e: {  	[spmem:s2] =	stream.indirect.scatter [tilespmem:s12], [sflag:$0x3], $0x80, s17, s13, $0xb8;
	[tilespmem:$0x1EC00] =	vst v63  }
0x2f: {  	_ =	swait.ge [sflag:s11], $0x4000  }
0x30: {  	[sflag:s11] =	ssyncset.done $0x0  }
0x31: {  	[sflag:s11] =	ssyncadd.s32 $0xFFFFC000  }
0x32: {  	[bflag:$0x0] =	sbarrier.arrive $0xFFFF  }
0x33: {  	[tilespmem:s3], [sflag:$0x3] =	stream.linear.gather [hbm4b:s7+s3], $0x1400, $0x38;
	[tilespmem:$0x1EC00] =	vst v63  }
0x34: {  	_ =	swait.ge [sflag:s11], $0x1400  }
0x35: {  	[sflag:s11] =	ssyncset.done $0x0  }
0x36: {  	[sflag:s11] =	ssyncadd.s32 $0xFFFFEC00  }
0x37: {  	[tilespmem:s18], [sflag:$0x3] =	stream.linear.gather [hbm4b:s8+s3], $0x1400, $0x38;
	[tilespmem:$0x1EC00] =	vst v63  }
0x38: {  	_ =	swait.ge [sflag:s11], $0x1400  }
0x39: {  	[sflag:s11] =	ssyncset.done $0x0  }
0x3a: {  	[sflag:s11] =	ssyncadd.s32 $0xFFFFEC00  }
0x3b: {  	[tilespmem:s12], [sflag:$0x1] =	stream.indirect.gather [hbm4b:s4+s13], $0x80, s3, s13, $0xb8;
	[tilespmem:$0x1EC00] =	vst v63  }
0x3c: {  	s1 =	simm.s32 $0x80  }
0x3d: {  	[tilespmem:s19], [sflag:$0x2] =	stream.indirect.gather [hbm4b:s4+s13], $0x80, s1, s13, $0xb8;
	[tilespmem:$0x1EC00] =	vst v63  }
0x3e: {  	_ =	swait.ge [sflag:s25], $0x4000  }
0x3f: {  	[sflag:s25] =	ssyncset.done $0x0  }
0x40: {  	s5 =	simm.s32 $0x1400;
	[sflag:s25] =	ssyncadd.s32 $0xFFFFC000  }
0x41: {  	[spmem:s2] =	stream.indirect.scatter.add.f32 [tilespmem:s12], [sflag:$0x3], $0x80, s5, s13, $0xb8;
	[tilespmem:$0x1EC00] =	vst v63  }
0x42: {  	_ =	swait.ge [sflag:s11], $0x4000  }
0x43: {  	[sflag:s11] =	ssyncset.done $0x0  }
0x44: {  	s6 =	simm.s32 $0x100;
	[sflag:s11] =	ssyncadd.s32 $0xFFFFC000  }
0x45: {  	[tilespmem:s12], [sflag:$0x1] =	stream.indirect.gather [hbm4b:s4+s13], $0x80, s6, s13, $0xb8;
	[tilespmem:$0x1EC00] =	vst v63  }
0x46: {  	_ =	swait.ge [sflag:s26], $0x4000  }
0x47: {  	[sflag:s26] =	ssyncset.done $0x0  }
0x48: {  	s14 =	simm.s32 $0x1480;
	[sflag:s26] =	ssyncadd.s32 $0xFFFFC000  }
0x49: {  	[spmem:s2] =	stream.indirect.scatter.add.f32 [tilespmem:s19], [sflag:$0x3], $0x80, s14, s13, $0xb8;
	[tilespmem:$0x1EC00] =	vst v63  }
0x4a: {  	_ =	swait.ge [sflag:s11], $0x4000  }
0x4b: {  	s0 =	simm.s32 $0x800;
	s1 =	simm.s32 $0x100;
	[sflag:s11] =	ssyncset.done $0x0  }
.LBB2_2:
0x4c: {  	s5 =	sadd.s32 $0x80, s1  }
0x4d: {  	[sflag:s11] =	ssyncadd.s32 $0xFFFFC000;
	s6 =	smov.u32 s0;
	s14 =	sadd.s32 $0x400, s0  }
0x4e: {  	[tilespmem:s19], [sflag:$0x2] =	stream.indirect.gather [hbm4b:s4+s13], $0x80, s5, s13, $0xb8;
	[tilespmem:$0x1EC00] =	vst v63  }
0x4f: {  	p0 =	sne.s32 s0, $0x4800;
	_ =	swait.ge [sflag:s25], $0x4000  }
0x50: {  	[sflag:s25] =	ssyncset.done $0x0  }
0x51: {  	s0 =	sadd.s32 $0x1400, s1;
	[sflag:s25] =	ssyncadd.s32 $0xFFFFC000  }
0x52: {  	[spmem:s2] =	stream.indirect.scatter.add.f32 [tilespmem:s12], [sflag:$0x3], $0x80, s0, s13, $0xb8;
	[tilespmem:$0x1EC00] =	vst v63  }
0x53: {  	_ =	swait.ge [sflag:s11], $0x4000  }
0x54: {  	[sflag:s11] =	ssyncset.done $0x0  }
0x55: {  	s0 =	sadd.s32 $0x100, s1;
	[sflag:s11] =	ssyncadd.s32 $0xFFFFC000  }
0x56: {  	[tilespmem:s12], [sflag:$0x1] =	stream.indirect.gather [hbm4b:s4+s13], $0x80, s0, s13, $0xb8;
	[tilespmem:$0x1EC00] =	vst v63  }
0x57: {  	_ =	swait.ge [sflag:s26], $0x4000  }
.Ltmp0:
0x58: {  	[sflag:s26] =	ssyncset.done $0x0;
	(pc) =	sbr.rel @p0 .LBB2_2-.Ltmp0, $4  }
0x59: {  	s0 =	sadd.s32 $0x1480, s1;
	[sflag:s26] =	ssyncadd.s32 $0xFFFFC000  }
0x5a: {  	[spmem:s2] =	stream.indirect.scatter.add.f32 [tilespmem:s19], [sflag:$0x3], $0x80, s0, s13, $0xb8;
	[tilespmem:$0x1EC00] =	vst v63  }
0x5b: {  	_ =	swait.ge [sflag:s11], $0x4000  }
0x5c: {  	s1 =	sshra.s32 s6, $0x2;
	s0 =	smov.u32 s14;
	[sflag:s11] =	ssyncset.done $0x0  }
0x5d: {  	s0 =	sadd.s32 $0x80, s1;
	[sflag:s11] =	ssyncadd.s32 $0xFFFFC000  }
0x5e: {  	[tilespmem:s19], [sflag:$0x2] =	stream.indirect.gather [hbm4b:s4+s13], $0x80, s0, s13, $0xb8;
	[tilespmem:$0x1EC00] =	vst v63  }
0x5f: {  	_ =	swait.ge [sflag:s25], $0x4000  }
0x60: {  	[sflag:s25] =	ssyncset.done $0x0  }
0x61: {  	s6 =	sadd.s32 $0x1400, s1;
	[sflag:s25] =	ssyncadd.s32 $0xFFFFC000  }
0x62: {  	[spmem:s2] =	stream.indirect.scatter.add.f32 [tilespmem:s12], [sflag:$0x3], $0x80, s6, s13, $0xb8;
	[tilespmem:$0x1EC00] =	vst v63  }
0x63: {  	_ =	swait.ge [sflag:s11], $0x4000  }
0x64: {  	[sflag:s11] =	ssyncset.done $0x0  }
0x65: {  	s14 =	sadd.s32 $0x100, s1;
	[sflag:s11] =	ssyncadd.s32 $0xFFFFC000  }
0x66: {  	[tilespmem:s12], [sflag:$0x1] =	stream.indirect.gather [hbm4b:s4+s13], $0x80, s14, s13, $0xb8;
	[tilespmem:$0x1EC00] =	vst v63  }
0x67: {  	_ =	swait.ge [sflag:s26], $0x4000  }
0x68: {  	[sflag:s26] =	ssyncset.done $0x0  }
0x69: {  	s1 =	sadd.s32 $0x1480, s1;
	[sflag:s26] =	ssyncadd.s32 $0xFFFFC000  }
0x6a: {  	[spmem:s2] =	stream.indirect.scatter.add.f32 [tilespmem:s19], [sflag:$0x3], $0x80, s1, s13, $0xb8;
	[tilespmem:$0x1EC00] =	vst v63  }
0x6b: {  	_ =	swait.ge [sflag:s11], $0x4000  }
0x6c: {  	[sflag:s11] =	ssyncset.done $0x0  }
0x6d: {  	[sflag:s11] =	ssyncadd.s32 $0xFFFFC000  }
0x6e: {  	[tilespmem:s19], [sflag:$0x2] =	stream.indirect.gather [hbm4b:s4+s13], $0x80, s28, s13, $0xb8;
	[tilespmem:$0x1EC00] =	vst v63  }
0x6f: {  	_ =	swait.ge [sflag:s25], $0x4000  }
0x70: {  	[sflag:s25] =	ssyncset.done $0x0  }
0x71: {  	[sflag:s25] =	ssyncadd.s32 $0xFFFFC000  }
0x72: {  	[spmem:s2] =	stream.indirect.scatter.add.f32 [tilespmem:s12], [sflag:$0x3], $0x80, s29, s13, $0xb8;
	[tilespmem:$0x1EC00] =	vst v63  }
0x73: {  	_ =	swait.ge [sflag:s11], $0x4000  }
0x74: {  	[sflag:s11] =	ssyncset.done $0x0  }
0x75: {  	[sflag:s11] =	ssyncadd.s32 $0xFFFFC000  }
0x76: {  	[tilespmem:s12], [sflag:$0x1] =	stream.indirect.gather [hbm4b:s4+s13], $0x80, s28, s13, $0xb8;
	[tilespmem:$0x1EC00] =	vst v63  }
0x77: {  	_ =	swait.ge [sflag:s26], $0x4000  }
0x78: {  	[sflag:s26] =	ssyncset.done $0x0  }
0x79: {  	[sflag:s26] =	ssyncadd.s32 $0xFFFFC000  }
0x7a: {  	[spmem:s2] =	stream.indirect.scatter.add.f32 [tilespmem:s19], [sflag:$0x3], $0x80, s30, s13, $0xb8;
	[tilespmem:$0x1EC00] =	vst v63  }
0x7b: {  	_ =	swait.ge [sflag:s11], $0x4000  }
0x7c: {  	[sflag:s11] =	ssyncset.done $0x0  }
0x7d: {  	[sflag:s11] =	ssyncadd.s32 $0xFFFFC000  }
0x7e: {  	_ =	swait.ge [sflag:s25], $0x4000  }
0x7f: {  	[sflag:s25] =	ssyncset.done $0x0  }
0x80: {  	s5 =	sadd.s32 $0x280, s7;
	s6 =	simm.s32 $0x0;
	[sflag:s25] =	ssyncadd.s32 $0xFFFFC000  }
0x81: {  	[tilespmem:s6], [sflag:$0x3] =	stream.linear.gather [hbm4b:s5+s6], $0x1400, $0x38;
	[tilespmem:$0x1EC00] =	vst v63  }
0x82: {  	_ =	swait.ge [sflag:s11], $0x1400  }
0x83: {  	[sflag:s11] =	ssyncset.done $0x0  }
0x84: {  	s14 =	sadd.s32 $0x280, s8;
	[sflag:s11] =	ssyncadd.s32 $0xFFFFEC00  }
0x85: {  	[tilespmem:s18], [sflag:$0x3] =	stream.linear.gather [hbm4b:s14+s6], $0x1400, $0x38;
	[tilespmem:$0x1EC00] =	vst v63  }
0x86: {  	_ =	swait.ge [sflag:s11], $0x1400  }
0x87: {  	[sflag:s11] =	ssyncset.done $0x0  }
0x88: {  	[sflag:s11] =	ssyncadd.s32 $0xFFFFEC00  }
0x89: {  	[tilespmem:s12], [sflag:$0x1] =	stream.indirect.gather [hbm4b:s4+s13], $0x80, s6, s13, $0xb8;
	[tilespmem:$0x1EC00] =	vst v63  }
0x8a: {  	s1 =	simm.s32 $0x80  }
0x8b: {  	[tilespmem:s19], [sflag:$0x2] =	stream.indirect.gather [hbm4b:s4+s13], $0x80, s1, s13, $0xb8;
	[tilespmem:$0x1EC00] =	vst v63  }
0x8c: {  	_ =	swait.ge [sflag:s25], $0x4000  }
0x8d: {  	[sflag:s25] =	ssyncset.done $0x0  }
0x8e: {  	s5 =	simm.s32 $0x1400;
	[sflag:s25] =	ssyncadd.s32 $0xFFFFC000  }
0x8f: {  	[spmem:s2] =	stream.indirect.scatter.add.f32 [tilespmem:s12], [sflag:$0x3], $0x80, s5, s13, $0xb8;
	[tilespmem:$0x1EC00] =	vst v63  }
0x90: {  	_ =	swait.ge [sflag:s11], $0x4000  }
0x91: {  	[sflag:s11] =	ssyncset.done $0x0  }
0x92: {  	s6 =	simm.s32 $0x100;
	[sflag:s11] =	ssyncadd.s32 $0xFFFFC000  }
0x93: {  	[tilespmem:s12], [sflag:$0x1] =	stream.indirect.gather [hbm4b:s4+s13], $0x80, s6, s13, $0xb8;
	[tilespmem:$0x1EC00] =	vst v63  }
0x94: {  	_ =	swait.ge [sflag:s26], $0x4000  }
0x95: {  	[sflag:s26] =	ssyncset.done $0x0  }
0x96: {  	s14 =	simm.s32 $0x1480;
	[sflag:s26] =	ssyncadd.s32 $0xFFFFC000  }
0x97: {  	[spmem:s2] =	stream.indirect.scatter.add.f32 [tilespmem:s19], [sflag:$0x3], $0x80, s14, s13, $0xb8;
	[tilespmem:$0x1EC00] =	vst v63  }
0x98: {  	_ =	swait.ge [sflag:s11], $0x4000  }
0x99: {  	s0 =	simm.s32 $0x800;
	s1 =	simm.s32 $0x100;
	[sflag:s11] =	ssyncset.done $0x0  }
.LBB2_4:
0x9a: {  	s5 =	sadd.s32 $0x80, s1  }
0x9b: {  	[sflag:s11] =	ssyncadd.s32 $0xFFFFC000;
	s6 =	smov.u32 s0;
	s14 =	sadd.s32 $0x400, s0  }
0x9c: {  	[tilespmem:s19], [sflag:$0x2] =	stream.indirect.gather [hbm4b:s4+s13], $0x80, s5, s13, $0xb8;
	[tilespmem:$0x1EC00] =	vst v63  }
0x9d: {  	p0 =	sne.s32 s0, $0x4800;
	_ =	swait.ge [sflag:s25], $0x4000  }
0x9e: {  	[sflag:s25] =	ssyncset.done $0x0  }
0x9f: {  	s0 =	sadd.s32 $0x1400, s1;
	[sflag:s25] =	ssyncadd.s32 $0xFFFFC000  }
0xa0: {  	[spmem:s2] =	stream.indirect.scatter.add.f32 [tilespmem:s12], [sflag:$0x3], $0x80, s0, s13, $0xb8;
	[tilespmem:$0x1EC00] =	vst v63  }
0xa1: {  	_ =	swait.ge [sflag:s11], $0x4000  }
0xa2: {  	[sflag:s11] =	ssyncset.done $0x0  }
0xa3: {  	s0 =	sadd.s32 $0x100, s1;
	[sflag:s11] =	ssyncadd.s32 $0xFFFFC000  }
0xa4: {  	[tilespmem:s12], [sflag:$0x1] =	stream.indirect.gather [hbm4b:s4+s13], $0x80, s0, s13, $0xb8;
	[tilespmem:$0x1EC00] =	vst v63  }
0xa5: {  	_ =	swait.ge [sflag:s26], $0x4000  }
.Ltmp1:
0xa6: {  	[sflag:s26] =	ssyncset.done $0x0;
	(pc) =	sbr.rel @p0 .LBB2_4-.Ltmp1, $4  }
0xa7: {  	s0 =	sadd.s32 $0x1480, s1;
	[sflag:s26] =	ssyncadd.s32 $0xFFFFC000  }
0xa8: {  	[spmem:s2] =	stream.indirect.scatter.add.f32 [tilespmem:s19], [sflag:$0x3], $0x80, s0, s13, $0xb8;
	[tilespmem:$0x1EC00] =	vst v63  }
0xa9: {  	_ =	swait.ge [sflag:s11], $0x4000  }
0xaa: {  	s1 =	sshra.s32 s6, $0x2;
	s0 =	smov.u32 s14;
	[sflag:s11] =	ssyncset.done $0x0  }
0xab: {  	s0 =	sadd.s32 $0x80, s1;
	[sflag:s11] =	ssyncadd.s32 $0xFFFFC000  }
0xac: {  	[tilespmem:s19], [sflag:$0x2] =	stream.indirect.gather [hbm4b:s4+s13], $0x80, s0, s13, $0xb8;
	[tilespmem:$0x1EC00] =	vst v63  }
0xad: {  	_ =	swait.ge [sflag:s25], $0x4000  }
0xae: {  	[sflag:s25] =	ssyncset.done $0x0  }
0xaf: {  	s5 =	sadd.s32 $0x1400, s1;
	[sflag:s25] =	ssyncadd.s32 $0xFFFFC000  }
0xb0: {  	[spmem:s2] =	stream.indirect.scatter.add.f32 [tilespmem:s12], [sflag:$0x3], $0x80, s5, s13, $0xb8;
	[tilespmem:$0x1EC00] =	vst v63  }
0xb1: {  	_ =	swait.ge [sflag:s11], $0x4000  }
0xb2: {  	[sflag:s11] =	ssyncset.done $0x0  }
0xb3: {  	s6 =	sadd.s32 $0x100, s1;
	[sflag:s11] =	ssyncadd.s32 $0xFFFFC000  }
0xb4: {  	[tilespmem:s12], [sflag:$0x1] =	stream.indirect.gather [hbm4b:s4+s13], $0x80, s6, s13, $0xb8;
	[tilespmem:$0x1EC00] =	vst v63  }
0xb5: {  	_ =	swait.ge [sflag:s26], $0x4000  }
0xb6: {  	[sflag:s26] =	ssyncset.done $0x0  }
0xb7: {  	s14 =	sadd.s32 $0x1480, s1;
	[sflag:s26] =	ssyncadd.s32 $0xFFFFC000  }
0xb8: {  	[spmem:s2] =	stream.indirect.scatter.add.f32 [tilespmem:s19], [sflag:$0x3], $0x80, s14, s13, $0xb8;
	[tilespmem:$0x1EC00] =	vst v63  }
0xb9: {  	_ =	swait.ge [sflag:s11], $0x4000  }
0xba: {  	[sflag:s11] =	ssyncset.done $0x0  }
0xbb: {  	[sflag:s11] =	ssyncadd.s32 $0xFFFFC000  }
0xbc: {  	[tilespmem:s19], [sflag:$0x2] =	stream.indirect.gather [hbm4b:s4+s13], $0x80, s28, s13, $0xb8;
	[tilespmem:$0x1EC00] =	vst v63  }
0xbd: {  	_ =	swait.ge [sflag:s25], $0x4000  }
0xbe: {  	[sflag:s25] =	ssyncset.done $0x0  }
0xbf: {  	[sflag:s25] =	ssyncadd.s32 $0xFFFFC000  }
0xc0: {  	[spmem:s2] =	stream.indirect.scatter.add.f32 [tilespmem:s12], [sflag:$0x3], $0x80, s29, s13, $0xb8;
	[tilespmem:$0x1EC00] =	vst v63  }
0xc1: {  	_ =	swait.ge [sflag:s11], $0x4000  }
0xc2: {  	[sflag:s11] =	ssyncset.done $0x0  }
0xc3: {  	[sflag:s11] =	ssyncadd.s32 $0xFFFFC000  }
0xc4: {  	[tilespmem:s12], [sflag:$0x1] =	stream.indirect.gather [hbm4b:s4+s13], $0x80, s28, s13, $0xb8;
	[tilespmem:$0x1EC00] =	vst v63  }
0xc5: {  	_ =	swait.ge [sflag:s26], $0x4000  }
0xc6: {  	[sflag:s26] =	ssyncset.done $0x0  }
0xc7: {  	[sflag:s26] =	ssyncadd.s32 $0xFFFFC000  }
0xc8: {  	[spmem:s2] =	stream.indirect.scatter.add.f32 [tilespmem:s19], [sflag:$0x3], $0x80, s30, s13, $0xb8;
	[tilespmem:$0x1EC00] =	vst v63  }
0xc9: {  	_ =	swait.ge [sflag:s11], $0x4000  }
0xca: {  	[sflag:s11] =	ssyncset.done $0x0  }
0xcb: {  	[sflag:s11] =	ssyncadd.s32 $0xFFFFC000  }
0xcc: {  	_ =	swait.ge [sflag:s25], $0x4000  }
0xcd: {  	[sflag:s25] =	ssyncset.done $0x0  }
0xce: {  	[sflag:s25] =	ssyncadd.s32 $0xFFFFC000  }
0xcf: {  	[bflag:$0x0] =	sbarrier.arrive $0xFFFF  }
0xd0: {  	[tilespmem:s12], [sflag:$0x1] =	stream.indirect.gather [spmem:s2], $0x80, s10, s13, $0xb8;
	[tilespmem:$0x1EC00] =	vst v63  }
0xd1: {  	_ =	swait.ge [sflag:s25], $0x4000  }
0xd2: {  	[sflag:s25] =	ssyncset.done $0x0  }
0xd3: {  	[sflag:s25] =	ssyncadd.s32 $0xFFFFC000  }
0xd4: {  	[hbm4b:s20+s3] =	stream.linear.scatter [tilespmem:s12], [sflag:$0x3], $0x4000, $0x38;
	[tilespmem:$0x1EC00] =	vst v63  }
0xd5: {  	_ =	swait.ge [sflag:s11], $0x4000  }
0xd6: {  	[sflag:s11] =	ssyncset.done $0x0  }
0xd7: {  	s5 =	simm.s32 $0xA880;
	[sflag:s11] =	ssyncadd.s32 $0xFFFFC000  }
0xd8: {  	[tilespmem:s12], [sflag:$0x1] =	stream.indirect.gather [spmem:s2], $0x80, s5, s13, $0xb8;
	[tilespmem:$0x1EC00] =	vst v63  }
0xd9: {  	_ =	swait.ge [sflag:s25], $0x4000  }
0xda: {  	[sflag:s25] =	ssyncset.done $0x0  }
0xdb: {  	[sflag:s25] =	ssyncadd.s32 $0xFFFFC000  }
0xdc: {  	[hbm4b:s21+s3] =	stream.linear.scatter [tilespmem:s12], [sflag:$0x3], $0x4000, $0x38;
	[tilespmem:$0x1EC00] =	vst v63  }
0xdd: {  	_ =	swait.ge [sflag:s11], $0x4000  }
0xde: {  	[sflag:s11] =	ssyncset.done $0x0  }
0xdf: {  	[sflag:s11] =	ssyncadd.s32 $0xFFFFC000  }
0xe0: {  	[tilespmem:s12], [sflag:$0x1] =	stream.indirect.gather [spmem:s2], $0x80, s15, s13, $0xb8;
	[tilespmem:$0x1EC00] =	vst v63  }
0xe1: {  	_ =	swait.ge [sflag:s25], $0x4000  }
0xe2: {  	[sflag:s25] =	ssyncset.done $0x0  }
0xe3: {  	[sflag:s25] =	ssyncadd.s32 $0xFFFFC000  }
0xe4: {  	[hbm4b:s22+s3] =	stream.linear.scatter [tilespmem:s12], [sflag:$0x3], $0x4000, $0x38;
	[tilespmem:$0x1EC00] =	vst v63  }
0xe5: {  	_ =	swait.ge [sflag:s11], $0x4000  }
0xe6: {  	[sflag:s11] =	ssyncset.done $0x0  }
0xe7: {  	[sflag:s11] =	ssyncadd.s32 $0xFFFFC000  }
0xe8: {  	[tilespmem:s12], [sflag:$0x1] =	stream.indirect.gather [spmem:s2], $0x80, s16, s13, $0xb8;
	[tilespmem:$0x1EC00] =	vst v63  }
0xe9: {  	_ =	swait.ge [sflag:s25], $0x4000  }
0xea: {  	[sflag:s25] =	ssyncset.done $0x0  }
0xeb: {  	[sflag:s25] =	ssyncadd.s32 $0xFFFFC000  }
0xec: {  	[hbm4b:s23+s3] =	stream.linear.scatter [tilespmem:s12], [sflag:$0x3], $0x4000, $0x38;
	[tilespmem:$0x1EC00] =	vst v63  }
0xed: {  	_ =	swait.ge [sflag:s11], $0x4000  }
0xee: {  	[sflag:s11] =	ssyncset.done $0x0  }
0xef: {  	[sflag:s11] =	ssyncadd.s32 $0xFFFFC000  }
0xf0: {  	[tilespmem:s12], [sflag:$0x1] =	stream.indirect.gather [spmem:s2], $0x80, s17, s13, $0xb8;
	[tilespmem:$0x1EC00] =	vst v63  }
0xf1: {  	s31 =	sadd.s32 $0x1, s31;
	_ =	swait.ge [sflag:s25], $0x4000  }
0xf2: {  	p0 =	sne.s32 s31, s9;
	[sflag:s25] =	ssyncset.done $0x0  }
.Ltmp2:
0xf3: {  	[sflag:s25] =	ssyncadd.s32 $0xFFFFC000;
	(pc) =	sbr.rel @p0 .LBB2_1-.Ltmp2, $4  }
0xf4: {  	[hbm4b:s24+s3] =	stream.linear.scatter [tilespmem:s12], [sflag:$0x3], $0x4000, $0x38;
	[tilespmem:$0x1EC00] =	vst v63  }
0xf5: {  	_ =	swait.ge [sflag:s11], $0x4000  }
0xf6: {  	[sflag:s11] =	ssyncset.done $0x0  }
0xf7: {  	[sflag:s11] =	ssyncadd.s32 $0xFFFFC000  }
0xf8: {  	_ =	sfence.sel $0x180000  }
0xf9: {  	[bflag:$0x0] =	sbarrier.arrive $0xFFFF  }
0xfa: {  	_ =	strace $0x9000004D  }
0xfb: {  	s0 =	stileid.u32;
	[bflag:$0x2] =	sbarrier.arrive $0xFFFF  }
0xfc: {  	p0 =	sne.s32 s0, $0x0;
	s0 =	rddreg [dreg:$0x3]  }
0xfd: {  	s0 =	sadd.s32 @!p0 $0x100000, s0  }
0xfe: {  	[sflag:s0] =	ssyncadd.tile.s32 @!p0 $0x1;
	_ =	shalt  }
.Lfunc_end2:
_tile_overlayer_lowered:
.L_overlay_start_2:
0xff: {  	(tag) =	ssettag $0x2  }
0x100: {  	s0 =	rddreg [dreg:$0x0];
	s2 =	stileid.u32  }
0x101: {  	s1 =	rddreg [dreg:$0x1];
	p0 =	sne.s32 s2, $0x0  }
0x102: {  	s3 =	rddreg [dreg:$0x2];
	[bflag:$0x3] =	sbarrier.arrive $0xFFFF;
	s2 =	simm.s32 @!p0 $0x1C03  }
0x103: {  	[timem:s3], [sflag:s2] =	dma.local @!p0 [hbm:s0], s1  }
0x104: {  	s0 =	simm.s32 @!p0 $0x3  }
0x105: {  	_ =	swait.ge @!p0 [sflag:s0], s1  }
0x106: {  	s1 =	ssub.s32 @!p0 $0x0, s1;
	[sflag:s0] =	ssyncset.done @!p0 $0x0  }
0x107: {  	[sflag:s0] =	ssyncadd.s32 @!p0 s1  }
0x108: {  	[bflag:$0x3] =	sbarrier.arrive $0xFFFF  }
0x109: {  	_ =	shalt  }

// kernel: kernel.9.cloned.1.call-start
scs
__scs_entry_jumppad:
0x0: {  	(pc) =	sbr.rel $0x88, $3  }
0x1: {  	(tag) =	ssettag $0x0;
	lr =	simm.s32 $0x1  }
0x2: {  	[smem:$0x3F9B] =	sst lr;
	_ =	strace $0xD0000000  }
0x3: {  	_ = 	snop  }
0x4: {  	_ = 	snop  }
0x5: {  	_ = 	snop  }
0x6: {  	_ = 	snop  }
0x7: {  	_ = 	snop  }
__scs_overlays_trampoline_lowered:
0x8: {  	[smem:$0x3FAA] =	sst s0  }
0x9: {  	[smem:$0x3FAB] =	sst s1  }
0xa: {  	[smem:$0x3FAC] =	sst s2  }
0xb: {  	[smem:$0x3FAD] =	sst s3  }
0xc: {  	[smem:$0x3FAE] =	sst s4  }
0xd: {  	[smem:$0x3FAF] =	sst s5  }
0xe: {  	[smem:$0x3FB0] =	sst s6  }
0xf: {  	[smem:$0x3FB1] =	sst s7  }
0x10: {  	[smem:$0x3FB2] =	sst s8  }
0x11: {  	[smem:$0x3FB3] =	sst s9;
	s0 =	simm.s32 @!p0 $0x0  }
0x12: {  	s1 =	sld [smem:$0x3F99];
	s0 =	simm.s32 @p0 $0x1  }
0x13: {  	[smem:$0x3FB4] =	sst s0;
	s0 =	simm.s32 @!p1 $0x0  }
0x14: {  	s2 =	sld [smem:$0x3F98];
	s0 =	simm.s32 @p1 $0x1  }
0x15: {  	[smem:$0x3FB5] =	sst s0;
	s0 =	simm.s32 @!p2 $0x0  }
0x16: {  	s3 =	sld [smem:$0x3FDB];
	s0 =	simm.s32 @p2 $0x1  }
0x17: {  	s4 =	simm.s32 $0x1BF5;
	[smem:$0x3FB7] =	sst s0  }
0x18: {  	s0 =	sld [smem:$0x3F9A];
	_ =	swait.ge [sflag:s4], $0x0  }
0x19: {  	s7 =	sld [smem:$0x3F9B]  }
0x1a: {  	s8 =	sadd.s32 $0xFFFFE003, lr  }
0x1b: {  	s9 =	sadd.s32 $0xFFFFFEF7, lr;
	s5 =	simm.s32 $0xFFFFFFFF;
	p2 =	slt.u32 s8, $0xFFFFF086  }
0x1c: {  	p1 =	slt.u32 s9, $0xF7A;
	s5 =	simm.s32 @!p2 $0x0  }
0x1d: {  	s5 =	simm.s32 @p1 $0x1;
	p0 =	seq.s32 s7, s2  }
0x1e: {  	s7 =	smul.u32 @!p0 $0xF7A, s2;
	p2 =	seq.s32 @!p0 s5, $0x0  }
0x1f: {  	s9 =	smul.u32 $0xF7A, s1;
	s8 =	simm.s32 @!p0 $0x1BF5;
	p2 =	por !p2, p0  }
0x20: {  	[sflag:s8] =	ssyncset.s32 @!p0 $0xFFFFF086;
	s6 =	sadd.s32 @!p0 s3, s7;
	s7 =	simm.s32 @!p0 $0x108  }
0x21: {  	s3 =	sadd.s32 s3, s9;
	s6 =	sadd.s32 @!p0 $0x88, s6;
	s7 =	simm.s32 @p2 $0x1082  }
0x22: {  	[simem:s7], [sflag:s8] =	dma.local @!p0 [hbm:s6], $0xF7A  }
0x23: {  	s9 =	sor.u32 $0xD0000000, s2;
	s6 =	simm.s32 $0x108;
	_ =	swait.ge @!p0 [sflag:s8], $0x0  }
0x24: {  	s3 =	sadd.s32 $0x88, s3;
	s6 =	simm.s32 @!p1 $0x1082;
	[sflag:s4] =	ssyncset.s32 $0xFFFFF086  }
0x25: {  	[simem:s6], [sflag:s4] =	dma.local [hbm:s3], $0xF7A  }
0x26: {  	[smem:$0x3F9B] =	sst s1;
	(tag) =	ssettag s2;
	_ =	strace s9  }
0x27: {  	s1 =	sld [smem:$0x3FAB]  }
0x28: {  	s2 =	sld [smem:$0x3FAC]  }
0x29: {  	s4 =	sld [smem:$0x3FAE]  }
0x2a: {  	p0 =	seq.s32 s5, $0x0;
	s5 =	sld [smem:$0x3FAF]  }
0x2b: {  	s6 =	sld [smem:$0x3FB0]  }
0x2c: {  	s7 =	sld [smem:$0x3FB1]  }
0x2d: {  	s3 =	simm.s32 $0x108;
	s8 =	sld [smem:$0x3FB2]  }
0x2e: {  	s3 =	simm.s32 @!p0 $0x1082;
	s9 =	sld [smem:$0x3FB3]  }
0x2f: {  	lr =	sadd.s32 s0, s3;
	s0 =	sld [smem:$0x3FAA]  }
0x30: {  	s3 =	sld [smem:$0x3FAD]  }
0x31: {  	[smem:$0x3FB6] =	sst s10  }
0x32: {  	s10 =	sld [smem:$0x3FB4];
	_ =	sdelay $0x3  }
0x33: {  	p0 =	seq.s32 s10, $0x1;
	s10 =	sld [smem:$0x3FB6];
	_ =	sdelay $0x3  }
0x34: {  	[smem:$0x3FB6] =	sst s10  }
0x35: {  	s10 =	sld [smem:$0x3FB5];
	_ =	sdelay $0x3  }
0x36: {  	p1 =	seq.s32 s10, $0x1;
	s10 =	sld [smem:$0x3FB6];
	_ =	sdelay $0x3  }
0x37: {  	[smem:$0x3FB6] =	sst s10  }
0x38: {  	s10 =	sld [smem:$0x3FB7]  }
0x39: {  	_ = 	snop;
	(pc) =	sbr.ind lr, $3  }
0x3a: {  	_ = 	snop  }
0x3b: {  	_ = 	snop  }
0x3c: {  	p2 =	seq.s32 s10, $0x1;
	s10 =	sld [smem:$0x3FB6]  }
0x3d: {  	_ =	shalt  }
0x3e: {  	_ =	shalt  }
0x3f: {  	_ =	shalt  }
0x40: {  	_ =	shalt  }
0x41: {  	_ =	shalt  }
0x42: {  	_ =	shalt  }
0x43: {  	_ =	shalt  }
0x44: {  	_ =	shalt  }
0x45: {  	_ =	shalt  }
0x46: {  	_ =	shalt  }
0x47: {  	_ =	shalt  }
0x48: {  	_ =	shalt  }
0x49: {  	_ =	shalt  }
0x4a: {  	_ =	shalt  }
0x4b: {  	_ =	shalt  }
0x4c: {  	_ =	shalt  }
0x4d: {  	_ =	shalt  }
0x4e: {  	_ =	shalt  }
0x4f: {  	_ =	shalt  }
0x50: {  	_ =	shalt  }
0x51: {  	_ =	shalt  }
0x52: {  	_ =	shalt  }
0x53: {  	_ =	shalt  }
0x54: {  	_ =	shalt  }
0x55: {  	_ =	shalt  }
0x56: {  	_ =	shalt  }
0x57: {  	_ =	shalt  }
0x58: {  	_ =	shalt  }
0x59: {  	_ =	shalt  }
0x5a: {  	_ =	shalt  }
0x5b: {  	_ =	shalt  }
0x5c: {  	_ =	shalt  }
0x5d: {  	_ =	shalt  }
0x5e: {  	_ =	shalt  }
0x5f: {  	_ =	shalt  }
0x60: {  	_ =	shalt  }
0x61: {  	_ =	shalt  }
0x62: {  	_ =	shalt  }
0x63: {  	_ =	shalt  }
0x64: {  	_ =	shalt  }
0x65: {  	_ =	shalt  }
0x66: {  	_ =	shalt  }
0x67: {  	_ =	shalt  }
0x68: {  	_ =	shalt  }
0x69: {  	_ =	shalt  }
0x6a: {  	_ =	shalt  }
0x6b: {  	_ =	shalt  }
0x6c: {  	_ =	shalt  }
0x6d: {  	_ =	shalt  }
0x6e: {  	_ =	shalt  }
0x6f: {  	_ =	shalt  }
0x70: {  	_ =	shalt  }
0x71: {  	_ =	shalt  }
0x72: {  	_ =	shalt  }
0x73: {  	_ =	shalt  }
0x74: {  	_ =	shalt  }
0x75: {  	_ =	shalt  }
0x76: {  	_ =	shalt  }
0x77: {  	_ =	shalt  }
0x78: {  	_ =	shalt  }
0x79: {  	_ =	shalt  }
0x7a: {  	_ =	shalt  }
0x7b: {  	_ =	shalt  }
0x7c: {  	_ =	shalt  }
0x7d: {  	_ =	shalt  }
0x7e: {  	_ =	shalt  }
0x7f: {  	_ =	shalt  }
0x80: {  	_ =	shalt  }
0x81: {  	_ =	shalt  }
0x82: {  	_ =	shalt  }
0x83: {  	_ =	shalt  }
0x84: {  	_ =	shalt  }
0x85: {  	_ =	shalt  }
0x86: {  	_ =	shalt  }
0x87: {  	_ =	shalt  }
.Lfunc_end0:
.L_simem_size_0:
called_computation_lowered:
.L_overlay_start_0:
0x88: {  	s2 =	sld [smem:$0x3FD9]  }
0x89: {  	s3 =	sld [smem:$0x3FFE];
	_ =	sdelay $0x1  }
0x8a: {  	s1 =	srdreg.scid  }
0x8b: {  	s0 =	sand.u32 $0x1, s1  }
0x8c: {  	s17 =	sshll.u32 s0, $0xA;
	s2 =	sadd.s32 s3, s2  }
0x8d: {  	s2 =	sadd.s32 s2, s17  }
0x8e: {  	[smem:$0x3FC2] =	sst s2  }
0x8f: {  	_ = 	snop  }
0x90: {  	s2 =	sld [smem:$0x3FD0];
	(tm) =	ssettm $0x1  }
0x91: {  	s18 =	sld [smem:$0x3FFB];
	_ =	sdelay $0x3  }
0x92: {  	_ =	strace s18  }
0x93: {  	s3 =	sld [smem:$0x3FFC];
	_ =	sdelay $0x3  }
0x94: {  	_ =	strace s3  }
0x95: {  	s3 =	sld [smem:$0x3FFD];
	_ =	sdelay $0x3  }
0x96: {  	_ =	strace s3  }
0x97: {  	_ =	strace $0x8FFFFFFF  }
0x98: {  	s19 =	sld [smem:$0x3FDB];
	_ =	sdelay $0x1  }
0x99: {  	s4 =	simm.s32 $_scs_section_size  }
0x9a: {  	s5 =	simm.s32 $_size__tile_overlayer_lowered;
	s6 =	simm.s32 $_tile_overlayer_lowered  }
0x9b: {  	s22 =	simm.s32 $0x1BFF;
	s21 =	sshll.u32 s6, $0x1;
	s3 =	sadd.s32 s4, s19  }
0x9c: {  	s7 =	simm.s32 $0x0;
	s20 =	sshll.u32 s5, $0x1;
	s5 =	sadd.s32 s21, s3  }
0x9d: {  	[timem:s7], [sflag:s22] =	dma.local [hbm:s5], s20  }
0x9e: {  	_ =	swait.ge [sflag:s22], s20  }
0x9f: {  	s4 =	ssub.s32 $0x0, s20;
	[sflag:s22] =	ssyncset.done $0x0  }
0xa0: {  	[sflag:s22] =	ssyncadd.s32 s4;
	_ =	sdelay $0x1  }
0xa1: {  	s23 =	simm.s32 $0x1B8B  }
0xa2: {  	_ =	swait.ge [sflag:s23], $0x1  }
0xa3: {  	[sflag:s23] =	ssyncset.done $0x0  }
0xa4: {  	s25 =	simm.s32 $0x1B8E;
	s24 =	sld [smem:$0x3FFE];
	[sflag:s23] =	ssyncadd.s32 $0xFFFFFFFF  }
0xa5: {  	s26 =	simm.s32 $execute0_lowered;
	[smem:$0x3FD2] =	sst s25  }
0xa6: {  	s5 =	sshll.u32 s26, $0x1;
	_ =	strace $0x80000046;
	[dreg:$0x1] =	wrdreg $0xFFFFFFFF  }
0xa7: {  	s28 =	simm.s32 $_size_execute0_lowered;
	s3 =	sadd.s32 s3, s5;
	[dreg:$0x0] =	wrdreg $0x0  }
0xa8: {  	s5 =	sshll.u32 s28, $0x1;
	[dreg:$0x2] =	wrdreg s3  }
0xa9: {  	[dreg:$0x3] =	wrdreg s5  }
0xaa: {  	[dreg:$0x4] =	wrdreg $0xC0  }
0xab: {  	_ =	task [dreg:s7], $0x5FFFF  }
0xac: {  	[dreg:$0x1] =	wrdreg $0xFFFFFFFF  }
0xad: {  	[dreg:$0x0] =	wrdreg $0x60  }
0xae: {  	[dreg:$0x2] =	wrdreg s2  }
0xaf: {  	[dreg:$0x3] =	wrdreg s24  }
0xb0: {  	[dreg:$0x4] =	wrdreg $0x98000  }
0xb1: {  	[dreg:$0x5] =	wrdreg $0x9  }
0xb2: {  	_ =	task.clear_ibuf [dreg:s7], $0x6FFFF;
	_ =	strace $0x90000046  }
0xb3: {  	s29 =	simm.s32 $0x9;
	_ =	strace $0x80000048  }
0xb4: {  	_ =	swait.ge [sflag:s29], $0x1  }
0xb5: {  	[sflag:s29] =	ssyncadd.s32 $0xFFFFFFFF  }
0xb6: {  	_ =	strace $0x90000048  }
0xb7: {  	_ =	sfence  }
0xb8: {  	s30 =	sld [smem:$0x0];
	_ =	sdelay $0x2  }
0xb9: {  	s31 =	sshll.u32 s1, $0xD;
	s1 =	sshrl.u32 s1, $0x2  }
0xba: {  	s3 =	sand.u32 $0x4000, s31;
	s1 =	sadd.s32 s1, s30  }
0xbb: {  	s0 =	sor.u32 s3, s0;
	s1 =	sshll.u32 s1, $0x11  }
0xbc: {  	s0 =	sor.u32 s1, s0  }
0xbd: {  	s0 =	sadd.s32 $0x8F2B, s0  }
0xbe: {  	[sflag:s0] =	ssyncadd.remote.s32 $0x1  }
0xbf: {  	_ =	sfence.sel $0xFFFF  }
0xc0: {  	[dreg:$0x0] =	wrdreg $0xFFFFFFFF;
	(pc) =	sbr.abs _section_cstart, $3  }
0xc1: {  	[dreg:$0x1] =	wrdreg $0xFFFFFFFF  }
0xc2: {  	_ =	task.clear_ibuf [dreg:s7], $0x2FFFF;
	_ =	strace $0x9FFFFFFF  }
0xc3: {  	(tm) =	ssettm $0x7FFFFFFF  }
tec
execute0_lowered:
.L_overlay_start_1:
0x0: {  	(tag) =	ssettag $0x1  }
0x1: {  	s7 =	rddreg [dreg:$0x0]  }
0x2: {  	s6 =	rddreg [dreg:$0x1]  }
0x3: {  	s2 =	rddreg [dreg:$0x2]  }
0x4: {  	s0 =	rddreg [dreg:$0x3];
	s3 =	simm.s32 $0x0  }
0x5: {  	s1 =	stileid.u32;
	s4 =	srdreg.scid;
	s14 =	simm.s32 $0x9480  }
0x6: {  	s15 =	simm.s32 $0x9500;
	s16 =	simm.s32 $0x9580;
	s17 =	simm.s32 $0x9600  }
0x7: {  	s19 =	simm.s32 $0x1;
	[smem:$0x7FF] =	sst s3;
	s8 =	sand.u32 $0x1, s4  }
0x8: {  	s5 =	sshll.u32 s1, $0x1;
	s4 =	sadd.s32 $0x2E00, s6;
	s13 =	smul.u32 $0x14000, s1  }
0x9: {  	s11 =	sshll.u32 s1, $0x7;
	s20 =	smul.u32 $0x2800, s1;
	_ =	strace $0x80000047  }
0xa: {  	s9 =	smul.u32 $0x28000, s8;
	s10 =	sor.u32 s8, s5;
	s5 =	sadd.s32 $0x2600, s6  }
0xb: {  	s8 =	ssub.s32 $0x2, s8;
	s11 =	sadd.s32 s11, s6;
	s10 =	smul.u32 $0x500, s10  }
0xc: {  	s12 =	sshrl.u32 s8, $0x1;
	s31 =	sshrl.u32 s13, $0x3;
	s13 =	simm.s32 $0x80  }
0xd: {  	s9 =	sadd.s32 s9, s6;
	s8 =	ssub.s32 s8, s12;
	s6 =	sadd.s32 $0x1E00, s11  }
0xe: {  	s21 =	sadd.s32 $0x800, s31;
	s22 =	sadd.s32 $0x1000, s31;
	s23 =	sadd.s32 $0x1800, s31  }
0xf: {  	s25 =	sadd.s32 $0x2000, s31;
	s11 =	simm.s32 $0x1400;
	s12 =	simm.s32 $0x5400  }
0x10: {  	s7 =	sadd.s32 s7, s10;
	s24 =	sadd.s32 $0x3600, s9;
	s8 =	smax.u32 s8, $0x1  }
0x11: {  	s9 =	simm.s32 $0x9400;
	s10 =	simm.s32 $0x2;
	s18 =	sadd.s32 $0x280, s7  }
0x12: {  	s20 =	sadd.s32 s20, s24;
	s21 =	sadd.s32 s21, s24;
	s22 =	sadd.s32 s22, s24  }
0x13: {  	s23 =	sadd.s32 s23, s24;
	s24 =	sadd.s32 s25, s24;
	s25 =	simm.s32 $0x0  }
.LBB2_1:
0x14: {  	[tilespmem:s9], [sflag:$0x2] =	stream.linear.gather [hbm4b:s6+s3], $0x280, $0x38;
	[tilespmem:$0x1D800] =	vst v63  }
0x15: {  	_ =	swait.ge [sflag:s10], $0x280  }
0x16: {  	[sflag:s10] =	ssyncset.done $0x0  }
0x17: {  	[sflag:s10] =	ssyncadd.s32 $0xFFFFFD80  }
0x18: {  	[tilespmem:s11], [sflag:$0x2] =	stream.linear.gather [hbm4b:s5+s3], $0x4000, $0x38;
	[tilespmem:$0x1D800] =	vst v63  }
0x19: {  	_ =	swait.ge [sflag:s10], $0x4000  }
0x1a: {  	[sflag:s10] =	ssyncset.done $0x0  }
0x1b: {  	[sflag:s10] =	ssyncadd.s32 $0xFFFFC000  }
0x1c: {  	[tilespmem:s12], [sflag:$0x2] =	stream.linear.gather [hbm4b:s4+s3], $0x4000, $0x38;
	[tilespmem:$0x1D800] =	vst v63  }
0x1d: {  	_ =	swait.ge [sflag:s10], $0x4000  }
0x1e: {  	[sflag:s10] =	ssyncset.done $0x0  }
0x1f: {  	[sflag:s10] =	ssyncadd.s32 $0xFFFFC000  }
0x20: {  	[spmem:s2] =	stream.indirect.scatter [tilespmem:s11], [sflag:$0x2], $0x80, s9, s13, $0xb8;
	[tilespmem:$0x1D800] =	vst v63  }
0x21: {  	_ =	swait.ge [sflag:s10], $0x4000  }
0x22: {  	[sflag:s10] =	ssyncset.done $0x0  }
0x23: {  	[sflag:s10] =	ssyncadd.s32 $0xFFFFC000  }
0x24: {  	[spmem:s2] =	stream.indirect.scatter [tilespmem:s11], [sflag:$0x2], $0x80, s14, s13, $0xb8;
	[tilespmem:$0x1D800] =	vst v63  }
0x25: {  	_ =	swait.ge [sflag:s10], $0x4000  }
0x26: {  	[sflag:s10] =	ssyncset.done $0x0  }
0x27: {  	[sflag:s10] =	ssyncadd.s32 $0xFFFFC000  }
0x28: {  	[spmem:s2] =	stream.indirect.scatter [tilespmem:s11], [sflag:$0x2], $0x80, s15, s13, $0xb8;
	[tilespmem:$0x1D800] =	vst v63  }
0x29: {  	_ =	swait.ge [sflag:s10], $0x4000  }
0x2a: {  	[sflag:s10] =	ssyncset.done $0x0  }
0x2b: {  	[sflag:s10] =	ssyncadd.s32 $0xFFFFC000  }
0x2c: {  	[spmem:s2] =	stream.indirect.scatter [tilespmem:s11], [sflag:$0x2], $0x80, s16, s13, $0xb8;
	[tilespmem:$0x1D800] =	vst v63  }
0x2d: {  	_ =	swait.ge [sflag:s10], $0x4000  }
0x2e: {  	[sflag:s10] =	ssyncset.done $0x0  }
0x2f: {  	[sflag:s10] =	ssyncadd.s32 $0xFFFFC000  }
0x30: {  	[spmem:s2] =	stream.indirect.scatter [tilespmem:s11], [sflag:$0x2], $0x80, s17, s13, $0xb8;
	[tilespmem:$0x1D800] =	vst v63  }
0x31: {  	_ =	swait.ge [sflag:s10], $0x4000  }
0x32: {  	[sflag:s10] =	ssyncset.done $0x0  }
0x33: {  	[sflag:s10] =	ssyncadd.s32 $0xFFFFC000  }
0x34: {  	[bflag:$0x0] =	sbarrier.arrive $0xFFFF  }
0x35: {  	[tilespmem:s3], [sflag:$0x2] =	stream.linear.gather [hbm4b:s7+s3], $0x1400, $0x38;
	[tilespmem:$0x1D800] =	vst v63  }
0x36: {  	_ =	swait.ge [sflag:s10], $0x1400  }
0x37: {  	[sflag:s10] =	ssyncset.done $0x0  }
0x38: {  	s26 =	simm.s32 $0x0;
	[sflag:s10] =	ssyncadd.s32 $0xFFFFEC00  }
0x39: {  	[spmem:s2] =	stream.indirect.scatter.add.f32 [tilespmem:s12], [sflag:$0x2], $0x80, s26, s13, $0xb8;
	[tilespmem:$0x1D800] =	vst v63  }
0x3a: {  	_ =	swait.ge [sflag:s10], $0x4000  }
0x3b: {  	s26 =	simm.s32 $0x200;
	[sflag:s10] =	ssyncset.done $0x0  }
.LBB2_2:
0x3c: {  	s28 =	sshra.s32 s26, $0x2;
	[sflag:s10] =	ssyncadd.s32 $0xFFFFC000;
	p0 =	sne.s32 s26, $0x4E00  }
0x3d: {  	[spmem:s2] =	stream.indirect.scatter.add.f32 [tilespmem:s12], [sflag:$0x2], $0x80, s28, s13, $0xb8;
	[tilespmem:$0x1D800] =	vst v63  }
.Ltmp0:
0x3e: {  	_ = 	snop;
	(pc) =	sbr.rel @p0 .LBB2_2-.Ltmp0, $4  }
0x3f: {  	_ = 	snop  }
0x40: {  	s26 =	sadd.s32 $0x200, s26  }
0x41: {  	_ =	swait.ge [sflag:s10], $0x4000  }
0x42: {  	[sflag:s10] =	ssyncset.done $0x0  }
0x43: {  	[sflag:s10] =	ssyncadd.s32 $0xFFFFC000;
	s26 =	simm.s32 $0x0  }
0x44: {  	[tilespmem:s26], [sflag:$0x2] =	stream.linear.gather [hbm4b:s18+s26], $0x1400, $0x38;
	[tilespmem:$0x1D800] =	vst v63  }
0x45: {  	_ =	swait.ge [sflag:s10], $0x1400  }
0x46: {  	[sflag:s10] =	ssyncset.done $0x0  }
0x47: {  	s31 =	simm.s32 $0x0;
	[sflag:s10] =	ssyncadd.s32 $0xFFFFEC00  }
0x48: {  	[spmem:s2] =	stream.indirect.scatter.add.f32 [tilespmem:s12], [sflag:$0x2], $0x80, s31, s13, $0xb8;
	[tilespmem:$0x1D800] =	vst v63  }
0x49: {  	_ =	swait.ge [sflag:s10], $0x4000  }
0x4a: {  	s26 =	simm.s32 $0x200;
	[sflag:s10] =	ssyncset.done $0x0  }
.LBB2_4:
0x4b: {  	s28 =	sshra.s32 s26, $0x2;
	[sflag:s10] =	ssyncadd.s32 $0xFFFFC000;
	p0 =	sne.s32 s26, $0x4E00  }
0x4c: {  	[spmem:s2] =	stream.indirect.scatter.add.f32 [tilespmem:s12], [sflag:$0x2], $0x80, s28, s13, $0xb8;
	[tilespmem:$0x1D800] =	vst v63  }
.Ltmp1:
0x4d: {  	_ = 	snop;
	(pc) =	sbr.rel @p0 .LBB2_4-.Ltmp1, $4  }
0x4e: {  	_ = 	snop  }
0x4f: {  	s26 =	sadd.s32 $0x200, s26  }
0x50: {  	_ =	swait.ge [sflag:s10], $0x4000  }
0x51: {  	[sflag:s10] =	ssyncset.done $0x0  }
0x52: {  	[sflag:s10] =	ssyncadd.s32 $0xFFFFC000  }
0x53: {  	[bflag:$0x0] =	sbarrier.arrive $0xFFFF  }
0x54: {  	[tilespmem:s11], [sflag:$0x1] =	stream.indirect.gather [spmem:s2], $0x80, s9, s13, $0xb8;
	[tilespmem:$0x1D800] =	vst v63  }
0x55: {  	_ =	swait.ge [sflag:s19], $0x4000  }
0x56: {  	[sflag:s19] =	ssyncset.done $0x0  }
0x57: {  	[sflag:s19] =	ssyncadd.s32 $0xFFFFC000  }
0x58: {  	[hbm4b:s20+s3] =	stream.linear.scatter [tilespmem:s11], [sflag:$0x2], $0x4000, $0x38;
	[tilespmem:$0x1D800] =	vst v63  }
0x59: {  	_ =	swait.ge [sflag:s10], $0x4000  }
0x5a: {  	[sflag:s10] =	ssyncset.done $0x0  }
0x5b: {  	[sflag:s10] =	ssyncadd.s32 $0xFFFFC000  }
0x5c: {  	[tilespmem:s11], [sflag:$0x1] =	stream.indirect.gather [spmem:s2], $0x80, s14, s13, $0xb8;
	[tilespmem:$0x1D800] =	vst v63  }
0x5d: {  	_ =	swait.ge [sflag:s19], $0x4000  }
0x5e: {  	[sflag:s19] =	ssyncset.done $0x0  }
0x5f: {  	[sflag:s19] =	ssyncadd.s32 $0xFFFFC000  }
0x60: {  	[hbm4b:s21+s3] =	stream.linear.scatter [tilespmem:s11], [sflag:$0x2], $0x4000, $0x38;
	[tilespmem:$0x1D800] =	vst v63  }
0x61: {  	_ =	swait.ge [sflag:s10], $0x4000  }
0x62: {  	[sflag:s10] =	ssyncset.done $0x0  }
0x63: {  	[sflag:s10] =	ssyncadd.s32 $0xFFFFC000  }
0x64: {  	[tilespmem:s11], [sflag:$0x1] =	stream.indirect.gather [spmem:s2], $0x80, s15, s13, $0xb8;
	[tilespmem:$0x1D800] =	vst v63  }
0x65: {  	_ =	swait.ge [sflag:s19], $0x4000  }
0x66: {  	[sflag:s19] =	ssyncset.done $0x0  }
0x67: {  	[sflag:s19] =	ssyncadd.s32 $0xFFFFC000  }
0x68: {  	[hbm4b:s22+s3] =	stream.linear.scatter [tilespmem:s11], [sflag:$0x2], $0x4000, $0x38;
	[tilespmem:$0x1D800] =	vst v63  }
0x69: {  	_ =	swait.ge [sflag:s10], $0x4000  }
0x6a: {  	[sflag:s10] =	ssyncset.done $0x0  }
0x6b: {  	[sflag:s10] =	ssyncadd.s32 $0xFFFFC000  }
0x6c: {  	[tilespmem:s11], [sflag:$0x1] =	stream.indirect.gather [spmem:s2], $0x80, s16, s13, $0xb8;
	[tilespmem:$0x1D800] =	vst v63  }
0x6d: {  	_ =	swait.ge [sflag:s19], $0x4000  }
0x6e: {  	[sflag:s19] =	ssyncset.done $0x0  }
0x6f: {  	[sflag:s19] =	ssyncadd.s32 $0xFFFFC000  }
0x70: {  	[hbm4b:s23+s3] =	stream.linear.scatter [tilespmem:s11], [sflag:$0x2], $0x4000, $0x38;
	[tilespmem:$0x1D800] =	vst v63  }
0x71: {  	_ =	swait.ge [sflag:s10], $0x4000  }
0x72: {  	[sflag:s10] =	ssyncset.done $0x0  }
0x73: {  	[sflag:s10] =	ssyncadd.s32 $0xFFFFC000  }
0x74: {  	[tilespmem:s11], [sflag:$0x1] =	stream.indirect.gather [spmem:s2], $0x80, s17, s13, $0xb8;
	[tilespmem:$0x1D800] =	vst v63  }
0x75: {  	s25 =	sadd.s32 $0x1, s25;
	_ =	swait.ge [sflag:s19], $0x4000  }
0x76: {  	p0 =	sne.s32 s25, s8;
	[sflag:s19] =	ssyncset.done $0x0  }
.Ltmp2:
0x77: {  	[sflag:s19] =	ssyncadd.s32 $0xFFFFC000;
	(pc) =	sbr.rel @p0 .LBB2_1-.Ltmp2, $4  }
0x78: {  	[hbm4b:s24+s3] =	stream.linear.scatter [tilespmem:s11], [sflag:$0x2], $0x4000, $0x38;
	[tilespmem:$0x1D800] =	vst v63  }
0x79: {  	_ =	swait.ge [sflag:s10], $0x4000  }
0x7a: {  	[sflag:s10] =	ssyncset.done $0x0  }
0x7b: {  	[sflag:s10] =	ssyncadd.s32 $0xFFFFC000  }
0x7c: {  	_ =	sfence.sel $0x180000  }
0x7d: {  	[bflag:$0x0] =	sbarrier.arrive $0xFFFF  }
0x7e: {  	p0 =	sne.s32 s1, $0x0;
	_ =	strace $0x90000047  }
0x7f: {  	s0 =	sadd.s32 @!p0 $0x100000, s0;
	[bflag:$0x2] =	sbarrier.arrive $0xFFFF  }
0x80: {  	[sflag:s0] =	ssyncadd.tile.s32 @!p0 $0x1;
	_ =	shalt  }
.Lfunc_end2:
_tile_overlayer_lowered:
.L_overlay_start_2:
0x81: {  	(tag) =	ssettag $0x2  }
0x82: {  	s0 =	rddreg [dreg:$0x0];
	s2 =	stileid.u32  }
0x83: {  	s1 =	rddreg [dreg:$0x1];
	p0 =	sne.s32 s2, $0x0  }
0x84: {  	s3 =	rddreg [dreg:$0x2];
	[bflag:$0x3] =	sbarrier.arrive $0xFFFF;
	s2 =	simm.s32 @!p0 $0x1C02  }
0x85: {  	[timem:s3], [sflag:s2] =	dma.local @!p0 [hbm:s0], s1  }
0x86: {  	s0 =	simm.s32 @!p0 $0x2  }
0x87: {  	_ =	swait.ge @!p0 [sflag:s0], s1  }
0x88: {  	s1 =	ssub.s32 @!p0 $0x0, s1;
	[sflag:s0] =	ssyncset.done @!p0 $0x0  }
0x89: {  	[sflag:s0] =	ssyncadd.s32 @!p0 s1  }
0x8a: {  	[bflag:$0x3] =	sbarrier.arrive $0xFFFF  }
0x8b: {  	_ =	shalt  }

</sc_bundles>
